<compile_context>
chip_gen: v7x
topology: tpu7x:2x2x1
jax: 0.10.2.dev20260603
libtpu: 0.0.44.dev20260713+nightly
codegen_flags: <defaults>
</compile_context>

<pallas_src>
import functools

import jax
import jax.numpy as jnp
from jax import lax
from jax.experimental import pallas as pl
from jax.experimental.pallas import tpu as pltpu
from jax.experimental.pallas import tpu_sc as plsc

NUM_CORES = 2
NUM_SUBCORES = 16
NUM_WORKERS = NUM_CORES * NUM_SUBCORES

S_CHUNK = 2
NBUF = 5
LANE = 16
BBLK = 128
TPAD = BBLK + 1


@functools.partial(jax.jit, static_argnums=(3, 4, 5))
def _pos_embed_sc(perm_idx, token_table, position_table, batch, seq_len, dim):
    n = perm_idx.shape[0]
    per_w = n // NUM_WORKERS
    chunk = S_CHUNK * BBLK
    n_chunks = seq_len // S_CHUNK
    n_tc = dim // 8
    n_tb = batch // BBLK
    trows = S_CHUNK * n_tc * 8
    assert n_chunks % NBUF == 0 and per_w == n_chunks * chunk

    mesh = plsc.VectorSubcoreMesh(
        core_axis_name="c", subcore_axis_name="s",
        num_cores=NUM_CORES, num_subcores=NUM_SUBCORES)

    @functools.partial(
        pl.kernel,
        mesh=mesh,
        compiler_params=pltpu.CompilerParams(
            use_tc_tiling_on_sc=False, needs_layout_passes=False),
        out_type=jax.ShapeDtypeStruct(
            (seq_len, n_tc, n_tb, 8, BBLK), jnp.float32),
        scratch_types=(
            [pltpu.VMEM((chunk,), jnp.int32) for _ in range(NBUF)]
            + [pltpu.VMEM((chunk, dim), jnp.float32) for _ in range(NBUF)]
            + [pltpu.VMEM((trows, TPAD), jnp.float32) for _ in range(NBUF)]
            + [pltpu.VMEM((seq_len, dim), jnp.float32)]
            + [pltpu.SemaphoreType.DMA for _ in range(3 * NBUF)]
        ),
    )
    def sc_kernel(idx_hbm, tok_hbm, pos_hbm, out_hbm, *scratch):
        idx_v = scratch[:NBUF]
        gbuf = scratch[NBUF:2 * NBUF]
        tbuf = scratch[2 * NBUF:3 * NBUF]
        pos_v = scratch[3 * NBUF]
        sems = scratch[3 * NBUF + 1:]
        sem_i = sems[:NBUF]
        sem_g = sems[NBUF:2 * NBUF]
        sem_s = sems[2 * NBUF:]

        wid = lax.axis_index("s") * NUM_CORES + lax.axis_index("c")
        tok_base = wid * per_w

        pltpu.sync_copy(pos_hbm, pos_v)
        ci = lax.iota(jnp.int32, LANE)
        rowp = (ci >> 3) * 8 + (ci & 7)

        def issue_idx(c, b):
            off = tok_base + c * chunk
            pltpu.async_copy(idx_hbm.at[pl.ds(off, chunk)], idx_v[b], sem_i[b])

        def wait_idx(b):
            pltpu.make_async_copy(
                idx_hbm.at[pl.ds(0, chunk)], idx_v[b], sem_i[b]).wait()

        def issue_gather(b):
            pltpu.async_copy(tok_hbm.at[idx_v[b]], gbuf[b], sem_g[b])

        def wait_gather(b):
            pltpu.make_async_copy(tok_hbm.at[idx_v[b]], gbuf[b], sem_g[b]).wait()

        def issue_scatter(c, b):
            s0 = c * S_CHUNK
            for sl in range(S_CHUNK):
                for tc in range(n_tc):
                    pltpu.async_copy(
                        tbuf[b].at[pl.ds((sl * n_tc + tc) * 8, 8), pl.ds(0, BBLK)],
                        out_hbm.at[s0 + sl, tc, wid], sem_s[b])

        def wait_scatter(b):
            for _ in range(S_CHUNK * n_tc):
                pltpu.make_async_copy(
                    tbuf[b].at[pl.ds(0, 8), pl.ds(0, BBLK)],
                    out_hbm.at[0, 0, 0], sem_s[b]).wait()

        def transpose_add(c, b):
            s0 = c * S_CHUNK
            for sl in range(S_CHUNK):
                p0 = pos_v[s0 + sl, pl.ds(0, LANE)]
                p1 = pos_v[s0 + sl, pl.ds(LANE, LANE)]
                row0 = rowp + sl * (n_tc * 8)
                row1 = row0 + 2 * 8

                def bl_body(bl):
                    j = sl * BBLK + bl
                    col = jnp.full((LANE,), bl, jnp.int32)
                    v0 = gbuf[b][j, pl.ds(0, LANE)] + p0
                    v1 = gbuf[b][j, pl.ds(LANE, LANE)] + p1
                    plsc.store_scatter(tbuf[b], [row0, col], v0)
                    plsc.store_scatter(tbuf[b], [row1, col], v1)

                plsc.parallel_loop(0, BBLK, 1, unroll=4)(bl_body)

        for k in range(NBUF - 1):
            issue_idx(k, k)
        for k in range(NBUF - 2):
            wait_idx(k)
            issue_gather(k)

        def outer(i, _):
            for b in range(NBUF):
                c = i * NBUF + b
                gi = c + NBUF - 1
                gg = c + NBUF - 2
                bi = (b + NBUF - 1) % NBUF
                bg = (b + NBUF - 2) % NBUF

                @pl.when(gi < n_chunks)
                def _issue_idx():
                    issue_idx(gi, bi)

                @pl.when(gg < n_chunks)
                def _issue_gather():
                    wait_idx(bg)
                    issue_gather(bg)

                wait_gather(b)

                @pl.when(c >= NBUF)
                def _drain():
                    wait_scatter(b)

                transpose_add(c, b)
                issue_scatter(c, b)
            return ()

        lax.fori_loop(0, n_chunks // NBUF, outer, ())

        for b in range(NBUF):
            wait_scatter(b)

    return sc_kernel(perm_idx, token_table, position_table)


def kernel(inputs, token_table, position_table):
    b, s = inputs.shape
    dim = token_table.shape[1]
    rows_per_w = b // NUM_WORKERS
    perm_idx = (inputs.astype(jnp.int32)
                .reshape(NUM_WORKERS, rows_per_w, s)
                .transpose(0, 2, 1)
                .reshape(b * s))
    raw = _pos_embed_sc(perm_idx, token_table, position_table, b, s, dim)
    return raw.transpose(2, 4, 0, 1, 3).reshape(b, s, dim)

# --- scband reference (transcript-rebuilt; emitter-appended) ---
"""Pipeline reference for scband-positional-embedding-15341623181957 (READ-ONLY COPY).

The authoritative reference and input builder live on the scoring server;
editing this copy changes nothing except your own understanding.
"""

import jax, jax.numpy as jnp
import numpy as np

VOCAB_SIZE = 100000
SEQ_LEN = 200
EMBED_DIM = 32
BATCH = 4096

def setup_inputs(seed: int = 0) -> dict:
    key = jax.random.key(seed)
    k1, k2, k3 = jax.random.split(key, 3)
    inputs = jax.random.randint(k1, (BATCH, SEQ_LEN), 0, VOCAB_SIZE, dtype=jnp.int64 if jax.config.jax_enable_x64 else jnp.int32)
    token_table = jax.random.normal(k2, (VOCAB_SIZE, EMBED_DIM), dtype=jnp.float32) * 0.02
    position_table = jax.random.normal(k3, (SEQ_LEN, EMBED_DIM), dtype=jnp.float32) * 0.02
    return {"inputs": inputs, "token_table": token_table, "position_table": position_table}

def reference(inputs, token_table, position_table):
    length = inputs.shape[-1]
    positions = jnp.arange(length)
    embedded_tokens = jnp.take(token_table, inputs, axis=0)
    embedded_positions = jnp.take(position_table, positions, axis=0)
    return embedded_tokens + embedded_positions

if __name__ == "__main__":
    import jax
    _d = setup_inputs()
    print(jax.jit(kernel)(*tuple(_d.values())))

</pallas_src>

<mosaic_0001>
#map = affine_map<(d0, d1) -> (0)>
#map1 = affine_map<(d0, d1) -> (0, 0)>
#map2 = affine_map<(d0, d1) -> (0, 0, 0, 0, 0)>
module attributes {stable_mosaic.version = 14 : i64} {
  func.func @sc_kernel(%arg0: i32, %arg1: i32, %arg2: memref<819200xi32, #tpu.memory_space<hbm>>, %arg3: memref<100000x32xf32, #tpu.memory_space<hbm>>, %arg4: memref<200x32xf32, #tpu.memory_space<hbm>>, %arg5: memref<200x4x32x8x128xf32, #tpu.memory_space<hbm>>, %arg6: memref<256xi32, #tpu.memory_space<vmem>>, %arg7: memref<256xi32, #tpu.memory_space<vmem>>, %arg8: memref<256xi32, #tpu.memory_space<vmem>>, %arg9: memref<256xi32, #tpu.memory_space<vmem>>, %arg10: memref<256xi32, #tpu.memory_space<vmem>>, %arg11: memref<256x32xf32, #tpu.memory_space<vmem>>, %arg12: memref<256x32xf32, #tpu.memory_space<vmem>>, %arg13: memref<256x32xf32, #tpu.memory_space<vmem>>, %arg14: memref<256x32xf32, #tpu.memory_space<vmem>>, %arg15: memref<256x32xf32, #tpu.memory_space<vmem>>, %arg16: memref<64x129xf32, #tpu.memory_space<vmem>>, %arg17: memref<64x129xf32, #tpu.memory_space<vmem>>, %arg18: memref<64x129xf32, #tpu.memory_space<vmem>>, %arg19: memref<64x129xf32, #tpu.memory_space<vmem>>, %arg20: memref<64x129xf32, #tpu.memory_space<vmem>>, %arg21: memref<200x32xf32, #tpu.memory_space<vmem>>, %arg22: memref<!tpu.dma_semaphore, #tpu.memory_space<semaphore_mem>>, %arg23: memref<!tpu.dma_semaphore, #tpu.memory_space<semaphore_mem>>, %arg24: memref<!tpu.dma_semaphore, #tpu.memory_space<semaphore_mem>>, %arg25: memref<!tpu.dma_semaphore, #tpu.memory_space<semaphore_mem>>, %arg26: memref<!tpu.dma_semaphore, #tpu.memory_space<semaphore_mem>>, %arg27: memref<!tpu.dma_semaphore, #tpu.memory_space<semaphore_mem>>, %arg28: memref<!tpu.dma_semaphore, #tpu.memory_space<semaphore_mem>>, %arg29: memref<!tpu.dma_semaphore, #tpu.memory_space<semaphore_mem>>, %arg30: memref<!tpu.dma_semaphore, #tpu.memory_space<semaphore_mem>>, %arg31: memref<!tpu.dma_semaphore, #tpu.memory_space<semaphore_mem>>, %arg32: memref<!tpu.dma_semaphore, #tpu.memory_space<semaphore_mem>>, %arg33: memref<!tpu.dma_semaphore, #tpu.memory_space<semaphore_mem>>, %arg34: memref<!tpu.dma_semaphore, #tpu.memory_space<semaphore_mem>>, %arg35: memref<!tpu.dma_semaphore, #tpu.memory_space<semaphore_mem>>, %arg36: memref<!tpu.dma_semaphore, #tpu.memory_space<semaphore_mem>>) attributes {dimension_semantics = [#tpu.dimension_semantics<core_parallel>, #tpu.dimension_semantics<subcore_parallel>], iteration_bounds = array<i64: 2, 16>, scalar_prefetch = 0 : i64, scratch_operands = 31 : i64, tpu.core_type = #tpu.core_type<sc_vector_subcore>, window_params = [{transform_indices = #map}, {transform_indices = #map1}, {transform_indices = #map1}, {transform_indices = #map2}]} {
    %mul3A = arith.constant 2 : i32
    %mul3A_0 = arith.muli %arg1, %mul3A : i32
    %add3A = arith.addi %mul3A_0, %arg0 : i32
    %mul3A_1 = arith.constant 25600 : i32
    %mul3A_2 = arith.muli %add3A, %mul3A_1 : i32
    "tpu.region"() ({
      %run_scoped3A = tpu.sem_alloc : memref<!tpu.dma_semaphore, #tpu.memory_space<semaphore_mem>>
      tpu.enqueue_dma source(%arg4 : memref<200x32xf32, #tpu.memory_space<hbm>>) target(%arg21 : memref<200x32xf32, #tpu.memory_space<vmem>>) target_semaphore(%run_scoped3A : memref<!tpu.dma_semaphore, #tpu.memory_space<semaphore_mem>>)
      tpu.wait_dma2 semaphore(%run_scoped3A : memref<!tpu.dma_semaphore, #tpu.memory_space<semaphore_mem>>) src(%arg4 : memref<200x32xf32, #tpu.memory_space<hbm>>) dst(%arg21 : memref<200x32xf32, #tpu.memory_space<vmem>>)
      tpu.yield
    }) : () -> ()
    %iota3A = tpu.iota {dimensions = array<i32: 0>} : vector<16xi32>
    %shift_right_arithmetic3A = arith.constant 3 : i32
    %shift_right_arithmetic3A_3 = vector.broadcast %shift_right_arithmetic3A : i32 to vector<16xi32>
    %shift_right_arithmetic3A_4 = arith.shrsi %iota3A, %shift_right_arithmetic3A_3 : vector<16xi32>
    %mul3A_5 = arith.constant 8 : i32
    %mul3A_6 = vector.broadcast %mul3A_5 : i32 to vector<16xi32>
    %mul3A_7 = arith.muli %shift_right_arithmetic3A_4, %mul3A_6 : vector<16xi32>
    %and3A = arith.constant 7 : i32
    %and3A_8 = vector.broadcast %and3A : i32 to vector<16xi32>
    %and3A_9 = arith.andi %iota3A, %and3A_8 : vector<16xi32>
    %add3A_10 = arith.addi %mul3A_7, %and3A_9 : vector<16xi32>
    %add3A_11 = arith.constant 0 : i32
    %add3A_12 = arith.addi %mul3A_2, %add3A_11 : i32
    %dma_start3A = tpu.memref_slice %arg2[%add3A_12] : memref<819200xi32, #tpu.memory_space<hbm>> -> memref<256xi32, #tpu.memory_space<hbm>>
    %dma_start3A_13 = tpu.memref_slice %arg2[%add3A_12] : memref<819200xi32, #tpu.memory_space<hbm>> -> memref<256xi32, #tpu.memory_space<hbm>>
    tpu.enqueue_dma source(%dma_start3A_13 : memref<256xi32, #tpu.memory_space<hbm>>) target(%arg6 : memref<256xi32, #tpu.memory_space<vmem>>) target_semaphore(%arg22 : memref<!tpu.dma_semaphore, #tpu.memory_space<semaphore_mem>>)
    %add3A_14 = arith.constant 256 : i32
    %add3A_15 = arith.addi %mul3A_2, %add3A_14 : i32
    %dma_start3A_16 = tpu.memref_slice %arg2[%add3A_15] : memref<819200xi32, #tpu.memory_space<hbm>> -> memref<256xi32, #tpu.memory_space<hbm>>
    %dma_start3A_17 = tpu.memref_slice %arg2[%add3A_15] : memref<819200xi32, #tpu.memory_space<hbm>> -> memref<256xi32, #tpu.memory_space<hbm>>
    tpu.enqueue_dma source(%dma_start3A_17 : memref<256xi32, #tpu.memory_space<hbm>>) target(%arg7 : memref<256xi32, #tpu.memory_space<vmem>>) target_semaphore(%arg23 : memref<!tpu.dma_semaphore, #tpu.memory_space<semaphore_mem>>)
    %add3A_18 = arith.constant 512 : i32
    %add3A_19 = arith.addi %mul3A_2, %add3A_18 : i32
    %dma_start3A_20 = tpu.memref_slice %arg2[%add3A_19] : memref<819200xi32, #tpu.memory_space<hbm>> -> memref<256xi32, #tpu.memory_space<hbm>>
    %dma_start3A_21 = tpu.memref_slice %arg2[%add3A_19] : memref<819200xi32, #tpu.memory_space<hbm>> -> memref<256xi32, #tpu.memory_space<hbm>>
    tpu.enqueue_dma source(%dma_start3A_21 : memref<256xi32, #tpu.memory_space<hbm>>) target(%arg8 : memref<256xi32, #tpu.memory_space<vmem>>) target_semaphore(%arg24 : memref<!tpu.dma_semaphore, #tpu.memory_space<semaphore_mem>>)
    %add3A_22 = arith.constant 768 : i32
    %add3A_23 = arith.addi %mul3A_2, %add3A_22 : i32
    %dma_start3A_24 = tpu.memref_slice %arg2[%add3A_23] : memref<819200xi32, #tpu.memory_space<hbm>> -> memref<256xi32, #tpu.memory_space<hbm>>
    %dma_start3A_25 = tpu.memref_slice %arg2[%add3A_23] : memref<819200xi32, #tpu.memory_space<hbm>> -> memref<256xi32, #tpu.memory_space<hbm>>
    tpu.enqueue_dma source(%dma_start3A_25 : memref<256xi32, #tpu.memory_space<hbm>>) target(%arg9 : memref<256xi32, #tpu.memory_space<vmem>>) target_semaphore(%arg25 : memref<!tpu.dma_semaphore, #tpu.memory_space<semaphore_mem>>)
    %dma_wait3A = arith.constant 0 : i32
    %dma_wait3A_26 = tpu.memref_slice %arg2[%dma_wait3A] : memref<819200xi32, #tpu.memory_space<hbm>> -> memref<256xi32, #tpu.memory_space<hbm>>
    %dma_wait3A_27 = arith.constant 0 : i32
    %dma_wait3A_28 = tpu.memref_slice %arg2[%dma_wait3A_27] : memref<819200xi32, #tpu.memory_space<hbm>> -> memref<256xi32, #tpu.memory_space<hbm>>
    tpu.wait_dma2 semaphore(%arg22 : memref<!tpu.dma_semaphore, #tpu.memory_space<semaphore_mem>>) src(%dma_wait3A_28 : memref<256xi32, #tpu.memory_space<hbm>>) dst(%arg6 : memref<256xi32, #tpu.memory_space<vmem>>)
    %dma_start3A_29 = arith.constant 0 : i32
    %dma_start3A_30 = arith.constant 0 : i32
    %dma_start3A_31 = tpu.memref_slice %arg3[%dma_start3A_29, %dma_start3A_30] : memref<100000x32xf32, #tpu.memory_space<hbm>> -> memref<100000x32xf32, #tpu.memory_space<hbm>>
    tpu.enqueue_indirect_dma source(%dma_start3A_31 : memref<100000x32xf32, #tpu.memory_space<hbm>>) target(%arg11 : memref<256x32xf32, #tpu.memory_space<vmem>>) offsets(%arg6 : memref<256xi32, #tpu.memory_space<vmem>>) semaphore(%arg27 : memref<!tpu.dma_semaphore, #tpu.memory_space<semaphore_mem>>)
    %dma_wait3A_32 = arith.constant 0 : i32
    %dma_wait3A_33 = tpu.memref_slice %arg2[%dma_wait3A_32] : memref<819200xi32, #tpu.memory_space<hbm>> -> memref<256xi32, #tpu.memory_space<hbm>>
    %dma_wait3A_34 = arith.constant 0 : i32
    %dma_wait3A_35 = tpu.memref_slice %arg2[%dma_wait3A_34] : memref<819200xi32, #tpu.memory_space<hbm>> -> memref<256xi32, #tpu.memory_space<hbm>>
    tpu.wait_dma2 semaphore(%arg23 : memref<!tpu.dma_semaphore, #tpu.memory_space<semaphore_mem>>) src(%dma_wait3A_35 : memref<256xi32, #tpu.memory_space<hbm>>) dst(%arg7 : memref<256xi32, #tpu.memory_space<vmem>>)
    %dma_start3A_36 = arith.constant 0 : i32
    %dma_start3A_37 = arith.constant 0 : i32
    %dma_start3A_38 = tpu.memref_slice %arg3[%dma_start3A_36, %dma_start3A_37] : memref<100000x32xf32, #tpu.memory_space<hbm>> -> memref<100000x32xf32, #tpu.memory_space<hbm>>
    tpu.enqueue_indirect_dma source(%dma_start3A_38 : memref<100000x32xf32, #tpu.memory_space<hbm>>) target(%arg12 : memref<256x32xf32, #tpu.memory_space<vmem>>) offsets(%arg7 : memref<256xi32, #tpu.memory_space<vmem>>) semaphore(%arg28 : memref<!tpu.dma_semaphore, #tpu.memory_space<semaphore_mem>>)
    %dma_wait3A_39 = arith.constant 0 : i32
    %dma_wait3A_40 = tpu.memref_slice %arg2[%dma_wait3A_39] : memref<819200xi32, #tpu.memory_space<hbm>> -> memref<256xi32, #tpu.memory_space<hbm>>
    %dma_wait3A_41 = arith.constant 0 : i32
    %dma_wait3A_42 = tpu.memref_slice %arg2[%dma_wait3A_41] : memref<819200xi32, #tpu.memory_space<hbm>> -> memref<256xi32, #tpu.memory_space<hbm>>
    tpu.wait_dma2 semaphore(%arg24 : memref<!tpu.dma_semaphore, #tpu.memory_space<semaphore_mem>>) src(%dma_wait3A_42 : memref<256xi32, #tpu.memory_space<hbm>>) dst(%arg8 : memref<256xi32, #tpu.memory_space<vmem>>)
    %dma_start3A_43 = arith.constant 0 : i32
    %dma_start3A_44 = arith.constant 0 : i32
    %dma_start3A_45 = tpu.memref_slice %arg3[%dma_start3A_43, %dma_start3A_44] : memref<100000x32xf32, #tpu.memory_space<hbm>> -> memref<100000x32xf32, #tpu.memory_space<hbm>>
    tpu.enqueue_indirect_dma source(%dma_start3A_45 : memref<100000x32xf32, #tpu.memory_space<hbm>>) target(%arg13 : memref<256x32xf32, #tpu.memory_space<vmem>>) offsets(%arg8 : memref<256xi32, #tpu.memory_space<vmem>>) semaphore(%arg29 : memref<!tpu.dma_semaphore, #tpu.memory_space<semaphore_mem>>)
    %scan3A = arith.constant 0 : i32
    %scan3A_46 = arith.constant 20 : i32
    %scan3A_47 = arith.addi %scan3A, %scan3A_46 : i32
    %scan3A_48 = arith.constant 1 : i32
    scf.for %scan3A_730 = %scan3A to %scan3A_47 step %scan3A_48  : i32 {
      %mul3A_731 = arith.constant 5 : i32
      %mul3A_732 = arith.muli %scan3A_730, %mul3A_731 : i32
      %add3A_733 = arith.constant 0 : i32
      %add3A_734 = arith.addi %mul3A_732, %add3A_733 : i32
      %add3A_735 = arith.constant 5 : i32
      %add3A_736 = arith.addi %add3A_734, %add3A_735 : i32
      %sub3A = arith.constant 1 : i32
      %sub3A_737 = arith.subi %add3A_736, %sub3A : i32
      %add3A_738 = arith.constant 5 : i32
      %add3A_739 = arith.addi %add3A_734, %add3A_738 : i32
      %sub3A_740 = arith.constant 2 : i32
      %sub3A_741 = arith.subi %add3A_739, %sub3A_740 : i32
      %lt3A = arith.constant 100 : i32
      %lt3A_742 = arith.cmpi slt, %sub3A_737, %lt3A : i32
      %convert_element_type3A = arith.extui %lt3A_742 : i1 to i32
      %cond3A = arith.constant 0 : i32
      %cond3A_743 = arith.cmpi ne, %convert_element_type3A, %cond3A : i32
      scf.if %cond3A_743 {
        %mul3A_1764 = arith.constant 256 : i32
        %mul3A_1765 = arith.muli %sub3A_737, %mul3A_1764 : i32
        %add3A_1766 = arith.addi %mul3A_2, %mul3A_1765 : i32
        %dma_start3A_1767 = tpu.memref_slice %arg2[%add3A_1766] : memref<819200xi32, #tpu.memory_space<hbm>> -> memref<256xi32, #tpu.memory_space<hbm>>
        %dma_start3A_1768 = tpu.memref_slice %arg2[%add3A_1766] : memref<819200xi32, #tpu.memory_space<hbm>> -> memref<256xi32, #tpu.memory_space<hbm>>
        tpu.enqueue_dma source(%dma_start3A_1768 : memref<256xi32, #tpu.memory_space<hbm>>) target(%arg10 : memref<256xi32, #tpu.memory_space<vmem>>) target_semaphore(%arg26 : memref<!tpu.dma_semaphore, #tpu.memory_space<semaphore_mem>>)
      } else {
      }
      %lt3A_744 = arith.constant 100 : i32
      %lt3A_745 = arith.cmpi slt, %sub3A_741, %lt3A_744 : i32
      %convert_element_type3A_746 = arith.extui %lt3A_745 : i1 to i32
      %cond3A_747 = arith.constant 0 : i32
      %cond3A_748 = arith.cmpi ne, %convert_element_type3A_746, %cond3A_747 : i32
      scf.if %cond3A_748 {
        %dma_wait3A_1764 = arith.constant 0 : i32
        %dma_wait3A_1765 = tpu.memref_slice %arg2[%dma_wait3A_1764] : memref<819200xi32, #tpu.memory_space<hbm>> -> memref<256xi32, #tpu.memory_space<hbm>>
        %dma_wait3A_1766 = arith.constant 0 : i32
        %dma_wait3A_1767 = tpu.memref_slice %arg2[%dma_wait3A_1766] : memref<819200xi32, #tpu.memory_space<hbm>> -> memref<256xi32, #tpu.memory_space<hbm>>
        tpu.wait_dma2 semaphore(%arg25 : memref<!tpu.dma_semaphore, #tpu.memory_space<semaphore_mem>>) src(%dma_wait3A_1767 : memref<256xi32, #tpu.memory_space<hbm>>) dst(%arg9 : memref<256xi32, #tpu.memory_space<vmem>>)
        %dma_start3A_1768 = arith.constant 0 : i32
        %dma_start3A_1769 = arith.constant 0 : i32
        %dma_start3A_1770 = tpu.memref_slice %arg3[%dma_start3A_1768, %dma_start3A_1769] : memref<100000x32xf32, #tpu.memory_space<hbm>> -> memref<100000x32xf32, #tpu.memory_space<hbm>>
        tpu.enqueue_indirect_dma source(%dma_start3A_1770 : memref<100000x32xf32, #tpu.memory_space<hbm>>) target(%arg14 : memref<256x32xf32, #tpu.memory_space<vmem>>) offsets(%arg9 : memref<256xi32, #tpu.memory_space<vmem>>) semaphore(%arg30 : memref<!tpu.dma_semaphore, #tpu.memory_space<semaphore_mem>>)
      } else {
      }
      %dma_wait3A_749 = arith.constant 0 : i32
      %dma_wait3A_750 = arith.constant 0 : i32
      %dma_wait3A_751 = tpu.memref_slice %arg3[%dma_wait3A_749, %dma_wait3A_750] : memref<100000x32xf32, #tpu.memory_space<hbm>> -> memref<100000x32xf32, #tpu.memory_space<hbm>>
      tpu.wait_indirect_dma semaphore(%arg27 : memref<!tpu.dma_semaphore, #tpu.memory_space<semaphore_mem>>) src(%dma_wait3A_751 : memref<100000x32xf32, #tpu.memory_space<hbm>>) dst(%arg11 : memref<256x32xf32, #tpu.memory_space<vmem>>)
      %ge3A = arith.constant 5 : i32
      %ge3A_752 = arith.cmpi sge, %add3A_734, %ge3A : i32
      %convert_element_type3A_753 = arith.extui %ge3A_752 : i1 to i32
      %cond3A_754 = arith.constant 0 : i32
      %cond3A_755 = arith.cmpi ne, %convert_element_type3A_753, %cond3A_754 : i32
      scf.if %cond3A_755 {
        %dma_wait3A_1764 = arith.constant 0 : i32
        %dma_wait3A_1765 = arith.constant 0 : i32
        %dma_wait3A_1766 = arith.constant 0 : i32
        %dma_wait3A_1767 = arith.constant 0 : i32
        %dma_wait3A_1768 = arith.constant 0 : i32
        %dma_wait3A_1769 = tpu.memref_slice %arg16[%dma_wait3A_1767, %dma_wait3A_1768] : memref<64x129xf32, #tpu.memory_space<vmem>> -> memref<8x128xf32, #tpu.memory_space<vmem>>
        %dma_wait3A_1770 = arith.constant 0 : i32
        %dma_wait3A_1771 = arith.constant 0 : i32
        %dma_wait3A_1772 = tpu.memref_slice %arg5[%dma_wait3A_1764, %dma_wait3A_1765, %dma_wait3A_1766, %dma_wait3A_1770, %dma_wait3A_1771] : memref<200x4x32x8x128xf32, #tpu.memory_space<hbm>> -> memref<1x1x1x8x128xf32, #tpu.memory_space<hbm>>
        %dma_wait3A_1773 = tpu.memref_squeeze %dma_wait3A_1772 : memref<1x1x1x8x128xf32, #tpu.memory_space<hbm>> -> memref<8x128xf32, #tpu.memory_space<hbm>>
        %dma_wait3A_1774 = arith.constant 0 : i32
        %dma_wait3A_1775 = arith.constant 0 : i32
        %dma_wait3A_1776 = tpu.memref_slice %arg5[%dma_wait3A_1764, %dma_wait3A_1765, %dma_wait3A_1766, %dma_wait3A_1774, %dma_wait3A_1775] : memref<200x4x32x8x128xf32, #tpu.memory_space<hbm>> -> memref<1x1x1x8x128xf32, #tpu.memory_space<hbm>>
        %dma_wait3A_1777 = tpu.memref_squeeze %dma_wait3A_1776 : memref<1x1x1x8x128xf32, #tpu.memory_space<hbm>> -> memref<8x128xf32, #tpu.memory_space<hbm>>
        %dma_wait3A_1778 = arith.constant 0 : i32
        %dma_wait3A_1779 = arith.constant 0 : i32
        %dma_wait3A_1780 = tpu.memref_slice %arg16[%dma_wait3A_1778, %dma_wait3A_1779] : memref<64x129xf32, #tpu.memory_space<vmem>> -> memref<8x128xf32, #tpu.memory_space<vmem>>
        tpu.wait_dma2 semaphore(%arg32 : memref<!tpu.dma_semaphore, #tpu.memory_space<semaphore_mem>>) src(%dma_wait3A_1780 : memref<8x128xf32, #tpu.memory_space<vmem>>) dst(%dma_wait3A_1777 : memref<8x128xf32, #tpu.memory_space<hbm>>)
        %dma_wait3A_1781 = arith.constant 0 : i32
        %dma_wait3A_1782 = arith.constant 0 : i32
        %dma_wait3A_1783 = arith.constant 0 : i32
        %dma_wait3A_1784 = arith.constant 0 : i32
        %dma_wait3A_1785 = arith.constant 0 : i32
        %dma_wait3A_1786 = tpu.memref_slice %arg16[%dma_wait3A_1784, %dma_wait3A_1785] : memref<64x129xf32, #tpu.memory_space<vmem>> -> memref<8x128xf32, #tpu.memory_space<vmem>>
        %dma_wait3A_1787 = arith.constant 0 : i32
        %dma_wait3A_1788 = arith.constant 0 : i32
        %dma_wait3A_1789 = tpu.memref_slice %arg5[%dma_wait3A_1781, %dma_wait3A_1782, %dma_wait3A_1783, %dma_wait3A_1787, %dma_wait3A_1788] : memref<200x4x32x8x128xf32, #tpu.memory_space<hbm>> -> memref<1x1x1x8x128xf32, #tpu.memory_space<hbm>>
        %dma_wait3A_1790 = tpu.memref_squeeze %dma_wait3A_1789 : memref<1x1x1x8x128xf32, #tpu.memory_space<hbm>> -> memref<8x128xf32, #tpu.memory_space<hbm>>
        %dma_wait3A_1791 = arith.constant 0 : i32
        %dma_wait3A_1792 = arith.constant 0 : i32
        %dma_wait3A_1793 = tpu.memref_slice %arg5[%dma_wait3A_1781, %dma_wait3A_1782, %dma_wait3A_1783, %dma_wait3A_1791, %dma_wait3A_1792] : memref<200x4x32x8x128xf32, #tpu.memory_space<hbm>> -> memref<1x1x1x8x128xf32, #tpu.memory_space<hbm>>
        %dma_wait3A_1794 = tpu.memref_squeeze %dma_wait3A_1793 : memref<1x1x1x8x128xf32, #tpu.memory_space<hbm>> -> memref<8x128xf32, #tpu.memory_space<hbm>>
        %dma_wait3A_1795 = arith.constant 0 : i32
        %dma_wait3A_1796 = arith.constant 0 : i32
        %dma_wait3A_1797 = tpu.memref_slice %arg16[%dma_wait3A_1795, %dma_wait3A_1796] : memref<64x129xf32, #tpu.memory_space<vmem>> -> memref<8x128xf32, #tpu.memory_space<vmem>>
        tpu.wait_dma2 semaphore(%arg32 : memref<!tpu.dma_semaphore, #tpu.memory_space<semaphore_mem>>) src(%dma_wait3A_1797 : memref<8x128xf32, #tpu.memory_space<vmem>>) dst(%dma_wait3A_1794 : memref<8x128xf32, #tpu.memory_space<hbm>>)
        %dma_wait3A_1798 = arith.constant 0 : i32
        %dma_wait3A_1799 = arith.constant 0 : i32
        %dma_wait3A_1800 = arith.constant 0 : i32
        %dma_wait3A_1801 = arith.constant 0 : i32
        %dma_wait3A_1802 = arith.constant 0 : i32
        %dma_wait3A_1803 = tpu.memref_slice %arg16[%dma_wait3A_1801, %dma_wait3A_1802] : memref<64x129xf32, #tpu.memory_space<vmem>> -> memref<8x128xf32, #tpu.memory_space<vmem>>
        %dma_wait3A_1804 = arith.constant 0 : i32
        %dma_wait3A_1805 = arith.constant 0 : i32
        %dma_wait3A_1806 = tpu.memref_slice %arg5[%dma_wait3A_1798, %dma_wait3A_1799, %dma_wait3A_1800, %dma_wait3A_1804, %dma_wait3A_1805] : memref<200x4x32x8x128xf32, #tpu.memory_space<hbm>> -> memref<1x1x1x8x128xf32, #tpu.memory_space<hbm>>
        %dma_wait3A_1807 = tpu.memref_squeeze %dma_wait3A_1806 : memref<1x1x1x8x128xf32, #tpu.memory_space<hbm>> -> memref<8x128xf32, #tpu.memory_space<hbm>>
        %dma_wait3A_1808 = arith.constant 0 : i32
        %dma_wait3A_1809 = arith.constant 0 : i32
        %dma_wait3A_1810 = tpu.memref_slice %arg5[%dma_wait3A_1798, %dma_wait3A_1799, %dma_wait3A_1800, %dma_wait3A_1808, %dma_wait3A_1809] : memref<200x4x32x8x128xf32, #tpu.memory_space<hbm>> -> memref<1x1x1x8x128xf32, #tpu.memory_space<hbm>>
        %dma_wait3A_1811 = tpu.memref_squeeze %dma_wait3A_1810 : memref<1x1x1x8x128xf32, #tpu.memory_space<hbm>> -> memref<8x128xf32, #tpu.memory_space<hbm>>
        %dma_wait3A_1812 = arith.constant 0 : i32
        %dma_wait3A_1813 = arith.constant 0 : i32
        %dma_wait3A_1814 = tpu.memref_slice %arg16[%dma_wait3A_1812, %dma_wait3A_1813] : memref<64x129xf32, #tpu.memory_space<vmem>> -> memref<8x128xf32, #tpu.memory_space<vmem>>
        tpu.wait_dma2 semaphore(%arg32 : memref<!tpu.dma_semaphore, #tpu.memory_space<semaphore_mem>>) src(%dma_wait3A_1814 : memref<8x128xf32, #tpu.memory_space<vmem>>) dst(%dma_wait3A_1811 : memref<8x128xf32, #tpu.memory_space<hbm>>)
        %dma_wait3A_1815 = arith.constant 0 : i32
        %dma_wait3A_1816 = arith.constant 0 : i32
        %dma_wait3A_1817 = arith.constant 0 : i32
        %dma_wait3A_1818 = arith.constant 0 : i32
        %dma_wait3A_1819 = arith.constant 0 : i32
        %dma_wait3A_1820 = tpu.memref_slice %arg16[%dma_wait3A_1818, %dma_wait3A_1819] : memref<64x129xf32, #tpu.memory_space<vmem>> -> memref<8x128xf32, #tpu.memory_space<vmem>>
        %dma_wait3A_1821 = arith.constant 0 : i32
        %dma_wait3A_1822 = arith.constant 0 : i32
        %dma_wait3A_1823 = tpu.memref_slice %arg5[%dma_wait3A_1815, %dma_wait3A_1816, %dma_wait3A_1817, %dma_wait3A_1821, %dma_wait3A_1822] : memref<200x4x32x8x128xf32, #tpu.memory_space<hbm>> -> memref<1x1x1x8x128xf32, #tpu.memory_space<hbm>>
        %dma_wait3A_1824 = tpu.memref_squeeze %dma_wait3A_1823 : memref<1x1x1x8x128xf32, #tpu.memory_space<hbm>> -> memref<8x128xf32, #tpu.memory_space<hbm>>
        %dma_wait3A_1825 = arith.constant 0 : i32
        %dma_wait3A_1826 = arith.constant 0 : i32
        %dma_wait3A_1827 = tpu.memref_slice %arg5[%dma_wait3A_1815, %dma_wait3A_1816, %dma_wait3A_1817, %dma_wait3A_1825, %dma_wait3A_1826] : memref<200x4x32x8x128xf32, #tpu.memory_space<hbm>> -> memref<1x1x1x8x128xf32, #tpu.memory_space<hbm>>
        %dma_wait3A_1828 = tpu.memref_squeeze %dma_wait3A_1827 : memref<1x1x1x8x128xf32, #tpu.memory_space<hbm>> -> memref<8x128xf32, #tpu.memory_space<hbm>>
        %dma_wait3A_1829 = arith.constant 0 : i32
        %dma_wait3A_1830 = arith.constant 0 : i32
        %dma_wait3A_1831 = tpu.memref_slice %arg16[%dma_wait3A_1829, %dma_wait3A_1830] : memref<64x129xf32, #tpu.memory_space<vmem>> -> memref<8x128xf32, #tpu.memory_space<vmem>>
        tpu.wait_dma2 semaphore(%arg32 : memref<!tpu.dma_semaphore, #tpu.memory_space<semaphore_mem>>) src(%dma_wait3A_1831 : memref<8x128xf32, #tpu.memory_space<vmem>>) dst(%dma_wait3A_1828 : memref<8x128xf32, #tpu.memory_space<hbm>>)
        %dma_wait3A_1832 = arith.constant 0 : i32
        %dma_wait3A_1833 = arith.constant 0 : i32
        %dma_wait3A_1834 = arith.constant 0 : i32
        %dma_wait3A_1835 = arith.constant 0 : i32
        %dma_wait3A_1836 = arith.constant 0 : i32
        %dma_wait3A_1837 = tpu.memref_slice %arg16[%dma_wait3A_1835, %dma_wait3A_1836] : memref<64x129xf32, #tpu.memory_space<vmem>> -> memref<8x128xf32, #tpu.memory_space<vmem>>
        %dma_wait3A_1838 = arith.constant 0 : i32
        %dma_wait3A_1839 = arith.constant 0 : i32
        %dma_wait3A_1840 = tpu.memref_slice %arg5[%dma_wait3A_1832, %dma_wait3A_1833, %dma_wait3A_1834, %dma_wait3A_1838, %dma_wait3A_1839] : memref<200x4x32x8x128xf32, #tpu.memory_space<hbm>> -> memref<1x1x1x8x128xf32, #tpu.memory_space<hbm>>
        %dma_wait3A_1841 = tpu.memref_squeeze %dma_wait3A_1840 : memref<1x1x1x8x128xf32, #tpu.memory_space<hbm>> -> memref<8x128xf32, #tpu.memory_space<hbm>>
        %dma_wait3A_1842 = arith.constant 0 : i32
        %dma_wait3A_1843 = arith.constant 0 : i32
        %dma_wait3A_1844 = tpu.memref_slice %arg5[%dma_wait3A_1832, %dma_wait3A_1833, %dma_wait3A_1834, %dma_wait3A_1842, %dma_wait3A_1843] : memref<200x4x32x8x128xf32, #tpu.memory_space<hbm>> -> memref<1x1x1x8x128xf32, #tpu.memory_space<hbm>>
        %dma_wait3A_1845 = tpu.memref_squeeze %dma_wait3A_1844 : memref<1x1x1x8x128xf32, #tpu.memory_space<hbm>> -> memref<8x128xf32, #tpu.memory_space<hbm>>
        %dma_wait3A_1846 = arith.constant 0 : i32
        %dma_wait3A_1847 = arith.constant 0 : i32
        %dma_wait3A_1848 = tpu.memref_slice %arg16[%dma_wait3A_1846, %dma_wait3A_1847] : memref<64x129xf32, #tpu.memory_space<vmem>> -> memref<8x128xf32, #tpu.memory_space<vmem>>
        tpu.wait_dma2 semaphore(%arg32 : memref<!tpu.dma_semaphore, #tpu.memory_space<semaphore_mem>>) src(%dma_wait3A_1848 : memref<8x128xf32, #tpu.memory_space<vmem>>) dst(%dma_wait3A_1845 : memref<8x128xf32, #tpu.memory_space<hbm>>)
        %dma_wait3A_1849 = arith.constant 0 : i32
        %dma_wait3A_1850 = arith.constant 0 : i32
        %dma_wait3A_1851 = arith.constant 0 : i32
        %dma_wait3A_1852 = arith.constant 0 : i32
        %dma_wait3A_1853 = arith.constant 0 : i32
        %dma_wait3A_1854 = tpu.memref_slice %arg16[%dma_wait3A_1852, %dma_wait3A_1853] : memref<64x129xf32, #tpu.memory_space<vmem>> -> memref<8x128xf32, #tpu.memory_space<vmem>>
        %dma_wait3A_1855 = arith.constant 0 : i32
        %dma_wait3A_1856 = arith.constant 0 : i32
        %dma_wait3A_1857 = tpu.memref_slice %arg5[%dma_wait3A_1849, %dma_wait3A_1850, %dma_wait3A_1851, %dma_wait3A_1855, %dma_wait3A_1856] : memref<200x4x32x8x128xf32, #tpu.memory_space<hbm>> -> memref<1x1x1x8x128xf32, #tpu.memory_space<hbm>>
        %dma_wait3A_1858 = tpu.memref_squeeze %dma_wait3A_1857 : memref<1x1x1x8x128xf32, #tpu.memory_space<hbm>> -> memref<8x128xf32, #tpu.memory_space<hbm>>
        %dma_wait3A_1859 = arith.constant 0 : i32
        %dma_wait3A_1860 = arith.constant 0 : i32
        %dma_wait3A_1861 = tpu.memref_slice %arg5[%dma_wait3A_1849, %dma_wait3A_1850, %dma_wait3A_1851, %dma_wait3A_1859, %dma_wait3A_1860] : memref<200x4x32x8x128xf32, #tpu.memory_space<hbm>> -> memref<1x1x1x8x128xf32, #tpu.memory_space<hbm>>
        %dma_wait3A_1862 = tpu.memref_squeeze %dma_wait3A_1861 : memref<1x1x1x8x128xf32, #tpu.memory_space<hbm>> -> memref<8x128xf32, #tpu.memory_space<hbm>>
        %dma_wait3A_1863 = arith.constant 0 : i32
        %dma_wait3A_1864 = arith.constant 0 : i32
        %dma_wait3A_1865 = tpu.memref_slice %arg16[%dma_wait3A_1863, %dma_wait3A_1864] : memref<64x129xf32, #tpu.memory_space<vmem>> -> memref<8x128xf32, #tpu.memory_space<vmem>>
        tpu.wait_dma2 semaphore(%arg32 : memref<!tpu.dma_semaphore, #tpu.memory_space<semaphore_mem>>) src(%dma_wait3A_1865 : memref<8x128xf32, #tpu.memory_space<vmem>>) dst(%dma_wait3A_1862 : memref<8x128xf32, #tpu.memory_space<hbm>>)
        %dma_wait3A_1866 = arith.constant 0 : i32
        %dma_wait3A_1867 = arith.constant 0 : i32
        %dma_wait3A_1868 = arith.constant 0 : i32
        %dma_wait3A_1869 = arith.constant 0 : i32
        %dma_wait3A_1870 = arith.constant 0 : i32
        %dma_wait3A_1871 = tpu.memref_slice %arg16[%dma_wait3A_1869, %dma_wait3A_1870] : memref<64x129xf32, #tpu.memory_space<vmem>> -> memref<8x128xf32, #tpu.memory_space<vmem>>
        %dma_wait3A_1872 = arith.constant 0 : i32
        %dma_wait3A_1873 = arith.constant 0 : i32
        %dma_wait3A_1874 = tpu.memref_slice %arg5[%dma_wait3A_1866, %dma_wait3A_1867, %dma_wait3A_1868, %dma_wait3A_1872, %dma_wait3A_1873] : memref<200x4x32x8x128xf32, #tpu.memory_space<hbm>> -> memref<1x1x1x8x128xf32, #tpu.memory_space<hbm>>
        %dma_wait3A_1875 = tpu.memref_squeeze %dma_wait3A_1874 : memref<1x1x1x8x128xf32, #tpu.memory_space<hbm>> -> memref<8x128xf32, #tpu.memory_space<hbm>>
        %dma_wait3A_1876 = arith.constant 0 : i32
        %dma_wait3A_1877 = arith.constant 0 : i32
        %dma_wait3A_1878 = tpu.memref_slice %arg5[%dma_wait3A_1866, %dma_wait3A_1867, %dma_wait3A_1868, %dma_wait3A_1876, %dma_wait3A_1877] : memref<200x4x32x8x128xf32, #tpu.memory_space<hbm>> -> memref<1x1x1x8x128xf32, #tpu.memory_space<hbm>>
        %dma_wait3A_1879 = tpu.memref_squeeze %dma_wait3A_1878 : memref<1x1x1x8x128xf32, #tpu.memory_space<hbm>> -> memref<8x128xf32, #tpu.memory_space<hbm>>
        %dma_wait3A_1880 = arith.constant 0 : i32
        %dma_wait3A_1881 = arith.constant 0 : i32
        %dma_wait3A_1882 = tpu.memref_slice %arg16[%dma_wait3A_1880, %dma_wait3A_1881] : memref<64x129xf32, #tpu.memory_space<vmem>> -> memref<8x128xf32, #tpu.memory_space<vmem>>
        tpu.wait_dma2 semaphore(%arg32 : memref<!tpu.dma_semaphore, #tpu.memory_space<semaphore_mem>>) src(%dma_wait3A_1882 : memref<8x128xf32, #tpu.memory_space<vmem>>) dst(%dma_wait3A_1879 : memref<8x128xf32, #tpu.memory_space<hbm>>)
        %dma_wait3A_1883 = arith.constant 0 : i32
        %dma_wait3A_1884 = arith.constant 0 : i32
        %dma_wait3A_1885 = arith.constant 0 : i32
        %dma_wait3A_1886 = arith.constant 0 : i32
        %dma_wait3A_1887 = arith.constant 0 : i32
        %dma_wait3A_1888 = tpu.memref_slice %arg16[%dma_wait3A_1886, %dma_wait3A_1887] : memref<64x129xf32, #tpu.memory_space<vmem>> -> memref<8x128xf32, #tpu.memory_space<vmem>>
        %dma_wait3A_1889 = arith.constant 0 : i32
        %dma_wait3A_1890 = arith.constant 0 : i32
        %dma_wait3A_1891 = tpu.memref_slice %arg5[%dma_wait3A_1883, %dma_wait3A_1884, %dma_wait3A_1885, %dma_wait3A_1889, %dma_wait3A_1890] : memref<200x4x32x8x128xf32, #tpu.memory_space<hbm>> -> memref<1x1x1x8x128xf32, #tpu.memory_space<hbm>>
        %dma_wait3A_1892 = tpu.memref_squeeze %dma_wait3A_1891 : memref<1x1x1x8x128xf32, #tpu.memory_space<hbm>> -> memref<8x128xf32, #tpu.memory_space<hbm>>
        %dma_wait3A_1893 = arith.constant 0 : i32
        %dma_wait3A_1894 = arith.constant 0 : i32
        %dma_wait3A_1895 = tpu.memref_slice %arg5[%dma_wait3A_1883, %dma_wait3A_1884, %dma_wait3A_1885, %dma_wait3A_1893, %dma_wait3A_1894] : memref<200x4x32x8x128xf32, #tpu.memory_space<hbm>> -> memref<1x1x1x8x128xf32, #tpu.memory_space<hbm>>
        %dma_wait3A_1896 = tpu.memref_squeeze %dma_wait3A_1895 : memref<1x1x1x8x128xf32, #tpu.memory_space<hbm>> -> memref<8x128xf32, #tpu.memory_space<hbm>>
        %dma_wait3A_1897 = arith.constant 0 : i32
        %dma_wait3A_1898 = arith.constant 0 : i32
        %dma_wait3A_1899 = tpu.memref_slice %arg16[%dma_wait3A_1897, %dma_wait3A_1898] : memref<64x129xf32, #tpu.memory_space<vmem>> -> memref<8x128xf32, #tpu.memory_space<vmem>>
        tpu.wait_dma2 semaphore(%arg32 : memref<!tpu.dma_semaphore, #tpu.memory_space<semaphore_mem>>) src(%dma_wait3A_1899 : memref<8x128xf32, #tpu.memory_space<vmem>>) dst(%dma_wait3A_1896 : memref<8x128xf32, #tpu.memory_space<hbm>>)
      } else {
      }
      %mul3A_756 = arith.constant 2 : i32
      %mul3A_757 = arith.muli %add3A_734, %mul3A_756 : i32
      %add3A_758 = arith.constant 0 : i32
      %add3A_759 = arith.addi %mul3A_757, %add3A_758 : i32
      %get3A = arith.index_cast %add3A_759 : i32 to index
      %get3A_760 = arith.constant 0 : index
      %get3A_761 = tpu.vector_load %arg21[%get3A, %get3A_760] {strides = array<i32>} : memref<200x32xf32, #tpu.memory_space<vmem>>, vector<16xf32>,
      %add3A_762 = arith.constant 0 : i32
      %add3A_763 = arith.addi %mul3A_757, %add3A_762 : i32
      %get3A_764 = arith.index_cast %add3A_763 : i32 to index
      %get3A_765 = arith.constant 16 : index
      %get3A_766 = tpu.vector_load %arg21[%get3A_764, %get3A_765] {strides = array<i32>} : memref<200x32xf32, #tpu.memory_space<vmem>>, vector<16xf32>,
      %add3A_767 = arith.constant 0 : i32
      %add3A_768 = vector.broadcast %add3A_767 : i32 to vector<16xi32>
      %add3A_769 = arith.addi %add3A_10, %add3A_768 : vector<16xi32>
      %add3A_770 = arith.constant 16 : i32
      %add3A_771 = vector.broadcast %add3A_770 : i32 to vector<16xi32>
      %add3A_772 = arith.addi %add3A_769, %add3A_771 : vector<16xi32>
      %parallel_loop3A = arith.constant 0 : i32
      %parallel_loop3A_773 = arith.constant 128 : i32
      %parallel_loop3A_774 = arith.constant 1 : i32
      scf.for %parallel_loop3A_1764 = %parallel_loop3A to %parallel_loop3A_773 step %parallel_loop3A_774  : i32 {
        %parallel_loop3A_1765 = arith.constant 0 : i32
        %parallel_loop3A_1766 = arith.addi %parallel_loop3A_1765, %parallel_loop3A_1764 : i32
        %parallel_loop3A_1767 = vector.broadcast %parallel_loop3A_1764 : i32 to vector<16xi32>
        %parallel_loop3A_1768 = arith.index_cast %parallel_loop3A_1766 : i32 to index
        %parallel_loop3A_1769 = arith.constant 0 : index
        %parallel_loop3A_1770 = tpu.vector_load %arg11[%parallel_loop3A_1768, %parallel_loop3A_1769] {strides = array<i32>} : memref<256x32xf32, #tpu.memory_space<vmem>>, vector<16xf32>,
        %parallel_loop3A_1771 = arith.addf %parallel_loop3A_1770, %get3A_761 : vector<16xf32>
        %parallel_loop3A_1772 = arith.index_cast %parallel_loop3A_1766 : i32 to index
        %parallel_loop3A_1773 = arith.constant 16 : index
        %parallel_loop3A_1774 = tpu.vector_load %arg11[%parallel_loop3A_1772, %parallel_loop3A_1773] {strides = array<i32>} : memref<256x32xf32, #tpu.memory_space<vmem>>, vector<16xf32>,
        %parallel_loop3A_1775 = arith.addf %parallel_loop3A_1774, %get3A_766 : vector<16xf32>
        tpu.vector_store_idx %arg16[%add3A_769, %parallel_loop3A_1767], %parallel_loop3A_1771 : memref<64x129xf32, #tpu.memory_space<vmem>>[vector<16xi32>, vector<16xi32>], vector<16xf32>,
        tpu.vector_store_idx %arg16[%add3A_772, %parallel_loop3A_1767], %parallel_loop3A_1775 : memref<64x129xf32, #tpu.memory_space<vmem>>[vector<16xi32>, vector<16xi32>], vector<16xf32>,
      } {sc.loop_unroll_factor = 4 : i64, sc.parallel_access}
      %add3A_775 = arith.constant 1 : i32
      %add3A_776 = arith.addi %mul3A_757, %add3A_775 : i32
      %get3A_777 = arith.index_cast %add3A_776 : i32 to index
      %get3A_778 = arith.constant 0 : index
      %get3A_779 = tpu.vector_load %arg21[%get3A_777, %get3A_778] {strides = array<i32>} : memref<200x32xf32, #tpu.memory_space<vmem>>, vector<16xf32>,
      %add3A_780 = arith.constant 1 : i32
      %add3A_781 = arith.addi %mul3A_757, %add3A_780 : i32
      %get3A_782 = arith.index_cast %add3A_781 : i32 to index
      %get3A_783 = arith.constant 16 : index
      %get3A_784 = tpu.vector_load %arg21[%get3A_782, %get3A_783] {strides = array<i32>} : memref<200x32xf32, #tpu.memory_space<vmem>>, vector<16xf32>,
      %add3A_785 = arith.constant 32 : i32
      %add3A_786 = vector.broadcast %add3A_785 : i32 to vector<16xi32>
      %add3A_787 = arith.addi %add3A_10, %add3A_786 : vector<16xi32>
      %add3A_788 = arith.constant 16 : i32
      %add3A_789 = vector.broadcast %add3A_788 : i32 to vector<16xi32>
      %add3A_790 = arith.addi %add3A_787, %add3A_789 : vector<16xi32>
      %parallel_loop3A_791 = arith.constant 0 : i32
      %parallel_loop3A_792 = arith.constant 128 : i32
      %parallel_loop3A_793 = arith.constant 1 : i32
      scf.for %parallel_loop3A_1764 = %parallel_loop3A_791 to %parallel_loop3A_792 step %parallel_loop3A_793  : i32 {
        %parallel_loop3A_1765 = arith.constant 128 : i32
        %parallel_loop3A_1766 = arith.addi %parallel_loop3A_1765, %parallel_loop3A_1764 : i32
        %parallel_loop3A_1767 = vector.broadcast %parallel_loop3A_1764 : i32 to vector<16xi32>
        %parallel_loop3A_1768 = arith.index_cast %parallel_loop3A_1766 : i32 to index
        %parallel_loop3A_1769 = arith.constant 0 : index
        %parallel_loop3A_1770 = tpu.vector_load %arg11[%parallel_loop3A_1768, %parallel_loop3A_1769] {strides = array<i32>} : memref<256x32xf32, #tpu.memory_space<vmem>>, vector<16xf32>,
        %parallel_loop3A_1771 = arith.addf %parallel_loop3A_1770, %get3A_779 : vector<16xf32>
        %parallel_loop3A_1772 = arith.index_cast %parallel_loop3A_1766 : i32 to index
        %parallel_loop3A_1773 = arith.constant 16 : index
        %parallel_loop3A_1774 = tpu.vector_load %arg11[%parallel_loop3A_1772, %parallel_loop3A_1773] {strides = array<i32>} : memref<256x32xf32, #tpu.memory_space<vmem>>, vector<16xf32>,
        %parallel_loop3A_1775 = arith.addf %parallel_loop3A_1774, %get3A_784 : vector<16xf32>
        tpu.vector_store_idx %arg16[%add3A_787, %parallel_loop3A_1767], %parallel_loop3A_1771 : memref<64x129xf32, #tpu.memory_space<vmem>>[vector<16xi32>, vector<16xi32>], vector<16xf32>,
        tpu.vector_store_idx %arg16[%add3A_790, %parallel_loop3A_1767], %parallel_loop3A_1775 : memref<64x129xf32, #tpu.memory_space<vmem>>[vector<16xi32>, vector<16xi32>], vector<16xf32>,
      } {sc.loop_unroll_factor = 4 : i64, sc.parallel_access}
      %mul3A_794 = arith.constant 2 : i32
      %mul3A_795 = arith.muli %add3A_734, %mul3A_794 : i32
      %add3A_796 = arith.constant 0 : i32
      %add3A_797 = arith.addi %mul3A_795, %add3A_796 : i32
      %dma_start3A_798 = arith.constant 0 : i32
      %dma_start3A_799 = arith.constant 0 : i32
      %dma_start3A_800 = arith.constant 0 : i32
      %dma_start3A_801 = tpu.memref_slice %arg16[%dma_start3A_799, %dma_start3A_800] : memref<64x129xf32, #tpu.memory_space<vmem>> -> memref<8x128xf32, #tpu.memory_space<vmem>>
      %dma_start3A_802 = arith.constant 0 : i32
      %dma_start3A_803 = arith.constant 0 : i32
      %dma_start3A_804 = tpu.memref_slice %arg5[%add3A_797, %dma_start3A_798, %add3A, %dma_start3A_802, %dma_start3A_803] : memref<200x4x32x8x128xf32, #tpu.memory_space<hbm>> -> memref<1x1x1x8x128xf32, #tpu.memory_space<hbm>>
      %dma_start3A_805 = tpu.memref_squeeze %dma_start3A_804 : memref<1x1x1x8x128xf32, #tpu.memory_space<hbm>> -> memref<8x128xf32, #tpu.memory_space<hbm>>
      %dma_start3A_806 = arith.constant 0 : i32
      %dma_start3A_807 = arith.constant 0 : i32
      %dma_start3A_808 = tpu.memref_slice %arg5[%add3A_797, %dma_start3A_798, %add3A, %dma_start3A_806, %dma_start3A_807] : memref<200x4x32x8x128xf32, #tpu.memory_space<hbm>> -> memref<1x1x1x8x128xf32, #tpu.memory_space<hbm>>
      %dma_start3A_809 = tpu.memref_squeeze %dma_start3A_808 : memref<1x1x1x8x128xf32, #tpu.memory_space<hbm>> -> memref<8x128xf32, #tpu.memory_space<hbm>>
      %dma_start3A_810 = arith.constant 0 : i32
      %dma_start3A_811 = arith.constant 0 : i32
      %dma_start3A_812 = tpu.memref_slice %arg16[%dma_start3A_810, %dma_start3A_811] : memref<64x129xf32, #tpu.memory_space<vmem>> -> memref<8x128xf32, #tpu.memory_space<vmem>>
      tpu.enqueue_dma source(%dma_start3A_812 : memref<8x128xf32, #tpu.memory_space<vmem>>) target(%dma_start3A_809 : memref<8x128xf32, #tpu.memory_space<hbm>>) target_semaphore(%arg32 : memref<!tpu.dma_semaphore, #tpu.memory_space<semaphore_mem>>)
      %add3A_813 = arith.constant 0 : i32
      %add3A_814 = arith.addi %mul3A_795, %add3A_813 : i32
      %dma_start3A_815 = arith.constant 1 : i32
      %dma_start3A_816 = arith.constant 8 : i32
      %dma_start3A_817 = arith.constant 0 : i32
      %dma_start3A_818 = tpu.memref_slice %arg16[%dma_start3A_816, %dma_start3A_817] : memref<64x129xf32, #tpu.memory_space<vmem>> -> memref<8x128xf32, #tpu.memory_space<vmem>>
      %dma_start3A_819 = arith.constant 0 : i32
      %dma_start3A_820 = arith.constant 0 : i32
      %dma_start3A_821 = tpu.memref_slice %arg5[%add3A_814, %dma_start3A_815, %add3A, %dma_start3A_819, %dma_start3A_820] : memref<200x4x32x8x128xf32, #tpu.memory_space<hbm>> -> memref<1x1x1x8x128xf32, #tpu.memory_space<hbm>>
      %dma_start3A_822 = tpu.memref_squeeze %dma_start3A_821 : memref<1x1x1x8x128xf32, #tpu.memory_space<hbm>> -> memref<8x128xf32, #tpu.memory_space<hbm>>
      %dma_start3A_823 = arith.constant 0 : i32
      %dma_start3A_824 = arith.constant 0 : i32
      %dma_start3A_825 = tpu.memref_slice %arg5[%add3A_814, %dma_start3A_815, %add3A, %dma_start3A_823, %dma_start3A_824] : memref<200x4x32x8x128xf32, #tpu.memory_space<hbm>> -> memref<1x1x1x8x128xf32, #tpu.memory_space<hbm>>
      %dma_start3A_826 = tpu.memref_squeeze %dma_start3A_825 : memref<1x1x1x8x128xf32, #tpu.memory_space<hbm>> -> memref<8x128xf32, #tpu.memory_space<hbm>>
      %dma_start3A_827 = arith.constant 8 : i32
      %dma_start3A_828 = arith.constant 0 : i32
      %dma_start3A_829 = tpu.memref_slice %arg16[%dma_start3A_827, %dma_start3A_828] : memref<64x129xf32, #tpu.memory_space<vmem>> -> memref<8x128xf32, #tpu.memory_space<vmem>>
      tpu.enqueue_dma source(%dma_start3A_829 : memref<8x128xf32, #tpu.memory_space<vmem>>) target(%dma_start3A_826 : memref<8x128xf32, #tpu.memory_space<hbm>>) target_semaphore(%arg32 : memref<!tpu.dma_semaphore, #tpu.memory_space<semaphore_mem>>)
      %add3A_830 = arith.constant 0 : i32
      %add3A_831 = arith.addi %mul3A_795, %add3A_830 : i32
      %dma_start3A_832 = arith.constant 2 : i32
      %dma_start3A_833 = arith.constant 16 : i32
      %dma_start3A_834 = arith.constant 0 : i32
      %dma_start3A_835 = tpu.memref_slice %arg16[%dma_start3A_833, %dma_start3A_834] : memref<64x129xf32, #tpu.memory_space<vmem>> -> memref<8x128xf32, #tpu.memory_space<vmem>>
      %dma_start3A_836 = arith.constant 0 : i32
      %dma_start3A_837 = arith.constant 0 : i32
      %dma_start3A_838 = tpu.memref_slice %arg5[%add3A_831, %dma_start3A_832, %add3A, %dma_start3A_836, %dma_start3A_837] : memref<200x4x32x8x128xf32, #tpu.memory_space<hbm>> -> memref<1x1x1x8x128xf32, #tpu.memory_space<hbm>>
      %dma_start3A_839 = tpu.memref_squeeze %dma_start3A_838 : memref<1x1x1x8x128xf32, #tpu.memory_space<hbm>> -> memref<8x128xf32, #tpu.memory_space<hbm>>
      %dma_start3A_840 = arith.constant 0 : i32
      %dma_start3A_841 = arith.constant 0 : i32
      %dma_start3A_842 = tpu.memref_slice %arg5[%add3A_831, %dma_start3A_832, %add3A, %dma_start3A_840, %dma_start3A_841] : memref<200x4x32x8x128xf32, #tpu.memory_space<hbm>> -> memref<1x1x1x8x128xf32, #tpu.memory_space<hbm>>
      %dma_start3A_843 = tpu.memref_squeeze %dma_start3A_842 : memref<1x1x1x8x128xf32, #tpu.memory_space<hbm>> -> memref<8x128xf32, #tpu.memory_space<hbm>>
      %dma_start3A_844 = arith.constant 16 : i32
      %dma_start3A_845 = arith.constant 0 : i32
      %dma_start3A_846 = tpu.memref_slice %arg16[%dma_start3A_844, %dma_start3A_845] : memref<64x129xf32, #tpu.memory_space<vmem>> -> memref<8x128xf32, #tpu.memory_space<vmem>>
      tpu.enqueue_dma source(%dma_start3A_846 : memref<8x128xf32, #tpu.memory_space<vmem>>) target(%dma_start3A_843 : memref<8x128xf32, #tpu.memory_space<hbm>>) target_semaphore(%arg32 : memref<!tpu.dma_semaphore, #tpu.memory_space<semaphore_mem>>)
      %add3A_847 = arith.constant 0 : i32
      %add3A_848 = arith.addi %mul3A_795, %add3A_847 : i32
      %dma_start3A_849 = arith.constant 3 : i32
      %dma_start3A_850 = arith.constant 24 : i32
      %dma_start3A_851 = arith.constant 0 : i32
      %dma_start3A_852 = tpu.memref_slice %arg16[%dma_start3A_850, %dma_start3A_851] : memref<64x129xf32, #tpu.memory_space<vmem>> -> memref<8x128xf32, #tpu.memory_space<vmem>>
      %dma_start3A_853 = arith.constant 0 : i32
      %dma_start3A_854 = arith.constant 0 : i32
      %dma_start3A_855 = tpu.memref_slice %arg5[%add3A_848, %dma_start3A_849, %add3A, %dma_start3A_853, %dma_start3A_854] : memref<200x4x32x8x128xf32, #tpu.memory_space<hbm>> -> memref<1x1x1x8x128xf32, #tpu.memory_space<hbm>>
      %dma_start3A_856 = tpu.memref_squeeze %dma_start3A_855 : memref<1x1x1x8x128xf32, #tpu.memory_space<hbm>> -> memref<8x128xf32, #tpu.memory_space<hbm>>
      %dma_start3A_857 = arith.constant 0 : i32
      %dma_start3A_858 = arith.constant 0 : i32
      %dma_start3A_859 = tpu.memref_slice %arg5[%add3A_848, %dma_start3A_849, %add3A, %dma_start3A_857, %dma_start3A_858] : memref<200x4x32x8x128xf32, #tpu.memory_space<hbm>> -> memref<1x1x1x8x128xf32, #tpu.memory_space<hbm>>
      %dma_start3A_860 = tpu.memref_squeeze %dma_start3A_859 : memref<1x1x1x8x128xf32, #tpu.memory_space<hbm>> -> memref<8x128xf32, #tpu.memory_space<hbm>>
      %dma_start3A_861 = arith.constant 24 : i32
      %dma_start3A_862 = arith.constant 0 : i32
      %dma_start3A_863 = tpu.memref_slice %arg16[%dma_start3A_861, %dma_start3A_862] : memref<64x129xf32, #tpu.memory_space<vmem>> -> memref<8x128xf32, #tpu.memory_space<vmem>>
      tpu.enqueue_dma source(%dma_start3A_863 : memref<8x128xf32, #tpu.memory_space<vmem>>) target(%dma_start3A_860 : memref<8x128xf32, #tpu.memory_space<hbm>>) target_semaphore(%arg32 : memref<!tpu.dma_semaphore, #tpu.memory_space<semaphore_mem>>)
      %add3A_864 = arith.constant 1 : i32
      %add3A_865 = arith.addi %mul3A_795, %add3A_864 : i32
      %dma_start3A_866 = arith.constant 0 : i32
      %dma_start3A_867 = arith.constant 32 : i32
      %dma_start3A_868 = arith.constant 0 : i32
      %dma_start3A_869 = tpu.memref_slice %arg16[%dma_start3A_867, %dma_start3A_868] : memref<64x129xf32, #tpu.memory_space<vmem>> -> memref<8x128xf32, #tpu.memory_space<vmem>>
      %dma_start3A_870 = arith.constant 0 : i32
      %dma_start3A_871 = arith.constant 0 : i32
      %dma_start3A_872 = tpu.memref_slice %arg5[%add3A_865, %dma_start3A_866, %add3A, %dma_start3A_870, %dma_start3A_871] : memref<200x4x32x8x128xf32, #tpu.memory_space<hbm>> -> memref<1x1x1x8x128xf32, #tpu.memory_space<hbm>>
      %dma_start3A_873 = tpu.memref_squeeze %dma_start3A_872 : memref<1x1x1x8x128xf32, #tpu.memory_space<hbm>> -> memref<8x128xf32, #tpu.memory_space<hbm>>
      %dma_start3A_874 = arith.constant 0 : i32
      %dma_start3A_875 = arith.constant 0 : i32
      %dma_start3A_876 = tpu.memref_slice %arg5[%add3A_865, %dma_start3A_866, %add3A, %dma_start3A_874, %dma_start3A_875] : memref<200x4x32x8x128xf32, #tpu.memory_space<hbm>> -> memref<1x1x1x8x128xf32, #tpu.memory_space<hbm>>
      %dma_start3A_877 = tpu.memref_squeeze %dma_start3A_876 : memref<1x1x1x8x128xf32, #tpu.memory_space<hbm>> -> memref<8x128xf32, #tpu.memory_space<hbm>>
      %dma_start3A_878 = arith.constant 32 : i32
      %dma_start3A_879 = arith.constant 0 : i32
      %dma_start3A_880 = tpu.memref_slice %arg16[%dma_start3A_878, %dma_start3A_879] : memref<64x129xf32, #tpu.memory_space<vmem>> -> memref<8x128xf32, #tpu.memory_space<vmem>>
      tpu.enqueue_dma source(%dma_start3A_880 : memref<8x128xf32, #tpu.memory_space<vmem>>) target(%dma_start3A_877 : memref<8x128xf32, #tpu.memory_space<hbm>>) target_semaphore(%arg32 : memref<!tpu.dma_semaphore, #tpu.memory_space<semaphore_mem>>)
      %add3A_881 = arith.constant 1 : i32
      %add3A_882 = arith.addi %mul3A_795, %add3A_881 : i32
      %dma_start3A_883 = arith.constant 1 : i32
      %dma_start3A_884 = arith.constant 40 : i32
      %dma_start3A_885 = arith.constant 0 : i32
      %dma_start3A_886 = tpu.memref_slice %arg16[%dma_start3A_884, %dma_start3A_885] : memref<64x129xf32, #tpu.memory_space<vmem>> -> memref<8x128xf32, #tpu.memory_space<vmem>>
      %dma_start3A_887 = arith.constant 0 : i32
      %dma_start3A_888 = arith.constant 0 : i32
      %dma_start3A_889 = tpu.memref_slice %arg5[%add3A_882, %dma_start3A_883, %add3A, %dma_start3A_887, %dma_start3A_888] : memref<200x4x32x8x128xf32, #tpu.memory_space<hbm>> -> memref<1x1x1x8x128xf32, #tpu.memory_space<hbm>>
      %dma_start3A_890 = tpu.memref_squeeze %dma_start3A_889 : memref<1x1x1x8x128xf32, #tpu.memory_space<hbm>> -> memref<8x128xf32, #tpu.memory_space<hbm>>
      %dma_start3A_891 = arith.constant 0 : i32
      %dma_start3A_892 = arith.constant 0 : i32
      %dma_start3A_893 = tpu.memref_slice %arg5[%add3A_882, %dma_start3A_883, %add3A, %dma_start3A_891, %dma_start3A_892] : memref<200x4x32x8x128xf32, #tpu.memory_space<hbm>> -> memref<1x1x1x8x128xf32, #tpu.memory_space<hbm>>
      %dma_start3A_894 = tpu.memref_squeeze %dma_start3A_893 : memref<1x1x1x8x128xf32, #tpu.memory_space<hbm>> -> memref<8x128xf32, #tpu.memory_space<hbm>>
      %dma_start3A_895 = arith.constant 40 : i32
      %dma_start3A_896 = arith.constant 0 : i32
      %dma_start3A_897 = tpu.memref_slice %arg16[%dma_start3A_895, %dma_start3A_896] : memref<64x129xf32, #tpu.memory_space<vmem>> -> memref<8x128xf32, #tpu.memory_space<vmem>>
      tpu.enqueue_dma source(%dma_start3A_897 : memref<8x128xf32, #tpu.memory_space<vmem>>) target(%dma_start3A_894 : memref<8x128xf32, #tpu.memory_space<hbm>>) target_semaphore(%arg32 : memref<!tpu.dma_semaphore, #tpu.memory_space<semaphore_mem>>)
      %add3A_898 = arith.constant 1 : i32
      %add3A_899 = arith.addi %mul3A_795, %add3A_898 : i32
      %dma_start3A_900 = arith.constant 2 : i32
      %dma_start3A_901 = arith.constant 48 : i32
      %dma_start3A_902 = arith.constant 0 : i32
      %dma_start3A_903 = tpu.memref_slice %arg16[%dma_start3A_901, %dma_start3A_902] : memref<64x129xf32, #tpu.memory_space<vmem>> -> memref<8x128xf32, #tpu.memory_space<vmem>>
      %dma_start3A_904 = arith.constant 0 : i32
      %dma_start3A_905 = arith.constant 0 : i32
      %dma_start3A_906 = tpu.memref_slice %arg5[%add3A_899, %dma_start3A_900, %add3A, %dma_start3A_904, %dma_start3A_905] : memref<200x4x32x8x128xf32, #tpu.memory_space<hbm>> -> memref<1x1x1x8x128xf32, #tpu.memory_space<hbm>>
      %dma_start3A_907 = tpu.memref_squeeze %dma_start3A_906 : memref<1x1x1x8x128xf32, #tpu.memory_space<hbm>> -> memref<8x128xf32, #tpu.memory_space<hbm>>
      %dma_start3A_908 = arith.constant 0 : i32
      %dma_start3A_909 = arith.constant 0 : i32
      %dma_start3A_910 = tpu.memref_slice %arg5[%add3A_899, %dma_start3A_900, %add3A, %dma_start3A_908, %dma_start3A_909] : memref<200x4x32x8x128xf32, #tpu.memory_space<hbm>> -> memref<1x1x1x8x128xf32, #tpu.memory_space<hbm>>
      %dma_start3A_911 = tpu.memref_squeeze %dma_start3A_910 : memref<1x1x1x8x128xf32, #tpu.memory_space<hbm>> -> memref<8x128xf32, #tpu.memory_space<hbm>>
      %dma_start3A_912 = arith.constant 48 : i32
      %dma_start3A_913 = arith.constant 0 : i32
      %dma_start3A_914 = tpu.memref_slice %arg16[%dma_start3A_912, %dma_start3A_913] : memref<64x129xf32, #tpu.memory_space<vmem>> -> memref<8x128xf32, #tpu.memory_space<vmem>>
      tpu.enqueue_dma source(%dma_start3A_914 : memref<8x128xf32, #tpu.memory_space<vmem>>) target(%dma_start3A_911 : memref<8x128xf32, #tpu.memory_space<hbm>>) target_semaphore(%arg32 : memref<!tpu.dma_semaphore, #tpu.memory_space<semaphore_mem>>)
      %add3A_915 = arith.constant 1 : i32
      %add3A_916 = arith.addi %mul3A_795, %add3A_915 : i32
      %dma_start3A_917 = arith.constant 3 : i32
      %dma_start3A_918 = arith.constant 56 : i32
      %dma_start3A_919 = arith.constant 0 : i32
      %dma_start3A_920 = tpu.memref_slice %arg16[%dma_start3A_918, %dma_start3A_919] : memref<64x129xf32, #tpu.memory_space<vmem>> -> memref<8x128xf32, #tpu.memory_space<vmem>>
      %dma_start3A_921 = arith.constant 0 : i32
      %dma_start3A_922 = arith.constant 0 : i32
      %dma_start3A_923 = tpu.memref_slice %arg5[%add3A_916, %dma_start3A_917, %add3A, %dma_start3A_921, %dma_start3A_922] : memref<200x4x32x8x128xf32, #tpu.memory_space<hbm>> -> memref<1x1x1x8x128xf32, #tpu.memory_space<hbm>>
      %dma_start3A_924 = tpu.memref_squeeze %dma_start3A_923 : memref<1x1x1x8x128xf32, #tpu.memory_space<hbm>> -> memref<8x128xf32, #tpu.memory_space<hbm>>
      %dma_start3A_925 = arith.constant 0 : i32
      %dma_start3A_926 = arith.constant 0 : i32
      %dma_start3A_927 = tpu.memref_slice %arg5[%add3A_916, %dma_start3A_917, %add3A, %dma_start3A_925, %dma_start3A_926] : memref<200x4x32x8x128xf32, #tpu.memory_space<hbm>> -> memref<1x1x1x8x128xf32, #tpu.memory_space<hbm>>
      %dma_start3A_928 = tpu.memref_squeeze %dma_start3A_927 : memref<1x1x1x8x128xf32, #tpu.memory_space<hbm>> -> memref<8x128xf32, #tpu.memory_space<hbm>>
      %dma_start3A_929 = arith.constant 56 : i32
      %dma_start3A_930 = arith.constant 0 : i32
      %dma_start3A_931 = tpu.memref_slice %arg16[%dma_start3A_929, %dma_start3A_930] : memref<64x129xf32, #tpu.memory_space<vmem>> -> memref<8x128xf32, #tpu.memory_space<vmem>>
      tpu.enqueue_dma source(%dma_start3A_931 : memref<8x128xf32, #tpu.memory_space<vmem>>) target(%dma_start3A_928 : memref<8x128xf32, #tpu.memory_space<hbm>>) target_semaphore(%arg32 : memref<!tpu.dma_semaphore, #tpu.memory_space<semaphore_mem>>)
      %mul3A_932 = arith.constant 5 : i32
      %mul3A_933 = arith.muli %scan3A_730, %mul3A_932 : i32
      %add3A_934 = arith.constant 1 : i32
      %add3A_935 = arith.addi %mul3A_933, %add3A_934 : i32
      %add3A_936 = arith.constant 5 : i32
      %add3A_937 = arith.addi %add3A_935, %add3A_936 : i32
      %sub3A_938 = arith.constant 1 : i32
      %sub3A_939 = arith.subi %add3A_937, %sub3A_938 : i32
      %add3A_940 = arith.constant 5 : i32
      %add3A_941 = arith.addi %add3A_935, %add3A_940 : i32
      %sub3A_942 = arith.constant 2 : i32
      %sub3A_943 = arith.subi %add3A_941, %sub3A_942 : i32
      %lt3A_944 = arith.constant 100 : i32
      %lt3A_945 = arith.cmpi slt, %sub3A_939, %lt3A_944 : i32
      %convert_element_type3A_946 = arith.extui %lt3A_945 : i1 to i32
      %cond3A_947 = arith.constant 0 : i32
      %cond3A_948 = arith.cmpi ne, %convert_element_type3A_946, %cond3A_947 : i32
      scf.if %cond3A_948 {
        %mul3A_1764 = arith.constant 256 : i32
        %mul3A_1765 = arith.muli %sub3A_939, %mul3A_1764 : i32
        %add3A_1766 = arith.addi %mul3A_2, %mul3A_1765 : i32
        %dma_start3A_1767 = tpu.memref_slice %arg2[%add3A_1766] : memref<819200xi32, #tpu.memory_space<hbm>> -> memref<256xi32, #tpu.memory_space<hbm>>
        %dma_start3A_1768 = tpu.memref_slice %arg2[%add3A_1766] : memref<819200xi32, #tpu.memory_space<hbm>> -> memref<256xi32, #tpu.memory_space<hbm>>
        tpu.enqueue_dma source(%dma_start3A_1768 : memref<256xi32, #tpu.memory_space<hbm>>) target(%arg6 : memref<256xi32, #tpu.memory_space<vmem>>) target_semaphore(%arg22 : memref<!tpu.dma_semaphore, #tpu.memory_space<semaphore_mem>>)
      } else {
      }
      %lt3A_949 = arith.constant 100 : i32
      %lt3A_950 = arith.cmpi slt, %sub3A_943, %lt3A_949 : i32
      %convert_element_type3A_951 = arith.extui %lt3A_950 : i1 to i32
      %cond3A_952 = arith.constant 0 : i32
      %cond3A_953 = arith.cmpi ne, %convert_element_type3A_951, %cond3A_952 : i32
      scf.if %cond3A_953 {
        %dma_wait3A_1764 = arith.constant 0 : i32
        %dma_wait3A_1765 = tpu.memref_slice %arg2[%dma_wait3A_1764] : memref<819200xi32, #tpu.memory_space<hbm>> -> memref<256xi32, #tpu.memory_space<hbm>>
        %dma_wait3A_1766 = arith.constant 0 : i32
        %dma_wait3A_1767 = tpu.memref_slice %arg2[%dma_wait3A_1766] : memref<819200xi32, #tpu.memory_space<hbm>> -> memref<256xi32, #tpu.memory_space<hbm>>
        tpu.wait_dma2 semaphore(%arg26 : memref<!tpu.dma_semaphore, #tpu.memory_space<semaphore_mem>>) src(%dma_wait3A_1767 : memref<256xi32, #tpu.memory_space<hbm>>) dst(%arg10 : memref<256xi32, #tpu.memory_space<vmem>>)
        %dma_start3A_1768 = arith.constant 0 : i32
        %dma_start3A_1769 = arith.constant 0 : i32
        %dma_start3A_1770 = tpu.memref_slice %arg3[%dma_start3A_1768, %dma_start3A_1769] : memref<100000x32xf32, #tpu.memory_space<hbm>> -> memref<100000x32xf32, #tpu.memory_space<hbm>>
        tpu.enqueue_indirect_dma source(%dma_start3A_1770 : memref<100000x32xf32, #tpu.memory_space<hbm>>) target(%arg15 : memref<256x32xf32, #tpu.memory_space<vmem>>) offsets(%arg10 : memref<256xi32, #tpu.memory_space<vmem>>) semaphore(%arg31 : memref<!tpu.dma_semaphore, #tpu.memory_space<semaphore_mem>>)
      } else {
      }
      %dma_wait3A_954 = arith.constant 0 : i32
      %dma_wait3A_955 = arith.constant 0 : i32
      %dma_wait3A_956 = tpu.memref_slice %arg3[%dma_wait3A_954, %dma_wait3A_955] : memref<100000x32xf32, #tpu.memory_space<hbm>> -> memref<100000x32xf32, #tpu.memory_space<hbm>>
      tpu.wait_indirect_dma semaphore(%arg28 : memref<!tpu.dma_semaphore, #tpu.memory_space<semaphore_mem>>) src(%dma_wait3A_956 : memref<100000x32xf32, #tpu.memory_space<hbm>>) dst(%arg12 : memref<256x32xf32, #tpu.memory_space<vmem>>)
      %ge3A_957 = arith.constant 5 : i32
      %ge3A_958 = arith.cmpi sge, %add3A_935, %ge3A_957 : i32
      %convert_element_type3A_959 = arith.extui %ge3A_958 : i1 to i32
      %cond3A_960 = arith.constant 0 : i32
      %cond3A_961 = arith.cmpi ne, %convert_element_type3A_959, %cond3A_960 : i32
      scf.if %cond3A_961 {
        %dma_wait3A_1764 = arith.constant 0 : i32
        %dma_wait3A_1765 = arith.constant 0 : i32
        %dma_wait3A_1766 = arith.constant 0 : i32
        %dma_wait3A_1767 = arith.constant 0 : i32
        %dma_wait3A_1768 = arith.constant 0 : i32
        %dma_wait3A_1769 = tpu.memref_slice %arg17[%dma_wait3A_1767, %dma_wait3A_1768] : memref<64x129xf32, #tpu.memory_space<vmem>> -> memref<8x128xf32, #tpu.memory_space<vmem>>
        %dma_wait3A_1770 = arith.constant 0 : i32
        %dma_wait3A_1771 = arith.constant 0 : i32
        %dma_wait3A_1772 = tpu.memref_slice %arg5[%dma_wait3A_1764, %dma_wait3A_1765, %dma_wait3A_1766, %dma_wait3A_1770, %dma_wait3A_1771] : memref<200x4x32x8x128xf32, #tpu.memory_space<hbm>> -> memref<1x1x1x8x128xf32, #tpu.memory_space<hbm>>
        %dma_wait3A_1773 = tpu.memref_squeeze %dma_wait3A_1772 : memref<1x1x1x8x128xf32, #tpu.memory_space<hbm>> -> memref<8x128xf32, #tpu.memory_space<hbm>>
        %dma_wait3A_1774 = arith.constant 0 : i32
        %dma_wait3A_1775 = arith.constant 0 : i32
        %dma_wait3A_1776 = tpu.memref_slice %arg5[%dma_wait3A_1764, %dma_wait3A_1765, %dma_wait3A_1766, %dma_wait3A_1774, %dma_wait3A_1775] : memref<200x4x32x8x128xf32, #tpu.memory_space<hbm>> -> memref<1x1x1x8x128xf32, #tpu.memory_space<hbm>>
        %dma_wait3A_1777 = tpu.memref_squeeze %dma_wait3A_1776 : memref<1x1x1x8x128xf32, #tpu.memory_space<hbm>> -> memref<8x128xf32, #tpu.memory_space<hbm>>
        %dma_wait3A_1778 = arith.constant 0 : i32
        %dma_wait3A_1779 = arith.constant 0 : i32
        %dma_wait3A_1780 = tpu.memref_slice %arg17[%dma_wait3A_1778, %dma_wait3A_1779] : memref<64x129xf32, #tpu.memory_space<vmem>> -> memref<8x128xf32, #tpu.memory_space<vmem>>
        tpu.wait_dma2 semaphore(%arg33 : memref<!tpu.dma_semaphore, #tpu.memory_space<semaphore_mem>>) src(%dma_wait3A_1780 : memref<8x128xf32, #tpu.memory_space<vmem>>) dst(%dma_wait3A_1777 : memref<8x128xf32, #tpu.memory_space<hbm>>)
        %dma_wait3A_1781 = arith.constant 0 : i32
        %dma_wait3A_1782 = arith.constant 0 : i32
        %dma_wait3A_1783 = arith.constant 0 : i32
        %dma_wait3A_1784 = arith.constant 0 : i32
        %dma_wait3A_1785 = arith.constant 0 : i32
        %dma_wait3A_1786 = tpu.memref_slice %arg17[%dma_wait3A_1784, %dma_wait3A_1785] : memref<64x129xf32, #tpu.memory_space<vmem>> -> memref<8x128xf32, #tpu.memory_space<vmem>>
        %dma_wait3A_1787 = arith.constant 0 : i32
        %dma_wait3A_1788 = arith.constant 0 : i32
        %dma_wait3A_1789 = tpu.memref_slice %arg5[%dma_wait3A_1781, %dma_wait3A_1782, %dma_wait3A_1783, %dma_wait3A_1787, %dma_wait3A_1788] : memref<200x4x32x8x128xf32, #tpu.memory_space<hbm>> -> memref<1x1x1x8x128xf32, #tpu.memory_space<hbm>>
        %dma_wait3A_1790 = tpu.memref_squeeze %dma_wait3A_1789 : memref<1x1x1x8x128xf32, #tpu.memory_space<hbm>> -> memref<8x128xf32, #tpu.memory_space<hbm>>
        %dma_wait3A_1791 = arith.constant 0 : i32
        %dma_wait3A_1792 = arith.constant 0 : i32
        %dma_wait3A_1793 = tpu.memref_slice %arg5[%dma_wait3A_1781, %dma_wait3A_1782, %dma_wait3A_1783, %dma_wait3A_1791, %dma_wait3A_1792] : memref<200x4x32x8x128xf32, #tpu.memory_space<hbm>> -> memref<1x1x1x8x128xf32, #tpu.memory_space<hbm>>
        %dma_wait3A_1794 = tpu.memref_squeeze %dma_wait3A_1793 : memref<1x1x1x8x128xf32, #tpu.memory_space<hbm>> -> memref<8x128xf32, #tpu.memory_space<hbm>>
        %dma_wait3A_1795 = arith.constant 0 : i32
        %dma_wait3A_1796 = arith.constant 0 : i32
        %dma_wait3A_1797 = tpu.memref_slice %arg17[%dma_wait3A_1795, %dma_wait3A_1796] : memref<64x129xf32, #tpu.memory_space<vmem>> -> memref<8x128xf32, #tpu.memory_space<vmem>>
        tpu.wait_dma2 semaphore(%arg33 : memref<!tpu.dma_semaphore, #tpu.memory_space<semaphore_mem>>) src(%dma_wait3A_1797 : memref<8x128xf32, #tpu.memory_space<vmem>>) dst(%dma_wait3A_1794 : memref<8x128xf32, #tpu.memory_space<hbm>>)
        %dma_wait3A_1798 = arith.constant 0 : i32
        %dma_wait3A_1799 = arith.constant 0 : i32
        %dma_wait3A_1800 = arith.constant 0 : i32
        %dma_wait3A_1801 = arith.constant 0 : i32
        %dma_wait3A_1802 = arith.constant 0 : i32
        %dma_wait3A_1803 = tpu.memref_slice %arg17[%dma_wait3A_1801, %dma_wait3A_1802] : memref<64x129xf32, #tpu.memory_space<vmem>> -> memref<8x128xf32, #tpu.memory_space<vmem>>
        %dma_wait3A_1804 = arith.constant 0 : i32
        %dma_wait3A_1805 = arith.constant 0 : i32
        %dma_wait3A_1806 = tpu.memref_slice %arg5[%dma_wait3A_1798, %dma_wait3A_1799, %dma_wait3A_1800, %dma_wait3A_1804, %dma_wait3A_1805] : memref<200x4x32x8x128xf32, #tpu.memory_space<hbm>> -> memref<1x1x1x8x128xf32, #tpu.memory_space<hbm>>
        %dma_wait3A_1807 = tpu.memref_squeeze %dma_wait3A_1806 : memref<1x1x1x8x128xf32, #tpu.memory_space<hbm>> -> memref<8x128xf32, #tpu.memory_space<hbm>>
        %dma_wait3A_1808 = arith.constant 0 : i32
        %dma_wait3A_1809 = arith.constant 0 : i32
        %dma_wait3A_1810 = tpu.memref_slice %arg5[%dma_wait3A_1798, %dma_wait3A_1799, %dma_wait3A_1800, %dma_wait3A_1808, %dma_wait3A_1809] : memref<200x4x32x8x128xf32, #tpu.memory_space<hbm>> -> memref<1x1x1x8x128xf32, #tpu.memory_space<hbm>>
        %dma_wait3A_1811 = tpu.memref_squeeze %dma_wait3A_1810 : memref<1x1x1x8x128xf32, #tpu.memory_space<hbm>> -> memref<8x128xf32, #tpu.memory_space<hbm>>
        %dma_wait3A_1812 = arith.constant 0 : i32
        %dma_wait3A_1813 = arith.constant 0 : i32
        %dma_wait3A_1814 = tpu.memref_slice %arg17[%dma_wait3A_1812, %dma_wait3A_1813] : memref<64x129xf32, #tpu.memory_space<vmem>> -> memref<8x128xf32, #tpu.memory_space<vmem>>
        tpu.wait_dma2 semaphore(%arg33 : memref<!tpu.dma_semaphore, #tpu.memory_space<semaphore_mem>>) src(%dma_wait3A_1814 : memref<8x128xf32, #tpu.memory_space<vmem>>) dst(%dma_wait3A_1811 : memref<8x128xf32, #tpu.memory_space<hbm>>)
        %dma_wait3A_1815 = arith.constant 0 : i32
        %dma_wait3A_1816 = arith.constant 0 : i32
        %dma_wait3A_1817 = arith.constant 0 : i32
        %dma_wait3A_1818 = arith.constant 0 : i32
        %dma_wait3A_1819 = arith.constant 0 : i32
        %dma_wait3A_1820 = tpu.memref_slice %arg17[%dma_wait3A_1818, %dma_wait3A_1819] : memref<64x129xf32, #tpu.memory_space<vmem>> -> memref<8x128xf32, #tpu.memory_space<vmem>>
        %dma_wait3A_1821 = arith.constant 0 : i32
        %dma_wait3A_1822 = arith.constant 0 : i32
        %dma_wait3A_1823 = tpu.memref_slice %arg5[%dma_wait3A_1815, %dma_wait3A_1816, %dma_wait3A_1817, %dma_wait3A_1821, %dma_wait3A_1822] : memref<200x4x32x8x128xf32, #tpu.memory_space<hbm>> -> memref<1x1x1x8x128xf32, #tpu.memory_space<hbm>>
        %dma_wait3A_1824 = tpu.memref_squeeze %dma_wait3A_1823 : memref<1x1x1x8x128xf32, #tpu.memory_space<hbm>> -> memref<8x128xf32, #tpu.memory_space<hbm>>
        %dma_wait3A_1825 = arith.constant 0 : i32
        %dma_wait3A_1826 = arith.constant 0 : i32
        %dma_wait3A_1827 = tpu.memref_slice %arg5[%dma_wait3A_1815, %dma_wait3A_1816, %dma_wait3A_1817, %dma_wait3A_1825, %dma_wait3A_1826] : memref<200x4x32x8x128xf32, #tpu.memory_space<hbm>> -> memref<1x1x1x8x128xf32, #tpu.memory_space<hbm>>
        %dma_wait3A_1828 = tpu.memref_squeeze %dma_wait3A_1827 : memref<1x1x1x8x128xf32, #tpu.memory_space<hbm>> -> memref<8x128xf32, #tpu.memory_space<hbm>>
        %dma_wait3A_1829 = arith.constant 0 : i32
        %dma_wait3A_1830 = arith.constant 0 : i32
        %dma_wait3A_1831 = tpu.memref_slice %arg17[%dma_wait3A_1829, %dma_wait3A_1830] : memref<64x129xf32, #tpu.memory_space<vmem>> -> memref<8x128xf32, #tpu.memory_space<vmem>>
        tpu.wait_dma2 semaphore(%arg33 : memref<!tpu.dma_semaphore, #tpu.memory_space<semaphore_mem>>) src(%dma_wait3A_1831 : memref<8x128xf32, #tpu.memory_space<vmem>>) dst(%dma_wait3A_1828 : memref<8x128xf32, #tpu.memory_space<hbm>>)
        %dma_wait3A_1832 = arith.constant 0 : i32
        %dma_wait3A_1833 = arith.constant 0 : i32
        %dma_wait3A_1834 = arith.constant 0 : i32
        %dma_wait3A_1835 = arith.constant 0 : i32
        %dma_wait3A_1836 = arith.constant 0 : i32
        %dma_wait3A_1837 = tpu.memref_slice %arg17[%dma_wait3A_1835, %dma_wait3A_1836] : memref<64x129xf32, #tpu.memory_space<vmem>> -> memref<8x128xf32, #tpu.memory_space<vmem>>
        %dma_wait3A_1838 = arith.constant 0 : i32
        %dma_wait3A_1839 = arith.constant 0 : i32
        %dma_wait3A_1840 = tpu.memref_slice %arg5[%dma_wait3A_1832, %dma_wait3A_1833, %dma_wait3A_1834, %dma_wait3A_1838, %dma_wait3A_1839] : memref<200x4x32x8x128xf32, #tpu.memory_space<hbm>> -> memref<1x1x1x8x128xf32, #tpu.memory_space<hbm>>
        %dma_wait3A_1841 = tpu.memref_squeeze %dma_wait3A_1840 : memref<1x1x1x8x128xf32, #tpu.memory_space<hbm>> -> memref<8x128xf32, #tpu.memory_space<hbm>>
        %dma_wait3A_1842 = arith.constant 0 : i32
        %dma_wait3A_1843 = arith.constant 0 : i32
        %dma_wait3A_1844 = tpu.memref_slice %arg5[%dma_wait3A_1832, %dma_wait3A_1833, %dma_wait3A_1834, %dma_wait3A_1842, %dma_wait3A_1843] : memref<200x4x32x8x128xf32, #tpu.memory_space<hbm>> -> memref<1x1x1x8x128xf32, #tpu.memory_space<hbm>>
        %dma_wait3A_1845 = tpu.memref_squeeze %dma_wait3A_1844 : memref<1x1x1x8x128xf32, #tpu.memory_space<hbm>> -> memref<8x128xf32, #tpu.memory_space<hbm>>
        %dma_wait3A_1846 = arith.constant 0 : i32
        %dma_wait3A_1847 = arith.constant 0 : i32
        %dma_wait3A_1848 = tpu.memref_slice %arg17[%dma_wait3A_1846, %dma_wait3A_1847] : memref<64x129xf32, #tpu.memory_space<vmem>> -> memref<8x128xf32, #tpu.memory_space<vmem>>
        tpu.wait_dma2 semaphore(%arg33 : memref<!tpu.dma_semaphore, #tpu.memory_space<semaphore_mem>>) src(%dma_wait3A_1848 : memref<8x128xf32, #tpu.memory_space<vmem>>) dst(%dma_wait3A_1845 : memref<8x128xf32, #tpu.memory_space<hbm>>)
        %dma_wait3A_1849 = arith.constant 0 : i32
        %dma_wait3A_1850 = arith.constant 0 : i32
        %dma_wait3A_1851 = arith.constant 0 : i32
        %dma_wait3A_1852 = arith.constant 0 : i32
        %dma_wait3A_1853 = arith.constant 0 : i32
        %dma_wait3A_1854 = tpu.memref_slice %arg17[%dma_wait3A_1852, %dma_wait3A_1853] : memref<64x129xf32, #tpu.memory_space<vmem>> -> memref<8x128xf32, #tpu.memory_space<vmem>>
        %dma_wait3A_1855 = arith.constant 0 : i32
        %dma_wait3A_1856 = arith.constant 0 : i32
        %dma_wait3A_1857 = tpu.memref_slice %arg5[%dma_wait3A_1849, %dma_wait3A_1850, %dma_wait3A_1851, %dma_wait3A_1855, %dma_wait3A_1856] : memref<200x4x32x8x128xf32, #tpu.memory_space<hbm>> -> memref<1x1x1x8x128xf32, #tpu.memory_space<hbm>>
        %dma_wait3A_1858 = tpu.memref_squeeze %dma_wait3A_1857 : memref<1x1x1x8x128xf32, #tpu.memory_space<hbm>> -> memref<8x128xf32, #tpu.memory_space<hbm>>
        %dma_wait3A_1859 = arith.constant 0 : i32
        %dma_wait3A_1860 = arith.constant 0 : i32
        %dma_wait3A_1861 = tpu.memref_slice %arg5[%dma_wait3A_1849, %dma_wait3A_1850, %dma_wait3A_1851, %dma_wait3A_1859, %dma_wait3A_1860] : memref<200x4x32x8x128xf32, #tpu.memory_space<hbm>> -> memref<1x1x1x8x128xf32, #tpu.memory_space<hbm>>
        %dma_wait3A_1862 = tpu.memref_squeeze %dma_wait3A_1861 : memref<1x1x1x8x128xf32, #tpu.memory_space<hbm>> -> memref<8x128xf32, #tpu.memory_space<hbm>>
        %dma_wait3A_1863 = arith.constant 0 : i32
        %dma_wait3A_1864 = arith.constant 0 : i32
        %dma_wait3A_1865 = tpu.memref_slice %arg17[%dma_wait3A_1863, %dma_wait3A_1864] : memref<64x129xf32, #tpu.memory_space<vmem>> -> memref<8x128xf32, #tpu.memory_space<vmem>>
        tpu.wait_dma2 semaphore(%arg33 : memref<!tpu.dma_semaphore, #tpu.memory_space<semaphore_mem>>) src(%dma_wait3A_1865 : memref<8x128xf32, #tpu.memory_space<vmem>>) dst(%dma_wait3A_1862 : memref<8x128xf32, #tpu.memory_space<hbm>>)
        %dma_wait3A_1866 = arith.constant 0 : i32
        %dma_wait3A_1867 = arith.constant 0 : i32
        %dma_wait3A_1868 = arith.constant 0 : i32
        %dma_wait3A_1869 = arith.constant 0 : i32
        %dma_wait3A_1870 = arith.constant 0 : i32
        %dma_wait3A_1871 = tpu.memref_slice %arg17[%dma_wait3A_1869, %dma_wait3A_1870] : memref<64x129xf32, #tpu.memory_space<vmem>> -> memref<8x128xf32, #tpu.memory_space<vmem>>
        %dma_wait3A_1872 = arith.constant 0 : i32
        %dma_wait3A_1873 = arith.constant 0 : i32
        %dma_wait3A_1874 = tpu.memref_slice %arg5[%dma_wait3A_1866, %dma_wait3A_1867, %dma_wait3A_1868, %dma_wait3A_1872, %dma_wait3A_1873] : memref<200x4x32x8x128xf32, #tpu.memory_space<hbm>> -> memref<1x1x1x8x128xf32, #tpu.memory_space<hbm>>
        %dma_wait3A_1875 = tpu.memref_squeeze %dma_wait3A_1874 : memref<1x1x1x8x128xf32, #tpu.memory_space<hbm>> -> memref<8x128xf32, #tpu.memory_space<hbm>>
        %dma_wait3A_1876 = arith.constant 0 : i32
        %dma_wait3A_1877 = arith.constant 0 : i32
        %dma_wait3A_1878 = tpu.memref_slice %arg5[%dma_wait3A_1866, %dma_wait3A_1867, %dma_wait3A_1868, %dma_wait3A_1876, %dma_wait3A_1877] : memref<200x4x32x8x128xf32, #tpu.memory_space<hbm>> -> memref<1x1x1x8x128xf32, #tpu.memory_space<hbm>>
        %dma_wait3A_1879 = tpu.memref_squeeze %dma_wait3A_1878 : memref<1x1x1x8x128xf32, #tpu.memory_space<hbm>> -> memref<8x128xf32, #tpu.memory_space<hbm>>
        %dma_wait3A_1880 = arith.constant 0 : i32
        %dma_wait3A_1881 = arith.constant 0 : i32
        %dma_wait3A_1882 = tpu.memref_slice %arg17[%dma_wait3A_1880, %dma_wait3A_1881] : memref<64x129xf32, #tpu.memory_space<vmem>> -> memref<8x128xf32, #tpu.memory_space<vmem>>
        tpu.wait_dma2 semaphore(%arg33 : memref<!tpu.dma_semaphore, #tpu.memory_space<semaphore_mem>>) src(%dma_wait3A_1882 : memref<8x128xf32, #tpu.memory_space<vmem>>) dst(%dma_wait3A_1879 : memref<8x128xf32, #tpu.memory_space<hbm>>)
        %dma_wait3A_1883 = arith.constant 0 : i32
        %dma_wait3A_1884 = arith.constant 0 : i32
        %dma_wait3A_1885 = arith.constant 0 : i32
        %dma_wait3A_1886 = arith.constant 0 : i32
        %dma_wait3A_1887 = arith.constant 0 : i32
        %dma_wait3A_1888 = tpu.memref_slice %arg17[%dma_wait3A_1886, %dma_wait3A_1887] : memref<64x129xf32, #tpu.memory_space<vmem>> -> memref<8x128xf32, #tpu.memory_space<vmem>>
        %dma_wait3A_1889 = arith.constant 0 : i32
        %dma_wait3A_1890 = arith.constant 0 : i32
        %dma_wait3A_1891 = tpu.memref_slice %arg5[%dma_wait3A_1883, %dma_wait3A_1884, %dma_wait3A_1885, %dma_wait3A_1889, %dma_wait3A_1890] : memref<200x4x32x8x128xf32, #tpu.memory_space<hbm>> -> memref<1x1x1x8x128xf32, #tpu.memory_space<hbm>>
        %dma_wait3A_1892 = tpu.memref_squeeze %dma_wait3A_1891 : memref<1x1x1x8x128xf32, #tpu.memory_space<hbm>> -> memref<8x128xf32, #tpu.memory_space<hbm>>
        %dma_wait3A_1893 = arith.constant 0 : i32
        %dma_wait3A_1894 = arith.constant 0 : i32
        %dma_wait3A_1895 = tpu.memref_slice %arg5[%dma_wait3A_1883, %dma_wait3A_1884, %dma_wait3A_1885, %dma_wait3A_1893, %dma_wait3A_1894] : memref<200x4x32x8x128xf32, #tpu.memory_space<hbm>> -> memref<1x1x1x8x128xf32, #tpu.memory_space<hbm>>
        %dma_wait3A_1896 = tpu.memref_squeeze %dma_wait3A_1895 : memref<1x1x1x8x128xf32, #tpu.memory_space<hbm>> -> memref<8x128xf32, #tpu.memory_space<hbm>>
        %dma_wait3A_1897 = arith.constant 0 : i32
        %dma_wait3A_1898 = arith.constant 0 : i32
        %dma_wait3A_1899 = tpu.memref_slice %arg17[%dma_wait3A_1897, %dma_wait3A_1898] : memref<64x129xf32, #tpu.memory_space<vmem>> -> memref<8x128xf32, #tpu.memory_space<vmem>>
        tpu.wait_dma2 semaphore(%arg33 : memref<!tpu.dma_semaphore, #tpu.memory_space<semaphore_mem>>) src(%dma_wait3A_1899 : memref<8x128xf32, #tpu.memory_space<vmem>>) dst(%dma_wait3A_1896 : memref<8x128xf32, #tpu.memory_space<hbm>>)
      } else {
      }
      %mul3A_962 = arith.constant 2 : i32
      %mul3A_963 = arith.muli %add3A_935, %mul3A_962 : i32
      %add3A_964 = arith.constant 0 : i32
      %add3A_965 = arith.addi %mul3A_963, %add3A_964 : i32
      %get3A_966 = arith.index_cast %add3A_965 : i32 to index
      %get3A_967 = arith.constant 0 : index
      %get3A_968 = tpu.vector_load %arg21[%get3A_966, %get3A_967] {strides = array<i32>} : memref<200x32xf32, #tpu.memory_space<vmem>>, vector<16xf32>,
      %add3A_969 = arith.constant 0 : i32
      %add3A_970 = arith.addi %mul3A_963, %add3A_969 : i32
      %get3A_971 = arith.index_cast %add3A_970 : i32 to index
      %get3A_972 = arith.constant 16 : index
      %get3A_973 = tpu.vector_load %arg21[%get3A_971, %get3A_972] {strides = array<i32>} : memref<200x32xf32, #tpu.memory_space<vmem>>, vector<16xf32>,
      %add3A_974 = arith.constant 0 : i32
      %add3A_975 = vector.broadcast %add3A_974 : i32 to vector<16xi32>
      %add3A_976 = arith.addi %add3A_10, %add3A_975 : vector<16xi32>
      %add3A_977 = arith.constant 16 : i32
      %add3A_978 = vector.broadcast %add3A_977 : i32 to vector<16xi32>
      %add3A_979 = arith.addi %add3A_976, %add3A_978 : vector<16xi32>
      %parallel_loop3A_980 = arith.constant 0 : i32
      %parallel_loop3A_981 = arith.constant 128 : i32
      %parallel_loop3A_982 = arith.constant 1 : i32
      scf.for %parallel_loop3A_1764 = %parallel_loop3A_980 to %parallel_loop3A_981 step %parallel_loop3A_982  : i32 {
        %parallel_loop3A_1765 = arith.constant 0 : i32
        %parallel_loop3A_1766 = arith.addi %parallel_loop3A_1765, %parallel_loop3A_1764 : i32
        %parallel_loop3A_1767 = vector.broadcast %parallel_loop3A_1764 : i32 to vector<16xi32>
        %parallel_loop3A_1768 = arith.index_cast %parallel_loop3A_1766 : i32 to index
        %parallel_loop3A_1769 = arith.constant 0 : index
        %parallel_loop3A_1770 = tpu.vector_load %arg12[%parallel_loop3A_1768, %parallel_loop3A_1769] {strides = array<i32>} : memref<256x32xf32, #tpu.memory_space<vmem>>, vector<16xf32>,
        %parallel_loop3A_1771 = arith.addf %parallel_loop3A_1770, %get3A_968 : vector<16xf32>
        %parallel_loop3A_1772 = arith.index_cast %parallel_loop3A_1766 : i32 to index
        %parallel_loop3A_1773 = arith.constant 16 : index
        %parallel_loop3A_1774 = tpu.vector_load %arg12[%parallel_loop3A_1772, %parallel_loop3A_1773] {strides = array<i32>} : memref<256x32xf32, #tpu.memory_space<vmem>>, vector<16xf32>,
        %parallel_loop3A_1775 = arith.addf %parallel_loop3A_1774, %get3A_973 : vector<16xf32>
        tpu.vector_store_idx %arg17[%add3A_976, %parallel_loop3A_1767], %parallel_loop3A_1771 : memref<64x129xf32, #tpu.memory_space<vmem>>[vector<16xi32>, vector<16xi32>], vector<16xf32>,
        tpu.vector_store_idx %arg17[%add3A_979, %parallel_loop3A_1767], %parallel_loop3A_1775 : memref<64x129xf32, #tpu.memory_space<vmem>>[vector<16xi32>, vector<16xi32>], vector<16xf32>,
      } {sc.loop_unroll_factor = 4 : i64, sc.parallel_access}
      %add3A_983 = arith.constant 1 : i32
      %add3A_984 = arith.addi %mul3A_963, %add3A_983 : i32
      %get3A_985 = arith.index_cast %add3A_984 : i32 to index
      %get3A_986 = arith.constant 0 : index
      %get3A_987 = tpu.vector_load %arg21[%get3A_985, %get3A_986] {strides = array<i32>} : memref<200x32xf32, #tpu.memory_space<vmem>>, vector<16xf32>,
      %add3A_988 = arith.constant 1 : i32
      %add3A_989 = arith.addi %mul3A_963, %add3A_988 : i32
      %get3A_990 = arith.index_cast %add3A_989 : i32 to index
      %get3A_991 = arith.constant 16 : index
      %get3A_992 = tpu.vector_load %arg21[%get3A_990, %get3A_991] {strides = array<i32>} : memref<200x32xf32, #tpu.memory_space<vmem>>, vector<16xf32>,
      %add3A_993 = arith.constant 32 : i32
      %add3A_994 = vector.broadcast %add3A_993 : i32 to vector<16xi32>
      %add3A_995 = arith.addi %add3A_10, %add3A_994 : vector<16xi32>
      %add3A_996 = arith.constant 16 : i32
      %add3A_997 = vector.broadcast %add3A_996 : i32 to vector<16xi32>
      %add3A_998 = arith.addi %add3A_995, %add3A_997 : vector<16xi32>
      %parallel_loop3A_999 = arith.constant 0 : i32
      %parallel_loop3A_1000 = arith.constant 128 : i32
      %parallel_loop3A_1001 = arith.constant 1 : i32
      scf.for %parallel_loop3A_1764 = %parallel_loop3A_999 to %parallel_loop3A_1000 step %parallel_loop3A_1001  : i32 {
        %parallel_loop3A_1765 = arith.constant 128 : i32
        %parallel_loop3A_1766 = arith.addi %parallel_loop3A_1765, %parallel_loop3A_1764 : i32
        %parallel_loop3A_1767 = vector.broadcast %parallel_loop3A_1764 : i32 to vector<16xi32>
        %parallel_loop3A_1768 = arith.index_cast %parallel_loop3A_1766 : i32 to index
        %parallel_loop3A_1769 = arith.constant 0 : index
        %parallel_loop3A_1770 = tpu.vector_load %arg12[%parallel_loop3A_1768, %parallel_loop3A_1769] {strides = array<i32>} : memref<256x32xf32, #tpu.memory_space<vmem>>, vector<16xf32>,
        %parallel_loop3A_1771 = arith.addf %parallel_loop3A_1770, %get3A_987 : vector<16xf32>
        %parallel_loop3A_1772 = arith.index_cast %parallel_loop3A_1766 : i32 to index
        %parallel_loop3A_1773 = arith.constant 16 : index
        %parallel_loop3A_1774 = tpu.vector_load %arg12[%parallel_loop3A_1772, %parallel_loop3A_1773] {strides = array<i32>} : memref<256x32xf32, #tpu.memory_space<vmem>>, vector<16xf32>,
        %parallel_loop3A_1775 = arith.addf %parallel_loop3A_1774, %get3A_992 : vector<16xf32>
        tpu.vector_store_idx %arg17[%add3A_995, %parallel_loop3A_1767], %parallel_loop3A_1771 : memref<64x129xf32, #tpu.memory_space<vmem>>[vector<16xi32>, vector<16xi32>], vector<16xf32>,
        tpu.vector_store_idx %arg17[%add3A_998, %parallel_loop3A_1767], %parallel_loop3A_1775 : memref<64x129xf32, #tpu.memory_space<vmem>>[vector<16xi32>, vector<16xi32>], vector<16xf32>,
      } {sc.loop_unroll_factor = 4 : i64, sc.parallel_access}
      %mul3A_1002 = arith.constant 2 : i32
      %mul3A_1003 = arith.muli %add3A_935, %mul3A_1002 : i32
      %add3A_1004 = arith.constant 0 : i32
      %add3A_1005 = arith.addi %mul3A_1003, %add3A_1004 : i32
      %dma_start3A_1006 = arith.constant 0 : i32
      %dma_start3A_1007 = arith.constant 0 : i32
      %dma_start3A_1008 = arith.constant 0 : i32
      %dma_start3A_1009 = tpu.memref_slice %arg17[%dma_start3A_1007, %dma_start3A_1008] : memref<64x129xf32, #tpu.memory_space<vmem>> -> memref<8x128xf32, #tpu.memory_space<vmem>>
      %dma_start3A_1010 = arith.constant 0 : i32
      %dma_start3A_1011 = arith.constant 0 : i32
      %dma_start3A_1012 = tpu.memref_slice %arg5[%add3A_1005, %dma_start3A_1006, %add3A, %dma_start3A_1010, %dma_start3A_1011] : memref<200x4x32x8x128xf32, #tpu.memory_space<hbm>> -> memref<1x1x1x8x128xf32, #tpu.memory_space<hbm>>
      %dma_start3A_1013 = tpu.memref_squeeze %dma_start3A_1012 : memref<1x1x1x8x128xf32, #tpu.memory_space<hbm>> -> memref<8x128xf32, #tpu.memory_space<hbm>>
      %dma_start3A_1014 = arith.constant 0 : i32
      %dma_start3A_1015 = arith.constant 0 : i32
      %dma_start3A_1016 = tpu.memref_slice %arg5[%add3A_1005, %dma_start3A_1006, %add3A, %dma_start3A_1014, %dma_start3A_1015] : memref<200x4x32x8x128xf32, #tpu.memory_space<hbm>> -> memref<1x1x1x8x128xf32, #tpu.memory_space<hbm>>
      %dma_start3A_1017 = tpu.memref_squeeze %dma_start3A_1016 : memref<1x1x1x8x128xf32, #tpu.memory_space<hbm>> -> memref<8x128xf32, #tpu.memory_space<hbm>>
      %dma_start3A_1018 = arith.constant 0 : i32
      %dma_start3A_1019 = arith.constant 0 : i32
      %dma_start3A_1020 = tpu.memref_slice %arg17[%dma_start3A_1018, %dma_start3A_1019] : memref<64x129xf32, #tpu.memory_space<vmem>> -> memref<8x128xf32, #tpu.memory_space<vmem>>
      tpu.enqueue_dma source(%dma_start3A_1020 : memref<8x128xf32, #tpu.memory_space<vmem>>) target(%dma_start3A_1017 : memref<8x128xf32, #tpu.memory_space<hbm>>) target_semaphore(%arg33 : memref<!tpu.dma_semaphore, #tpu.memory_space<semaphore_mem>>)
      %add3A_1021 = arith.constant 0 : i32
      %add3A_1022 = arith.addi %mul3A_1003, %add3A_1021 : i32
      %dma_start3A_1023 = arith.constant 1 : i32
      %dma_start3A_1024 = arith.constant 8 : i32
      %dma_start3A_1025 = arith.constant 0 : i32
      %dma_start3A_1026 = tpu.memref_slice %arg17[%dma_start3A_1024, %dma_start3A_1025] : memref<64x129xf32, #tpu.memory_space<vmem>> -> memref<8x128xf32, #tpu.memory_space<vmem>>
      %dma_start3A_1027 = arith.constant 0 : i32
      %dma_start3A_1028 = arith.constant 0 : i32
      %dma_start3A_1029 = tpu.memref_slice %arg5[%add3A_1022, %dma_start3A_1023, %add3A, %dma_start3A_1027, %dma_start3A_1028] : memref<200x4x32x8x128xf32, #tpu.memory_space<hbm>> -> memref<1x1x1x8x128xf32, #tpu.memory_space<hbm>>
      %dma_start3A_1030 = tpu.memref_squeeze %dma_start3A_1029 : memref<1x1x1x8x128xf32, #tpu.memory_space<hbm>> -> memref<8x128xf32, #tpu.memory_space<hbm>>
      %dma_start3A_1031 = arith.constant 0 : i32
      %dma_start3A_1032 = arith.constant 0 : i32
      %dma_start3A_1033 = tpu.memref_slice %arg5[%add3A_1022, %dma_start3A_1023, %add3A, %dma_start3A_1031, %dma_start3A_1032] : memref<200x4x32x8x128xf32, #tpu.memory_space<hbm>> -> memref<1x1x1x8x128xf32, #tpu.memory_space<hbm>>
      %dma_start3A_1034 = tpu.memref_squeeze %dma_start3A_1033 : memref<1x1x1x8x128xf32, #tpu.memory_space<hbm>> -> memref<8x128xf32, #tpu.memory_space<hbm>>
      %dma_start3A_1035 = arith.constant 8 : i32
      %dma_start3A_1036 = arith.constant 0 : i32
      %dma_start3A_1037 = tpu.memref_slice %arg17[%dma_start3A_1035, %dma_start3A_1036] : memref<64x129xf32, #tpu.memory_space<vmem>> -> memref<8x128xf32, #tpu.memory_space<vmem>>
      tpu.enqueue_dma source(%dma_start3A_1037 : memref<8x128xf32, #tpu.memory_space<vmem>>) target(%dma_start3A_1034 : memref<8x128xf32, #tpu.memory_space<hbm>>) target_semaphore(%arg33 : memref<!tpu.dma_semaphore, #tpu.memory_space<semaphore_mem>>)
      %add3A_1038 = arith.constant 0 : i32
      %add3A_1039 = arith.addi %mul3A_1003, %add3A_1038 : i32
      %dma_start3A_1040 = arith.constant 2 : i32
      %dma_start3A_1041 = arith.constant 16 : i32
      %dma_start3A_1042 = arith.constant 0 : i32
      %dma_start3A_1043 = tpu.memref_slice %arg17[%dma_start3A_1041, %dma_start3A_1042] : memref<64x129xf32, #tpu.memory_space<vmem>> -> memref<8x128xf32, #tpu.memory_space<vmem>>
      %dma_start3A_1044 = arith.constant 0 : i32
      %dma_start3A_1045 = arith.constant 0 : i32
      %dma_start3A_1046 = tpu.memref_slice %arg5[%add3A_1039, %dma_start3A_1040, %add3A, %dma_start3A_1044, %dma_start3A_1045] : memref<200x4x32x8x128xf32, #tpu.memory_space<hbm>> -> memref<1x1x1x8x128xf32, #tpu.memory_space<hbm>>
      %dma_start3A_1047 = tpu.memref_squeeze %dma_start3A_1046 : memref<1x1x1x8x128xf32, #tpu.memory_space<hbm>> -> memref<8x128xf32, #tpu.memory_space<hbm>>
      %dma_start3A_1048 = arith.constant 0 : i32
      %dma_start3A_1049 = arith.constant 0 : i32
      %dma_start3A_1050 = tpu.memref_slice %arg5[%add3A_1039, %dma_start3A_1040, %add3A, %dma_start3A_1048, %dma_start3A_1049] : memref<200x4x32x8x128xf32, #tpu.memory_space<hbm>> -> memref<1x1x1x8x128xf32, #tpu.memory_space<hbm>>
      %dma_start3A_1051 = tpu.memref_squeeze %dma_start3A_1050 : memref<1x1x1x8x128xf32, #tpu.memory_space<hbm>> -> memref<8x128xf32, #tpu.memory_space<hbm>>
      %dma_start3A_1052 = arith.constant 16 : i32
      %dma_start3A_1053 = arith.constant 0 : i32
      %dma_start3A_1054 = tpu.memref_slice %arg17[%dma_start3A_1052, %dma_start3A_1053] : memref<64x129xf32, #tpu.memory_space<vmem>> -> memref<8x128xf32, #tpu.memory_space<vmem>>
      tpu.enqueue_dma source(%dma_start3A_1054 : memref<8x128xf32, #tpu.memory_space<vmem>>) target(%dma_start3A_1051 : memref<8x128xf32, #tpu.memory_space<hbm>>) target_semaphore(%arg33 : memref<!tpu.dma_semaphore, #tpu.memory_space<semaphore_mem>>)
      %add3A_1055 = arith.constant 0 : i32
      %add3A_1056 = arith.addi %mul3A_1003, %add3A_1055 : i32
      %dma_start3A_1057 = arith.constant 3 : i32
      %dma_start3A_1058 = arith.constant 24 : i32
      %dma_start3A_1059 = arith.constant 0 : i32
      %dma_start3A_1060 = tpu.memref_slice %arg17[%dma_start3A_1058, %dma_start3A_1059] : memref<64x129xf32, #tpu.memory_space<vmem>> -> memref<8x128xf32, #tpu.memory_space<vmem>>
      %dma_start3A_1061 = arith.constant 0 : i32
      %dma_start3A_1062 = arith.constant 0 : i32
      %dma_start3A_1063 = tpu.memref_slice %arg5[%add3A_1056, %dma_start3A_1057, %add3A, %dma_start3A_1061, %dma_start3A_1062] : memref<200x4x32x8x128xf32, #tpu.memory_space<hbm>> -> memref<1x1x1x8x128xf32, #tpu.memory_space<hbm>>
      %dma_start3A_1064 = tpu.memref_squeeze %dma_start3A_1063 : memref<1x1x1x8x128xf32, #tpu.memory_space<hbm>> -> memref<8x128xf32, #tpu.memory_space<hbm>>
      %dma_start3A_1065 = arith.constant 0 : i32
      %dma_start3A_1066 = arith.constant 0 : i32
      %dma_start3A_1067 = tpu.memref_slice %arg5[%add3A_1056, %dma_start3A_1057, %add3A, %dma_start3A_1065, %dma_start3A_1066] : memref<200x4x32x8x128xf32, #tpu.memory_space<hbm>> -> memref<1x1x1x8x128xf32, #tpu.memory_space<hbm>>
      %dma_start3A_1068 = tpu.memref_squeeze %dma_start3A_1067 : memref<1x1x1x8x128xf32, #tpu.memory_space<hbm>> -> memref<8x128xf32, #tpu.memory_space<hbm>>
      %dma_start3A_1069 = arith.constant 24 : i32
      %dma_start3A_1070 = arith.constant 0 : i32
      %dma_start3A_1071 = tpu.memref_slice %arg17[%dma_start3A_1069, %dma_start3A_1070] : memref<64x129xf32, #tpu.memory_space<vmem>> -> memref<8x128xf32, #tpu.memory_space<vmem>>
      tpu.enqueue_dma source(%dma_start3A_1071 : memref<8x128xf32, #tpu.memory_space<vmem>>) target(%dma_start3A_1068 : memref<8x128xf32, #tpu.memory_space<hbm>>) target_semaphore(%arg33 : memref<!tpu.dma_semaphore, #tpu.memory_space<semaphore_mem>>)
      %add3A_1072 = arith.constant 1 : i32
      %add3A_1073 = arith.addi %mul3A_1003, %add3A_1072 : i32
      %dma_start3A_1074 = arith.constant 0 : i32
      %dma_start3A_1075 = arith.constant 32 : i32
      %dma_start3A_1076 = arith.constant 0 : i32
      %dma_start3A_1077 = tpu.memref_slice %arg17[%dma_start3A_1075, %dma_start3A_1076] : memref<64x129xf32, #tpu.memory_space<vmem>> -> memref<8x128xf32, #tpu.memory_space<vmem>>
      %dma_start3A_1078 = arith.constant 0 : i32
      %dma_start3A_1079 = arith.constant 0 : i32
      %dma_start3A_1080 = tpu.memref_slice %arg5[%add3A_1073, %dma_start3A_1074, %add3A, %dma_start3A_1078, %dma_start3A_1079] : memref<200x4x32x8x128xf32, #tpu.memory_space<hbm>> -> memref<1x1x1x8x128xf32, #tpu.memory_space<hbm>>
      %dma_start3A_1081 = tpu.memref_squeeze %dma_start3A_1080 : memref<1x1x1x8x128xf32, #tpu.memory_space<hbm>> -> memref<8x128xf32, #tpu.memory_space<hbm>>
      %dma_start3A_1082 = arith.constant 0 : i32
      %dma_start3A_1083 = arith.constant 0 : i32
      %dma_start3A_1084 = tpu.memref_slice %arg5[%add3A_1073, %dma_start3A_1074, %add3A, %dma_start3A_1082, %dma_start3A_1083] : memref<200x4x32x8x128xf32, #tpu.memory_space<hbm>> -> memref<1x1x1x8x128xf32, #tpu.memory_space<hbm>>
      %dma_start3A_1085 = tpu.memref_squeeze %dma_start3A_1084 : memref<1x1x1x8x128xf32, #tpu.memory_space<hbm>> -> memref<8x128xf32, #tpu.memory_space<hbm>>
      %dma_start3A_1086 = arith.constant 32 : i32
      %dma_start3A_1087 = arith.constant 0 : i32
      %dma_start3A_1088 = tpu.memref_slice %arg17[%dma_start3A_1086, %dma_start3A_1087] : memref<64x129xf32, #tpu.memory_space<vmem>> -> memref<8x128xf32, #tpu.memory_space<vmem>>
      tpu.enqueue_dma source(%dma_start3A_1088 : memref<8x128xf32, #tpu.memory_space<vmem>>) target(%dma_start3A_1085 : memref<8x128xf32, #tpu.memory_space<hbm>>) target_semaphore(%arg33 : memref<!tpu.dma_semaphore, #tpu.memory_space<semaphore_mem>>)
      %add3A_1089 = arith.constant 1 : i32
      %add3A_1090 = arith.addi %mul3A_1003, %add3A_1089 : i32
      %dma_start3A_1091 = arith.constant 1 : i32
      %dma_start3A_1092 = arith.constant 40 : i32
      %dma_start3A_1093 = arith.constant 0 : i32
      %dma_start3A_1094 = tpu.memref_slice %arg17[%dma_start3A_1092, %dma_start3A_1093] : memref<64x129xf32, #tpu.memory_space<vmem>> -> memref<8x128xf32, #tpu.memory_space<vmem>>
      %dma_start3A_1095 = arith.constant 0 : i32
      %dma_start3A_1096 = arith.constant 0 : i32
      %dma_start3A_1097 = tpu.memref_slice %arg5[%add3A_1090, %dma_start3A_1091, %add3A, %dma_start3A_1095, %dma_start3A_1096] : memref<200x4x32x8x128xf32, #tpu.memory_space<hbm>> -> memref<1x1x1x8x128xf32, #tpu.memory_space<hbm>>
      %dma_start3A_1098 = tpu.memref_squeeze %dma_start3A_1097 : memref<1x1x1x8x128xf32, #tpu.memory_space<hbm>> -> memref<8x128xf32, #tpu.memory_space<hbm>>
      %dma_start3A_1099 = arith.constant 0 : i32
      %dma_start3A_1100 = arith.constant 0 : i32
      %dma_start3A_1101 = tpu.memref_slice %arg5[%add3A_1090, %dma_start3A_1091, %add3A, %dma_start3A_1099, %dma_start3A_1100] : memref<200x4x32x8x128xf32, #tpu.memory_space<hbm>> -> memref<1x1x1x8x128xf32, #tpu.memory_space<hbm>>
      %dma_start3A_1102 = tpu.memref_squeeze %dma_start3A_1101 : memref<1x1x1x8x128xf32, #tpu.memory_space<hbm>> -> memref<8x128xf32, #tpu.memory_space<hbm>>
      %dma_start3A_1103 = arith.constant 40 : i32
      %dma_start3A_1104 = arith.constant 0 : i32
      %dma_start3A_1105 = tpu.memref_slice %arg17[%dma_start3A_1103, %dma_start3A_1104] : memref<64x129xf32, #tpu.memory_space<vmem>> -> memref<8x128xf32, #tpu.memory_space<vmem>>
      tpu.enqueue_dma source(%dma_start3A_1105 : memref<8x128xf32, #tpu.memory_space<vmem>>) target(%dma_start3A_1102 : memref<8x128xf32, #tpu.memory_space<hbm>>) target_semaphore(%arg33 : memref<!tpu.dma_semaphore, #tpu.memory_space<semaphore_mem>>)
      %add3A_1106 = arith.constant 1 : i32
      %add3A_1107 = arith.addi %mul3A_1003, %add3A_1106 : i32
      %dma_start3A_1108 = arith.constant 2 : i32
      %dma_start3A_1109 = arith.constant 48 : i32
      %dma_start3A_1110 = arith.constant 0 : i32
      %dma_start3A_1111 = tpu.memref_slice %arg17[%dma_start3A_1109, %dma_start3A_1110] : memref<64x129xf32, #tpu.memory_space<vmem>> -> memref<8x128xf32, #tpu.memory_space<vmem>>
      %dma_start3A_1112 = arith.constant 0 : i32
      %dma_start3A_1113 = arith.constant 0 : i32
      %dma_start3A_1114 = tpu.memref_slice %arg5[%add3A_1107, %dma_start3A_1108, %add3A, %dma_start3A_1112, %dma_start3A_1113] : memref<200x4x32x8x128xf32, #tpu.memory_space<hbm>> -> memref<1x1x1x8x128xf32, #tpu.memory_space<hbm>>
      %dma_start3A_1115 = tpu.memref_squeeze %dma_start3A_1114 : memref<1x1x1x8x128xf32, #tpu.memory_space<hbm>> -> memref<8x128xf32, #tpu.memory_space<hbm>>
      %dma_start3A_1116 = arith.constant 0 : i32
      %dma_start3A_1117 = arith.constant 0 : i32
      %dma_start3A_1118 = tpu.memref_slice %arg5[%add3A_1107, %dma_start3A_1108, %add3A, %dma_start3A_1116, %dma_start3A_1117] : memref<200x4x32x8x128xf32, #tpu.memory_space<hbm>> -> memref<1x1x1x8x128xf32, #tpu.memory_space<hbm>>
      %dma_start3A_1119 = tpu.memref_squeeze %dma_start3A_1118 : memref<1x1x1x8x128xf32, #tpu.memory_space<hbm>> -> memref<8x128xf32, #tpu.memory_space<hbm>>
      %dma_start3A_1120 = arith.constant 48 : i32
      %dma_start3A_1121 = arith.constant 0 : i32
      %dma_start3A_1122 = tpu.memref_slice %arg17[%dma_start3A_1120, %dma_start3A_1121] : memref<64x129xf32, #tpu.memory_space<vmem>> -> memref<8x128xf32, #tpu.memory_space<vmem>>
      tpu.enqueue_dma source(%dma_start3A_1122 : memref<8x128xf32, #tpu.memory_space<vmem>>) target(%dma_start3A_1119 : memref<8x128xf32, #tpu.memory_space<hbm>>) target_semaphore(%arg33 : memref<!tpu.dma_semaphore, #tpu.memory_space<semaphore_mem>>)
      %add3A_1123 = arith.constant 1 : i32
      %add3A_1124 = arith.addi %mul3A_1003, %add3A_1123 : i32
      %dma_start3A_1125 = arith.constant 3 : i32
      %dma_start3A_1126 = arith.constant 56 : i32
      %dma_start3A_1127 = arith.constant 0 : i32
      %dma_start3A_1128 = tpu.memref_slice %arg17[%dma_start3A_1126, %dma_start3A_1127] : memref<64x129xf32, #tpu.memory_space<vmem>> -> memref<8x128xf32, #tpu.memory_space<vmem>>
      %dma_start3A_1129 = arith.constant 0 : i32
      %dma_start3A_1130 = arith.constant 0 : i32
      %dma_start3A_1131 = tpu.memref_slice %arg5[%add3A_1124, %dma_start3A_1125, %add3A, %dma_start3A_1129, %dma_start3A_1130] : memref<200x4x32x8x128xf32, #tpu.memory_space<hbm>> -> memref<1x1x1x8x128xf32, #tpu.memory_space<hbm>>
      %dma_start3A_1132 = tpu.memref_squeeze %dma_start3A_1131 : memref<1x1x1x8x128xf32, #tpu.memory_space<hbm>> -> memref<8x128xf32, #tpu.memory_space<hbm>>
      %dma_start3A_1133 = arith.constant 0 : i32
      %dma_start3A_1134 = arith.constant 0 : i32
      %dma_start3A_1135 = tpu.memref_slice %arg5[%add3A_1124, %dma_start3A_1125, %add3A, %dma_start3A_1133, %dma_start3A_1134] : memref<200x4x32x8x128xf32, #tpu.memory_space<hbm>> -> memref<1x1x1x8x128xf32, #tpu.memory_space<hbm>>
      %dma_start3A_1136 = tpu.memref_squeeze %dma_start3A_1135 : memref<1x1x1x8x128xf32, #tpu.memory_space<hbm>> -> memref<8x128xf32, #tpu.memory_space<hbm>>
      %dma_start3A_1137 = arith.constant 56 : i32
      %dma_start3A_1138 = arith.constant 0 : i32
      %dma_start3A_1139 = tpu.memref_slice %arg17[%dma_start3A_1137, %dma_start3A_1138] : memref<64x129xf32, #tpu.memory_space<vmem>> -> memref<8x128xf32, #tpu.memory_space<vmem>>
      tpu.enqueue_dma source(%dma_start3A_1139 : memref<8x128xf32, #tpu.memory_space<vmem>>) target(%dma_start3A_1136 : memref<8x128xf32, #tpu.memory_space<hbm>>) target_semaphore(%arg33 : memref<!tpu.dma_semaphore, #tpu.memory_space<semaphore_mem>>)
      %mul3A_1140 = arith.constant 5 : i32
      %mul3A_1141 = arith.muli %scan3A_730, %mul3A_1140 : i32
      %add3A_1142 = arith.constant 2 : i32
      %add3A_1143 = arith.addi %mul3A_1141, %add3A_1142 : i32
      %add3A_1144 = arith.constant 5 : i32
      %add3A_1145 = arith.addi %add3A_1143, %add3A_1144 : i32
      %sub3A_1146 = arith.constant 1 : i32
      %sub3A_1147 = arith.subi %add3A_1145, %sub3A_1146 : i32
      %add3A_1148 = arith.constant 5 : i32
      %add3A_1149 = arith.addi %add3A_1143, %add3A_1148 : i32
      %sub3A_1150 = arith.constant 2 : i32
      %sub3A_1151 = arith.subi %add3A_1149, %sub3A_1150 : i32
      %lt3A_1152 = arith.constant 100 : i32
      %lt3A_1153 = arith.cmpi slt, %sub3A_1147, %lt3A_1152 : i32
      %convert_element_type3A_1154 = arith.extui %lt3A_1153 : i1 to i32
      %cond3A_1155 = arith.constant 0 : i32
      %cond3A_1156 = arith.cmpi ne, %convert_element_type3A_1154, %cond3A_1155 : i32
      scf.if %cond3A_1156 {
        %mul3A_1764 = arith.constant 256 : i32
        %mul3A_1765 = arith.muli %sub3A_1147, %mul3A_1764 : i32
        %add3A_1766 = arith.addi %mul3A_2, %mul3A_1765 : i32
        %dma_start3A_1767 = tpu.memref_slice %arg2[%add3A_1766] : memref<819200xi32, #tpu.memory_space<hbm>> -> memref<256xi32, #tpu.memory_space<hbm>>
        %dma_start3A_1768 = tpu.memref_slice %arg2[%add3A_1766] : memref<819200xi32, #tpu.memory_space<hbm>> -> memref<256xi32, #tpu.memory_space<hbm>>
        tpu.enqueue_dma source(%dma_start3A_1768 : memref<256xi32, #tpu.memory_space<hbm>>) target(%arg7 : memref<256xi32, #tpu.memory_space<vmem>>) target_semaphore(%arg23 : memref<!tpu.dma_semaphore, #tpu.memory_space<semaphore_mem>>)
      } else {
      }
      %lt3A_1157 = arith.constant 100 : i32
      %lt3A_1158 = arith.cmpi slt, %sub3A_1151, %lt3A_1157 : i32
      %convert_element_type3A_1159 = arith.extui %lt3A_1158 : i1 to i32
      %cond3A_1160 = arith.constant 0 : i32
      %cond3A_1161 = arith.cmpi ne, %convert_element_type3A_1159, %cond3A_1160 : i32
      scf.if %cond3A_1161 {
        %dma_wait3A_1764 = arith.constant 0 : i32
        %dma_wait3A_1765 = tpu.memref_slice %arg2[%dma_wait3A_1764] : memref<819200xi32, #tpu.memory_space<hbm>> -> memref<256xi32, #tpu.memory_space<hbm>>
        %dma_wait3A_1766 = arith.constant 0 : i32
        %dma_wait3A_1767 = tpu.memref_slice %arg2[%dma_wait3A_1766] : memref<819200xi32, #tpu.memory_space<hbm>> -> memref<256xi32, #tpu.memory_space<hbm>>
        tpu.wait_dma2 semaphore(%arg22 : memref<!tpu.dma_semaphore, #tpu.memory_space<semaphore_mem>>) src(%dma_wait3A_1767 : memref<256xi32, #tpu.memory_space<hbm>>) dst(%arg6 : memref<256xi32, #tpu.memory_space<vmem>>)
        %dma_start3A_1768 = arith.constant 0 : i32
        %dma_start3A_1769 = arith.constant 0 : i32
        %dma_start3A_1770 = tpu.memref_slice %arg3[%dma_start3A_1768, %dma_start3A_1769] : memref<100000x32xf32, #tpu.memory_space<hbm>> -> memref<100000x32xf32, #tpu.memory_space<hbm>>
        tpu.enqueue_indirect_dma source(%dma_start3A_1770 : memref<100000x32xf32, #tpu.memory_space<hbm>>) target(%arg11 : memref<256x32xf32, #tpu.memory_space<vmem>>) offsets(%arg6 : memref<256xi32, #tpu.memory_space<vmem>>) semaphore(%arg27 : memref<!tpu.dma_semaphore, #tpu.memory_space<semaphore_mem>>)
      } else {
      }
      %dma_wait3A_1162 = arith.constant 0 : i32
      %dma_wait3A_1163 = arith.constant 0 : i32
      %dma_wait3A_1164 = tpu.memref_slice %arg3[%dma_wait3A_1162, %dma_wait3A_1163] : memref<100000x32xf32, #tpu.memory_space<hbm>> -> memref<100000x32xf32, #tpu.memory_space<hbm>>
      tpu.wait_indirect_dma semaphore(%arg29 : memref<!tpu.dma_semaphore, #tpu.memory_space<semaphore_mem>>) src(%dma_wait3A_1164 : memref<100000x32xf32, #tpu.memory_space<hbm>>) dst(%arg13 : memref<256x32xf32, #tpu.memory_space<vmem>>)
      %ge3A_1165 = arith.constant 5 : i32
      %ge3A_1166 = arith.cmpi sge, %add3A_1143, %ge3A_1165 : i32
      %convert_element_type3A_1167 = arith.extui %ge3A_1166 : i1 to i32
      %cond3A_1168 = arith.constant 0 : i32
      %cond3A_1169 = arith.cmpi ne, %convert_element_type3A_1167, %cond3A_1168 : i32
      scf.if %cond3A_1169 {
        %dma_wait3A_1764 = arith.constant 0 : i32
        %dma_wait3A_1765 = arith.constant 0 : i32
        %dma_wait3A_1766 = arith.constant 0 : i32
        %dma_wait3A_1767 = arith.constant 0 : i32
        %dma_wait3A_1768 = arith.constant 0 : i32
        %dma_wait3A_1769 = tpu.memref_slice %arg18[%dma_wait3A_1767, %dma_wait3A_1768] : memref<64x129xf32, #tpu.memory_space<vmem>> -> memref<8x128xf32, #tpu.memory_space<vmem>>
        %dma_wait3A_1770 = arith.constant 0 : i32
        %dma_wait3A_1771 = arith.constant 0 : i32
        %dma_wait3A_1772 = tpu.memref_slice %arg5[%dma_wait3A_1764, %dma_wait3A_1765, %dma_wait3A_1766, %dma_wait3A_1770, %dma_wait3A_1771] : memref<200x4x32x8x128xf32, #tpu.memory_space<hbm>> -> memref<1x1x1x8x128xf32, #tpu.memory_space<hbm>>
        %dma_wait3A_1773 = tpu.memref_squeeze %dma_wait3A_1772 : memref<1x1x1x8x128xf32, #tpu.memory_space<hbm>> -> memref<8x128xf32, #tpu.memory_space<hbm>>
        %dma_wait3A_1774 = arith.constant 0 : i32
        %dma_wait3A_1775 = arith.constant 0 : i32
        %dma_wait3A_1776 = tpu.memref_slice %arg5[%dma_wait3A_1764, %dma_wait3A_1765, %dma_wait3A_1766, %dma_wait3A_1774, %dma_wait3A_1775] : memref<200x4x32x8x128xf32, #tpu.memory_space<hbm>> -> memref<1x1x1x8x128xf32, #tpu.memory_space<hbm>>
        %dma_wait3A_1777 = tpu.memref_squeeze %dma_wait3A_1776 : memref<1x1x1x8x128xf32, #tpu.memory_space<hbm>> -> memref<8x128xf32, #tpu.memory_space<hbm>>
        %dma_wait3A_1778 = arith.constant 0 : i32
        %dma_wait3A_1779 = arith.constant 0 : i32
        %dma_wait3A_1780 = tpu.memref_slice %arg18[%dma_wait3A_1778, %dma_wait3A_1779] : memref<64x129xf32, #tpu.memory_space<vmem>> -> memref<8x128xf32, #tpu.memory_space<vmem>>
        tpu.wait_dma2 semaphore(%arg34 : memref<!tpu.dma_semaphore, #tpu.memory_space<semaphore_mem>>) src(%dma_wait3A_1780 : memref<8x128xf32, #tpu.memory_space<vmem>>) dst(%dma_wait3A_1777 : memref<8x128xf32, #tpu.memory_space<hbm>>)
        %dma_wait3A_1781 = arith.constant 0 : i32
        %dma_wait3A_1782 = arith.constant 0 : i32
        %dma_wait3A_1783 = arith.constant 0 : i32
        %dma_wait3A_1784 = arith.constant 0 : i32
        %dma_wait3A_1785 = arith.constant 0 : i32
        %dma_wait3A_1786 = tpu.memref_slice %arg18[%dma_wait3A_1784, %dma_wait3A_1785] : memref<64x129xf32, #tpu.memory_space<vmem>> -> memref<8x128xf32, #tpu.memory_space<vmem>>
        %dma_wait3A_1787 = arith.constant 0 : i32
        %dma_wait3A_1788 = arith.constant 0 : i32
        %dma_wait3A_1789 = tpu.memref_slice %arg5[%dma_wait3A_1781, %dma_wait3A_1782, %dma_wait3A_1783, %dma_wait3A_1787, %dma_wait3A_1788] : memref<200x4x32x8x128xf32, #tpu.memory_space<hbm>> -> memref<1x1x1x8x128xf32, #tpu.memory_space<hbm>>
        %dma_wait3A_1790 = tpu.memref_squeeze %dma_wait3A_1789 : memref<1x1x1x8x128xf32, #tpu.memory_space<hbm>> -> memref<8x128xf32, #tpu.memory_space<hbm>>
        %dma_wait3A_1791 = arith.constant 0 : i32
        %dma_wait3A_1792 = arith.constant 0 : i32
        %dma_wait3A_1793 = tpu.memref_slice %arg5[%dma_wait3A_1781, %dma_wait3A_1782, %dma_wait3A_1783, %dma_wait3A_1791, %dma_wait3A_1792] : memref<200x4x32x8x128xf32, #tpu.memory_space<hbm>> -> memref<1x1x1x8x128xf32, #tpu.memory_space<hbm>>
        %dma_wait3A_1794 = tpu.memref_squeeze %dma_wait3A_1793 : memref<1x1x1x8x128xf32, #tpu.memory_space<hbm>> -> memref<8x128xf32, #tpu.memory_space<hbm>>
        %dma_wait3A_1795 = arith.constant 0 : i32
        %dma_wait3A_1796 = arith.constant 0 : i32
        %dma_wait3A_1797 = tpu.memref_slice %arg18[%dma_wait3A_1795, %dma_wait3A_1796] : memref<64x129xf32, #tpu.memory_space<vmem>> -> memref<8x128xf32, #tpu.memory_space<vmem>>
        tpu.wait_dma2 semaphore(%arg34 : memref<!tpu.dma_semaphore, #tpu.memory_space<semaphore_mem>>) src(%dma_wait3A_1797 : memref<8x128xf32, #tpu.memory_space<vmem>>) dst(%dma_wait3A_1794 : memref<8x128xf32, #tpu.memory_space<hbm>>)
        %dma_wait3A_1798 = arith.constant 0 : i32
        %dma_wait3A_1799 = arith.constant 0 : i32
        %dma_wait3A_1800 = arith.constant 0 : i32
        %dma_wait3A_1801 = arith.constant 0 : i32
        %dma_wait3A_1802 = arith.constant 0 : i32
        %dma_wait3A_1803 = tpu.memref_slice %arg18[%dma_wait3A_1801, %dma_wait3A_1802] : memref<64x129xf32, #tpu.memory_space<vmem>> -> memref<8x128xf32, #tpu.memory_space<vmem>>
        %dma_wait3A_1804 = arith.constant 0 : i32
        %dma_wait3A_1805 = arith.constant 0 : i32
        %dma_wait3A_1806 = tpu.memref_slice %arg5[%dma_wait3A_1798, %dma_wait3A_1799, %dma_wait3A_1800, %dma_wait3A_1804, %dma_wait3A_1805] : memref<200x4x32x8x128xf32, #tpu.memory_space<hbm>> -> memref<1x1x1x8x128xf32, #tpu.memory_space<hbm>>
        %dma_wait3A_1807 = tpu.memref_squeeze %dma_wait3A_1806 : memref<1x1x1x8x128xf32, #tpu.memory_space<hbm>> -> memref<8x128xf32, #tpu.memory_space<hbm>>
        %dma_wait3A_1808 = arith.constant 0 : i32
        %dma_wait3A_1809 = arith.constant 0 : i32
        %dma_wait3A_1810 = tpu.memref_slice %arg5[%dma_wait3A_1798, %dma_wait3A_1799, %dma_wait3A_1800, %dma_wait3A_1808, %dma_wait3A_1809] : memref<200x4x32x8x128xf32, #tpu.memory_space<hbm>> -> memref<1x1x1x8x128xf32, #tpu.memory_space<hbm>>
        %dma_wait3A_1811 = tpu.memref_squeeze %dma_wait3A_1810 : memref<1x1x1x8x128xf32, #tpu.memory_space<hbm>> -> memref<8x128xf32, #tpu.memory_space<hbm>>
        %dma_wait3A_1812 = arith.constant 0 : i32
        %dma_wait3A_1813 = arith.constant 0 : i32
        %dma_wait3A_1814 = tpu.memref_slice %arg18[%dma_wait3A_1812, %dma_wait3A_1813] : memref<64x129xf32, #tpu.memory_space<vmem>> -> memref<8x128xf32, #tpu.memory_space<vmem>>
        tpu.wait_dma2 semaphore(%arg34 : memref<!tpu.dma_semaphore, #tpu.memory_space<semaphore_mem>>) src(%dma_wait3A_1814 : memref<8x128xf32, #tpu.memory_space<vmem>>) dst(%dma_wait3A_1811 : memref<8x128xf32, #tpu.memory_space<hbm>>)
        %dma_wait3A_1815 = arith.constant 0 : i32
        %dma_wait3A_1816 = arith.constant 0 : i32
        %dma_wait3A_1817 = arith.constant 0 : i32
        %dma_wait3A_1818 = arith.constant 0 : i32
        %dma_wait3A_1819 = arith.constant 0 : i32
        %dma_wait3A_1820 = tpu.memref_slice %arg18[%dma_wait3A_1818, %dma_wait3A_1819] : memref<64x129xf32, #tpu.memory_space<vmem>> -> memref<8x128xf32, #tpu.memory_space<vmem>>
        %dma_wait3A_1821 = arith.constant 0 : i32
        %dma_wait3A_1822 = arith.constant 0 : i32
        %dma_wait3A_1823 = tpu.memref_slice %arg5[%dma_wait3A_1815, %dma_wait3A_1816, %dma_wait3A_1817, %dma_wait3A_1821, %dma_wait3A_1822] : memref<200x4x32x8x128xf32, #tpu.memory_space<hbm>> -> memref<1x1x1x8x128xf32, #tpu.memory_space<hbm>>
        %dma_wait3A_1824 = tpu.memref_squeeze %dma_wait3A_1823 : memref<1x1x1x8x128xf32, #tpu.memory_space<hbm>> -> memref<8x128xf32, #tpu.memory_space<hbm>>
        %dma_wait3A_1825 = arith.constant 0 : i32
        %dma_wait3A_1826 = arith.constant 0 : i32
        %dma_wait3A_1827 = tpu.memref_slice %arg5[%dma_wait3A_1815, %dma_wait3A_1816, %dma_wait3A_1817, %dma_wait3A_1825, %dma_wait3A_1826] : memref<200x4x32x8x128xf32, #tpu.memory_space<hbm>> -> memref<1x1x1x8x128xf32, #tpu.memory_space<hbm>>
        %dma_wait3A_1828 = tpu.memref_squeeze %dma_wait3A_1827 : memref<1x1x1x8x128xf32, #tpu.memory_space<hbm>> -> memref<8x128xf32, #tpu.memory_space<hbm>>
        %dma_wait3A_1829 = arith.constant 0 : i32
        %dma_wait3A_1830 = arith.constant 0 : i32
        %dma_wait3A_1831 = tpu.memref_slice %arg18[%dma_wait3A_1829, %dma_wait3A_1830] : memref<64x129xf32, #tpu.memory_space<vmem>> -> memref<8x128xf32, #tpu.memory_space<vmem>>
        tpu.wait_dma2 semaphore(%arg34 : memref<!tpu.dma_semaphore, #tpu.memory_space<semaphore_mem>>) src(%dma_wait3A_1831 : memref<8x128xf32, #tpu.memory_space<vmem>>) dst(%dma_wait3A_1828 : memref<8x128xf32, #tpu.memory_space<hbm>>)
        %dma_wait3A_1832 = arith.constant 0 : i32
        %dma_wait3A_1833 = arith.constant 0 : i32
        %dma_wait3A_1834 = arith.constant 0 : i32
        %dma_wait3A_1835 = arith.constant 0 : i32
        %dma_wait3A_1836 = arith.constant 0 : i32
        %dma_wait3A_1837 = tpu.memref_slice %arg18[%dma_wait3A_1835, %dma_wait3A_1836] : memref<64x129xf32, #tpu.memory_space<vmem>> -> memref<8x128xf32, #tpu.memory_space<vmem>>
        %dma_wait3A_1838 = arith.constant 0 : i32
        %dma_wait3A_1839 = arith.constant 0 : i32
        %dma_wait3A_1840 = tpu.memref_slice %arg5[%dma_wait3A_1832, %dma_wait3A_1833, %dma_wait3A_1834, %dma_wait3A_1838, %dma_wait3A_1839] : memref<200x4x32x8x128xf32, #tpu.memory_space<hbm>> -> memref<1x1x1x8x128xf32, #tpu.memory_space<hbm>>
        %dma_wait3A_1841 = tpu.memref_squeeze %dma_wait3A_1840 : memref<1x1x1x8x128xf32, #tpu.memory_space<hbm>> -> memref<8x128xf32, #tpu.memory_space<hbm>>
        %dma_wait3A_1842 = arith.constant 0 : i32
        %dma_wait3A_1843 = arith.constant 0 : i32
        %dma_wait3A_1844 = tpu.memref_slice %arg5[%dma_wait3A_1832, %dma_wait3A_1833, %dma_wait3A_1834, %dma_wait3A_1842, %dma_wait3A_1843] : memref<200x4x32x8x128xf32, #tpu.memory_space<hbm>> -> memref<1x1x1x8x128xf32, #tpu.memory_space<hbm>>
        %dma_wait3A_1845 = tpu.memref_squeeze %dma_wait3A_1844 : memref<1x1x1x8x128xf32, #tpu.memory_space<hbm>> -> memref<8x128xf32, #tpu.memory_space<hbm>>
        %dma_wait3A_1846 = arith.constant 0 : i32
        %dma_wait3A_1847 = arith.constant 0 : i32
        %dma_wait3A_1848 = tpu.memref_slice %arg18[%dma_wait3A_1846, %dma_wait3A_1847] : memref<64x129xf32, #tpu.memory_space<vmem>> -> memref<8x128xf32, #tpu.memory_space<vmem>>
        tpu.wait_dma2 semaphore(%arg34 : memref<!tpu.dma_semaphore, #tpu.memory_space<semaphore_mem>>) src(%dma_wait3A_1848 : memref<8x128xf32, #tpu.memory_space<vmem>>) dst(%dma_wait3A_1845 : memref<8x128xf32, #tpu.memory_space<hbm>>)
        %dma_wait3A_1849 = arith.constant 0 : i32
        %dma_wait3A_1850 = arith.constant 0 : i32
        %dma_wait3A_1851 = arith.constant 0 : i32
        %dma_wait3A_1852 = arith.constant 0 : i32
        %dma_wait3A_1853 = arith.constant 0 : i32
        %dma_wait3A_1854 = tpu.memref_slice %arg18[%dma_wait3A_1852, %dma_wait3A_1853] : memref<64x129xf32, #tpu.memory_space<vmem>> -> memref<8x128xf32, #tpu.memory_space<vmem>>
        %dma_wait3A_1855 = arith.constant 0 : i32
        %dma_wait3A_1856 = arith.constant 0 : i32
        %dma_wait3A_1857 = tpu.memref_slice %arg5[%dma_wait3A_1849, %dma_wait3A_1850, %dma_wait3A_1851, %dma_wait3A_1855, %dma_wait3A_1856] : memref<200x4x32x8x128xf32, #tpu.memory_space<hbm>> -> memref<1x1x1x8x128xf32, #tpu.memory_space<hbm>>
        %dma_wait3A_1858 = tpu.memref_squeeze %dma_wait3A_1857 : memref<1x1x1x8x128xf32, #tpu.memory_space<hbm>> -> memref<8x128xf32, #tpu.memory_space<hbm>>
        %dma_wait3A_1859 = arith.constant 0 : i32
        %dma_wait3A_1860 = arith.constant 0 : i32
        %dma_wait3A_1861 = tpu.memref_slice %arg5[%dma_wait3A_1849, %dma_wait3A_1850, %dma_wait3A_1851, %dma_wait3A_1859, %dma_wait3A_1860] : memref<200x4x32x8x128xf32, #tpu.memory_space<hbm>> -> memref<1x1x1x8x128xf32, #tpu.memory_space<hbm>>
        %dma_wait3A_1862 = tpu.memref_squeeze %dma_wait3A_1861 : memref<1x1x1x8x128xf32, #tpu.memory_space<hbm>> -> memref<8x128xf32, #tpu.memory_space<hbm>>
        %dma_wait3A_1863 = arith.constant 0 : i32
        %dma_wait3A_1864 = arith.constant 0 : i32
        %dma_wait3A_1865 = tpu.memref_slice %arg18[%dma_wait3A_1863, %dma_wait3A_1864] : memref<64x129xf32, #tpu.memory_space<vmem>> -> memref<8x128xf32, #tpu.memory_space<vmem>>
        tpu.wait_dma2 semaphore(%arg34 : memref<!tpu.dma_semaphore, #tpu.memory_space<semaphore_mem>>) src(%dma_wait3A_1865 : memref<8x128xf32, #tpu.memory_space<vmem>>) dst(%dma_wait3A_1862 : memref<8x128xf32, #tpu.memory_space<hbm>>)
        %dma_wait3A_1866 = arith.constant 0 : i32
        %dma_wait3A_1867 = arith.constant 0 : i32
        %dma_wait3A_1868 = arith.constant 0 : i32
        %dma_wait3A_1869 = arith.constant 0 : i32
        %dma_wait3A_1870 = arith.constant 0 : i32
        %dma_wait3A_1871 = tpu.memref_slice %arg18[%dma_wait3A_1869, %dma_wait3A_1870] : memref<64x129xf32, #tpu.memory_space<vmem>> -> memref<8x128xf32, #tpu.memory_space<vmem>>
        %dma_wait3A_1872 = arith.constant 0 : i32
        %dma_wait3A_1873 = arith.constant 0 : i32
        %dma_wait3A_1874 = tpu.memref_slice %arg5[%dma_wait3A_1866, %dma_wait3A_1867, %dma_wait3A_1868, %dma_wait3A_1872, %dma_wait3A_1873] : memref<200x4x32x8x128xf32, #tpu.memory_space<hbm>> -> memref<1x1x1x8x128xf32, #tpu.memory_space<hbm>>
        %dma_wait3A_1875 = tpu.memref_squeeze %dma_wait3A_1874 : memref<1x1x1x8x128xf32, #tpu.memory_space<hbm>> -> memref<8x128xf32, #tpu.memory_space<hbm>>
        %dma_wait3A_1876 = arith.constant 0 : i32
        %dma_wait3A_1877 = arith.constant 0 : i32
        %dma_wait3A_1878 = tpu.memref_slice %arg5[%dma_wait3A_1866, %dma_wait3A_1867, %dma_wait3A_1868, %dma_wait3A_1876, %dma_wait3A_1877] : memref<200x4x32x8x128xf32, #tpu.memory_space<hbm>> -> memref<1x1x1x8x128xf32, #tpu.memory_space<hbm>>
        %dma_wait3A_1879 = tpu.memref_squeeze %dma_wait3A_1878 : memref<1x1x1x8x128xf32, #tpu.memory_space<hbm>> -> memref<8x128xf32, #tpu.memory_space<hbm>>
        %dma_wait3A_1880 = arith.constant 0 : i32
        %dma_wait3A_1881 = arith.constant 0 : i32
        %dma_wait3A_1882 = tpu.memref_slice %arg18[%dma_wait3A_1880, %dma_wait3A_1881] : memref<64x129xf32, #tpu.memory_space<vmem>> -> memref<8x128xf32, #tpu.memory_space<vmem>>
        tpu.wait_dma2 semaphore(%arg34 : memref<!tpu.dma_semaphore, #tpu.memory_space<semaphore_mem>>) src(%dma_wait3A_1882 : memref<8x128xf32, #tpu.memory_space<vmem>>) dst(%dma_wait3A_1879 : memref<8x128xf32, #tpu.memory_space<hbm>>)
        %dma_wait3A_1883 = arith.constant 0 : i32
        %dma_wait3A_1884 = arith.constant 0 : i32
        %dma_wait3A_1885 = arith.constant 0 : i32
        %dma_wait3A_1886 = arith.constant 0 : i32
        %dma_wait3A_1887 = arith.constant 0 : i32
        %dma_wait3A_1888 = tpu.memref_slice %arg18[%dma_wait3A_1886, %dma_wait3A_1887] : memref<64x129xf32, #tpu.memory_space<vmem>> -> memref<8x128xf32, #tpu.memory_space<vmem>>
        %dma_wait3A_1889 = arith.constant 0 : i32
        %dma_wait3A_1890 = arith.constant 0 : i32
        %dma_wait3A_1891 = tpu.memref_slice %arg5[%dma_wait3A_1883, %dma_wait3A_1884, %dma_wait3A_1885, %dma_wait3A_1889, %dma_wait3A_1890] : memref<200x4x32x8x128xf32, #tpu.memory_space<hbm>> -> memref<1x1x1x8x128xf32, #tpu.memory_space<hbm>>
        %dma_wait3A_1892 = tpu.memref_squeeze %dma_wait3A_1891 : memref<1x1x1x8x128xf32, #tpu.memory_space<hbm>> -> memref<8x128xf32, #tpu.memory_space<hbm>>
        %dma_wait3A_1893 = arith.constant 0 : i32
        %dma_wait3A_1894 = arith.constant 0 : i32
        %dma_wait3A_1895 = tpu.memref_slice %arg5[%dma_wait3A_1883, %dma_wait3A_1884, %dma_wait3A_1885, %dma_wait3A_1893, %dma_wait3A_1894] : memref<200x4x32x8x128xf32, #tpu.memory_space<hbm>> -> memref<1x1x1x8x128xf32, #tpu.memory_space<hbm>>
        %dma_wait3A_1896 = tpu.memref_squeeze %dma_wait3A_1895 : memref<1x1x1x8x128xf32, #tpu.memory_space<hbm>> -> memref<8x128xf32, #tpu.memory_space<hbm>>
        %dma_wait3A_1897 = arith.constant 0 : i32
        %dma_wait3A_1898 = arith.constant 0 : i32
        %dma_wait3A_1899 = tpu.memref_slice %arg18[%dma_wait3A_1897, %dma_wait3A_1898] : memref<64x129xf32, #tpu.memory_space<vmem>> -> memref<8x128xf32, #tpu.memory_space<vmem>>
        tpu.wait_dma2 semaphore(%arg34 : memref<!tpu.dma_semaphore, #tpu.memory_space<semaphore_mem>>) src(%dma_wait3A_1899 : memref<8x128xf32, #tpu.memory_space<vmem>>) dst(%dma_wait3A_1896 : memref<8x128xf32, #tpu.memory_space<hbm>>)
      } else {
      }
      %mul3A_1170 = arith.constant 2 : i32
      %mul3A_1171 = arith.muli %add3A_1143, %mul3A_1170 : i32
      %add3A_1172 = arith.constant 0 : i32
      %add3A_1173 = arith.addi %mul3A_1171, %add3A_1172 : i32
      %get3A_1174 = arith.index_cast %add3A_1173 : i32 to index
      %get3A_1175 = arith.constant 0 : index
      %get3A_1176 = tpu.vector_load %arg21[%get3A_1174, %get3A_1175] {strides = array<i32>} : memref<200x32xf32, #tpu.memory_space<vmem>>, vector<16xf32>,
      %add3A_1177 = arith.constant 0 : i32
      %add3A_1178 = arith.addi %mul3A_1171, %add3A_1177 : i32
      %get3A_1179 = arith.index_cast %add3A_1178 : i32 to index
      %get3A_1180 = arith.constant 16 : index
      %get3A_1181 = tpu.vector_load %arg21[%get3A_1179, %get3A_1180] {strides = array<i32>} : memref<200x32xf32, #tpu.memory_space<vmem>>, vector<16xf32>,
      %add3A_1182 = arith.constant 0 : i32
      %add3A_1183 = vector.broadcast %add3A_1182 : i32 to vector<16xi32>
      %add3A_1184 = arith.addi %add3A_10, %add3A_1183 : vector<16xi32>
      %add3A_1185 = arith.constant 16 : i32
      %add3A_1186 = vector.broadcast %add3A_1185 : i32 to vector<16xi32>
      %add3A_1187 = arith.addi %add3A_1184, %add3A_1186 : vector<16xi32>
      %parallel_loop3A_1188 = arith.constant 0 : i32
      %parallel_loop3A_1189 = arith.constant 128 : i32
      %parallel_loop3A_1190 = arith.constant 1 : i32
      scf.for %parallel_loop3A_1764 = %parallel_loop3A_1188 to %parallel_loop3A_1189 step %parallel_loop3A_1190  : i32 {
        %parallel_loop3A_1765 = arith.constant 0 : i32
        %parallel_loop3A_1766 = arith.addi %parallel_loop3A_1765, %parallel_loop3A_1764 : i32
        %parallel_loop3A_1767 = vector.broadcast %parallel_loop3A_1764 : i32 to vector<16xi32>
        %parallel_loop3A_1768 = arith.index_cast %parallel_loop3A_1766 : i32 to index
        %parallel_loop3A_1769 = arith.constant 0 : index
        %parallel_loop3A_1770 = tpu.vector_load %arg13[%parallel_loop3A_1768, %parallel_loop3A_1769] {strides = array<i32>} : memref<256x32xf32, #tpu.memory_space<vmem>>, vector<16xf32>,
        %parallel_loop3A_1771 = arith.addf %parallel_loop3A_1770, %get3A_1176 : vector<16xf32>
        %parallel_loop3A_1772 = arith.index_cast %parallel_loop3A_1766 : i32 to index
        %parallel_loop3A_1773 = arith.constant 16 : index
        %parallel_loop3A_1774 = tpu.vector_load %arg13[%parallel_loop3A_1772, %parallel_loop3A_1773] {strides = array<i32>} : memref<256x32xf32, #tpu.memory_space<vmem>>, vector<16xf32>,
        %parallel_loop3A_1775 = arith.addf %parallel_loop3A_1774, %get3A_1181 : vector<16xf32>
        tpu.vector_store_idx %arg18[%add3A_1184, %parallel_loop3A_1767], %parallel_loop3A_1771 : memref<64x129xf32, #tpu.memory_space<vmem>>[vector<16xi32>, vector<16xi32>], vector<16xf32>,
        tpu.vector_store_idx %arg18[%add3A_1187, %parallel_loop3A_1767], %parallel_loop3A_1775 : memref<64x129xf32, #tpu.memory_space<vmem>>[vector<16xi32>, vector<16xi32>], vector<16xf32>,
      } {sc.loop_unroll_factor = 4 : i64, sc.parallel_access}
      %add3A_1191 = arith.constant 1 : i32
      %add3A_1192 = arith.addi %mul3A_1171, %add3A_1191 : i32
      %get3A_1193 = arith.index_cast %add3A_1192 : i32 to index
      %get3A_1194 = arith.constant 0 : index
      %get3A_1195 = tpu.vector_load %arg21[%get3A_1193, %get3A_1194] {strides = array<i32>} : memref<200x32xf32, #tpu.memory_space<vmem>>, vector<16xf32>,
      %add3A_1196 = arith.constant 1 : i32
      %add3A_1197 = arith.addi %mul3A_1171, %add3A_1196 : i32
      %get3A_1198 = arith.index_cast %add3A_1197 : i32 to index
      %get3A_1199 = arith.constant 16 : index
      %get3A_1200 = tpu.vector_load %arg21[%get3A_1198, %get3A_1199] {strides = array<i32>} : memref<200x32xf32, #tpu.memory_space<vmem>>, vector<16xf32>,
      %add3A_1201 = arith.constant 32 : i32
      %add3A_1202 = vector.broadcast %add3A_1201 : i32 to vector<16xi32>
      %add3A_1203 = arith.addi %add3A_10, %add3A_1202 : vector<16xi32>
      %add3A_1204 = arith.constant 16 : i32
      %add3A_1205 = vector.broadcast %add3A_1204 : i32 to vector<16xi32>
      %add3A_1206 = arith.addi %add3A_1203, %add3A_1205 : vector<16xi32>
      %parallel_loop3A_1207 = arith.constant 0 : i32
      %parallel_loop3A_1208 = arith.constant 128 : i32
      %parallel_loop3A_1209 = arith.constant 1 : i32
      scf.for %parallel_loop3A_1764 = %parallel_loop3A_1207 to %parallel_loop3A_1208 step %parallel_loop3A_1209  : i32 {
        %parallel_loop3A_1765 = arith.constant 128 : i32
        %parallel_loop3A_1766 = arith.addi %parallel_loop3A_1765, %parallel_loop3A_1764 : i32
        %parallel_loop3A_1767 = vector.broadcast %parallel_loop3A_1764 : i32 to vector<16xi32>
        %parallel_loop3A_1768 = arith.index_cast %parallel_loop3A_1766 : i32 to index
        %parallel_loop3A_1769 = arith.constant 0 : index
        %parallel_loop3A_1770 = tpu.vector_load %arg13[%parallel_loop3A_1768, %parallel_loop3A_1769] {strides = array<i32>} : memref<256x32xf32, #tpu.memory_space<vmem>>, vector<16xf32>,
        %parallel_loop3A_1771 = arith.addf %parallel_loop3A_1770, %get3A_1195 : vector<16xf32>
        %parallel_loop3A_1772 = arith.index_cast %parallel_loop3A_1766 : i32 to index
        %parallel_loop3A_1773 = arith.constant 16 : index
        %parallel_loop3A_1774 = tpu.vector_load %arg13[%parallel_loop3A_1772, %parallel_loop3A_1773] {strides = array<i32>} : memref<256x32xf32, #tpu.memory_space<vmem>>, vector<16xf32>,
        %parallel_loop3A_1775 = arith.addf %parallel_loop3A_1774, %get3A_1200 : vector<16xf32>
        tpu.vector_store_idx %arg18[%add3A_1203, %parallel_loop3A_1767], %parallel_loop3A_1771 : memref<64x129xf32, #tpu.memory_space<vmem>>[vector<16xi32>, vector<16xi32>], vector<16xf32>,
        tpu.vector_store_idx %arg18[%add3A_1206, %parallel_loop3A_1767], %parallel_loop3A_1775 : memref<64x129xf32, #tpu.memory_space<vmem>>[vector<16xi32>, vector<16xi32>], vector<16xf32>,
      } {sc.loop_unroll_factor = 4 : i64, sc.parallel_access}
      %mul3A_1210 = arith.constant 2 : i32
      %mul3A_1211 = arith.muli %add3A_1143, %mul3A_1210 : i32
      %add3A_1212 = arith.constant 0 : i32
      %add3A_1213 = arith.addi %mul3A_1211, %add3A_1212 : i32
      %dma_start3A_1214 = arith.constant 0 : i32
      %dma_start3A_1215 = arith.constant 0 : i32
      %dma_start3A_1216 = arith.constant 0 : i32
      %dma_start3A_1217 = tpu.memref_slice %arg18[%dma_start3A_1215, %dma_start3A_1216] : memref<64x129xf32, #tpu.memory_space<vmem>> -> memref<8x128xf32, #tpu.memory_space<vmem>>
      %dma_start3A_1218 = arith.constant 0 : i32
      %dma_start3A_1219 = arith.constant 0 : i32
      %dma_start3A_1220 = tpu.memref_slice %arg5[%add3A_1213, %dma_start3A_1214, %add3A, %dma_start3A_1218, %dma_start3A_1219] : memref<200x4x32x8x128xf32, #tpu.memory_space<hbm>> -> memref<1x1x1x8x128xf32, #tpu.memory_space<hbm>>
      %dma_start3A_1221 = tpu.memref_squeeze %dma_start3A_1220 : memref<1x1x1x8x128xf32, #tpu.memory_space<hbm>> -> memref<8x128xf32, #tpu.memory_space<hbm>>
      %dma_start3A_1222 = arith.constant 0 : i32
      %dma_start3A_1223 = arith.constant 0 : i32
      %dma_start3A_1224 = tpu.memref_slice %arg5[%add3A_1213, %dma_start3A_1214, %add3A, %dma_start3A_1222, %dma_start3A_1223] : memref<200x4x32x8x128xf32, #tpu.memory_space<hbm>> -> memref<1x1x1x8x128xf32, #tpu.memory_space<hbm>>
      %dma_start3A_1225 = tpu.memref_squeeze %dma_start3A_1224 : memref<1x1x1x8x128xf32, #tpu.memory_space<hbm>> -> memref<8x128xf32, #tpu.memory_space<hbm>>
      %dma_start3A_1226 = arith.constant 0 : i32
      %dma_start3A_1227 = arith.constant 0 : i32
      %dma_start3A_1228 = tpu.memref_slice %arg18[%dma_start3A_1226, %dma_start3A_1227] : memref<64x129xf32, #tpu.memory_space<vmem>> -> memref<8x128xf32, #tpu.memory_space<vmem>>
      tpu.enqueue_dma source(%dma_start3A_1228 : memref<8x128xf32, #tpu.memory_space<vmem>>) target(%dma_start3A_1225 : memref<8x128xf32, #tpu.memory_space<hbm>>) target_semaphore(%arg34 : memref<!tpu.dma_semaphore, #tpu.memory_space<semaphore_mem>>)
      %add3A_1229 = arith.constant 0 : i32
      %add3A_1230 = arith.addi %mul3A_1211, %add3A_1229 : i32
      %dma_start3A_1231 = arith.constant 1 : i32
      %dma_start3A_1232 = arith.constant 8 : i32
      %dma_start3A_1233 = arith.constant 0 : i32
      %dma_start3A_1234 = tpu.memref_slice %arg18[%dma_start3A_1232, %dma_start3A_1233] : memref<64x129xf32, #tpu.memory_space<vmem>> -> memref<8x128xf32, #tpu.memory_space<vmem>>
      %dma_start3A_1235 = arith.constant 0 : i32
      %dma_start3A_1236 = arith.constant 0 : i32
      %dma_start3A_1237 = tpu.memref_slice %arg5[%add3A_1230, %dma_start3A_1231, %add3A, %dma_start3A_1235, %dma_start3A_1236] : memref<200x4x32x8x128xf32, #tpu.memory_space<hbm>> -> memref<1x1x1x8x128xf32, #tpu.memory_space<hbm>>
      %dma_start3A_1238 = tpu.memref_squeeze %dma_start3A_1237 : memref<1x1x1x8x128xf32, #tpu.memory_space<hbm>> -> memref<8x128xf32, #tpu.memory_space<hbm>>
      %dma_start3A_1239 = arith.constant 0 : i32
      %dma_start3A_1240 = arith.constant 0 : i32
      %dma_start3A_1241 = tpu.memref_slice %arg5[%add3A_1230, %dma_start3A_1231, %add3A, %dma_start3A_1239, %dma_start3A_1240] : memref<200x4x32x8x128xf32, #tpu.memory_space<hbm>> -> memref<1x1x1x8x128xf32, #tpu.memory_space<hbm>>
      %dma_start3A_1242 = tpu.memref_squeeze %dma_start3A_1241 : memref<1x1x1x8x128xf32, #tpu.memory_space<hbm>> -> memref<8x128xf32, #tpu.memory_space<hbm>>
      %dma_start3A_1243 = arith.constant 8 : i32
      %dma_start3A_1244 = arith.constant 0 : i32
      %dma_start3A_1245 = tpu.memref_slice %arg18[%dma_start3A_1243, %dma_start3A_1244] : memref<64x129xf32, #tpu.memory_space<vmem>> -> memref<8x128xf32, #tpu.memory_space<vmem>>
      tpu.enqueue_dma source(%dma_start3A_1245 : memref<8x128xf32, #tpu.memory_space<vmem>>) target(%dma_start3A_1242 : memref<8x128xf32, #tpu.memory_space<hbm>>) target_semaphore(%arg34 : memref<!tpu.dma_semaphore, #tpu.memory_space<semaphore_mem>>)
      %add3A_1246 = arith.constant 0 : i32
      %add3A_1247 = arith.addi %mul3A_1211, %add3A_1246 : i32
      %dma_start3A_1248 = arith.constant 2 : i32
      %dma_start3A_1249 = arith.constant 16 : i32
      %dma_start3A_1250 = arith.constant 0 : i32
      %dma_start3A_1251 = tpu.memref_slice %arg18[%dma_start3A_1249, %dma_start3A_1250] : memref<64x129xf32, #tpu.memory_space<vmem>> -> memref<8x128xf32, #tpu.memory_space<vmem>>
      %dma_start3A_1252 = arith.constant 0 : i32
      %dma_start3A_1253 = arith.constant 0 : i32
      %dma_start3A_1254 = tpu.memref_slice %arg5[%add3A_1247, %dma_start3A_1248, %add3A, %dma_start3A_1252, %dma_start3A_1253] : memref<200x4x32x8x128xf32, #tpu.memory_space<hbm>> -> memref<1x1x1x8x128xf32, #tpu.memory_space<hbm>>
      %dma_start3A_1255 = tpu.memref_squeeze %dma_start3A_1254 : memref<1x1x1x8x128xf32, #tpu.memory_space<hbm>> -> memref<8x128xf32, #tpu.memory_space<hbm>>
      %dma_start3A_1256 = arith.constant 0 : i32
      %dma_start3A_1257 = arith.constant 0 : i32
      %dma_start3A_1258 = tpu.memref_slice %arg5[%add3A_1247, %dma_start3A_1248, %add3A, %dma_start3A_1256, %dma_start3A_1257] : memref<200x4x32x8x128xf32, #tpu.memory_space<hbm>> -> memref<1x1x1x8x128xf32, #tpu.memory_space<hbm>>
      %dma_start3A_1259 = tpu.memref_squeeze %dma_start3A_1258 : memref<1x1x1x8x128xf32, #tpu.memory_space<hbm>> -> memref<8x128xf32, #tpu.memory_space<hbm>>
      %dma_start3A_1260 = arith.constant 16 : i32
      %dma_start3A_1261 = arith.constant 0 : i32
      %dma_start3A_1262 = tpu.memref_slice %arg18[%dma_start3A_1260, %dma_start3A_1261] : memref<64x129xf32, #tpu.memory_space<vmem>> -> memref<8x128xf32, #tpu.memory_space<vmem>>
      tpu.enqueue_dma source(%dma_start3A_1262 : memref<8x128xf32, #tpu.memory_space<vmem>>) target(%dma_start3A_1259 : memref<8x128xf32, #tpu.memory_space<hbm>>) target_semaphore(%arg34 : memref<!tpu.dma_semaphore, #tpu.memory_space<semaphore_mem>>)
      %add3A_1263 = arith.constant 0 : i32
      %add3A_1264 = arith.addi %mul3A_1211, %add3A_1263 : i32
      %dma_start3A_1265 = arith.constant 3 : i32
      %dma_start3A_1266 = arith.constant 24 : i32
      %dma_start3A_1267 = arith.constant 0 : i32
      %dma_start3A_1268 = tpu.memref_slice %arg18[%dma_start3A_1266, %dma_start3A_1267] : memref<64x129xf32, #tpu.memory_space<vmem>> -> memref<8x128xf32, #tpu.memory_space<vmem>>
      %dma_start3A_1269 = arith.constant 0 : i32
      %dma_start3A_1270 = arith.constant 0 : i32
      %dma_start3A_1271 = tpu.memref_slice %arg5[%add3A_1264, %dma_start3A_1265, %add3A, %dma_start3A_1269, %dma_start3A_1270] : memref<200x4x32x8x128xf32, #tpu.memory_space<hbm>> -> memref<1x1x1x8x128xf32, #tpu.memory_space<hbm>>
      %dma_start3A_1272 = tpu.memref_squeeze %dma_start3A_1271 : memref<1x1x1x8x128xf32, #tpu.memory_space<hbm>> -> memref<8x128xf32, #tpu.memory_space<hbm>>
      %dma_start3A_1273 = arith.constant 0 : i32
      %dma_start3A_1274 = arith.constant 0 : i32
      %dma_start3A_1275 = tpu.memref_slice %arg5[%add3A_1264, %dma_start3A_1265, %add3A, %dma_start3A_1273, %dma_start3A_1274] : memref<200x4x32x8x128xf32, #tpu.memory_space<hbm>> -> memref<1x1x1x8x128xf32, #tpu.memory_space<hbm>>
      %dma_start3A_1276 = tpu.memref_squeeze %dma_start3A_1275 : memref<1x1x1x8x128xf32, #tpu.memory_space<hbm>> -> memref<8x128xf32, #tpu.memory_space<hbm>>
      %dma_start3A_1277 = arith.constant 24 : i32
      %dma_start3A_1278 = arith.constant 0 : i32
      %dma_start3A_1279 = tpu.memref_slice %arg18[%dma_start3A_1277, %dma_start3A_1278] : memref<64x129xf32, #tpu.memory_space<vmem>> -> memref<8x128xf32, #tpu.memory_space<vmem>>
      tpu.enqueue_dma source(%dma_start3A_1279 : memref<8x128xf32, #tpu.memory_space<vmem>>) target(%dma_start3A_1276 : memref<8x128xf32, #tpu.memory_space<hbm>>) target_semaphore(%arg34 : memref<!tpu.dma_semaphore, #tpu.memory_space<semaphore_mem>>)
      %add3A_1280 = arith.constant 1 : i32
      %add3A_1281 = arith.addi %mul3A_1211, %add3A_1280 : i32
      %dma_start3A_1282 = arith.constant 0 : i32
      %dma_start3A_1283 = arith.constant 32 : i32
      %dma_start3A_1284 = arith.constant 0 : i32
      %dma_start3A_1285 = tpu.memref_slice %arg18[%dma_start3A_1283, %dma_start3A_1284] : memref<64x129xf32, #tpu.memory_space<vmem>> -> memref<8x128xf32, #tpu.memory_space<vmem>>
      %dma_start3A_1286 = arith.constant 0 : i32
      %dma_start3A_1287 = arith.constant 0 : i32
      %dma_start3A_1288 = tpu.memref_slice %arg5[%add3A_1281, %dma_start3A_1282, %add3A, %dma_start3A_1286, %dma_start3A_1287] : memref<200x4x32x8x128xf32, #tpu.memory_space<hbm>> -> memref<1x1x1x8x128xf32, #tpu.memory_space<hbm>>
      %dma_start3A_1289 = tpu.memref_squeeze %dma_start3A_1288 : memref<1x1x1x8x128xf32, #tpu.memory_space<hbm>> -> memref<8x128xf32, #tpu.memory_space<hbm>>
      %dma_start3A_1290 = arith.constant 0 : i32
      %dma_start3A_1291 = arith.constant 0 : i32
      %dma_start3A_1292 = tpu.memref_slice %arg5[%add3A_1281, %dma_start3A_1282, %add3A, %dma_start3A_1290, %dma_start3A_1291] : memref<200x4x32x8x128xf32, #tpu.memory_space<hbm>> -> memref<1x1x1x8x128xf32, #tpu.memory_space<hbm>>
      %dma_start3A_1293 = tpu.memref_squeeze %dma_start3A_1292 : memref<1x1x1x8x128xf32, #tpu.memory_space<hbm>> -> memref<8x128xf32, #tpu.memory_space<hbm>>
      %dma_start3A_1294 = arith.constant 32 : i32
      %dma_start3A_1295 = arith.constant 0 : i32
      %dma_start3A_1296 = tpu.memref_slice %arg18[%dma_start3A_1294, %dma_start3A_1295] : memref<64x129xf32, #tpu.memory_space<vmem>> -> memref<8x128xf32, #tpu.memory_space<vmem>>
      tpu.enqueue_dma source(%dma_start3A_1296 : memref<8x128xf32, #tpu.memory_space<vmem>>) target(%dma_start3A_1293 : memref<8x128xf32, #tpu.memory_space<hbm>>) target_semaphore(%arg34 : memref<!tpu.dma_semaphore, #tpu.memory_space<semaphore_mem>>)
      %add3A_1297 = arith.constant 1 : i32
      %add3A_1298 = arith.addi %mul3A_1211, %add3A_1297 : i32
      %dma_start3A_1299 = arith.constant 1 : i32
      %dma_start3A_1300 = arith.constant 40 : i32
      %dma_start3A_1301 = arith.constant 0 : i32
      %dma_start3A_1302 = tpu.memref_slice %arg18[%dma_start3A_1300, %dma_start3A_1301] : memref<64x129xf32, #tpu.memory_space<vmem>> -> memref<8x128xf32, #tpu.memory_space<vmem>>
      %dma_start3A_1303 = arith.constant 0 : i32
      %dma_start3A_1304 = arith.constant 0 : i32
      %dma_start3A_1305 = tpu.memref_slice %arg5[%add3A_1298, %dma_start3A_1299, %add3A, %dma_start3A_1303, %dma_start3A_1304] : memref<200x4x32x8x128xf32, #tpu.memory_space<hbm>> -> memref<1x1x1x8x128xf32, #tpu.memory_space<hbm>>
      %dma_start3A_1306 = tpu.memref_squeeze %dma_start3A_1305 : memref<1x1x1x8x128xf32, #tpu.memory_space<hbm>> -> memref<8x128xf32, #tpu.memory_space<hbm>>
      %dma_start3A_1307 = arith.constant 0 : i32
      %dma_start3A_1308 = arith.constant 0 : i32
      %dma_start3A_1309 = tpu.memref_slice %arg5[%add3A_1298, %dma_start3A_1299, %add3A, %dma_start3A_1307, %dma_start3A_1308] : memref<200x4x32x8x128xf32, #tpu.memory_space<hbm>> -> memref<1x1x1x8x128xf32, #tpu.memory_space<hbm>>
      %dma_start3A_1310 = tpu.memref_squeeze %dma_start3A_1309 : memref<1x1x1x8x128xf32, #tpu.memory_space<hbm>> -> memref<8x128xf32, #tpu.memory_space<hbm>>
      %dma_start3A_1311 = arith.constant 40 : i32
      %dma_start3A_1312 = arith.constant 0 : i32
      %dma_start3A_1313 = tpu.memref_slice %arg18[%dma_start3A_1311, %dma_start3A_1312] : memref<64x129xf32, #tpu.memory_space<vmem>> -> memref<8x128xf32, #tpu.memory_space<vmem>>
      tpu.enqueue_dma source(%dma_start3A_1313 : memref<8x128xf32, #tpu.memory_space<vmem>>) target(%dma_start3A_1310 : memref<8x128xf32, #tpu.memory_space<hbm>>) target_semaphore(%arg34 : memref<!tpu.dma_semaphore, #tpu.memory_space<semaphore_mem>>)
      %add3A_1314 = arith.constant 1 : i32
      %add3A_1315 = arith.addi %mul3A_1211, %add3A_1314 : i32
      %dma_start3A_1316 = arith.constant 2 : i32
      %dma_start3A_1317 = arith.constant 48 : i32
      %dma_start3A_1318 = arith.constant 0 : i32
      %dma_start3A_1319 = tpu.memref_slice %arg18[%dma_start3A_1317, %dma_start3A_1318] : memref<64x129xf32, #tpu.memory_space<vmem>> -> memref<8x128xf32, #tpu.memory_space<vmem>>
      %dma_start3A_1320 = arith.constant 0 : i32
      %dma_start3A_1321 = arith.constant 0 : i32
      %dma_start3A_1322 = tpu.memref_slice %arg5[%add3A_1315, %dma_start3A_1316, %add3A, %dma_start3A_1320, %dma_start3A_1321] : memref<200x4x32x8x128xf32, #tpu.memory_space<hbm>> -> memref<1x1x1x8x128xf32, #tpu.memory_space<hbm>>
      %dma_start3A_1323 = tpu.memref_squeeze %dma_start3A_1322 : memref<1x1x1x8x128xf32, #tpu.memory_space<hbm>> -> memref<8x128xf32, #tpu.memory_space<hbm>>
      %dma_start3A_1324 = arith.constant 0 : i32
      %dma_start3A_1325 = arith.constant 0 : i32
      %dma_start3A_1326 = tpu.memref_slice %arg5[%add3A_1315, %dma_start3A_1316, %add3A, %dma_start3A_1324, %dma_start3A_1325] : memref<200x4x32x8x128xf32, #tpu.memory_space<hbm>> -> memref<1x1x1x8x128xf32, #tpu.memory_space<hbm>>
      %dma_start3A_1327 = tpu.memref_squeeze %dma_start3A_1326 : memref<1x1x1x8x128xf32, #tpu.memory_space<hbm>> -> memref<8x128xf32, #tpu.memory_space<hbm>>
      %dma_start3A_1328 = arith.constant 48 : i32
      %dma_start3A_1329 = arith.constant 0 : i32
      %dma_start3A_1330 = tpu.memref_slice %arg18[%dma_start3A_1328, %dma_start3A_1329] : memref<64x129xf32, #tpu.memory_space<vmem>> -> memref<8x128xf32, #tpu.memory_space<vmem>>
      tpu.enqueue_dma source(%dma_start3A_1330 : memref<8x128xf32, #tpu.memory_space<vmem>>) target(%dma_start3A_1327 : memref<8x128xf32, #tpu.memory_space<hbm>>) target_semaphore(%arg34 : memref<!tpu.dma_semaphore, #tpu.memory_space<semaphore_mem>>)
      %add3A_1331 = arith.constant 1 : i32
      %add3A_1332 = arith.addi %mul3A_1211, %add3A_1331 : i32
      %dma_start3A_1333 = arith.constant 3 : i32
      %dma_start3A_1334 = arith.constant 56 : i32
      %dma_start3A_1335 = arith.constant 0 : i32
      %dma_start3A_1336 = tpu.memref_slice %arg18[%dma_start3A_1334, %dma_start3A_1335] : memref<64x129xf32, #tpu.memory_space<vmem>> -> memref<8x128xf32, #tpu.memory_space<vmem>>
      %dma_start3A_1337 = arith.constant 0 : i32
      %dma_start3A_1338 = arith.constant 0 : i32
      %dma_start3A_1339 = tpu.memref_slice %arg5[%add3A_1332, %dma_start3A_1333, %add3A, %dma_start3A_1337, %dma_start3A_1338] : memref<200x4x32x8x128xf32, #tpu.memory_space<hbm>> -> memref<1x1x1x8x128xf32, #tpu.memory_space<hbm>>
      %dma_start3A_1340 = tpu.memref_squeeze %dma_start3A_1339 : memref<1x1x1x8x128xf32, #tpu.memory_space<hbm>> -> memref<8x128xf32, #tpu.memory_space<hbm>>
      %dma_start3A_1341 = arith.constant 0 : i32
      %dma_start3A_1342 = arith.constant 0 : i32
      %dma_start3A_1343 = tpu.memref_slice %arg5[%add3A_1332, %dma_start3A_1333, %add3A, %dma_start3A_1341, %dma_start3A_1342] : memref<200x4x32x8x128xf32, #tpu.memory_space<hbm>> -> memref<1x1x1x8x128xf32, #tpu.memory_space<hbm>>
      %dma_start3A_1344 = tpu.memref_squeeze %dma_start3A_1343 : memref<1x1x1x8x128xf32, #tpu.memory_space<hbm>> -> memref<8x128xf32, #tpu.memory_space<hbm>>
      %dma_start3A_1345 = arith.constant 56 : i32
      %dma_start3A_1346 = arith.constant 0 : i32
      %dma_start3A_1347 = tpu.memref_slice %arg18[%dma_start3A_1345, %dma_start3A_1346] : memref<64x129xf32, #tpu.memory_space<vmem>> -> memref<8x128xf32, #tpu.memory_space<vmem>>
      tpu.enqueue_dma source(%dma_start3A_1347 : memref<8x128xf32, #tpu.memory_space<vmem>>) target(%dma_start3A_1344 : memref<8x128xf32, #tpu.memory_space<hbm>>) target_semaphore(%arg34 : memref<!tpu.dma_semaphore, #tpu.memory_space<semaphore_mem>>)
      %mul3A_1348 = arith.constant 5 : i32
      %mul3A_1349 = arith.muli %scan3A_730, %mul3A_1348 : i32
      %add3A_1350 = arith.constant 3 : i32
      %add3A_1351 = arith.addi %mul3A_1349, %add3A_1350 : i32
      %add3A_1352 = arith.constant 5 : i32
      %add3A_1353 = arith.addi %add3A_1351, %add3A_1352 : i32
      %sub3A_1354 = arith.constant 1 : i32
      %sub3A_1355 = arith.subi %add3A_1353, %sub3A_1354 : i32
      %add3A_1356 = arith.constant 5 : i32
      %add3A_1357 = arith.addi %add3A_1351, %add3A_1356 : i32
      %sub3A_1358 = arith.constant 2 : i32
      %sub3A_1359 = arith.subi %add3A_1357, %sub3A_1358 : i32
      %lt3A_1360 = arith.constant 100 : i32
      %lt3A_1361 = arith.cmpi slt, %sub3A_1355, %lt3A_1360 : i32
      %convert_element_type3A_1362 = arith.extui %lt3A_1361 : i1 to i32
      %cond3A_1363 = arith.constant 0 : i32
      %cond3A_1364 = arith.cmpi ne, %convert_element_type3A_1362, %cond3A_1363 : i32
      scf.if %cond3A_1364 {
        %mul3A_1764 = arith.constant 256 : i32
        %mul3A_1765 = arith.muli %sub3A_1355, %mul3A_1764 : i32
        %add3A_1766 = arith.addi %mul3A_2, %mul3A_1765 : i32
        %dma_start3A_1767 = tpu.memref_slice %arg2[%add3A_1766] : memref<819200xi32, #tpu.memory_space<hbm>> -> memref<256xi32, #tpu.memory_space<hbm>>
        %dma_start3A_1768 = tpu.memref_slice %arg2[%add3A_1766] : memref<819200xi32, #tpu.memory_space<hbm>> -> memref<256xi32, #tpu.memory_space<hbm>>
        tpu.enqueue_dma source(%dma_start3A_1768 : memref<256xi32, #tpu.memory_space<hbm>>) target(%arg8 : memref<256xi32, #tpu.memory_space<vmem>>) target_semaphore(%arg24 : memref<!tpu.dma_semaphore, #tpu.memory_space<semaphore_mem>>)
      } else {
      }
      %lt3A_1365 = arith.constant 100 : i32
      %lt3A_1366 = arith.cmpi slt, %sub3A_1359, %lt3A_1365 : i32
      %convert_element_type3A_1367 = arith.extui %lt3A_1366 : i1 to i32
      %cond3A_1368 = arith.constant 0 : i32
      %cond3A_1369 = arith.cmpi ne, %convert_element_type3A_1367, %cond3A_1368 : i32
      scf.if %cond3A_1369 {
        %dma_wait3A_1764 = arith.constant 0 : i32
        %dma_wait3A_1765 = tpu.memref_slice %arg2[%dma_wait3A_1764] : memref<819200xi32, #tpu.memory_space<hbm>> -> memref<256xi32, #tpu.memory_space<hbm>>
        %dma_wait3A_1766 = arith.constant 0 : i32
        %dma_wait3A_1767 = tpu.memref_slice %arg2[%dma_wait3A_1766] : memref<819200xi32, #tpu.memory_space<hbm>> -> memref<256xi32, #tpu.memory_space<hbm>>
        tpu.wait_dma2 semaphore(%arg23 : memref<!tpu.dma_semaphore, #tpu.memory_space<semaphore_mem>>) src(%dma_wait3A_1767 : memref<256xi32, #tpu.memory_space<hbm>>) dst(%arg7 : memref<256xi32, #tpu.memory_space<vmem>>)
        %dma_start3A_1768 = arith.constant 0 : i32
        %dma_start3A_1769 = arith.constant 0 : i32
        %dma_start3A_1770 = tpu.memref_slice %arg3[%dma_start3A_1768, %dma_start3A_1769] : memref<100000x32xf32, #tpu.memory_space<hbm>> -> memref<100000x32xf32, #tpu.memory_space<hbm>>
        tpu.enqueue_indirect_dma source(%dma_start3A_1770 : memref<100000x32xf32, #tpu.memory_space<hbm>>) target(%arg12 : memref<256x32xf32, #tpu.memory_space<vmem>>) offsets(%arg7 : memref<256xi32, #tpu.memory_space<vmem>>) semaphore(%arg28 : memref<!tpu.dma_semaphore, #tpu.memory_space<semaphore_mem>>)
      } else {
      }
      %dma_wait3A_1370 = arith.constant 0 : i32
      %dma_wait3A_1371 = arith.constant 0 : i32
      %dma_wait3A_1372 = tpu.memref_slice %arg3[%dma_wait3A_1370, %dma_wait3A_1371] : memref<100000x32xf32, #tpu.memory_space<hbm>> -> memref<100000x32xf32, #tpu.memory_space<hbm>>
      tpu.wait_indirect_dma semaphore(%arg30 : memref<!tpu.dma_semaphore, #tpu.memory_space<semaphore_mem>>) src(%dma_wait3A_1372 : memref<100000x32xf32, #tpu.memory_space<hbm>>) dst(%arg14 : memref<256x32xf32, #tpu.memory_space<vmem>>)
      %ge3A_1373 = arith.constant 5 : i32
      %ge3A_1374 = arith.cmpi sge, %add3A_1351, %ge3A_1373 : i32
      %convert_element_type3A_1375 = arith.extui %ge3A_1374 : i1 to i32
      %cond3A_1376 = arith.constant 0 : i32
      %cond3A_1377 = arith.cmpi ne, %convert_element_type3A_1375, %cond3A_1376 : i32
      scf.if %cond3A_1377 {
        %dma_wait3A_1764 = arith.constant 0 : i32
        %dma_wait3A_1765 = arith.constant 0 : i32
        %dma_wait3A_1766 = arith.constant 0 : i32
        %dma_wait3A_1767 = arith.constant 0 : i32
        %dma_wait3A_1768 = arith.constant 0 : i32
        %dma_wait3A_1769 = tpu.memref_slice %arg19[%dma_wait3A_1767, %dma_wait3A_1768] : memref<64x129xf32, #tpu.memory_space<vmem>> -> memref<8x128xf32, #tpu.memory_space<vmem>>
        %dma_wait3A_1770 = arith.constant 0 : i32
        %dma_wait3A_1771 = arith.constant 0 : i32
        %dma_wait3A_1772 = tpu.memref_slice %arg5[%dma_wait3A_1764, %dma_wait3A_1765, %dma_wait3A_1766, %dma_wait3A_1770, %dma_wait3A_1771] : memref<200x4x32x8x128xf32, #tpu.memory_space<hbm>> -> memref<1x1x1x8x128xf32, #tpu.memory_space<hbm>>
        %dma_wait3A_1773 = tpu.memref_squeeze %dma_wait3A_1772 : memref<1x1x1x8x128xf32, #tpu.memory_space<hbm>> -> memref<8x128xf32, #tpu.memory_space<hbm>>
        %dma_wait3A_1774 = arith.constant 0 : i32
        %dma_wait3A_1775 = arith.constant 0 : i32
        %dma_wait3A_1776 = tpu.memref_slice %arg5[%dma_wait3A_1764, %dma_wait3A_1765, %dma_wait3A_1766, %dma_wait3A_1774, %dma_wait3A_1775] : memref<200x4x32x8x128xf32, #tpu.memory_space<hbm>> -> memref<1x1x1x8x128xf32, #tpu.memory_space<hbm>>
        %dma_wait3A_1777 = tpu.memref_squeeze %dma_wait3A_1776 : memref<1x1x1x8x128xf32, #tpu.memory_space<hbm>> -> memref<8x128xf32, #tpu.memory_space<hbm>>
        %dma_wait3A_1778 = arith.constant 0 : i32
        %dma_wait3A_1779 = arith.constant 0 : i32
        %dma_wait3A_1780 = tpu.memref_slice %arg19[%dma_wait3A_1778, %dma_wait3A_1779] : memref<64x129xf32, #tpu.memory_space<vmem>> -> memref<8x128xf32, #tpu.memory_space<vmem>>
        tpu.wait_dma2 semaphore(%arg35 : memref<!tpu.dma_semaphore, #tpu.memory_space<semaphore_mem>>) src(%dma_wait3A_1780 : memref<8x128xf32, #tpu.memory_space<vmem>>) dst(%dma_wait3A_1777 : memref<8x128xf32, #tpu.memory_space<hbm>>)
        %dma_wait3A_1781 = arith.constant 0 : i32
        %dma_wait3A_1782 = arith.constant 0 : i32
        %dma_wait3A_1783 = arith.constant 0 : i32
        %dma_wait3A_1784 = arith.constant 0 : i32
        %dma_wait3A_1785 = arith.constant 0 : i32
        %dma_wait3A_1786 = tpu.memref_slice %arg19[%dma_wait3A_1784, %dma_wait3A_1785] : memref<64x129xf32, #tpu.memory_space<vmem>> -> memref<8x128xf32, #tpu.memory_space<vmem>>
        %dma_wait3A_1787 = arith.constant 0 : i32
        %dma_wait3A_1788 = arith.constant 0 : i32
        %dma_wait3A_1789 = tpu.memref_slice %arg5[%dma_wait3A_1781, %dma_wait3A_1782, %dma_wait3A_1783, %dma_wait3A_1787, %dma_wait3A_1788] : memref<200x4x32x8x128xf32, #tpu.memory_space<hbm>> -> memref<1x1x1x8x128xf32, #tpu.memory_space<hbm>>
        %dma_wait3A_1790 = tpu.memref_squeeze %dma_wait3A_1789 : memref<1x1x1x8x128xf32, #tpu.memory_space<hbm>> -> memref<8x128xf32, #tpu.memory_space<hbm>>
        %dma_wait3A_1791 = arith.constant 0 : i32
        %dma_wait3A_1792 = arith.constant 0 : i32
        %dma_wait3A_1793 = tpu.memref_slice %arg5[%dma_wait3A_1781, %dma_wait3A_1782, %dma_wait3A_1783, %dma_wait3A_1791, %dma_wait3A_1792] : memref<200x4x32x8x128xf32, #tpu.memory_space<hbm>> -> memref<1x1x1x8x128xf32, #tpu.memory_space<hbm>>
        %dma_wait3A_1794 = tpu.memref_squeeze %dma_wait3A_1793 : memref<1x1x1x8x128xf32, #tpu.memory_space<hbm>> -> memref<8x128xf32, #tpu.memory_space<hbm>>
        %dma_wait3A_1795 = arith.constant 0 : i32
        %dma_wait3A_1796 = arith.constant 0 : i32
        %dma_wait3A_1797 = tpu.memref_slice %arg19[%dma_wait3A_1795, %dma_wait3A_1796] : memref<64x129xf32, #tpu.memory_space<vmem>> -> memref<8x128xf32, #tpu.memory_space<vmem>>
        tpu.wait_dma2 semaphore(%arg35 : memref<!tpu.dma_semaphore, #tpu.memory_space<semaphore_mem>>) src(%dma_wait3A_1797 : memref<8x128xf32, #tpu.memory_space<vmem>>) dst(%dma_wait3A_1794 : memref<8x128xf32, #tpu.memory_space<hbm>>)
        %dma_wait3A_1798 = arith.constant 0 : i32
        %dma_wait3A_1799 = arith.constant 0 : i32
        %dma_wait3A_1800 = arith.constant 0 : i32
        %dma_wait3A_1801 = arith.constant 0 : i32
        %dma_wait3A_1802 = arith.constant 0 : i32
        %dma_wait3A_1803 = tpu.memref_slice %arg19[%dma_wait3A_1801, %dma_wait3A_1802] : memref<64x129xf32, #tpu.memory_space<vmem>> -> memref<8x128xf32, #tpu.memory_space<vmem>>
        %dma_wait3A_1804 = arith.constant 0 : i32
        %dma_wait3A_1805 = arith.constant 0 : i32
        %dma_wait3A_1806 = tpu.memref_slice %arg5[%dma_wait3A_1798, %dma_wait3A_1799, %dma_wait3A_1800, %dma_wait3A_1804, %dma_wait3A_1805] : memref<200x4x32x8x128xf32, #tpu.memory_space<hbm>> -> memref<1x1x1x8x128xf32, #tpu.memory_space<hbm>>
        %dma_wait3A_1807 = tpu.memref_squeeze %dma_wait3A_1806 : memref<1x1x1x8x128xf32, #tpu.memory_space<hbm>> -> memref<8x128xf32, #tpu.memory_space<hbm>>
        %dma_wait3A_1808 = arith.constant 0 : i32
        %dma_wait3A_1809 = arith.constant 0 : i32
        %dma_wait3A_1810 = tpu.memref_slice %arg5[%dma_wait3A_1798, %dma_wait3A_1799, %dma_wait3A_1800, %dma_wait3A_1808, %dma_wait3A_1809] : memref<200x4x32x8x128xf32, #tpu.memory_space<hbm>> -> memref<1x1x1x8x128xf32, #tpu.memory_space<hbm>>
        %dma_wait3A_1811 = tpu.memref_squeeze %dma_wait3A_1810 : memref<1x1x1x8x128xf32, #tpu.memory_space<hbm>> -> memref<8x128xf32, #tpu.memory_space<hbm>>
        %dma_wait3A_1812 = arith.constant 0 : i32
        %dma_wait3A_1813 = arith.constant 0 : i32
        %dma_wait3A_1814 = tpu.memref_slice %arg19[%dma_wait3A_1812, %dma_wait3A_1813] : memref<64x129xf32, #tpu.memory_space<vmem>> -> memref<8x128xf32, #tpu.memory_space<vmem>>
        tpu.wait_dma2 semaphore(%arg35 : memref<!tpu.dma_semaphore, #tpu.memory_space<semaphore_mem>>) src(%dma_wait3A_1814 : memref<8x128xf32, #tpu.memory_space<vmem>>) dst(%dma_wait3A_1811 : memref<8x128xf32, #tpu.memory_space<hbm>>)
        %dma_wait3A_1815 = arith.constant 0 : i32
        %dma_wait3A_1816 = arith.constant 0 : i32
        %dma_wait3A_1817 = arith.constant 0 : i32
        %dma_wait3A_1818 = arith.constant 0 : i32
        %dma_wait3A_1819 = arith.constant 0 : i32
        %dma_wait3A_1820 = tpu.memref_slice %arg19[%dma_wait3A_1818, %dma_wait3A_1819] : memref<64x129xf32, #tpu.memory_space<vmem>> -> memref<8x128xf32, #tpu.memory_space<vmem>>
        %dma_wait3A_1821 = arith.constant 0 : i32
        %dma_wait3A_1822 = arith.constant 0 : i32
        %dma_wait3A_1823 = tpu.memref_slice %arg5[%dma_wait3A_1815, %dma_wait3A_1816, %dma_wait3A_1817, %dma_wait3A_1821, %dma_wait3A_1822] : memref<200x4x32x8x128xf32, #tpu.memory_space<hbm>> -> memref<1x1x1x8x128xf32, #tpu.memory_space<hbm>>
        %dma_wait3A_1824 = tpu.memref_squeeze %dma_wait3A_1823 : memref<1x1x1x8x128xf32, #tpu.memory_space<hbm>> -> memref<8x128xf32, #tpu.memory_space<hbm>>
        %dma_wait3A_1825 = arith.constant 0 : i32
        %dma_wait3A_1826 = arith.constant 0 : i32
        %dma_wait3A_1827 = tpu.memref_slice %arg5[%dma_wait3A_1815, %dma_wait3A_1816, %dma_wait3A_1817, %dma_wait3A_1825, %dma_wait3A_1826] : memref<200x4x32x8x128xf32, #tpu.memory_space<hbm>> -> memref<1x1x1x8x128xf32, #tpu.memory_space<hbm>>
        %dma_wait3A_1828 = tpu.memref_squeeze %dma_wait3A_1827 : memref<1x1x1x8x128xf32, #tpu.memory_space<hbm>> -> memref<8x128xf32, #tpu.memory_space<hbm>>
        %dma_wait3A_1829 = arith.constant 0 : i32
        %dma_wait3A_1830 = arith.constant 0 : i32
        %dma_wait3A_1831 = tpu.memref_slice %arg19[%dma_wait3A_1829, %dma_wait3A_1830] : memref<64x129xf32, #tpu.memory_space<vmem>> -> memref<8x128xf32, #tpu.memory_space<vmem>>
        tpu.wait_dma2 semaphore(%arg35 : memref<!tpu.dma_semaphore, #tpu.memory_space<semaphore_mem>>) src(%dma_wait3A_1831 : memref<8x128xf32, #tpu.memory_space<vmem>>) dst(%dma_wait3A_1828 : memref<8x128xf32, #tpu.memory_space<hbm>>)
        %dma_wait3A_1832 = arith.constant 0 : i32
        %dma_wait3A_1833 = arith.constant 0 : i32
        %dma_wait3A_1834 = arith.constant 0 : i32
        %dma_wait3A_1835 = arith.constant 0 : i32
        %dma_wait3A_1836 = arith.constant 0 : i32
        %dma_wait3A_1837 = tpu.memref_slice %arg19[%dma_wait3A_1835, %dma_wait3A_1836] : memref<64x129xf32, #tpu.memory_space<vmem>> -> memref<8x128xf32, #tpu.memory_space<vmem>>
        %dma_wait3A_1838 = arith.constant 0 : i32
        %dma_wait3A_1839 = arith.constant 0 : i32
        %dma_wait3A_1840 = tpu.memref_slice %arg5[%dma_wait3A_1832, %dma_wait3A_1833, %dma_wait3A_1834, %dma_wait3A_1838, %dma_wait3A_1839] : memref<200x4x32x8x128xf32, #tpu.memory_space<hbm>> -> memref<1x1x1x8x128xf32, #tpu.memory_space<hbm>>
        %dma_wait3A_1841 = tpu.memref_squeeze %dma_wait3A_1840 : memref<1x1x1x8x128xf32, #tpu.memory_space<hbm>> -> memref<8x128xf32, #tpu.memory_space<hbm>>
        %dma_wait3A_1842 = arith.constant 0 : i32
        %dma_wait3A_1843 = arith.constant 0 : i32
        %dma_wait3A_1844 = tpu.memref_slice %arg5[%dma_wait3A_1832, %dma_wait3A_1833, %dma_wait3A_1834, %dma_wait3A_1842, %dma_wait3A_1843] : memref<200x4x32x8x128xf32, #tpu.memory_space<hbm>> -> memref<1x1x1x8x128xf32, #tpu.memory_space<hbm>>
        %dma_wait3A_1845 = tpu.memref_squeeze %dma_wait3A_1844 : memref<1x1x1x8x128xf32, #tpu.memory_space<hbm>> -> memref<8x128xf32, #tpu.memory_space<hbm>>
        %dma_wait3A_1846 = arith.constant 0 : i32
        %dma_wait3A_1847 = arith.constant 0 : i32
        %dma_wait3A_1848 = tpu.memref_slice %arg19[%dma_wait3A_1846, %dma_wait3A_1847] : memref<64x129xf32, #tpu.memory_space<vmem>> -> memref<8x128xf32, #tpu.memory_space<vmem>>
        tpu.wait_dma2 semaphore(%arg35 : memref<!tpu.dma_semaphore, #tpu.memory_space<semaphore_mem>>) src(%dma_wait3A_1848 : memref<8x128xf32, #tpu.memory_space<vmem>>) dst(%dma_wait3A_1845 : memref<8x128xf32, #tpu.memory_space<hbm>>)
        %dma_wait3A_1849 = arith.constant 0 : i32
        %dma_wait3A_1850 = arith.constant 0 : i32
        %dma_wait3A_1851 = arith.constant 0 : i32
        %dma_wait3A_1852 = arith.constant 0 : i32
        %dma_wait3A_1853 = arith.constant 0 : i32
        %dma_wait3A_1854 = tpu.memref_slice %arg19[%dma_wait3A_1852, %dma_wait3A_1853] : memref<64x129xf32, #tpu.memory_space<vmem>> -> memref<8x128xf32, #tpu.memory_space<vmem>>
        %dma_wait3A_1855 = arith.constant 0 : i32
        %dma_wait3A_1856 = arith.constant 0 : i32
        %dma_wait3A_1857 = tpu.memref_slice %arg5[%dma_wait3A_1849, %dma_wait3A_1850, %dma_wait3A_1851, %dma_wait3A_1855, %dma_wait3A_1856] : memref<200x4x32x8x128xf32, #tpu.memory_space<hbm>> -> memref<1x1x1x8x128xf32, #tpu.memory_space<hbm>>
        %dma_wait3A_1858 = tpu.memref_squeeze %dma_wait3A_1857 : memref<1x1x1x8x128xf32, #tpu.memory_space<hbm>> -> memref<8x128xf32, #tpu.memory_space<hbm>>
        %dma_wait3A_1859 = arith.constant 0 : i32
        %dma_wait3A_1860 = arith.constant 0 : i32
        %dma_wait3A_1861 = tpu.memref_slice %arg5[%dma_wait3A_1849, %dma_wait3A_1850, %dma_wait3A_1851, %dma_wait3A_1859, %dma_wait3A_1860] : memref<200x4x32x8x128xf32, #tpu.memory_space<hbm>> -> memref<1x1x1x8x128xf32, #tpu.memory_space<hbm>>
        %dma_wait3A_1862 = tpu.memref_squeeze %dma_wait3A_1861 : memref<1x1x1x8x128xf32, #tpu.memory_space<hbm>> -> memref<8x128xf32, #tpu.memory_space<hbm>>
        %dma_wait3A_1863 = arith.constant 0 : i32
        %dma_wait3A_1864 = arith.constant 0 : i32
        %dma_wait3A_1865 = tpu.memref_slice %arg19[%dma_wait3A_1863, %dma_wait3A_1864] : memref<64x129xf32, #tpu.memory_space<vmem>> -> memref<8x128xf32, #tpu.memory_space<vmem>>
        tpu.wait_dma2 semaphore(%arg35 : memref<!tpu.dma_semaphore, #tpu.memory_space<semaphore_mem>>) src(%dma_wait3A_1865 : memref<8x128xf32, #tpu.memory_space<vmem>>) dst(%dma_wait3A_1862 : memref<8x128xf32, #tpu.memory_space<hbm>>)
        %dma_wait3A_1866 = arith.constant 0 : i32
        %dma_wait3A_1867 = arith.constant 0 : i32
        %dma_wait3A_1868 = arith.constant 0 : i32
        %dma_wait3A_1869 = arith.constant 0 : i32
        %dma_wait3A_1870 = arith.constant 0 : i32
        %dma_wait3A_1871 = tpu.memref_slice %arg19[%dma_wait3A_1869, %dma_wait3A_1870] : memref<64x129xf32, #tpu.memory_space<vmem>> -> memref<8x128xf32, #tpu.memory_space<vmem>>
        %dma_wait3A_1872 = arith.constant 0 : i32
        %dma_wait3A_1873 = arith.constant 0 : i32
        %dma_wait3A_1874 = tpu.memref_slice %arg5[%dma_wait3A_1866, %dma_wait3A_1867, %dma_wait3A_1868, %dma_wait3A_1872, %dma_wait3A_1873] : memref<200x4x32x8x128xf32, #tpu.memory_space<hbm>> -> memref<1x1x1x8x128xf32, #tpu.memory_space<hbm>>
        %dma_wait3A_1875 = tpu.memref_squeeze %dma_wait3A_1874 : memref<1x1x1x8x128xf32, #tpu.memory_space<hbm>> -> memref<8x128xf32, #tpu.memory_space<hbm>>
        %dma_wait3A_1876 = arith.constant 0 : i32
        %dma_wait3A_1877 = arith.constant 0 : i32
        %dma_wait3A_1878 = tpu.memref_slice %arg5[%dma_wait3A_1866, %dma_wait3A_1867, %dma_wait3A_1868, %dma_wait3A_1876, %dma_wait3A_1877] : memref<200x4x32x8x128xf32, #tpu.memory_space<hbm>> -> memref<1x1x1x8x128xf32, #tpu.memory_space<hbm>>
        %dma_wait3A_1879 = tpu.memref_squeeze %dma_wait3A_1878 : memref<1x1x1x8x128xf32, #tpu.memory_space<hbm>> -> memref<8x128xf32, #tpu.memory_space<hbm>>
        %dma_wait3A_1880 = arith.constant 0 : i32
        %dma_wait3A_1881 = arith.constant 0 : i32
        %dma_wait3A_1882 = tpu.memref_slice %arg19[%dma_wait3A_1880, %dma_wait3A_1881] : memref<64x129xf32, #tpu.memory_space<vmem>> -> memref<8x128xf32, #tpu.memory_space<vmem>>
        tpu.wait_dma2 semaphore(%arg35 : memref<!tpu.dma_semaphore, #tpu.memory_space<semaphore_mem>>) src(%dma_wait3A_1882 : memref<8x128xf32, #tpu.memory_space<vmem>>) dst(%dma_wait3A_1879 : memref<8x128xf32, #tpu.memory_space<hbm>>)
        %dma_wait3A_1883 = arith.constant 0 : i32
        %dma_wait3A_1884 = arith.constant 0 : i32
        %dma_wait3A_1885 = arith.constant 0 : i32
        %dma_wait3A_1886 = arith.constant 0 : i32
        %dma_wait3A_1887 = arith.constant 0 : i32
        %dma_wait3A_1888 = tpu.memref_slice %arg19[%dma_wait3A_1886, %dma_wait3A_1887] : memref<64x129xf32, #tpu.memory_space<vmem>> -> memref<8x128xf32, #tpu.memory_space<vmem>>
        %dma_wait3A_1889 = arith.constant 0 : i32
        %dma_wait3A_1890 = arith.constant 0 : i32
        %dma_wait3A_1891 = tpu.memref_slice %arg5[%dma_wait3A_1883, %dma_wait3A_1884, %dma_wait3A_1885, %dma_wait3A_1889, %dma_wait3A_1890] : memref<200x4x32x8x128xf32, #tpu.memory_space<hbm>> -> memref<1x1x1x8x128xf32, #tpu.memory_space<hbm>>
        %dma_wait3A_1892 = tpu.memref_squeeze %dma_wait3A_1891 : memref<1x1x1x8x128xf32, #tpu.memory_space<hbm>> -> memref<8x128xf32, #tpu.memory_space<hbm>>
        %dma_wait3A_1893 = arith.constant 0 : i32
        %dma_wait3A_1894 = arith.constant 0 : i32
        %dma_wait3A_1895 = tpu.memref_slice %arg5[%dma_wait3A_1883, %dma_wait3A_1884, %dma_wait3A_1885, %dma_wait3A_1893, %dma_wait3A_1894] : memref<200x4x32x8x128xf32, #tpu.memory_space<hbm>> -> memref<1x1x1x8x128xf32, #tpu.memory_space<hbm>>
        %dma_wait3A_1896 = tpu.memref_squeeze %dma_wait3A_1895 : memref<1x1x1x8x128xf32, #tpu.memory_space<hbm>> -> memref<8x128xf32, #tpu.memory_space<hbm>>
        %dma_wait3A_1897 = arith.constant 0 : i32
        %dma_wait3A_1898 = arith.constant 0 : i32
        %dma_wait3A_1899 = tpu.memref_slice %arg19[%dma_wait3A_1897, %dma_wait3A_1898] : memref<64x129xf32, #tpu.memory_space<vmem>> -> memref<8x128xf32, #tpu.memory_space<vmem>>
        tpu.wait_dma2 semaphore(%arg35 : memref<!tpu.dma_semaphore, #tpu.memory_space<semaphore_mem>>) src(%dma_wait3A_1899 : memref<8x128xf32, #tpu.memory_space<vmem>>) dst(%dma_wait3A_1896 : memref<8x128xf32, #tpu.memory_space<hbm>>)
      } else {
      }
      %mul3A_1378 = arith.constant 2 : i32
      %mul3A_1379 = arith.muli %add3A_1351, %mul3A_1378 : i32
      %add3A_1380 = arith.constant 0 : i32
      %add3A_1381 = arith.addi %mul3A_1379, %add3A_1380 : i32
      %get3A_1382 = arith.index_cast %add3A_1381 : i32 to index
      %get3A_1383 = arith.constant 0 : index
      %get3A_1384 = tpu.vector_load %arg21[%get3A_1382, %get3A_1383] {strides = array<i32>} : memref<200x32xf32, #tpu.memory_space<vmem>>, vector<16xf32>,
      %add3A_1385 = arith.constant 0 : i32
      %add3A_1386 = arith.addi %mul3A_1379, %add3A_1385 : i32
      %get3A_1387 = arith.index_cast %add3A_1386 : i32 to index
      %get3A_1388 = arith.constant 16 : index
      %get3A_1389 = tpu.vector_load %arg21[%get3A_1387, %get3A_1388] {strides = array<i32>} : memref<200x32xf32, #tpu.memory_space<vmem>>, vector<16xf32>,
      %add3A_1390 = arith.constant 0 : i32
      %add3A_1391 = vector.broadcast %add3A_1390 : i32 to vector<16xi32>
      %add3A_1392 = arith.addi %add3A_10, %add3A_1391 : vector<16xi32>
      %add3A_1393 = arith.constant 16 : i32
      %add3A_1394 = vector.broadcast %add3A_1393 : i32 to vector<16xi32>
      %add3A_1395 = arith.addi %add3A_1392, %add3A_1394 : vector<16xi32>
      %parallel_loop3A_1396 = arith.constant 0 : i32
      %parallel_loop3A_1397 = arith.constant 128 : i32
      %parallel_loop3A_1398 = arith.constant 1 : i32
      scf.for %parallel_loop3A_1764 = %parallel_loop3A_1396 to %parallel_loop3A_1397 step %parallel_loop3A_1398  : i32 {
        %parallel_loop3A_1765 = arith.constant 0 : i32
        %parallel_loop3A_1766 = arith.addi %parallel_loop3A_1765, %parallel_loop3A_1764 : i32
        %parallel_loop3A_1767 = vector.broadcast %parallel_loop3A_1764 : i32 to vector<16xi32>
        %parallel_loop3A_1768 = arith.index_cast %parallel_loop3A_1766 : i32 to index
        %parallel_loop3A_1769 = arith.constant 0 : index
        %parallel_loop3A_1770 = tpu.vector_load %arg14[%parallel_loop3A_1768, %parallel_loop3A_1769] {strides = array<i32>} : memref<256x32xf32, #tpu.memory_space<vmem>>, vector<16xf32>,
        %parallel_loop3A_1771 = arith.addf %parallel_loop3A_1770, %get3A_1384 : vector<16xf32>
        %parallel_loop3A_1772 = arith.index_cast %parallel_loop3A_1766 : i32 to index
        %parallel_loop3A_1773 = arith.constant 16 : index
        %parallel_loop3A_1774 = tpu.vector_load %arg14[%parallel_loop3A_1772, %parallel_loop3A_1773] {strides = array<i32>} : memref<256x32xf32, #tpu.memory_space<vmem>>, vector<16xf32>,
        %parallel_loop3A_1775 = arith.addf %parallel_loop3A_1774, %get3A_1389 : vector<16xf32>
        tpu.vector_store_idx %arg19[%add3A_1392, %parallel_loop3A_1767], %parallel_loop3A_1771 : memref<64x129xf32, #tpu.memory_space<vmem>>[vector<16xi32>, vector<16xi32>], vector<16xf32>,
        tpu.vector_store_idx %arg19[%add3A_1395, %parallel_loop3A_1767], %parallel_loop3A_1775 : memref<64x129xf32, #tpu.memory_space<vmem>>[vector<16xi32>, vector<16xi32>], vector<16xf32>,
      } {sc.loop_unroll_factor = 4 : i64, sc.parallel_access}
      %add3A_1399 = arith.constant 1 : i32
      %add3A_1400 = arith.addi %mul3A_1379, %add3A_1399 : i32
      %get3A_1401 = arith.index_cast %add3A_1400 : i32 to index
      %get3A_1402 = arith.constant 0 : index
      %get3A_1403 = tpu.vector_load %arg21[%get3A_1401, %get3A_1402] {strides = array<i32>} : memref<200x32xf32, #tpu.memory_space<vmem>>, vector<16xf32>,
      %add3A_1404 = arith.constant 1 : i32
      %add3A_1405 = arith.addi %mul3A_1379, %add3A_1404 : i32
      %get3A_1406 = arith.index_cast %add3A_1405 : i32 to index
      %get3A_1407 = arith.constant 16 : index
      %get3A_1408 = tpu.vector_load %arg21[%get3A_1406, %get3A_1407] {strides = array<i32>} : memref<200x32xf32, #tpu.memory_space<vmem>>, vector<16xf32>,
      %add3A_1409 = arith.constant 32 : i32
      %add3A_1410 = vector.broadcast %add3A_1409 : i32 to vector<16xi32>
      %add3A_1411 = arith.addi %add3A_10, %add3A_1410 : vector<16xi32>
      %add3A_1412 = arith.constant 16 : i32
      %add3A_1413 = vector.broadcast %add3A_1412 : i32 to vector<16xi32>
      %add3A_1414 = arith.addi %add3A_1411, %add3A_1413 : vector<16xi32>
      %parallel_loop3A_1415 = arith.constant 0 : i32
      %parallel_loop3A_1416 = arith.constant 128 : i32
      %parallel_loop3A_1417 = arith.constant 1 : i32
      scf.for %parallel_loop3A_1764 = %parallel_loop3A_1415 to %parallel_loop3A_1416 step %parallel_loop3A_1417  : i32 {
        %parallel_loop3A_1765 = arith.constant 128 : i32
        %parallel_loop3A_1766 = arith.addi %parallel_loop3A_1765, %parallel_loop3A_1764 : i32
        %parallel_loop3A_1767 = vector.broadcast %parallel_loop3A_1764 : i32 to vector<16xi32>
        %parallel_loop3A_1768 = arith.index_cast %parallel_loop3A_1766 : i32 to index
        %parallel_loop3A_1769 = arith.constant 0 : index
        %parallel_loop3A_1770 = tpu.vector_load %arg14[%parallel_loop3A_1768, %parallel_loop3A_1769] {strides = array<i32>} : memref<256x32xf32, #tpu.memory_space<vmem>>, vector<16xf32>,
        %parallel_loop3A_1771 = arith.addf %parallel_loop3A_1770, %get3A_1403 : vector<16xf32>
        %parallel_loop3A_1772 = arith.index_cast %parallel_loop3A_1766 : i32 to index
        %parallel_loop3A_1773 = arith.constant 16 : index
        %parallel_loop3A_1774 = tpu.vector_load %arg14[%parallel_loop3A_1772, %parallel_loop3A_1773] {strides = array<i32>} : memref<256x32xf32, #tpu.memory_space<vmem>>, vector<16xf32>,
        %parallel_loop3A_1775 = arith.addf %parallel_loop3A_1774, %get3A_1408 : vector<16xf32>
        tpu.vector_store_idx %arg19[%add3A_1411, %parallel_loop3A_1767], %parallel_loop3A_1771 : memref<64x129xf32, #tpu.memory_space<vmem>>[vector<16xi32>, vector<16xi32>], vector<16xf32>,
        tpu.vector_store_idx %arg19[%add3A_1414, %parallel_loop3A_1767], %parallel_loop3A_1775 : memref<64x129xf32, #tpu.memory_space<vmem>>[vector<16xi32>, vector<16xi32>], vector<16xf32>,
      } {sc.loop_unroll_factor = 4 : i64, sc.parallel_access}
      %mul3A_1418 = arith.constant 2 : i32
      %mul3A_1419 = arith.muli %add3A_1351, %mul3A_1418 : i32
      %add3A_1420 = arith.constant 0 : i32
      %add3A_1421 = arith.addi %mul3A_1419, %add3A_1420 : i32
      %dma_start3A_1422 = arith.constant 0 : i32
      %dma_start3A_1423 = arith.constant 0 : i32
      %dma_start3A_1424 = arith.constant 0 : i32
      %dma_start3A_1425 = tpu.memref_slice %arg19[%dma_start3A_1423, %dma_start3A_1424] : memref<64x129xf32, #tpu.memory_space<vmem>> -> memref<8x128xf32, #tpu.memory_space<vmem>>
      %dma_start3A_1426 = arith.constant 0 : i32
      %dma_start3A_1427 = arith.constant 0 : i32
      %dma_start3A_1428 = tpu.memref_slice %arg5[%add3A_1421, %dma_start3A_1422, %add3A, %dma_start3A_1426, %dma_start3A_1427] : memref<200x4x32x8x128xf32, #tpu.memory_space<hbm>> -> memref<1x1x1x8x128xf32, #tpu.memory_space<hbm>>
      %dma_start3A_1429 = tpu.memref_squeeze %dma_start3A_1428 : memref<1x1x1x8x128xf32, #tpu.memory_space<hbm>> -> memref<8x128xf32, #tpu.memory_space<hbm>>
      %dma_start3A_1430 = arith.constant 0 : i32
      %dma_start3A_1431 = arith.constant 0 : i32
      %dma_start3A_1432 = tpu.memref_slice %arg5[%add3A_1421, %dma_start3A_1422, %add3A, %dma_start3A_1430, %dma_start3A_1431] : memref<200x4x32x8x128xf32, #tpu.memory_space<hbm>> -> memref<1x1x1x8x128xf32, #tpu.memory_space<hbm>>
      %dma_start3A_1433 = tpu.memref_squeeze %dma_start3A_1432 : memref<1x1x1x8x128xf32, #tpu.memory_space<hbm>> -> memref<8x128xf32, #tpu.memory_space<hbm>>
      %dma_start3A_1434 = arith.constant 0 : i32
      %dma_start3A_1435 = arith.constant 0 : i32
      %dma_start3A_1436 = tpu.memref_slice %arg19[%dma_start3A_1434, %dma_start3A_1435] : memref<64x129xf32, #tpu.memory_space<vmem>> -> memref<8x128xf32, #tpu.memory_space<vmem>>
      tpu.enqueue_dma source(%dma_start3A_1436 : memref<8x128xf32, #tpu.memory_space<vmem>>) target(%dma_start3A_1433 : memref<8x128xf32, #tpu.memory_space<hbm>>) target_semaphore(%arg35 : memref<!tpu.dma_semaphore, #tpu.memory_space<semaphore_mem>>)
      %add3A_1437 = arith.constant 0 : i32
      %add3A_1438 = arith.addi %mul3A_1419, %add3A_1437 : i32
      %dma_start3A_1439 = arith.constant 1 : i32
      %dma_start3A_1440 = arith.constant 8 : i32
      %dma_start3A_1441 = arith.constant 0 : i32
      %dma_start3A_1442 = tpu.memref_slice %arg19[%dma_start3A_1440, %dma_start3A_1441] : memref<64x129xf32, #tpu.memory_space<vmem>> -> memref<8x128xf32, #tpu.memory_space<vmem>>
      %dma_start3A_1443 = arith.constant 0 : i32
      %dma_start3A_1444 = arith.constant 0 : i32
      %dma_start3A_1445 = tpu.memref_slice %arg5[%add3A_1438, %dma_start3A_1439, %add3A, %dma_start3A_1443, %dma_start3A_1444] : memref<200x4x32x8x128xf32, #tpu.memory_space<hbm>> -> memref<1x1x1x8x128xf32, #tpu.memory_space<hbm>>
      %dma_start3A_1446 = tpu.memref_squeeze %dma_start3A_1445 : memref<1x1x1x8x128xf32, #tpu.memory_space<hbm>> -> memref<8x128xf32, #tpu.memory_space<hbm>>
      %dma_start3A_1447 = arith.constant 0 : i32
      %dma_start3A_1448 = arith.constant 0 : i32
      %dma_start3A_1449 = tpu.memref_slice %arg5[%add3A_1438, %dma_start3A_1439, %add3A, %dma_start3A_1447, %dma_start3A_1448] : memref<200x4x32x8x128xf32, #tpu.memory_space<hbm>> -> memref<1x1x1x8x128xf32, #tpu.memory_space<hbm>>
      %dma_start3A_1450 = tpu.memref_squeeze %dma_start3A_1449 : memref<1x1x1x8x128xf32, #tpu.memory_space<hbm>> -> memref<8x128xf32, #tpu.memory_space<hbm>>
      %dma_start3A_1451 = arith.constant 8 : i32
      %dma_start3A_1452 = arith.constant 0 : i32
      %dma_start3A_1453 = tpu.memref_slice %arg19[%dma_start3A_1451, %dma_start3A_1452] : memref<64x129xf32, #tpu.memory_space<vmem>> -> memref<8x128xf32, #tpu.memory_space<vmem>>
      tpu.enqueue_dma source(%dma_start3A_1453 : memref<8x128xf32, #tpu.memory_space<vmem>>) target(%dma_start3A_1450 : memref<8x128xf32, #tpu.memory_space<hbm>>) target_semaphore(%arg35 : memref<!tpu.dma_semaphore, #tpu.memory_space<semaphore_mem>>)
      %add3A_1454 = arith.constant 0 : i32
      %add3A_1455 = arith.addi %mul3A_1419, %add3A_1454 : i32
      %dma_start3A_1456 = arith.constant 2 : i32
      %dma_start3A_1457 = arith.constant 16 : i32
      %dma_start3A_1458 = arith.constant 0 : i32
      %dma_start3A_1459 = tpu.memref_slice %arg19[%dma_start3A_1457, %dma_start3A_1458] : memref<64x129xf32, #tpu.memory_space<vmem>> -> memref<8x128xf32, #tpu.memory_space<vmem>>
      %dma_start3A_1460 = arith.constant 0 : i32
      %dma_start3A_1461 = arith.constant 0 : i32
      %dma_start3A_1462 = tpu.memref_slice %arg5[%add3A_1455, %dma_start3A_1456, %add3A, %dma_start3A_1460, %dma_start3A_1461] : memref<200x4x32x8x128xf32, #tpu.memory_space<hbm>> -> memref<1x1x1x8x128xf32, #tpu.memory_space<hbm>>
      %dma_start3A_1463 = tpu.memref_squeeze %dma_start3A_1462 : memref<1x1x1x8x128xf32, #tpu.memory_space<hbm>> -> memref<8x128xf32, #tpu.memory_space<hbm>>
      %dma_start3A_1464 = arith.constant 0 : i32
      %dma_start3A_1465 = arith.constant 0 : i32
      %dma_start3A_1466 = tpu.memref_slice %arg5[%add3A_1455, %dma_start3A_1456, %add3A, %dma_start3A_1464, %dma_start3A_1465] : memref<200x4x32x8x128xf32, #tpu.memory_space<hbm>> -> memref<1x1x1x8x128xf32, #tpu.memory_space<hbm>>
      %dma_start3A_1467 = tpu.memref_squeeze %dma_start3A_1466 : memref<1x1x1x8x128xf32, #tpu.memory_space<hbm>> -> memref<8x128xf32, #tpu.memory_space<hbm>>
      %dma_start3A_1468 = arith.constant 16 : i32
      %dma_start3A_1469 = arith.constant 0 : i32
      %dma_start3A_1470 = tpu.memref_slice %arg19[%dma_start3A_1468, %dma_start3A_1469] : memref<64x129xf32, #tpu.memory_space<vmem>> -> memref<8x128xf32, #tpu.memory_space<vmem>>
      tpu.enqueue_dma source(%dma_start3A_1470 : memref<8x128xf32, #tpu.memory_space<vmem>>) target(%dma_start3A_1467 : memref<8x128xf32, #tpu.memory_space<hbm>>) target_semaphore(%arg35 : memref<!tpu.dma_semaphore, #tpu.memory_space<semaphore_mem>>)
      %add3A_1471 = arith.constant 0 : i32
      %add3A_1472 = arith.addi %mul3A_1419, %add3A_1471 : i32
      %dma_start3A_1473 = arith.constant 3 : i32
      %dma_start3A_1474 = arith.constant 24 : i32
      %dma_start3A_1475 = arith.constant 0 : i32
      %dma_start3A_1476 = tpu.memref_slice %arg19[%dma_start3A_1474, %dma_start3A_1475] : memref<64x129xf32, #tpu.memory_space<vmem>> -> memref<8x128xf32, #tpu.memory_space<vmem>>
      %dma_start3A_1477 = arith.constant 0 : i32
      %dma_start3A_1478 = arith.constant 0 : i32
      %dma_start3A_1479 = tpu.memref_slice %arg5[%add3A_1472, %dma_start3A_1473, %add3A, %dma_start3A_1477, %dma_start3A_1478] : memref<200x4x32x8x128xf32, #tpu.memory_space<hbm>> -> memref<1x1x1x8x128xf32, #tpu.memory_space<hbm>>
      %dma_start3A_1480 = tpu.memref_squeeze %dma_start3A_1479 : memref<1x1x1x8x128xf32, #tpu.memory_space<hbm>> -> memref<8x128xf32, #tpu.memory_space<hbm>>
      %dma_start3A_1481 = arith.constant 0 : i32
      %dma_start3A_1482 = arith.constant 0 : i32
      %dma_start3A_1483 = tpu.memref_slice %arg5[%add3A_1472, %dma_start3A_1473, %add3A, %dma_start3A_1481, %dma_start3A_1482] : memref<200x4x32x8x128xf32, #tpu.memory_space<hbm>> -> memref<1x1x1x8x128xf32, #tpu.memory_space<hbm>>
      %dma_start3A_1484 = tpu.memref_squeeze %dma_start3A_1483 : memref<1x1x1x8x128xf32, #tpu.memory_space<hbm>> -> memref<8x128xf32, #tpu.memory_space<hbm>>
      %dma_start3A_1485 = arith.constant 24 : i32
      %dma_start3A_1486 = arith.constant 0 : i32
      %dma_start3A_1487 = tpu.memref_slice %arg19[%dma_start3A_1485, %dma_start3A_1486] : memref<64x129xf32, #tpu.memory_space<vmem>> -> memref<8x128xf32, #tpu.memory_space<vmem>>
      tpu.enqueue_dma source(%dma_start3A_1487 : memref<8x128xf32, #tpu.memory_space<vmem>>) target(%dma_start3A_1484 : memref<8x128xf32, #tpu.memory_space<hbm>>) target_semaphore(%arg35 : memref<!tpu.dma_semaphore, #tpu.memory_space<semaphore_mem>>)
      %add3A_1488 = arith.constant 1 : i32
      %add3A_1489 = arith.addi %mul3A_1419, %add3A_1488 : i32
      %dma_start3A_1490 = arith.constant 0 : i32
      %dma_start3A_1491 = arith.constant 32 : i32
      %dma_start3A_1492 = arith.constant 0 : i32
      %dma_start3A_1493 = tpu.memref_slice %arg19[%dma_start3A_1491, %dma_start3A_1492] : memref<64x129xf32, #tpu.memory_space<vmem>> -> memref<8x128xf32, #tpu.memory_space<vmem>>
      %dma_start3A_1494 = arith.constant 0 : i32
      %dma_start3A_1495 = arith.constant 0 : i32
      %dma_start3A_1496 = tpu.memref_slice %arg5[%add3A_1489, %dma_start3A_1490, %add3A, %dma_start3A_1494, %dma_start3A_1495] : memref<200x4x32x8x128xf32, #tpu.memory_space<hbm>> -> memref<1x1x1x8x128xf32, #tpu.memory_space<hbm>>
      %dma_start3A_1497 = tpu.memref_squeeze %dma_start3A_1496 : memref<1x1x1x8x128xf32, #tpu.memory_space<hbm>> -> memref<8x128xf32, #tpu.memory_space<hbm>>
      %dma_start3A_1498 = arith.constant 0 : i32
      %dma_start3A_1499 = arith.constant 0 : i32
      %dma_start3A_1500 = tpu.memref_slice %arg5[%add3A_1489, %dma_start3A_1490, %add3A, %dma_start3A_1498, %dma_start3A_1499] : memref<200x4x32x8x128xf32, #tpu.memory_space<hbm>> -> memref<1x1x1x8x128xf32, #tpu.memory_space<hbm>>
      %dma_start3A_1501 = tpu.memref_squeeze %dma_start3A_1500 : memref<1x1x1x8x128xf32, #tpu.memory_space<hbm>> -> memref<8x128xf32, #tpu.memory_space<hbm>>
      %dma_start3A_1502 = arith.constant 32 : i32
      %dma_start3A_1503 = arith.constant 0 : i32
      %dma_start3A_1504 = tpu.memref_slice %arg19[%dma_start3A_1502, %dma_start3A_1503] : memref<64x129xf32, #tpu.memory_space<vmem>> -> memref<8x128xf32, #tpu.memory_space<vmem>>
      tpu.enqueue_dma source(%dma_start3A_1504 : memref<8x128xf32, #tpu.memory_space<vmem>>) target(%dma_start3A_1501 : memref<8x128xf32, #tpu.memory_space<hbm>>) target_semaphore(%arg35 : memref<!tpu.dma_semaphore, #tpu.memory_space<semaphore_mem>>)
      %add3A_1505 = arith.constant 1 : i32
      %add3A_1506 = arith.addi %mul3A_1419, %add3A_1505 : i32
      %dma_start3A_1507 = arith.constant 1 : i32
      %dma_start3A_1508 = arith.constant 40 : i32
      %dma_start3A_1509 = arith.constant 0 : i32
      %dma_start3A_1510 = tpu.memref_slice %arg19[%dma_start3A_1508, %dma_start3A_1509] : memref<64x129xf32, #tpu.memory_space<vmem>> -> memref<8x128xf32, #tpu.memory_space<vmem>>
      %dma_start3A_1511 = arith.constant 0 : i32
      %dma_start3A_1512 = arith.constant 0 : i32
      %dma_start3A_1513 = tpu.memref_slice %arg5[%add3A_1506, %dma_start3A_1507, %add3A, %dma_start3A_1511, %dma_start3A_1512] : memref<200x4x32x8x128xf32, #tpu.memory_space<hbm>> -> memref<1x1x1x8x128xf32, #tpu.memory_space<hbm>>
      %dma_start3A_1514 = tpu.memref_squeeze %dma_start3A_1513 : memref<1x1x1x8x128xf32, #tpu.memory_space<hbm>> -> memref<8x128xf32, #tpu.memory_space<hbm>>
      %dma_start3A_1515 = arith.constant 0 : i32
      %dma_start3A_1516 = arith.constant 0 : i32
      %dma_start3A_1517 = tpu.memref_slice %arg5[%add3A_1506, %dma_start3A_1507, %add3A, %dma_start3A_1515, %dma_start3A_1516] : memref<200x4x32x8x128xf32, #tpu.memory_space<hbm>> -> memref<1x1x1x8x128xf32, #tpu.memory_space<hbm>>
      %dma_start3A_1518 = tpu.memref_squeeze %dma_start3A_1517 : memref<1x1x1x8x128xf32, #tpu.memory_space<hbm>> -> memref<8x128xf32, #tpu.memory_space<hbm>>
      %dma_start3A_1519 = arith.constant 40 : i32
      %dma_start3A_1520 = arith.constant 0 : i32
      %dma_start3A_1521 = tpu.memref_slice %arg19[%dma_start3A_1519, %dma_start3A_1520] : memref<64x129xf32, #tpu.memory_space<vmem>> -> memref<8x128xf32, #tpu.memory_space<vmem>>
      tpu.enqueue_dma source(%dma_start3A_1521 : memref<8x128xf32, #tpu.memory_space<vmem>>) target(%dma_start3A_1518 : memref<8x128xf32, #tpu.memory_space<hbm>>) target_semaphore(%arg35 : memref<!tpu.dma_semaphore, #tpu.memory_space<semaphore_mem>>)
      %add3A_1522 = arith.constant 1 : i32
      %add3A_1523 = arith.addi %mul3A_1419, %add3A_1522 : i32
      %dma_start3A_1524 = arith.constant 2 : i32
      %dma_start3A_1525 = arith.constant 48 : i32
      %dma_start3A_1526 = arith.constant 0 : i32
      %dma_start3A_1527 = tpu.memref_slice %arg19[%dma_start3A_1525, %dma_start3A_1526] : memref<64x129xf32, #tpu.memory_space<vmem>> -> memref<8x128xf32, #tpu.memory_space<vmem>>
      %dma_start3A_1528 = arith.constant 0 : i32
      %dma_start3A_1529 = arith.constant 0 : i32
      %dma_start3A_1530 = tpu.memref_slice %arg5[%add3A_1523, %dma_start3A_1524, %add3A, %dma_start3A_1528, %dma_start3A_1529] : memref<200x4x32x8x128xf32, #tpu.memory_space<hbm>> -> memref<1x1x1x8x128xf32, #tpu.memory_space<hbm>>
      %dma_start3A_1531 = tpu.memref_squeeze %dma_start3A_1530 : memref<1x1x1x8x128xf32, #tpu.memory_space<hbm>> -> memref<8x128xf32, #tpu.memory_space<hbm>>
      %dma_start3A_1532 = arith.constant 0 : i32
      %dma_start3A_1533 = arith.constant 0 : i32
      %dma_start3A_1534 = tpu.memref_slice %arg5[%add3A_1523, %dma_start3A_1524, %add3A, %dma_start3A_1532, %dma_start3A_1533] : memref<200x4x32x8x128xf32, #tpu.memory_space<hbm>> -> memref<1x1x1x8x128xf32, #tpu.memory_space<hbm>>
      %dma_start3A_1535 = tpu.memref_squeeze %dma_start3A_1534 : memref<1x1x1x8x128xf32, #tpu.memory_space<hbm>> -> memref<8x128xf32, #tpu.memory_space<hbm>>
      %dma_start3A_1536 = arith.constant 48 : i32
      %dma_start3A_1537 = arith.constant 0 : i32
      %dma_start3A_1538 = tpu.memref_slice %arg19[%dma_start3A_1536, %dma_start3A_1537] : memref<64x129xf32, #tpu.memory_space<vmem>> -> memref<8x128xf32, #tpu.memory_space<vmem>>
      tpu.enqueue_dma source(%dma_start3A_1538 : memref<8x128xf32, #tpu.memory_space<vmem>>) target(%dma_start3A_1535 : memref<8x128xf32, #tpu.memory_space<hbm>>) target_semaphore(%arg35 : memref<!tpu.dma_semaphore, #tpu.memory_space<semaphore_mem>>)
      %add3A_1539 = arith.constant 1 : i32
      %add3A_1540 = arith.addi %mul3A_1419, %add3A_1539 : i32
      %dma_start3A_1541 = arith.constant 3 : i32
      %dma_start3A_1542 = arith.constant 56 : i32
      %dma_start3A_1543 = arith.constant 0 : i32
      %dma_start3A_1544 = tpu.memref_slice %arg19[%dma_start3A_1542, %dma_start3A_1543] : memref<64x129xf32, #tpu.memory_space<vmem>> -> memref<8x128xf32, #tpu.memory_space<vmem>>
      %dma_start3A_1545 = arith.constant 0 : i32
      %dma_start3A_1546 = arith.constant 0 : i32
      %dma_start3A_1547 = tpu.memref_slice %arg5[%add3A_1540, %dma_start3A_1541, %add3A, %dma_start3A_1545, %dma_start3A_1546] : memref<200x4x32x8x128xf32, #tpu.memory_space<hbm>> -> memref<1x1x1x8x128xf32, #tpu.memory_space<hbm>>
      %dma_start3A_1548 = tpu.memref_squeeze %dma_start3A_1547 : memref<1x1x1x8x128xf32, #tpu.memory_space<hbm>> -> memref<8x128xf32, #tpu.memory_space<hbm>>
      %dma_start3A_1549 = arith.constant 0 : i32
      %dma_start3A_1550 = arith.constant 0 : i32
      %dma_start3A_1551 = tpu.memref_slice %arg5[%add3A_1540, %dma_start3A_1541, %add3A, %dma_start3A_1549, %dma_start3A_1550] : memref<200x4x32x8x128xf32, #tpu.memory_space<hbm>> -> memref<1x1x1x8x128xf32, #tpu.memory_space<hbm>>
      %dma_start3A_1552 = tpu.memref_squeeze %dma_start3A_1551 : memref<1x1x1x8x128xf32, #tpu.memory_space<hbm>> -> memref<8x128xf32, #tpu.memory_space<hbm>>
      %dma_start3A_1553 = arith.constant 56 : i32
      %dma_start3A_1554 = arith.constant 0 : i32
      %dma_start3A_1555 = tpu.memref_slice %arg19[%dma_start3A_1553, %dma_start3A_1554] : memref<64x129xf32, #tpu.memory_space<vmem>> -> memref<8x128xf32, #tpu.memory_space<vmem>>
      tpu.enqueue_dma source(%dma_start3A_1555 : memref<8x128xf32, #tpu.memory_space<vmem>>) target(%dma_start3A_1552 : memref<8x128xf32, #tpu.memory_space<hbm>>) target_semaphore(%arg35 : memref<!tpu.dma_semaphore, #tpu.memory_space<semaphore_mem>>)
      %mul3A_1556 = arith.constant 5 : i32
      %mul3A_1557 = arith.muli %scan3A_730, %mul3A_1556 : i32
      %add3A_1558 = arith.constant 4 : i32
      %add3A_1559 = arith.addi %mul3A_1557, %add3A_1558 : i32
      %add3A_1560 = arith.constant 5 : i32
      %add3A_1561 = arith.addi %add3A_1559, %add3A_1560 : i32
      %sub3A_1562 = arith.constant 1 : i32
      %sub3A_1563 = arith.subi %add3A_1561, %sub3A_1562 : i32
      %add3A_1564 = arith.constant 5 : i32
      %add3A_1565 = arith.addi %add3A_1559, %add3A_1564 : i32
      %sub3A_1566 = arith.constant 2 : i32
      %sub3A_1567 = arith.subi %add3A_1565, %sub3A_1566 : i32
      %lt3A_1568 = arith.constant 100 : i32
      %lt3A_1569 = arith.cmpi slt, %sub3A_1563, %lt3A_1568 : i32
      %convert_element_type3A_1570 = arith.extui %lt3A_1569 : i1 to i32
      %cond3A_1571 = arith.constant 0 : i32
      %cond3A_1572 = arith.cmpi ne, %convert_element_type3A_1570, %cond3A_1571 : i32
      scf.if %cond3A_1572 {
        %mul3A_1764 = arith.constant 256 : i32
        %mul3A_1765 = arith.muli %sub3A_1563, %mul3A_1764 : i32
        %add3A_1766 = arith.addi %mul3A_2, %mul3A_1765 : i32
        %dma_start3A_1767 = tpu.memref_slice %arg2[%add3A_1766] : memref<819200xi32, #tpu.memory_space<hbm>> -> memref<256xi32, #tpu.memory_space<hbm>>
        %dma_start3A_1768 = tpu.memref_slice %arg2[%add3A_1766] : memref<819200xi32, #tpu.memory_space<hbm>> -> memref<256xi32, #tpu.memory_space<hbm>>
        tpu.enqueue_dma source(%dma_start3A_1768 : memref<256xi32, #tpu.memory_space<hbm>>) target(%arg9 : memref<256xi32, #tpu.memory_space<vmem>>) target_semaphore(%arg25 : memref<!tpu.dma_semaphore, #tpu.memory_space<semaphore_mem>>)
      } else {
      }
      %lt3A_1573 = arith.constant 100 : i32
      %lt3A_1574 = arith.cmpi slt, %sub3A_1567, %lt3A_1573 : i32
      %convert_element_type3A_1575 = arith.extui %lt3A_1574 : i1 to i32
      %cond3A_1576 = arith.constant 0 : i32
      %cond3A_1577 = arith.cmpi ne, %convert_element_type3A_1575, %cond3A_1576 : i32
      scf.if %cond3A_1577 {
        %dma_wait3A_1764 = arith.constant 0 : i32
        %dma_wait3A_1765 = tpu.memref_slice %arg2[%dma_wait3A_1764] : memref<819200xi32, #tpu.memory_space<hbm>> -> memref<256xi32, #tpu.memory_space<hbm>>
        %dma_wait3A_1766 = arith.constant 0 : i32
        %dma_wait3A_1767 = tpu.memref_slice %arg2[%dma_wait3A_1766] : memref<819200xi32, #tpu.memory_space<hbm>> -> memref<256xi32, #tpu.memory_space<hbm>>
        tpu.wait_dma2 semaphore(%arg24 : memref<!tpu.dma_semaphore, #tpu.memory_space<semaphore_mem>>) src(%dma_wait3A_1767 : memref<256xi32, #tpu.memory_space<hbm>>) dst(%arg8 : memref<256xi32, #tpu.memory_space<vmem>>)
        %dma_start3A_1768 = arith.constant 0 : i32
        %dma_start3A_1769 = arith.constant 0 : i32
        %dma_start3A_1770 = tpu.memref_slice %arg3[%dma_start3A_1768, %dma_start3A_1769] : memref<100000x32xf32, #tpu.memory_space<hbm>> -> memref<100000x32xf32, #tpu.memory_space<hbm>>
        tpu.enqueue_indirect_dma source(%dma_start3A_1770 : memref<100000x32xf32, #tpu.memory_space<hbm>>) target(%arg13 : memref<256x32xf32, #tpu.memory_space<vmem>>) offsets(%arg8 : memref<256xi32, #tpu.memory_space<vmem>>) semaphore(%arg29 : memref<!tpu.dma_semaphore, #tpu.memory_space<semaphore_mem>>)
      } else {
      }
      %dma_wait3A_1578 = arith.constant 0 : i32
      %dma_wait3A_1579 = arith.constant 0 : i32
      %dma_wait3A_1580 = tpu.memref_slice %arg3[%dma_wait3A_1578, %dma_wait3A_1579] : memref<100000x32xf32, #tpu.memory_space<hbm>> -> memref<100000x32xf32, #tpu.memory_space<hbm>>
      tpu.wait_indirect_dma semaphore(%arg31 : memref<!tpu.dma_semaphore, #tpu.memory_space<semaphore_mem>>) src(%dma_wait3A_1580 : memref<100000x32xf32, #tpu.memory_space<hbm>>) dst(%arg15 : memref<256x32xf32, #tpu.memory_space<vmem>>)
      %ge3A_1581 = arith.constant 5 : i32
      %ge3A_1582 = arith.cmpi sge, %add3A_1559, %ge3A_1581 : i32
      %convert_element_type3A_1583 = arith.extui %ge3A_1582 : i1 to i32
      %cond3A_1584 = arith.constant 0 : i32
      %cond3A_1585 = arith.cmpi ne, %convert_element_type3A_1583, %cond3A_1584 : i32
      scf.if %cond3A_1585 {
        %dma_wait3A_1764 = arith.constant 0 : i32
        %dma_wait3A_1765 = arith.constant 0 : i32
        %dma_wait3A_1766 = arith.constant 0 : i32
        %dma_wait3A_1767 = arith.constant 0 : i32
        %dma_wait3A_1768 = arith.constant 0 : i32
        %dma_wait3A_1769 = tpu.memref_slice %arg20[%dma_wait3A_1767, %dma_wait3A_1768] : memref<64x129xf32, #tpu.memory_space<vmem>> -> memref<8x128xf32, #tpu.memory_space<vmem>>
        %dma_wait3A_1770 = arith.constant 0 : i32
        %dma_wait3A_1771 = arith.constant 0 : i32
        %dma_wait3A_1772 = tpu.memref_slice %arg5[%dma_wait3A_1764, %dma_wait3A_1765, %dma_wait3A_1766, %dma_wait3A_1770, %dma_wait3A_1771] : memref<200x4x32x8x128xf32, #tpu.memory_space<hbm>> -> memref<1x1x1x8x128xf32, #tpu.memory_space<hbm>>
        %dma_wait3A_1773 = tpu.memref_squeeze %dma_wait3A_1772 : memref<1x1x1x8x128xf32, #tpu.memory_space<hbm>> -> memref<8x128xf32, #tpu.memory_space<hbm>>
        %dma_wait3A_1774 = arith.constant 0 : i32
        %dma_wait3A_1775 = arith.constant 0 : i32
        %dma_wait3A_1776 = tpu.memref_slice %arg5[%dma_wait3A_1764, %dma_wait3A_1765, %dma_wait3A_1766, %dma_wait3A_1774, %dma_wait3A_1775] : memref<200x4x32x8x128xf32, #tpu.memory_space<hbm>> -> memref<1x1x1x8x128xf32, #tpu.memory_space<hbm>>
        %dma_wait3A_1777 = tpu.memref_squeeze %dma_wait3A_1776 : memref<1x1x1x8x128xf32, #tpu.memory_space<hbm>> -> memref<8x128xf32, #tpu.memory_space<hbm>>
        %dma_wait3A_1778 = arith.constant 0 : i32
        %dma_wait3A_1779 = arith.constant 0 : i32
        %dma_wait3A_1780 = tpu.memref_slice %arg20[%dma_wait3A_1778, %dma_wait3A_1779] : memref<64x129xf32, #tpu.memory_space<vmem>> -> memref<8x128xf32, #tpu.memory_space<vmem>>
        tpu.wait_dma2 semaphore(%arg36 : memref<!tpu.dma_semaphore, #tpu.memory_space<semaphore_mem>>) src(%dma_wait3A_1780 : memref<8x128xf32, #tpu.memory_space<vmem>>) dst(%dma_wait3A_1777 : memref<8x128xf32, #tpu.memory_space<hbm>>)
        %dma_wait3A_1781 = arith.constant 0 : i32
        %dma_wait3A_1782 = arith.constant 0 : i32
        %dma_wait3A_1783 = arith.constant 0 : i32
        %dma_wait3A_1784 = arith.constant 0 : i32
        %dma_wait3A_1785 = arith.constant 0 : i32
        %dma_wait3A_1786 = tpu.memref_slice %arg20[%dma_wait3A_1784, %dma_wait3A_1785] : memref<64x129xf32, #tpu.memory_space<vmem>> -> memref<8x128xf32, #tpu.memory_space<vmem>>
        %dma_wait3A_1787 = arith.constant 0 : i32
        %dma_wait3A_1788 = arith.constant 0 : i32
        %dma_wait3A_1789 = tpu.memref_slice %arg5[%dma_wait3A_1781, %dma_wait3A_1782, %dma_wait3A_1783, %dma_wait3A_1787, %dma_wait3A_1788] : memref<200x4x32x8x128xf32, #tpu.memory_space<hbm>> -> memref<1x1x1x8x128xf32, #tpu.memory_space<hbm>>
        %dma_wait3A_1790 = tpu.memref_squeeze %dma_wait3A_1789 : memref<1x1x1x8x128xf32, #tpu.memory_space<hbm>> -> memref<8x128xf32, #tpu.memory_space<hbm>>
        %dma_wait3A_1791 = arith.constant 0 : i32
        %dma_wait3A_1792 = arith.constant 0 : i32
        %dma_wait3A_1793 = tpu.memref_slice %arg5[%dma_wait3A_1781, %dma_wait3A_1782, %dma_wait3A_1783, %dma_wait3A_1791, %dma_wait3A_1792] : memref<200x4x32x8x128xf32, #tpu.memory_space<hbm>> -> memref<1x1x1x8x128xf32, #tpu.memory_space<hbm>>
        %dma_wait3A_1794 = tpu.memref_squeeze %dma_wait3A_1793 : memref<1x1x1x8x128xf32, #tpu.memory_space<hbm>> -> memref<8x128xf32, #tpu.memory_space<hbm>>
        %dma_wait3A_1795 = arith.constant 0 : i32
        %dma_wait3A_1796 = arith.constant 0 : i32
        %dma_wait3A_1797 = tpu.memref_slice %arg20[%dma_wait3A_1795, %dma_wait3A_1796] : memref<64x129xf32, #tpu.memory_space<vmem>> -> memref<8x128xf32, #tpu.memory_space<vmem>>
        tpu.wait_dma2 semaphore(%arg36 : memref<!tpu.dma_semaphore, #tpu.memory_space<semaphore_mem>>) src(%dma_wait3A_1797 : memref<8x128xf32, #tpu.memory_space<vmem>>) dst(%dma_wait3A_1794 : memref<8x128xf32, #tpu.memory_space<hbm>>)
        %dma_wait3A_1798 = arith.constant 0 : i32
        %dma_wait3A_1799 = arith.constant 0 : i32
        %dma_wait3A_1800 = arith.constant 0 : i32
        %dma_wait3A_1801 = arith.constant 0 : i32
        %dma_wait3A_1802 = arith.constant 0 : i32
        %dma_wait3A_1803 = tpu.memref_slice %arg20[%dma_wait3A_1801, %dma_wait3A_1802] : memref<64x129xf32, #tpu.memory_space<vmem>> -> memref<8x128xf32, #tpu.memory_space<vmem>>
        %dma_wait3A_1804 = arith.constant 0 : i32
        %dma_wait3A_1805 = arith.constant 0 : i32
        %dma_wait3A_1806 = tpu.memref_slice %arg5[%dma_wait3A_1798, %dma_wait3A_1799, %dma_wait3A_1800, %dma_wait3A_1804, %dma_wait3A_1805] : memref<200x4x32x8x128xf32, #tpu.memory_space<hbm>> -> memref<1x1x1x8x128xf32, #tpu.memory_space<hbm>>
        %dma_wait3A_1807 = tpu.memref_squeeze %dma_wait3A_1806 : memref<1x1x1x8x128xf32, #tpu.memory_space<hbm>> -> memref<8x128xf32, #tpu.memory_space<hbm>>
        %dma_wait3A_1808 = arith.constant 0 : i32
        %dma_wait3A_1809 = arith.constant 0 : i32
        %dma_wait3A_1810 = tpu.memref_slice %arg5[%dma_wait3A_1798, %dma_wait3A_1799, %dma_wait3A_1800, %dma_wait3A_1808, %dma_wait3A_1809] : memref<200x4x32x8x128xf32, #tpu.memory_space<hbm>> -> memref<1x1x1x8x128xf32, #tpu.memory_space<hbm>>
        %dma_wait3A_1811 = tpu.memref_squeeze %dma_wait3A_1810 : memref<1x1x1x8x128xf32, #tpu.memory_space<hbm>> -> memref<8x128xf32, #tpu.memory_space<hbm>>
        %dma_wait3A_1812 = arith.constant 0 : i32
        %dma_wait3A_1813 = arith.constant 0 : i32
        %dma_wait3A_1814 = tpu.memref_slice %arg20[%dma_wait3A_1812, %dma_wait3A_1813] : memref<64x129xf32, #tpu.memory_space<vmem>> -> memref<8x128xf32, #tpu.memory_space<vmem>>
        tpu.wait_dma2 semaphore(%arg36 : memref<!tpu.dma_semaphore, #tpu.memory_space<semaphore_mem>>) src(%dma_wait3A_1814 : memref<8x128xf32, #tpu.memory_space<vmem>>) dst(%dma_wait3A_1811 : memref<8x128xf32, #tpu.memory_space<hbm>>)
        %dma_wait3A_1815 = arith.constant 0 : i32
        %dma_wait3A_1816 = arith.constant 0 : i32
        %dma_wait3A_1817 = arith.constant 0 : i32
        %dma_wait3A_1818 = arith.constant 0 : i32
        %dma_wait3A_1819 = arith.constant 0 : i32
        %dma_wait3A_1820 = tpu.memref_slice %arg20[%dma_wait3A_1818, %dma_wait3A_1819] : memref<64x129xf32, #tpu.memory_space<vmem>> -> memref<8x128xf32, #tpu.memory_space<vmem>>
        %dma_wait3A_1821 = arith.constant 0 : i32
        %dma_wait3A_1822 = arith.constant 0 : i32
        %dma_wait3A_1823 = tpu.memref_slice %arg5[%dma_wait3A_1815, %dma_wait3A_1816, %dma_wait3A_1817, %dma_wait3A_1821, %dma_wait3A_1822] : memref<200x4x32x8x128xf32, #tpu.memory_space<hbm>> -> memref<1x1x1x8x128xf32, #tpu.memory_space<hbm>>
        %dma_wait3A_1824 = tpu.memref_squeeze %dma_wait3A_1823 : memref<1x1x1x8x128xf32, #tpu.memory_space<hbm>> -> memref<8x128xf32, #tpu.memory_space<hbm>>
        %dma_wait3A_1825 = arith.constant 0 : i32
        %dma_wait3A_1826 = arith.constant 0 : i32
        %dma_wait3A_1827 = tpu.memref_slice %arg5[%dma_wait3A_1815, %dma_wait3A_1816, %dma_wait3A_1817, %dma_wait3A_1825, %dma_wait3A_1826] : memref<200x4x32x8x128xf32, #tpu.memory_space<hbm>> -> memref<1x1x1x8x128xf32, #tpu.memory_space<hbm>>
        %dma_wait3A_1828 = tpu.memref_squeeze %dma_wait3A_1827 : memref<1x1x1x8x128xf32, #tpu.memory_space<hbm>> -> memref<8x128xf32, #tpu.memory_space<hbm>>
        %dma_wait3A_1829 = arith.constant 0 : i32
        %dma_wait3A_1830 = arith.constant 0 : i32
        %dma_wait3A_1831 = tpu.memref_slice %arg20[%dma_wait3A_1829, %dma_wait3A_1830] : memref<64x129xf32, #tpu.memory_space<vmem>> -> memref<8x128xf32, #tpu.memory_space<vmem>>
        tpu.wait_dma2 semaphore(%arg36 : memref<!tpu.dma_semaphore, #tpu.memory_space<semaphore_mem>>) src(%dma_wait3A_1831 : memref<8x128xf32, #tpu.memory_space<vmem>>) dst(%dma_wait3A_1828 : memref<8x128xf32, #tpu.memory_space<hbm>>)
        %dma_wait3A_1832 = arith.constant 0 : i32
        %dma_wait3A_1833 = arith.constant 0 : i32
        %dma_wait3A_1834 = arith.constant 0 : i32
        %dma_wait3A_1835 = arith.constant 0 : i32
        %dma_wait3A_1836 = arith.constant 0 : i32
        %dma_wait3A_1837 = tpu.memref_slice %arg20[%dma_wait3A_1835, %dma_wait3A_1836] : memref<64x129xf32, #tpu.memory_space<vmem>> -> memref<8x128xf32, #tpu.memory_space<vmem>>
        %dma_wait3A_1838 = arith.constant 0 : i32
        %dma_wait3A_1839 = arith.constant 0 : i32
        %dma_wait3A_1840 = tpu.memref_slice %arg5[%dma_wait3A_1832, %dma_wait3A_1833, %dma_wait3A_1834, %dma_wait3A_1838, %dma_wait3A_1839] : memref<200x4x32x8x128xf32, #tpu.memory_space<hbm>> -> memref<1x1x1x8x128xf32, #tpu.memory_space<hbm>>
        %dma_wait3A_1841 = tpu.memref_squeeze %dma_wait3A_1840 : memref<1x1x1x8x128xf32, #tpu.memory_space<hbm>> -> memref<8x128xf32, #tpu.memory_space<hbm>>
        %dma_wait3A_1842 = arith.constant 0 : i32
        %dma_wait3A_1843 = arith.constant 0 : i32
        %dma_wait3A_1844 = tpu.memref_slice %arg5[%dma_wait3A_1832, %dma_wait3A_1833, %dma_wait3A_1834, %dma_wait3A_1842, %dma_wait3A_1843] : memref<200x4x32x8x128xf32, #tpu.memory_space<hbm>> -> memref<1x1x1x8x128xf32, #tpu.memory_space<hbm>>
        %dma_wait3A_1845 = tpu.memref_squeeze %dma_wait3A_1844 : memref<1x1x1x8x128xf32, #tpu.memory_space<hbm>> -> memref<8x128xf32, #tpu.memory_space<hbm>>
        %dma_wait3A_1846 = arith.constant 0 : i32
        %dma_wait3A_1847 = arith.constant 0 : i32
        %dma_wait3A_1848 = tpu.memref_slice %arg20[%dma_wait3A_1846, %dma_wait3A_1847] : memref<64x129xf32, #tpu.memory_space<vmem>> -> memref<8x128xf32, #tpu.memory_space<vmem>>
        tpu.wait_dma2 semaphore(%arg36 : memref<!tpu.dma_semaphore, #tpu.memory_space<semaphore_mem>>) src(%dma_wait3A_1848 : memref<8x128xf32, #tpu.memory_space<vmem>>) dst(%dma_wait3A_1845 : memref<8x128xf32, #tpu.memory_space<hbm>>)
        %dma_wait3A_1849 = arith.constant 0 : i32
        %dma_wait3A_1850 = arith.constant 0 : i32
        %dma_wait3A_1851 = arith.constant 0 : i32
        %dma_wait3A_1852 = arith.constant 0 : i32
        %dma_wait3A_1853 = arith.constant 0 : i32
        %dma_wait3A_1854 = tpu.memref_slice %arg20[%dma_wait3A_1852, %dma_wait3A_1853] : memref<64x129xf32, #tpu.memory_space<vmem>> -> memref<8x128xf32, #tpu.memory_space<vmem>>
        %dma_wait3A_1855 = arith.constant 0 : i32
        %dma_wait3A_1856 = arith.constant 0 : i32
        %dma_wait3A_1857 = tpu.memref_slice %arg5[%dma_wait3A_1849, %dma_wait3A_1850, %dma_wait3A_1851, %dma_wait3A_1855, %dma_wait3A_1856] : memref<200x4x32x8x128xf32, #tpu.memory_space<hbm>> -> memref<1x1x1x8x128xf32, #tpu.memory_space<hbm>>
        %dma_wait3A_1858 = tpu.memref_squeeze %dma_wait3A_1857 : memref<1x1x1x8x128xf32, #tpu.memory_space<hbm>> -> memref<8x128xf32, #tpu.memory_space<hbm>>
        %dma_wait3A_1859 = arith.constant 0 : i32
        %dma_wait3A_1860 = arith.constant 0 : i32
        %dma_wait3A_1861 = tpu.memref_slice %arg5[%dma_wait3A_1849, %dma_wait3A_1850, %dma_wait3A_1851, %dma_wait3A_1859, %dma_wait3A_1860] : memref<200x4x32x8x128xf32, #tpu.memory_space<hbm>> -> memref<1x1x1x8x128xf32, #tpu.memory_space<hbm>>
        %dma_wait3A_1862 = tpu.memref_squeeze %dma_wait3A_1861 : memref<1x1x1x8x128xf32, #tpu.memory_space<hbm>> -> memref<8x128xf32, #tpu.memory_space<hbm>>
        %dma_wait3A_1863 = arith.constant 0 : i32
        %dma_wait3A_1864 = arith.constant 0 : i32
        %dma_wait3A_1865 = tpu.memref_slice %arg20[%dma_wait3A_1863, %dma_wait3A_1864] : memref<64x129xf32, #tpu.memory_space<vmem>> -> memref<8x128xf32, #tpu.memory_space<vmem>>
        tpu.wait_dma2 semaphore(%arg36 : memref<!tpu.dma_semaphore, #tpu.memory_space<semaphore_mem>>) src(%dma_wait3A_1865 : memref<8x128xf32, #tpu.memory_space<vmem>>) dst(%dma_wait3A_1862 : memref<8x128xf32, #tpu.memory_space<hbm>>)
        %dma_wait3A_1866 = arith.constant 0 : i32
        %dma_wait3A_1867 = arith.constant 0 : i32
        %dma_wait3A_1868 = arith.constant 0 : i32
        %dma_wait3A_1869 = arith.constant 0 : i32
        %dma_wait3A_1870 = arith.constant 0 : i32
        %dma_wait3A_1871 = tpu.memref_slice %arg20[%dma_wait3A_1869, %dma_wait3A_1870] : memref<64x129xf32, #tpu.memory_space<vmem>> -> memref<8x128xf32, #tpu.memory_space<vmem>>
        %dma_wait3A_1872 = arith.constant 0 : i32
        %dma_wait3A_1873 = arith.constant 0 : i32
        %dma_wait3A_1874 = tpu.memref_slice %arg5[%dma_wait3A_1866, %dma_wait3A_1867, %dma_wait3A_1868, %dma_wait3A_1872, %dma_wait3A_1873] : memref<200x4x32x8x128xf32, #tpu.memory_space<hbm>> -> memref<1x1x1x8x128xf32, #tpu.memory_space<hbm>>
        %dma_wait3A_1875 = tpu.memref_squeeze %dma_wait3A_1874 : memref<1x1x1x8x128xf32, #tpu.memory_space<hbm>> -> memref<8x128xf32, #tpu.memory_space<hbm>>
        %dma_wait3A_1876 = arith.constant 0 : i32
        %dma_wait3A_1877 = arith.constant 0 : i32
        %dma_wait3A_1878 = tpu.memref_slice %arg5[%dma_wait3A_1866, %dma_wait3A_1867, %dma_wait3A_1868, %dma_wait3A_1876, %dma_wait3A_1877] : memref<200x4x32x8x128xf32, #tpu.memory_space<hbm>> -> memref<1x1x1x8x128xf32, #tpu.memory_space<hbm>>
        %dma_wait3A_1879 = tpu.memref_squeeze %dma_wait3A_1878 : memref<1x1x1x8x128xf32, #tpu.memory_space<hbm>> -> memref<8x128xf32, #tpu.memory_space<hbm>>
        %dma_wait3A_1880 = arith.constant 0 : i32
        %dma_wait3A_1881 = arith.constant 0 : i32
        %dma_wait3A_1882 = tpu.memref_slice %arg20[%dma_wait3A_1880, %dma_wait3A_1881] : memref<64x129xf32, #tpu.memory_space<vmem>> -> memref<8x128xf32, #tpu.memory_space<vmem>>
        tpu.wait_dma2 semaphore(%arg36 : memref<!tpu.dma_semaphore, #tpu.memory_space<semaphore_mem>>) src(%dma_wait3A_1882 : memref<8x128xf32, #tpu.memory_space<vmem>>) dst(%dma_wait3A_1879 : memref<8x128xf32, #tpu.memory_space<hbm>>)
        %dma_wait3A_1883 = arith.constant 0 : i32
        %dma_wait3A_1884 = arith.constant 0 : i32
        %dma_wait3A_1885 = arith.constant 0 : i32
        %dma_wait3A_1886 = arith.constant 0 : i32
        %dma_wait3A_1887 = arith.constant 0 : i32
        %dma_wait3A_1888 = tpu.memref_slice %arg20[%dma_wait3A_1886, %dma_wait3A_1887] : memref<64x129xf32, #tpu.memory_space<vmem>> -> memref<8x128xf32, #tpu.memory_space<vmem>>
        %dma_wait3A_1889 = arith.constant 0 : i32
        %dma_wait3A_1890 = arith.constant 0 : i32
        %dma_wait3A_1891 = tpu.memref_slice %arg5[%dma_wait3A_1883, %dma_wait3A_1884, %dma_wait3A_1885, %dma_wait3A_1889, %dma_wait3A_1890] : memref<200x4x32x8x128xf32, #tpu.memory_space<hbm>> -> memref<1x1x1x8x128xf32, #tpu.memory_space<hbm>>
        %dma_wait3A_1892 = tpu.memref_squeeze %dma_wait3A_1891 : memref<1x1x1x8x128xf32, #tpu.memory_space<hbm>> -> memref<8x128xf32, #tpu.memory_space<hbm>>
        %dma_wait3A_1893 = arith.constant 0 : i32
        %dma_wait3A_1894 = arith.constant 0 : i32
        %dma_wait3A_1895 = tpu.memref_slice %arg5[%dma_wait3A_1883, %dma_wait3A_1884, %dma_wait3A_1885, %dma_wait3A_1893, %dma_wait3A_1894] : memref<200x4x32x8x128xf32, #tpu.memory_space<hbm>> -> memref<1x1x1x8x128xf32, #tpu.memory_space<hbm>>
        %dma_wait3A_1896 = tpu.memref_squeeze %dma_wait3A_1895 : memref<1x1x1x8x128xf32, #tpu.memory_space<hbm>> -> memref<8x128xf32, #tpu.memory_space<hbm>>
        %dma_wait3A_1897 = arith.constant 0 : i32
        %dma_wait3A_1898 = arith.constant 0 : i32
        %dma_wait3A_1899 = tpu.memref_slice %arg20[%dma_wait3A_1897, %dma_wait3A_1898] : memref<64x129xf32, #tpu.memory_space<vmem>> -> memref<8x128xf32, #tpu.memory_space<vmem>>
        tpu.wait_dma2 semaphore(%arg36 : memref<!tpu.dma_semaphore, #tpu.memory_space<semaphore_mem>>) src(%dma_wait3A_1899 : memref<8x128xf32, #tpu.memory_space<vmem>>) dst(%dma_wait3A_1896 : memref<8x128xf32, #tpu.memory_space<hbm>>)
      } else {
      }
      %mul3A_1586 = arith.constant 2 : i32
      %mul3A_1587 = arith.muli %add3A_1559, %mul3A_1586 : i32
      %add3A_1588 = arith.constant 0 : i32
      %add3A_1589 = arith.addi %mul3A_1587, %add3A_1588 : i32
      %get3A_1590 = arith.index_cast %add3A_1589 : i32 to index
      %get3A_1591 = arith.constant 0 : index
      %get3A_1592 = tpu.vector_load %arg21[%get3A_1590, %get3A_1591] {strides = array<i32>} : memref<200x32xf32, #tpu.memory_space<vmem>>, vector<16xf32>,
      %add3A_1593 = arith.constant 0 : i32
      %add3A_1594 = arith.addi %mul3A_1587, %add3A_1593 : i32
      %get3A_1595 = arith.index_cast %add3A_1594 : i32 to index
      %get3A_1596 = arith.constant 16 : index
      %get3A_1597 = tpu.vector_load %arg21[%get3A_1595, %get3A_1596] {strides = array<i32>} : memref<200x32xf32, #tpu.memory_space<vmem>>, vector<16xf32>,
      %add3A_1598 = arith.constant 0 : i32
      %add3A_1599 = vector.broadcast %add3A_1598 : i32 to vector<16xi32>
      %add3A_1600 = arith.addi %add3A_10, %add3A_1599 : vector<16xi32>
      %add3A_1601 = arith.constant 16 : i32
      %add3A_1602 = vector.broadcast %add3A_1601 : i32 to vector<16xi32>
      %add3A_1603 = arith.addi %add3A_1600, %add3A_1602 : vector<16xi32>
      %parallel_loop3A_1604 = arith.constant 0 : i32
      %parallel_loop3A_1605 = arith.constant 128 : i32
      %parallel_loop3A_1606 = arith.constant 1 : i32
      scf.for %parallel_loop3A_1764 = %parallel_loop3A_1604 to %parallel_loop3A_1605 step %parallel_loop3A_1606  : i32 {
        %parallel_loop3A_1765 = arith.constant 0 : i32
        %parallel_loop3A_1766 = arith.addi %parallel_loop3A_1765, %parallel_loop3A_1764 : i32
        %parallel_loop3A_1767 = vector.broadcast %parallel_loop3A_1764 : i32 to vector<16xi32>
        %parallel_loop3A_1768 = arith.index_cast %parallel_loop3A_1766 : i32 to index
        %parallel_loop3A_1769 = arith.constant 0 : index
        %parallel_loop3A_1770 = tpu.vector_load %arg15[%parallel_loop3A_1768, %parallel_loop3A_1769] {strides = array<i32>} : memref<256x32xf32, #tpu.memory_space<vmem>>, vector<16xf32>,
        %parallel_loop3A_1771 = arith.addf %parallel_loop3A_1770, %get3A_1592 : vector<16xf32>
        %parallel_loop3A_1772 = arith.index_cast %parallel_loop3A_1766 : i32 to index
        %parallel_loop3A_1773 = arith.constant 16 : index
        %parallel_loop3A_1774 = tpu.vector_load %arg15[%parallel_loop3A_1772, %parallel_loop3A_1773] {strides = array<i32>} : memref<256x32xf32, #tpu.memory_space<vmem>>, vector<16xf32>,
        %parallel_loop3A_1775 = arith.addf %parallel_loop3A_1774, %get3A_1597 : vector<16xf32>
        tpu.vector_store_idx %arg20[%add3A_1600, %parallel_loop3A_1767], %parallel_loop3A_1771 : memref<64x129xf32, #tpu.memory_space<vmem>>[vector<16xi32>, vector<16xi32>], vector<16xf32>,
        tpu.vector_store_idx %arg20[%add3A_1603, %parallel_loop3A_1767], %parallel_loop3A_1775 : memref<64x129xf32, #tpu.memory_space<vmem>>[vector<16xi32>, vector<16xi32>], vector<16xf32>,
      } {sc.loop_unroll_factor = 4 : i64, sc.parallel_access}
      %add3A_1607 = arith.constant 1 : i32
      %add3A_1608 = arith.addi %mul3A_1587, %add3A_1607 : i32
      %get3A_1609 = arith.index_cast %add3A_1608 : i32 to index
      %get3A_1610 = arith.constant 0 : index
      %get3A_1611 = tpu.vector_load %arg21[%get3A_1609, %get3A_1610] {strides = array<i32>} : memref<200x32xf32, #tpu.memory_space<vmem>>, vector<16xf32>,
      %add3A_1612 = arith.constant 1 : i32
      %add3A_1613 = arith.addi %mul3A_1587, %add3A_1612 : i32
      %get3A_1614 = arith.index_cast %add3A_1613 : i32 to index
      %get3A_1615 = arith.constant 16 : index
      %get3A_1616 = tpu.vector_load %arg21[%get3A_1614, %get3A_1615] {strides = array<i32>} : memref<200x32xf32, #tpu.memory_space<vmem>>, vector<16xf32>,
      %add3A_1617 = arith.constant 32 : i32
      %add3A_1618 = vector.broadcast %add3A_1617 : i32 to vector<16xi32>
      %add3A_1619 = arith.addi %add3A_10, %add3A_1618 : vector<16xi32>
      %add3A_1620 = arith.constant 16 : i32
      %add3A_1621 = vector.broadcast %add3A_1620 : i32 to vector<16xi32>
      %add3A_1622 = arith.addi %add3A_1619, %add3A_1621 : vector<16xi32>
      %parallel_loop3A_1623 = arith.constant 0 : i32
      %parallel_loop3A_1624 = arith.constant 128 : i32
      %parallel_loop3A_1625 = arith.constant 1 : i32
      scf.for %parallel_loop3A_1764 = %parallel_loop3A_1623 to %parallel_loop3A_1624 step %parallel_loop3A_1625  : i32 {
        %parallel_loop3A_1765 = arith.constant 128 : i32
        %parallel_loop3A_1766 = arith.addi %parallel_loop3A_1765, %parallel_loop3A_1764 : i32
        %parallel_loop3A_1767 = vector.broadcast %parallel_loop3A_1764 : i32 to vector<16xi32>
        %parallel_loop3A_1768 = arith.index_cast %parallel_loop3A_1766 : i32 to index
        %parallel_loop3A_1769 = arith.constant 0 : index
        %parallel_loop3A_1770 = tpu.vector_load %arg15[%parallel_loop3A_1768, %parallel_loop3A_1769] {strides = array<i32>} : memref<256x32xf32, #tpu.memory_space<vmem>>, vector<16xf32>,
        %parallel_loop3A_1771 = arith.addf %parallel_loop3A_1770, %get3A_1611 : vector<16xf32>
        %parallel_loop3A_1772 = arith.index_cast %parallel_loop3A_1766 : i32 to index
        %parallel_loop3A_1773 = arith.constant 16 : index
        %parallel_loop3A_1774 = tpu.vector_load %arg15[%parallel_loop3A_1772, %parallel_loop3A_1773] {strides = array<i32>} : memref<256x32xf32, #tpu.memory_space<vmem>>, vector<16xf32>,
        %parallel_loop3A_1775 = arith.addf %parallel_loop3A_1774, %get3A_1616 : vector<16xf32>
        tpu.vector_store_idx %arg20[%add3A_1619, %parallel_loop3A_1767], %parallel_loop3A_1771 : memref<64x129xf32, #tpu.memory_space<vmem>>[vector<16xi32>, vector<16xi32>], vector<16xf32>,
        tpu.vector_store_idx %arg20[%add3A_1622, %parallel_loop3A_1767], %parallel_loop3A_1775 : memref<64x129xf32, #tpu.memory_space<vmem>>[vector<16xi32>, vector<16xi32>], vector<16xf32>,
      } {sc.loop_unroll_factor = 4 : i64, sc.parallel_access}
      %mul3A_1626 = arith.constant 2 : i32
      %mul3A_1627 = arith.muli %add3A_1559, %mul3A_1626 : i32
      %add3A_1628 = arith.constant 0 : i32
      %add3A_1629 = arith.addi %mul3A_1627, %add3A_1628 : i32
      %dma_start3A_1630 = arith.constant 0 : i32
      %dma_start3A_1631 = arith.constant 0 : i32
      %dma_start3A_1632 = arith.constant 0 : i32
      %dma_start3A_1633 = tpu.memref_slice %arg20[%dma_start3A_1631, %dma_start3A_1632] : memref<64x129xf32, #tpu.memory_space<vmem>> -> memref<8x128xf32, #tpu.memory_space<vmem>>
      %dma_start3A_1634 = arith.constant 0 : i32
      %dma_start3A_1635 = arith.constant 0 : i32
      %dma_start3A_1636 = tpu.memref_slice %arg5[%add3A_1629, %dma_start3A_1630, %add3A, %dma_start3A_1634, %dma_start3A_1635] : memref<200x4x32x8x128xf32, #tpu.memory_space<hbm>> -> memref<1x1x1x8x128xf32, #tpu.memory_space<hbm>>
      %dma_start3A_1637 = tpu.memref_squeeze %dma_start3A_1636 : memref<1x1x1x8x128xf32, #tpu.memory_space<hbm>> -> memref<8x128xf32, #tpu.memory_space<hbm>>
      %dma_start3A_1638 = arith.constant 0 : i32
      %dma_start3A_1639 = arith.constant 0 : i32
      %dma_start3A_1640 = tpu.memref_slice %arg5[%add3A_1629, %dma_start3A_1630, %add3A, %dma_start3A_1638, %dma_start3A_1639] : memref<200x4x32x8x128xf32, #tpu.memory_space<hbm>> -> memref<1x1x1x8x128xf32, #tpu.memory_space<hbm>>
      %dma_start3A_1641 = tpu.memref_squeeze %dma_start3A_1640 : memref<1x1x1x8x128xf32, #tpu.memory_space<hbm>> -> memref<8x128xf32, #tpu.memory_space<hbm>>
      %dma_start3A_1642 = arith.constant 0 : i32
      %dma_start3A_1643 = arith.constant 0 : i32
      %dma_start3A_1644 = tpu.memref_slice %arg20[%dma_start3A_1642, %dma_start3A_1643] : memref<64x129xf32, #tpu.memory_space<vmem>> -> memref<8x128xf32, #tpu.memory_space<vmem>>
      tpu.enqueue_dma source(%dma_start3A_1644 : memref<8x128xf32, #tpu.memory_space<vmem>>) target(%dma_start3A_1641 : memref<8x128xf32, #tpu.memory_space<hbm>>) target_semaphore(%arg36 : memref<!tpu.dma_semaphore, #tpu.memory_space<semaphore_mem>>)
      %add3A_1645 = arith.constant 0 : i32
      %add3A_1646 = arith.addi %mul3A_1627, %add3A_1645 : i32
      %dma_start3A_1647 = arith.constant 1 : i32
      %dma_start3A_1648 = arith.constant 8 : i32
      %dma_start3A_1649 = arith.constant 0 : i32
      %dma_start3A_1650 = tpu.memref_slice %arg20[%dma_start3A_1648, %dma_start3A_1649] : memref<64x129xf32, #tpu.memory_space<vmem>> -> memref<8x128xf32, #tpu.memory_space<vmem>>
      %dma_start3A_1651 = arith.constant 0 : i32
      %dma_start3A_1652 = arith.constant 0 : i32
      %dma_start3A_1653 = tpu.memref_slice %arg5[%add3A_1646, %dma_start3A_1647, %add3A, %dma_start3A_1651, %dma_start3A_1652] : memref<200x4x32x8x128xf32, #tpu.memory_space<hbm>> -> memref<1x1x1x8x128xf32, #tpu.memory_space<hbm>>
      %dma_start3A_1654 = tpu.memref_squeeze %dma_start3A_1653 : memref<1x1x1x8x128xf32, #tpu.memory_space<hbm>> -> memref<8x128xf32, #tpu.memory_space<hbm>>
      %dma_start3A_1655 = arith.constant 0 : i32
      %dma_start3A_1656 = arith.constant 0 : i32
      %dma_start3A_1657 = tpu.memref_slice %arg5[%add3A_1646, %dma_start3A_1647, %add3A, %dma_start3A_1655, %dma_start3A_1656] : memref<200x4x32x8x128xf32, #tpu.memory_space<hbm>> -> memref<1x1x1x8x128xf32, #tpu.memory_space<hbm>>
      %dma_start3A_1658 = tpu.memref_squeeze %dma_start3A_1657 : memref<1x1x1x8x128xf32, #tpu.memory_space<hbm>> -> memref<8x128xf32, #tpu.memory_space<hbm>>
      %dma_start3A_1659 = arith.constant 8 : i32
      %dma_start3A_1660 = arith.constant 0 : i32
      %dma_start3A_1661 = tpu.memref_slice %arg20[%dma_start3A_1659, %dma_start3A_1660] : memref<64x129xf32, #tpu.memory_space<vmem>> -> memref<8x128xf32, #tpu.memory_space<vmem>>
      tpu.enqueue_dma source(%dma_start3A_1661 : memref<8x128xf32, #tpu.memory_space<vmem>>) target(%dma_start3A_1658 : memref<8x128xf32, #tpu.memory_space<hbm>>) target_semaphore(%arg36 : memref<!tpu.dma_semaphore, #tpu.memory_space<semaphore_mem>>)
      %add3A_1662 = arith.constant 0 : i32
      %add3A_1663 = arith.addi %mul3A_1627, %add3A_1662 : i32
      %dma_start3A_1664 = arith.constant 2 : i32
      %dma_start3A_1665 = arith.constant 16 : i32
      %dma_start3A_1666 = arith.constant 0 : i32
      %dma_start3A_1667 = tpu.memref_slice %arg20[%dma_start3A_1665, %dma_start3A_1666] : memref<64x129xf32, #tpu.memory_space<vmem>> -> memref<8x128xf32, #tpu.memory_space<vmem>>
      %dma_start3A_1668 = arith.constant 0 : i32
      %dma_start3A_1669 = arith.constant 0 : i32
      %dma_start3A_1670 = tpu.memref_slice %arg5[%add3A_1663, %dma_start3A_1664, %add3A, %dma_start3A_1668, %dma_start3A_1669] : memref<200x4x32x8x128xf32, #tpu.memory_space<hbm>> -> memref<1x1x1x8x128xf32, #tpu.memory_space<hbm>>
      %dma_start3A_1671 = tpu.memref_squeeze %dma_start3A_1670 : memref<1x1x1x8x128xf32, #tpu.memory_space<hbm>> -> memref<8x128xf32, #tpu.memory_space<hbm>>
      %dma_start3A_1672 = arith.constant 0 : i32
      %dma_start3A_1673 = arith.constant 0 : i32
      %dma_start3A_1674 = tpu.memref_slice %arg5[%add3A_1663, %dma_start3A_1664, %add3A, %dma_start3A_1672, %dma_start3A_1673] : memref<200x4x32x8x128xf32, #tpu.memory_space<hbm>> -> memref<1x1x1x8x128xf32, #tpu.memory_space<hbm>>
      %dma_start3A_1675 = tpu.memref_squeeze %dma_start3A_1674 : memref<1x1x1x8x128xf32, #tpu.memory_space<hbm>> -> memref<8x128xf32, #tpu.memory_space<hbm>>
      %dma_start3A_1676 = arith.constant 16 : i32
      %dma_start3A_1677 = arith.constant 0 : i32
      %dma_start3A_1678 = tpu.memref_slice %arg20[%dma_start3A_1676, %dma_start3A_1677] : memref<64x129xf32, #tpu.memory_space<vmem>> -> memref<8x128xf32, #tpu.memory_space<vmem>>
      tpu.enqueue_dma source(%dma_start3A_1678 : memref<8x128xf32, #tpu.memory_space<vmem>>) target(%dma_start3A_1675 : memref<8x128xf32, #tpu.memory_space<hbm>>) target_semaphore(%arg36 : memref<!tpu.dma_semaphore, #tpu.memory_space<semaphore_mem>>)
      %add3A_1679 = arith.constant 0 : i32
      %add3A_1680 = arith.addi %mul3A_1627, %add3A_1679 : i32
      %dma_start3A_1681 = arith.constant 3 : i32
      %dma_start3A_1682 = arith.constant 24 : i32
      %dma_start3A_1683 = arith.constant 0 : i32
      %dma_start3A_1684 = tpu.memref_slice %arg20[%dma_start3A_1682, %dma_start3A_1683] : memref<64x129xf32, #tpu.memory_space<vmem>> -> memref<8x128xf32, #tpu.memory_space<vmem>>
      %dma_start3A_1685 = arith.constant 0 : i32
      %dma_start3A_1686 = arith.constant 0 : i32
      %dma_start3A_1687 = tpu.memref_slice %arg5[%add3A_1680, %dma_start3A_1681, %add3A, %dma_start3A_1685, %dma_start3A_1686] : memref<200x4x32x8x128xf32, #tpu.memory_space<hbm>> -> memref<1x1x1x8x128xf32, #tpu.memory_space<hbm>>
      %dma_start3A_1688 = tpu.memref_squeeze %dma_start3A_1687 : memref<1x1x1x8x128xf32, #tpu.memory_space<hbm>> -> memref<8x128xf32, #tpu.memory_space<hbm>>
      %dma_start3A_1689 = arith.constant 0 : i32
      %dma_start3A_1690 = arith.constant 0 : i32
      %dma_start3A_1691 = tpu.memref_slice %arg5[%add3A_1680, %dma_start3A_1681, %add3A, %dma_start3A_1689, %dma_start3A_1690] : memref<200x4x32x8x128xf32, #tpu.memory_space<hbm>> -> memref<1x1x1x8x128xf32, #tpu.memory_space<hbm>>
      %dma_start3A_1692 = tpu.memref_squeeze %dma_start3A_1691 : memref<1x1x1x8x128xf32, #tpu.memory_space<hbm>> -> memref<8x128xf32, #tpu.memory_space<hbm>>
      %dma_start3A_1693 = arith.constant 24 : i32
      %dma_start3A_1694 = arith.constant 0 : i32
      %dma_start3A_1695 = tpu.memref_slice %arg20[%dma_start3A_1693, %dma_start3A_1694] : memref<64x129xf32, #tpu.memory_space<vmem>> -> memref<8x128xf32, #tpu.memory_space<vmem>>
      tpu.enqueue_dma source(%dma_start3A_1695 : memref<8x128xf32, #tpu.memory_space<vmem>>) target(%dma_start3A_1692 : memref<8x128xf32, #tpu.memory_space<hbm>>) target_semaphore(%arg36 : memref<!tpu.dma_semaphore, #tpu.memory_space<semaphore_mem>>)
      %add3A_1696 = arith.constant 1 : i32
      %add3A_1697 = arith.addi %mul3A_1627, %add3A_1696 : i32
      %dma_start3A_1698 = arith.constant 0 : i32
      %dma_start3A_1699 = arith.constant 32 : i32
      %dma_start3A_1700 = arith.constant 0 : i32
      %dma_start3A_1701 = tpu.memref_slice %arg20[%dma_start3A_1699, %dma_start3A_1700] : memref<64x129xf32, #tpu.memory_space<vmem>> -> memref<8x128xf32, #tpu.memory_space<vmem>>
      %dma_start3A_1702 = arith.constant 0 : i32
      %dma_start3A_1703 = arith.constant 0 : i32
      %dma_start3A_1704 = tpu.memref_slice %arg5[%add3A_1697, %dma_start3A_1698, %add3A, %dma_start3A_1702, %dma_start3A_1703] : memref<200x4x32x8x128xf32, #tpu.memory_space<hbm>> -> memref<1x1x1x8x128xf32, #tpu.memory_space<hbm>>
      %dma_start3A_1705 = tpu.memref_squeeze %dma_start3A_1704 : memref<1x1x1x8x128xf32, #tpu.memory_space<hbm>> -> memref<8x128xf32, #tpu.memory_space<hbm>>
      %dma_start3A_1706 = arith.constant 0 : i32
      %dma_start3A_1707 = arith.constant 0 : i32
      %dma_start3A_1708 = tpu.memref_slice %arg5[%add3A_1697, %dma_start3A_1698, %add3A, %dma_start3A_1706, %dma_start3A_1707] : memref<200x4x32x8x128xf32, #tpu.memory_space<hbm>> -> memref<1x1x1x8x128xf32, #tpu.memory_space<hbm>>
      %dma_start3A_1709 = tpu.memref_squeeze %dma_start3A_1708 : memref<1x1x1x8x128xf32, #tpu.memory_space<hbm>> -> memref<8x128xf32, #tpu.memory_space<hbm>>
      %dma_start3A_1710 = arith.constant 32 : i32
      %dma_start3A_1711 = arith.constant 0 : i32
      %dma_start3A_1712 = tpu.memref_slice %arg20[%dma_start3A_1710, %dma_start3A_1711] : memref<64x129xf32, #tpu.memory_space<vmem>> -> memref<8x128xf32, #tpu.memory_space<vmem>>
      tpu.enqueue_dma source(%dma_start3A_1712 : memref<8x128xf32, #tpu.memory_space<vmem>>) target(%dma_start3A_1709 : memref<8x128xf32, #tpu.memory_space<hbm>>) target_semaphore(%arg36 : memref<!tpu.dma_semaphore, #tpu.memory_space<semaphore_mem>>)
      %add3A_1713 = arith.constant 1 : i32
      %add3A_1714 = arith.addi %mul3A_1627, %add3A_1713 : i32
      %dma_start3A_1715 = arith.constant 1 : i32
      %dma_start3A_1716 = arith.constant 40 : i32
      %dma_start3A_1717 = arith.constant 0 : i32
      %dma_start3A_1718 = tpu.memref_slice %arg20[%dma_start3A_1716, %dma_start3A_1717] : memref<64x129xf32, #tpu.memory_space<vmem>> -> memref<8x128xf32, #tpu.memory_space<vmem>>
      %dma_start3A_1719 = arith.constant 0 : i32
      %dma_start3A_1720 = arith.constant 0 : i32
      %dma_start3A_1721 = tpu.memref_slice %arg5[%add3A_1714, %dma_start3A_1715, %add3A, %dma_start3A_1719, %dma_start3A_1720] : memref<200x4x32x8x128xf32, #tpu.memory_space<hbm>> -> memref<1x1x1x8x128xf32, #tpu.memory_space<hbm>>
      %dma_start3A_1722 = tpu.memref_squeeze %dma_start3A_1721 : memref<1x1x1x8x128xf32, #tpu.memory_space<hbm>> -> memref<8x128xf32, #tpu.memory_space<hbm>>
      %dma_start3A_1723 = arith.constant 0 : i32
      %dma_start3A_1724 = arith.constant 0 : i32
      %dma_start3A_1725 = tpu.memref_slice %arg5[%add3A_1714, %dma_start3A_1715, %add3A, %dma_start3A_1723, %dma_start3A_1724] : memref<200x4x32x8x128xf32, #tpu.memory_space<hbm>> -> memref<1x1x1x8x128xf32, #tpu.memory_space<hbm>>
      %dma_start3A_1726 = tpu.memref_squeeze %dma_start3A_1725 : memref<1x1x1x8x128xf32, #tpu.memory_space<hbm>> -> memref<8x128xf32, #tpu.memory_space<hbm>>
      %dma_start3A_1727 = arith.constant 40 : i32
      %dma_start3A_1728 = arith.constant 0 : i32
      %dma_start3A_1729 = tpu.memref_slice %arg20[%dma_start3A_1727, %dma_start3A_1728] : memref<64x129xf32, #tpu.memory_space<vmem>> -> memref<8x128xf32, #tpu.memory_space<vmem>>
      tpu.enqueue_dma source(%dma_start3A_1729 : memref<8x128xf32, #tpu.memory_space<vmem>>) target(%dma_start3A_1726 : memref<8x128xf32, #tpu.memory_space<hbm>>) target_semaphore(%arg36 : memref<!tpu.dma_semaphore, #tpu.memory_space<semaphore_mem>>)
      %add3A_1730 = arith.constant 1 : i32
      %add3A_1731 = arith.addi %mul3A_1627, %add3A_1730 : i32
      %dma_start3A_1732 = arith.constant 2 : i32
      %dma_start3A_1733 = arith.constant 48 : i32
      %dma_start3A_1734 = arith.constant 0 : i32
      %dma_start3A_1735 = tpu.memref_slice %arg20[%dma_start3A_1733, %dma_start3A_1734] : memref<64x129xf32, #tpu.memory_space<vmem>> -> memref<8x128xf32, #tpu.memory_space<vmem>>
      %dma_start3A_1736 = arith.constant 0 : i32
      %dma_start3A_1737 = arith.constant 0 : i32
      %dma_start3A_1738 = tpu.memref_slice %arg5[%add3A_1731, %dma_start3A_1732, %add3A, %dma_start3A_1736, %dma_start3A_1737] : memref<200x4x32x8x128xf32, #tpu.memory_space<hbm>> -> memref<1x1x1x8x128xf32, #tpu.memory_space<hbm>>
      %dma_start3A_1739 = tpu.memref_squeeze %dma_start3A_1738 : memref<1x1x1x8x128xf32, #tpu.memory_space<hbm>> -> memref<8x128xf32, #tpu.memory_space<hbm>>
      %dma_start3A_1740 = arith.constant 0 : i32
      %dma_start3A_1741 = arith.constant 0 : i32
      %dma_start3A_1742 = tpu.memref_slice %arg5[%add3A_1731, %dma_start3A_1732, %add3A, %dma_start3A_1740, %dma_start3A_1741] : memref<200x4x32x8x128xf32, #tpu.memory_space<hbm>> -> memref<1x1x1x8x128xf32, #tpu.memory_space<hbm>>
      %dma_start3A_1743 = tpu.memref_squeeze %dma_start3A_1742 : memref<1x1x1x8x128xf32, #tpu.memory_space<hbm>> -> memref<8x128xf32, #tpu.memory_space<hbm>>
      %dma_start3A_1744 = arith.constant 48 : i32
      %dma_start3A_1745 = arith.constant 0 : i32
      %dma_start3A_1746 = tpu.memref_slice %arg20[%dma_start3A_1744, %dma_start3A_1745] : memref<64x129xf32, #tpu.memory_space<vmem>> -> memref<8x128xf32, #tpu.memory_space<vmem>>
      tpu.enqueue_dma source(%dma_start3A_1746 : memref<8x128xf32, #tpu.memory_space<vmem>>) target(%dma_start3A_1743 : memref<8x128xf32, #tpu.memory_space<hbm>>) target_semaphore(%arg36 : memref<!tpu.dma_semaphore, #tpu.memory_space<semaphore_mem>>)
      %add3A_1747 = arith.constant 1 : i32
      %add3A_1748 = arith.addi %mul3A_1627, %add3A_1747 : i32
      %dma_start3A_1749 = arith.constant 3 : i32
      %dma_start3A_1750 = arith.constant 56 : i32
      %dma_start3A_1751 = arith.constant 0 : i32
      %dma_start3A_1752 = tpu.memref_slice %arg20[%dma_start3A_1750, %dma_start3A_1751] : memref<64x129xf32, #tpu.memory_space<vmem>> -> memref<8x128xf32, #tpu.memory_space<vmem>>
      %dma_start3A_1753 = arith.constant 0 : i32
      %dma_start3A_1754 = arith.constant 0 : i32
      %dma_start3A_1755 = tpu.memref_slice %arg5[%add3A_1748, %dma_start3A_1749, %add3A, %dma_start3A_1753, %dma_start3A_1754] : memref<200x4x32x8x128xf32, #tpu.memory_space<hbm>> -> memref<1x1x1x8x128xf32, #tpu.memory_space<hbm>>
      %dma_start3A_1756 = tpu.memref_squeeze %dma_start3A_1755 : memref<1x1x1x8x128xf32, #tpu.memory_space<hbm>> -> memref<8x128xf32, #tpu.memory_space<hbm>>
      %dma_start3A_1757 = arith.constant 0 : i32
      %dma_start3A_1758 = arith.constant 0 : i32
      %dma_start3A_1759 = tpu.memref_slice %arg5[%add3A_1748, %dma_start3A_1749, %add3A, %dma_start3A_1757, %dma_start3A_1758] : memref<200x4x32x8x128xf32, #tpu.memory_space<hbm>> -> memref<1x1x1x8x128xf32, #tpu.memory_space<hbm>>
      %dma_start3A_1760 = tpu.memref_squeeze %dma_start3A_1759 : memref<1x1x1x8x128xf32, #tpu.memory_space<hbm>> -> memref<8x128xf32, #tpu.memory_space<hbm>>
      %dma_start3A_1761 = arith.constant 56 : i32
      %dma_start3A_1762 = arith.constant 0 : i32
      %dma_start3A_1763 = tpu.memref_slice %arg20[%dma_start3A_1761, %dma_start3A_1762] : memref<64x129xf32, #tpu.memory_space<vmem>> -> memref<8x128xf32, #tpu.memory_space<vmem>>
      tpu.enqueue_dma source(%dma_start3A_1763 : memref<8x128xf32, #tpu.memory_space<vmem>>) target(%dma_start3A_1760 : memref<8x128xf32, #tpu.memory_space<hbm>>) target_semaphore(%arg36 : memref<!tpu.dma_semaphore, #tpu.memory_space<semaphore_mem>>)
    }
    %scan3A_49 = arith.constant 20 : i32
    %dma_wait3A_50 = arith.constant 0 : i32
    %dma_wait3A_51 = arith.constant 0 : i32
    %dma_wait3A_52 = arith.constant 0 : i32
    %dma_wait3A_53 = arith.constant 0 : i32
    %dma_wait3A_54 = arith.constant 0 : i32
    %dma_wait3A_55 = tpu.memref_slice %arg16[%dma_wait3A_53, %dma_wait3A_54] : memref<64x129xf32, #tpu.memory_space<vmem>> -> memref<8x128xf32, #tpu.memory_space<vmem>>
    %dma_wait3A_56 = arith.constant 0 : i32
    %dma_wait3A_57 = arith.constant 0 : i32
    %dma_wait3A_58 = tpu.memref_slice %arg5[%dma_wait3A_50, %dma_wait3A_51, %dma_wait3A_52, %dma_wait3A_56, %dma_wait3A_57] : memref<200x4x32x8x128xf32, #tpu.memory_space<hbm>> -> memref<1x1x1x8x128xf32, #tpu.memory_space<hbm>>
    %dma_wait3A_59 = tpu.memref_squeeze %dma_wait3A_58 : memref<1x1x1x8x128xf32, #tpu.memory_space<hbm>> -> memref<8x128xf32, #tpu.memory_space<hbm>>
    %dma_wait3A_60 = arith.constant 0 : i32
    %dma_wait3A_61 = arith.constant 0 : i32
    %dma_wait3A_62 = tpu.memref_slice %arg5[%dma_wait3A_50, %dma_wait3A_51, %dma_wait3A_52, %dma_wait3A_60, %dma_wait3A_61] : memref<200x4x32x8x128xf32, #tpu.memory_space<hbm>> -> memref<1x1x1x8x128xf32, #tpu.memory_space<hbm>>
    %dma_wait3A_63 = tpu.memref_squeeze %dma_wait3A_62 : memref<1x1x1x8x128xf32, #tpu.memory_space<hbm>> -> memref<8x128xf32, #tpu.memory_space<hbm>>
    %dma_wait3A_64 = arith.constant 0 : i32
    %dma_wait3A_65 = arith.constant 0 : i32
    %dma_wait3A_66 = tpu.memref_slice %arg16[%dma_wait3A_64, %dma_wait3A_65] : memref<64x129xf32, #tpu.memory_space<vmem>> -> memref<8x128xf32, #tpu.memory_space<vmem>>
    tpu.wait_dma2 semaphore(%arg32 : memref<!tpu.dma_semaphore, #tpu.memory_space<semaphore_mem>>) src(%dma_wait3A_66 : memref<8x128xf32, #tpu.memory_space<vmem>>) dst(%dma_wait3A_63 : memref<8x128xf32, #tpu.memory_space<hbm>>)
    %dma_wait3A_67 = arith.constant 0 : i32
    %dma_wait3A_68 = arith.constant 0 : i32
    %dma_wait3A_69 = arith.constant 0 : i32
    %dma_wait3A_70 = arith.constant 0 : i32
    %dma_wait3A_71 = arith.constant 0 : i32
    %dma_wait3A_72 = tpu.memref_slice %arg16[%dma_wait3A_70, %dma_wait3A_71] : memref<64x129xf32, #tpu.memory_space<vmem>> -> memref<8x128xf32, #tpu.memory_space<vmem>>
    %dma_wait3A_73 = arith.constant 0 : i32
    %dma_wait3A_74 = arith.constant 0 : i32
    %dma_wait3A_75 = tpu.memref_slice %arg5[%dma_wait3A_67, %dma_wait3A_68, %dma_wait3A_69, %dma_wait3A_73, %dma_wait3A_74] : memref<200x4x32x8x128xf32, #tpu.memory_space<hbm>> -> memref<1x1x1x8x128xf32, #tpu.memory_space<hbm>>
    %dma_wait3A_76 = tpu.memref_squeeze %dma_wait3A_75 : memref<1x1x1x8x128xf32, #tpu.memory_space<hbm>> -> memref<8x128xf32, #tpu.memory_space<hbm>>
    %dma_wait3A_77 = arith.constant 0 : i32
    %dma_wait3A_78 = arith.constant 0 : i32
    %dma_wait3A_79 = tpu.memref_slice %arg5[%dma_wait3A_67, %dma_wait3A_68, %dma_wait3A_69, %dma_wait3A_77, %dma_wait3A_78] : memref<200x4x32x8x128xf32, #tpu.memory_space<hbm>> -> memref<1x1x1x8x128xf32, #tpu.memory_space<hbm>>
    %dma_wait3A_80 = tpu.memref_squeeze %dma_wait3A_79 : memref<1x1x1x8x128xf32, #tpu.memory_space<hbm>> -> memref<8x128xf32, #tpu.memory_space<hbm>>
    %dma_wait3A_81 = arith.constant 0 : i32
    %dma_wait3A_82 = arith.constant 0 : i32
    %dma_wait3A_83 = tpu.memref_slice %arg16[%dma_wait3A_81, %dma_wait3A_82] : memref<64x129xf32, #tpu.memory_space<vmem>> -> memref<8x128xf32, #tpu.memory_space<vmem>>
    tpu.wait_dma2 semaphore(%arg32 : memref<!tpu.dma_semaphore, #tpu.memory_space<semaphore_mem>>) src(%dma_wait3A_83 : memref<8x128xf32, #tpu.memory_space<vmem>>) dst(%dma_wait3A_80 : memref<8x128xf32, #tpu.memory_space<hbm>>)
    %dma_wait3A_84 = arith.constant 0 : i32
    %dma_wait3A_85 = arith.constant 0 : i32
    %dma_wait3A_86 = arith.constant 0 : i32
    %dma_wait3A_87 = arith.constant 0 : i32
    %dma_wait3A_88 = arith.constant 0 : i32
    %dma_wait3A_89 = tpu.memref_slice %arg16[%dma_wait3A_87, %dma_wait3A_88] : memref<64x129xf32, #tpu.memory_space<vmem>> -> memref<8x128xf32, #tpu.memory_space<vmem>>
    %dma_wait3A_90 = arith.constant 0 : i32
    %dma_wait3A_91 = arith.constant 0 : i32
    %dma_wait3A_92 = tpu.memref_slice %arg5[%dma_wait3A_84, %dma_wait3A_85, %dma_wait3A_86, %dma_wait3A_90, %dma_wait3A_91] : memref<200x4x32x8x128xf32, #tpu.memory_space<hbm>> -> memref<1x1x1x8x128xf32, #tpu.memory_space<hbm>>
    %dma_wait3A_93 = tpu.memref_squeeze %dma_wait3A_92 : memref<1x1x1x8x128xf32, #tpu.memory_space<hbm>> -> memref<8x128xf32, #tpu.memory_space<hbm>>
    %dma_wait3A_94 = arith.constant 0 : i32
    %dma_wait3A_95 = arith.constant 0 : i32
    %dma_wait3A_96 = tpu.memref_slice %arg5[%dma_wait3A_84, %dma_wait3A_85, %dma_wait3A_86, %dma_wait3A_94, %dma_wait3A_95] : memref<200x4x32x8x128xf32, #tpu.memory_space<hbm>> -> memref<1x1x1x8x128xf32, #tpu.memory_space<hbm>>
    %dma_wait3A_97 = tpu.memref_squeeze %dma_wait3A_96 : memref<1x1x1x8x128xf32, #tpu.memory_space<hbm>> -> memref<8x128xf32, #tpu.memory_space<hbm>>
    %dma_wait3A_98 = arith.constant 0 : i32
    %dma_wait3A_99 = arith.constant 0 : i32
    %dma_wait3A_100 = tpu.memref_slice %arg16[%dma_wait3A_98, %dma_wait3A_99] : memref<64x129xf32, #tpu.memory_space<vmem>> -> memref<8x128xf32, #tpu.memory_space<vmem>>
    tpu.wait_dma2 semaphore(%arg32 : memref<!tpu.dma_semaphore, #tpu.memory_space<semaphore_mem>>) src(%dma_wait3A_100 : memref<8x128xf32, #tpu.memory_space<vmem>>) dst(%dma_wait3A_97 : memref<8x128xf32, #tpu.memory_space<hbm>>)
    %dma_wait3A_101 = arith.constant 0 : i32
    %dma_wait3A_102 = arith.constant 0 : i32
    %dma_wait3A_103 = arith.constant 0 : i32
    %dma_wait3A_104 = arith.constant 0 : i32
    %dma_wait3A_105 = arith.constant 0 : i32
    %dma_wait3A_106 = tpu.memref_slice %arg16[%dma_wait3A_104, %dma_wait3A_105] : memref<64x129xf32, #tpu.memory_space<vmem>> -> memref<8x128xf32, #tpu.memory_space<vmem>>
    %dma_wait3A_107 = arith.constant 0 : i32
    %dma_wait3A_108 = arith.constant 0 : i32
    %dma_wait3A_109 = tpu.memref_slice %arg5[%dma_wait3A_101, %dma_wait3A_102, %dma_wait3A_103, %dma_wait3A_107, %dma_wait3A_108] : memref<200x4x32x8x128xf32, #tpu.memory_space<hbm>> -> memref<1x1x1x8x128xf32, #tpu.memory_space<hbm>>
    %dma_wait3A_110 = tpu.memref_squeeze %dma_wait3A_109 : memref<1x1x1x8x128xf32, #tpu.memory_space<hbm>> -> memref<8x128xf32, #tpu.memory_space<hbm>>
    %dma_wait3A_111 = arith.constant 0 : i32
    %dma_wait3A_112 = arith.constant 0 : i32
    %dma_wait3A_113 = tpu.memref_slice %arg5[%dma_wait3A_101, %dma_wait3A_102, %dma_wait3A_103, %dma_wait3A_111, %dma_wait3A_112] : memref<200x4x32x8x128xf32, #tpu.memory_space<hbm>> -> memref<1x1x1x8x128xf32, #tpu.memory_space<hbm>>
    %dma_wait3A_114 = tpu.memref_squeeze %dma_wait3A_113 : memref<1x1x1x8x128xf32, #tpu.memory_space<hbm>> -> memref<8x128xf32, #tpu.memory_space<hbm>>
    %dma_wait3A_115 = arith.constant 0 : i32
    %dma_wait3A_116 = arith.constant 0 : i32
    %dma_wait3A_117 = tpu.memref_slice %arg16[%dma_wait3A_115, %dma_wait3A_116] : memref<64x129xf32, #tpu.memory_space<vmem>> -> memref<8x128xf32, #tpu.memory_space<vmem>>
    tpu.wait_dma2 semaphore(%arg32 : memref<!tpu.dma_semaphore, #tpu.memory_space<semaphore_mem>>) src(%dma_wait3A_117 : memref<8x128xf32, #tpu.memory_space<vmem>>) dst(%dma_wait3A_114 : memref<8x128xf32, #tpu.memory_space<hbm>>)
    %dma_wait3A_118 = arith.constant 0 : i32
    %dma_wait3A_119 = arith.constant 0 : i32
    %dma_wait3A_120 = arith.constant 0 : i32
    %dma_wait3A_121 = arith.constant 0 : i32
    %dma_wait3A_122 = arith.constant 0 : i32
    %dma_wait3A_123 = tpu.memref_slice %arg16[%dma_wait3A_121, %dma_wait3A_122] : memref<64x129xf32, #tpu.memory_space<vmem>> -> memref<8x128xf32, #tpu.memory_space<vmem>>
    %dma_wait3A_124 = arith.constant 0 : i32
    %dma_wait3A_125 = arith.constant 0 : i32
    %dma_wait3A_126 = tpu.memref_slice %arg5[%dma_wait3A_118, %dma_wait3A_119, %dma_wait3A_120, %dma_wait3A_124, %dma_wait3A_125] : memref<200x4x32x8x128xf32, #tpu.memory_space<hbm>> -> memref<1x1x1x8x128xf32, #tpu.memory_space<hbm>>
    %dma_wait3A_127 = tpu.memref_squeeze %dma_wait3A_126 : memref<1x1x1x8x128xf32, #tpu.memory_space<hbm>> -> memref<8x128xf32, #tpu.memory_space<hbm>>
    %dma_wait3A_128 = arith.constant 0 : i32
    %dma_wait3A_129 = arith.constant 0 : i32
    %dma_wait3A_130 = tpu.memref_slice %arg5[%dma_wait3A_118, %dma_wait3A_119, %dma_wait3A_120, %dma_wait3A_128, %dma_wait3A_129] : memref<200x4x32x8x128xf32, #tpu.memory_space<hbm>> -> memref<1x1x1x8x128xf32, #tpu.memory_space<hbm>>
    %dma_wait3A_131 = tpu.memref_squeeze %dma_wait3A_130 : memref<1x1x1x8x128xf32, #tpu.memory_space<hbm>> -> memref<8x128xf32, #tpu.memory_space<hbm>>
    %dma_wait3A_132 = arith.constant 0 : i32
    %dma_wait3A_133 = arith.constant 0 : i32
    %dma_wait3A_134 = tpu.memref_slice %arg16[%dma_wait3A_132, %dma_wait3A_133] : memref<64x129xf32, #tpu.memory_space<vmem>> -> memref<8x128xf32, #tpu.memory_space<vmem>>
    tpu.wait_dma2 semaphore(%arg32 : memref<!tpu.dma_semaphore, #tpu.memory_space<semaphore_mem>>) src(%dma_wait3A_134 : memref<8x128xf32, #tpu.memory_space<vmem>>) dst(%dma_wait3A_131 : memref<8x128xf32, #tpu.memory_space<hbm>>)
    %dma_wait3A_135 = arith.constant 0 : i32
    %dma_wait3A_136 = arith.constant 0 : i32
    %dma_wait3A_137 = arith.constant 0 : i32
    %dma_wait3A_138 = arith.constant 0 : i32
    %dma_wait3A_139 = arith.constant 0 : i32
    %dma_wait3A_140 = tpu.memref_slice %arg16[%dma_wait3A_138, %dma_wait3A_139] : memref<64x129xf32, #tpu.memory_space<vmem>> -> memref<8x128xf32, #tpu.memory_space<vmem>>
    %dma_wait3A_141 = arith.constant 0 : i32
    %dma_wait3A_142 = arith.constant 0 : i32
    %dma_wait3A_143 = tpu.memref_slice %arg5[%dma_wait3A_135, %dma_wait3A_136, %dma_wait3A_137, %dma_wait3A_141, %dma_wait3A_142] : memref<200x4x32x8x128xf32, #tpu.memory_space<hbm>> -> memref<1x1x1x8x128xf32, #tpu.memory_space<hbm>>
    %dma_wait3A_144 = tpu.memref_squeeze %dma_wait3A_143 : memref<1x1x1x8x128xf32, #tpu.memory_space<hbm>> -> memref<8x128xf32, #tpu.memory_space<hbm>>
    %dma_wait3A_145 = arith.constant 0 : i32
    %dma_wait3A_146 = arith.constant 0 : i32
    %dma_wait3A_147 = tpu.memref_slice %arg5[%dma_wait3A_135, %dma_wait3A_136, %dma_wait3A_137, %dma_wait3A_145, %dma_wait3A_146] : memref<200x4x32x8x128xf32, #tpu.memory_space<hbm>> -> memref<1x1x1x8x128xf32, #tpu.memory_space<hbm>>
    %dma_wait3A_148 = tpu.memref_squeeze %dma_wait3A_147 : memref<1x1x1x8x128xf32, #tpu.memory_space<hbm>> -> memref<8x128xf32, #tpu.memory_space<hbm>>
    %dma_wait3A_149 = arith.constant 0 : i32
    %dma_wait3A_150 = arith.constant 0 : i32
    %dma_wait3A_151 = tpu.memref_slice %arg16[%dma_wait3A_149, %dma_wait3A_150] : memref<64x129xf32, #tpu.memory_space<vmem>> -> memref<8x128xf32, #tpu.memory_space<vmem>>
    tpu.wait_dma2 semaphore(%arg32 : memref<!tpu.dma_semaphore, #tpu.memory_space<semaphore_mem>>) src(%dma_wait3A_151 : memref<8x128xf32, #tpu.memory_space<vmem>>) dst(%dma_wait3A_148 : memref<8x128xf32, #tpu.memory_space<hbm>>)
    %dma_wait3A_152 = arith.constant 0 : i32
    %dma_wait3A_153 = arith.constant 0 : i32
    %dma_wait3A_154 = arith.constant 0 : i32
    %dma_wait3A_155 = arith.constant 0 : i32
    %dma_wait3A_156 = arith.constant 0 : i32
    %dma_wait3A_157 = tpu.memref_slice %arg16[%dma_wait3A_155, %dma_wait3A_156] : memref<64x129xf32, #tpu.memory_space<vmem>> -> memref<8x128xf32, #tpu.memory_space<vmem>>
    %dma_wait3A_158 = arith.constant 0 : i32
    %dma_wait3A_159 = arith.constant 0 : i32
    %dma_wait3A_160 = tpu.memref_slice %arg5[%dma_wait3A_152, %dma_wait3A_153, %dma_wait3A_154, %dma_wait3A_158, %dma_wait3A_159] : memref<200x4x32x8x128xf32, #tpu.memory_space<hbm>> -> memref<1x1x1x8x128xf32, #tpu.memory_space<hbm>>
    %dma_wait3A_161 = tpu.memref_squeeze %dma_wait3A_160 : memref<1x1x1x8x128xf32, #tpu.memory_space<hbm>> -> memref<8x128xf32, #tpu.memory_space<hbm>>
    %dma_wait3A_162 = arith.constant 0 : i32
    %dma_wait3A_163 = arith.constant 0 : i32
    %dma_wait3A_164 = tpu.memref_slice %arg5[%dma_wait3A_152, %dma_wait3A_153, %dma_wait3A_154, %dma_wait3A_162, %dma_wait3A_163] : memref<200x4x32x8x128xf32, #tpu.memory_space<hbm>> -> memref<1x1x1x8x128xf32, #tpu.memory_space<hbm>>
    %dma_wait3A_165 = tpu.memref_squeeze %dma_wait3A_164 : memref<1x1x1x8x128xf32, #tpu.memory_space<hbm>> -> memref<8x128xf32, #tpu.memory_space<hbm>>
    %dma_wait3A_166 = arith.constant 0 : i32
    %dma_wait3A_167 = arith.constant 0 : i32
    %dma_wait3A_168 = tpu.memref_slice %arg16[%dma_wait3A_166, %dma_wait3A_167] : memref<64x129xf32, #tpu.memory_space<vmem>> -> memref<8x128xf32, #tpu.memory_space<vmem>>
    tpu.wait_dma2 semaphore(%arg32 : memref<!tpu.dma_semaphore, #tpu.memory_space<semaphore_mem>>) src(%dma_wait3A_168 : memref<8x128xf32, #tpu.memory_space<vmem>>) dst(%dma_wait3A_165 : memref<8x128xf32, #tpu.memory_space<hbm>>)
    %dma_wait3A_169 = arith.constant 0 : i32
    %dma_wait3A_170 = arith.constant 0 : i32
    %dma_wait3A_171 = arith.constant 0 : i32
    %dma_wait3A_172 = arith.constant 0 : i32
    %dma_wait3A_173 = arith.constant 0 : i32
    %dma_wait3A_174 = tpu.memref_slice %arg16[%dma_wait3A_172, %dma_wait3A_173] : memref<64x129xf32, #tpu.memory_space<vmem>> -> memref<8x128xf32, #tpu.memory_space<vmem>>
    %dma_wait3A_175 = arith.constant 0 : i32
    %dma_wait3A_176 = arith.constant 0 : i32
    %dma_wait3A_177 = tpu.memref_slice %arg5[%dma_wait3A_169, %dma_wait3A_170, %dma_wait3A_171, %dma_wait3A_175, %dma_wait3A_176] : memref<200x4x32x8x128xf32, #tpu.memory_space<hbm>> -> memref<1x1x1x8x128xf32, #tpu.memory_space<hbm>>
    %dma_wait3A_178 = tpu.memref_squeeze %dma_wait3A_177 : memref<1x1x1x8x128xf32, #tpu.memory_space<hbm>> -> memref<8x128xf32, #tpu.memory_space<hbm>>
    %dma_wait3A_179 = arith.constant 0 : i32
    %dma_wait3A_180 = arith.constant 0 : i32
    %dma_wait3A_181 = tpu.memref_slice %arg5[%dma_wait3A_169, %dma_wait3A_170, %dma_wait3A_171, %dma_wait3A_179, %dma_wait3A_180] : memref<200x4x32x8x128xf32, #tpu.memory_space<hbm>> -> memref<1x1x1x8x128xf32, #tpu.memory_space<hbm>>
    %dma_wait3A_182 = tpu.memref_squeeze %dma_wait3A_181 : memref<1x1x1x8x128xf32, #tpu.memory_space<hbm>> -> memref<8x128xf32, #tpu.memory_space<hbm>>
    %dma_wait3A_183 = arith.constant 0 : i32
    %dma_wait3A_184 = arith.constant 0 : i32
    %dma_wait3A_185 = tpu.memref_slice %arg16[%dma_wait3A_183, %dma_wait3A_184] : memref<64x129xf32, #tpu.memory_space<vmem>> -> memref<8x128xf32, #tpu.memory_space<vmem>>
    tpu.wait_dma2 semaphore(%arg32 : memref<!tpu.dma_semaphore, #tpu.memory_space<semaphore_mem>>) src(%dma_wait3A_185 : memref<8x128xf32, #tpu.memory_space<vmem>>) dst(%dma_wait3A_182 : memref<8x128xf32, #tpu.memory_space<hbm>>)
    %dma_wait3A_186 = arith.constant 0 : i32
    %dma_wait3A_187 = arith.constant 0 : i32
    %dma_wait3A_188 = arith.constant 0 : i32
    %dma_wait3A_189 = arith.constant 0 : i32
    %dma_wait3A_190 = arith.constant 0 : i32
    %dma_wait3A_191 = tpu.memref_slice %arg17[%dma_wait3A_189, %dma_wait3A_190] : memref<64x129xf32, #tpu.memory_space<vmem>> -> memref<8x128xf32, #tpu.memory_space<vmem>>
    %dma_wait3A_192 = arith.constant 0 : i32
    %dma_wait3A_193 = arith.constant 0 : i32
    %dma_wait3A_194 = tpu.memref_slice %arg5[%dma_wait3A_186, %dma_wait3A_187, %dma_wait3A_188, %dma_wait3A_192, %dma_wait3A_193] : memref<200x4x32x8x128xf32, #tpu.memory_space<hbm>> -> memref<1x1x1x8x128xf32, #tpu.memory_space<hbm>>
    %dma_wait3A_195 = tpu.memref_squeeze %dma_wait3A_194 : memref<1x1x1x8x128xf32, #tpu.memory_space<hbm>> -> memref<8x128xf32, #tpu.memory_space<hbm>>
    %dma_wait3A_196 = arith.constant 0 : i32
    %dma_wait3A_197 = arith.constant 0 : i32
    %dma_wait3A_198 = tpu.memref_slice %arg5[%dma_wait3A_186, %dma_wait3A_187, %dma_wait3A_188, %dma_wait3A_196, %dma_wait3A_197] : memref<200x4x32x8x128xf32, #tpu.memory_space<hbm>> -> memref<1x1x1x8x128xf32, #tpu.memory_space<hbm>>
    %dma_wait3A_199 = tpu.memref_squeeze %dma_wait3A_198 : memref<1x1x1x8x128xf32, #tpu.memory_space<hbm>> -> memref<8x128xf32, #tpu.memory_space<hbm>>
    %dma_wait3A_200 = arith.constant 0 : i32
    %dma_wait3A_201 = arith.constant 0 : i32
    %dma_wait3A_202 = tpu.memref_slice %arg17[%dma_wait3A_200, %dma_wait3A_201] : memref<64x129xf32, #tpu.memory_space<vmem>> -> memref<8x128xf32, #tpu.memory_space<vmem>>
    tpu.wait_dma2 semaphore(%arg33 : memref<!tpu.dma_semaphore, #tpu.memory_space<semaphore_mem>>) src(%dma_wait3A_202 : memref<8x128xf32, #tpu.memory_space<vmem>>) dst(%dma_wait3A_199 : memref<8x128xf32, #tpu.memory_space<hbm>>)
    %dma_wait3A_203 = arith.constant 0 : i32
    %dma_wait3A_204 = arith.constant 0 : i32
    %dma_wait3A_205 = arith.constant 0 : i32
    %dma_wait3A_206 = arith.constant 0 : i32
    %dma_wait3A_207 = arith.constant 0 : i32
    %dma_wait3A_208 = tpu.memref_slice %arg17[%dma_wait3A_206, %dma_wait3A_207] : memref<64x129xf32, #tpu.memory_space<vmem>> -> memref<8x128xf32, #tpu.memory_space<vmem>>
    %dma_wait3A_209 = arith.constant 0 : i32
    %dma_wait3A_210 = arith.constant 0 : i32
    %dma_wait3A_211 = tpu.memref_slice %arg5[%dma_wait3A_203, %dma_wait3A_204, %dma_wait3A_205, %dma_wait3A_209, %dma_wait3A_210] : memref<200x4x32x8x128xf32, #tpu.memory_space<hbm>> -> memref<1x1x1x8x128xf32, #tpu.memory_space<hbm>>
    %dma_wait3A_212 = tpu.memref_squeeze %dma_wait3A_211 : memref<1x1x1x8x128xf32, #tpu.memory_space<hbm>> -> memref<8x128xf32, #tpu.memory_space<hbm>>
    %dma_wait3A_213 = arith.constant 0 : i32
    %dma_wait3A_214 = arith.constant 0 : i32
    %dma_wait3A_215 = tpu.memref_slice %arg5[%dma_wait3A_203, %dma_wait3A_204, %dma_wait3A_205, %dma_wait3A_213, %dma_wait3A_214] : memref<200x4x32x8x128xf32, #tpu.memory_space<hbm>> -> memref<1x1x1x8x128xf32, #tpu.memory_space<hbm>>
    %dma_wait3A_216 = tpu.memref_squeeze %dma_wait3A_215 : memref<1x1x1x8x128xf32, #tpu.memory_space<hbm>> -> memref<8x128xf32, #tpu.memory_space<hbm>>
    %dma_wait3A_217 = arith.constant 0 : i32
    %dma_wait3A_218 = arith.constant 0 : i32
    %dma_wait3A_219 = tpu.memref_slice %arg17[%dma_wait3A_217, %dma_wait3A_218] : memref<64x129xf32, #tpu.memory_space<vmem>> -> memref<8x128xf32, #tpu.memory_space<vmem>>
    tpu.wait_dma2 semaphore(%arg33 : memref<!tpu.dma_semaphore, #tpu.memory_space<semaphore_mem>>) src(%dma_wait3A_219 : memref<8x128xf32, #tpu.memory_space<vmem>>) dst(%dma_wait3A_216 : memref<8x128xf32, #tpu.memory_space<hbm>>)
    %dma_wait3A_220 = arith.constant 0 : i32
    %dma_wait3A_221 = arith.constant 0 : i32
    %dma_wait3A_222 = arith.constant 0 : i32
    %dma_wait3A_223 = arith.constant 0 : i32
    %dma_wait3A_224 = arith.constant 0 : i32
    %dma_wait3A_225 = tpu.memref_slice %arg17[%dma_wait3A_223, %dma_wait3A_224] : memref<64x129xf32, #tpu.memory_space<vmem>> -> memref<8x128xf32, #tpu.memory_space<vmem>>
    %dma_wait3A_226 = arith.constant 0 : i32
    %dma_wait3A_227 = arith.constant 0 : i32
    %dma_wait3A_228 = tpu.memref_slice %arg5[%dma_wait3A_220, %dma_wait3A_221, %dma_wait3A_222, %dma_wait3A_226, %dma_wait3A_227] : memref<200x4x32x8x128xf32, #tpu.memory_space<hbm>> -> memref<1x1x1x8x128xf32, #tpu.memory_space<hbm>>
    %dma_wait3A_229 = tpu.memref_squeeze %dma_wait3A_228 : memref<1x1x1x8x128xf32, #tpu.memory_space<hbm>> -> memref<8x128xf32, #tpu.memory_space<hbm>>
    %dma_wait3A_230 = arith.constant 0 : i32
    %dma_wait3A_231 = arith.constant 0 : i32
    %dma_wait3A_232 = tpu.memref_slice %arg5[%dma_wait3A_220, %dma_wait3A_221, %dma_wait3A_222, %dma_wait3A_230, %dma_wait3A_231] : memref<200x4x32x8x128xf32, #tpu.memory_space<hbm>> -> memref<1x1x1x8x128xf32, #tpu.memory_space<hbm>>
    %dma_wait3A_233 = tpu.memref_squeeze %dma_wait3A_232 : memref<1x1x1x8x128xf32, #tpu.memory_space<hbm>> -> memref<8x128xf32, #tpu.memory_space<hbm>>
    %dma_wait3A_234 = arith.constant 0 : i32
    %dma_wait3A_235 = arith.constant 0 : i32
    %dma_wait3A_236 = tpu.memref_slice %arg17[%dma_wait3A_234, %dma_wait3A_235] : memref<64x129xf32, #tpu.memory_space<vmem>> -> memref<8x128xf32, #tpu.memory_space<vmem>>
    tpu.wait_dma2 semaphore(%arg33 : memref<!tpu.dma_semaphore, #tpu.memory_space<semaphore_mem>>) src(%dma_wait3A_236 : memref<8x128xf32, #tpu.memory_space<vmem>>) dst(%dma_wait3A_233 : memref<8x128xf32, #tpu.memory_space<hbm>>)
    %dma_wait3A_237 = arith.constant 0 : i32
    %dma_wait3A_238 = arith.constant 0 : i32
    %dma_wait3A_239 = arith.constant 0 : i32
    %dma_wait3A_240 = arith.constant 0 : i32
    %dma_wait3A_241 = arith.constant 0 : i32
    %dma_wait3A_242 = tpu.memref_slice %arg17[%dma_wait3A_240, %dma_wait3A_241] : memref<64x129xf32, #tpu.memory_space<vmem>> -> memref<8x128xf32, #tpu.memory_space<vmem>>
    %dma_wait3A_243 = arith.constant 0 : i32
    %dma_wait3A_244 = arith.constant 0 : i32
    %dma_wait3A_245 = tpu.memref_slice %arg5[%dma_wait3A_237, %dma_wait3A_238, %dma_wait3A_239, %dma_wait3A_243, %dma_wait3A_244] : memref<200x4x32x8x128xf32, #tpu.memory_space<hbm>> -> memref<1x1x1x8x128xf32, #tpu.memory_space<hbm>>
    %dma_wait3A_246 = tpu.memref_squeeze %dma_wait3A_245 : memref<1x1x1x8x128xf32, #tpu.memory_space<hbm>> -> memref<8x128xf32, #tpu.memory_space<hbm>>
    %dma_wait3A_247 = arith.constant 0 : i32
    %dma_wait3A_248 = arith.constant 0 : i32
    %dma_wait3A_249 = tpu.memref_slice %arg5[%dma_wait3A_237, %dma_wait3A_238, %dma_wait3A_239, %dma_wait3A_247, %dma_wait3A_248] : memref<200x4x32x8x128xf32, #tpu.memory_space<hbm>> -> memref<1x1x1x8x128xf32, #tpu.memory_space<hbm>>
    %dma_wait3A_250 = tpu.memref_squeeze %dma_wait3A_249 : memref<1x1x1x8x128xf32, #tpu.memory_space<hbm>> -> memref<8x128xf32, #tpu.memory_space<hbm>>
    %dma_wait3A_251 = arith.constant 0 : i32
    %dma_wait3A_252 = arith.constant 0 : i32
    %dma_wait3A_253 = tpu.memref_slice %arg17[%dma_wait3A_251, %dma_wait3A_252] : memref<64x129xf32, #tpu.memory_space<vmem>> -> memref<8x128xf32, #tpu.memory_space<vmem>>
    tpu.wait_dma2 semaphore(%arg33 : memref<!tpu.dma_semaphore, #tpu.memory_space<semaphore_mem>>) src(%dma_wait3A_253 : memref<8x128xf32, #tpu.memory_space<vmem>>) dst(%dma_wait3A_250 : memref<8x128xf32, #tpu.memory_space<hbm>>)
    %dma_wait3A_254 = arith.constant 0 : i32
    %dma_wait3A_255 = arith.constant 0 : i32
    %dma_wait3A_256 = arith.constant 0 : i32
    %dma_wait3A_257 = arith.constant 0 : i32
    %dma_wait3A_258 = arith.constant 0 : i32
    %dma_wait3A_259 = tpu.memref_slice %arg17[%dma_wait3A_257, %dma_wait3A_258] : memref<64x129xf32, #tpu.memory_space<vmem>> -> memref<8x128xf32, #tpu.memory_space<vmem>>
    %dma_wait3A_260 = arith.constant 0 : i32
    %dma_wait3A_261 = arith.constant 0 : i32
    %dma_wait3A_262 = tpu.memref_slice %arg5[%dma_wait3A_254, %dma_wait3A_255, %dma_wait3A_256, %dma_wait3A_260, %dma_wait3A_261] : memref<200x4x32x8x128xf32, #tpu.memory_space<hbm>> -> memref<1x1x1x8x128xf32, #tpu.memory_space<hbm>>
    %dma_wait3A_263 = tpu.memref_squeeze %dma_wait3A_262 : memref<1x1x1x8x128xf32, #tpu.memory_space<hbm>> -> memref<8x128xf32, #tpu.memory_space<hbm>>
    %dma_wait3A_264 = arith.constant 0 : i32
    %dma_wait3A_265 = arith.constant 0 : i32
    %dma_wait3A_266 = tpu.memref_slice %arg5[%dma_wait3A_254, %dma_wait3A_255, %dma_wait3A_256, %dma_wait3A_264, %dma_wait3A_265] : memref<200x4x32x8x128xf32, #tpu.memory_space<hbm>> -> memref<1x1x1x8x128xf32, #tpu.memory_space<hbm>>
    %dma_wait3A_267 = tpu.memref_squeeze %dma_wait3A_266 : memref<1x1x1x8x128xf32, #tpu.memory_space<hbm>> -> memref<8x128xf32, #tpu.memory_space<hbm>>
    %dma_wait3A_268 = arith.constant 0 : i32
    %dma_wait3A_269 = arith.constant 0 : i32
    %dma_wait3A_270 = tpu.memref_slice %arg17[%dma_wait3A_268, %dma_wait3A_269] : memref<64x129xf32, #tpu.memory_space<vmem>> -> memref<8x128xf32, #tpu.memory_space<vmem>>
    tpu.wait_dma2 semaphore(%arg33 : memref<!tpu.dma_semaphore, #tpu.memory_space<semaphore_mem>>) src(%dma_wait3A_270 : memref<8x128xf32, #tpu.memory_space<vmem>>) dst(%dma_wait3A_267 : memref<8x128xf32, #tpu.memory_space<hbm>>)
    %dma_wait3A_271 = arith.constant 0 : i32
    %dma_wait3A_272 = arith.constant 0 : i32
    %dma_wait3A_273 = arith.constant 0 : i32
    %dma_wait3A_274 = arith.constant 0 : i32
    %dma_wait3A_275 = arith.constant 0 : i32
    %dma_wait3A_276 = tpu.memref_slice %arg17[%dma_wait3A_274, %dma_wait3A_275] : memref<64x129xf32, #tpu.memory_space<vmem>> -> memref<8x128xf32, #tpu.memory_space<vmem>>
    %dma_wait3A_277 = arith.constant 0 : i32
    %dma_wait3A_278 = arith.constant 0 : i32
    %dma_wait3A_279 = tpu.memref_slice %arg5[%dma_wait3A_271, %dma_wait3A_272, %dma_wait3A_273, %dma_wait3A_277, %dma_wait3A_278] : memref<200x4x32x8x128xf32, #tpu.memory_space<hbm>> -> memref<1x1x1x8x128xf32, #tpu.memory_space<hbm>>
    %dma_wait3A_280 = tpu.memref_squeeze %dma_wait3A_279 : memref<1x1x1x8x128xf32, #tpu.memory_space<hbm>> -> memref<8x128xf32, #tpu.memory_space<hbm>>
    %dma_wait3A_281 = arith.constant 0 : i32
    %dma_wait3A_282 = arith.constant 0 : i32
    %dma_wait3A_283 = tpu.memref_slice %arg5[%dma_wait3A_271, %dma_wait3A_272, %dma_wait3A_273, %dma_wait3A_281, %dma_wait3A_282] : memref<200x4x32x8x128xf32, #tpu.memory_space<hbm>> -> memref<1x1x1x8x128xf32, #tpu.memory_space<hbm>>
    %dma_wait3A_284 = tpu.memref_squeeze %dma_wait3A_283 : memref<1x1x1x8x128xf32, #tpu.memory_space<hbm>> -> memref<8x128xf32, #tpu.memory_space<hbm>>
    %dma_wait3A_285 = arith.constant 0 : i32
    %dma_wait3A_286 = arith.constant 0 : i32
    %dma_wait3A_287 = tpu.memref_slice %arg17[%dma_wait3A_285, %dma_wait3A_286] : memref<64x129xf32, #tpu.memory_space<vmem>> -> memref<8x128xf32, #tpu.memory_space<vmem>>
    tpu.wait_dma2 semaphore(%arg33 : memref<!tpu.dma_semaphore, #tpu.memory_space<semaphore_mem>>) src(%dma_wait3A_287 : memref<8x128xf32, #tpu.memory_space<vmem>>) dst(%dma_wait3A_284 : memref<8x128xf32, #tpu.memory_space<hbm>>)
    %dma_wait3A_288 = arith.constant 0 : i32
    %dma_wait3A_289 = arith.constant 0 : i32
    %dma_wait3A_290 = arith.constant 0 : i32
    %dma_wait3A_291 = arith.constant 0 : i32
    %dma_wait3A_292 = arith.constant 0 : i32
    %dma_wait3A_293 = tpu.memref_slice %arg17[%dma_wait3A_291, %dma_wait3A_292] : memref<64x129xf32, #tpu.memory_space<vmem>> -> memref<8x128xf32, #tpu.memory_space<vmem>>
    %dma_wait3A_294 = arith.constant 0 : i32
    %dma_wait3A_295 = arith.constant 0 : i32
    %dma_wait3A_296 = tpu.memref_slice %arg5[%dma_wait3A_288, %dma_wait3A_289, %dma_wait3A_290, %dma_wait3A_294, %dma_wait3A_295] : memref<200x4x32x8x128xf32, #tpu.memory_space<hbm>> -> memref<1x1x1x8x128xf32, #tpu.memory_space<hbm>>
    %dma_wait3A_297 = tpu.memref_squeeze %dma_wait3A_296 : memref<1x1x1x8x128xf32, #tpu.memory_space<hbm>> -> memref<8x128xf32, #tpu.memory_space<hbm>>
    %dma_wait3A_298 = arith.constant 0 : i32
    %dma_wait3A_299 = arith.constant 0 : i32
    %dma_wait3A_300 = tpu.memref_slice %arg5[%dma_wait3A_288, %dma_wait3A_289, %dma_wait3A_290, %dma_wait3A_298, %dma_wait3A_299] : memref<200x4x32x8x128xf32, #tpu.memory_space<hbm>> -> memref<1x1x1x8x128xf32, #tpu.memory_space<hbm>>
    %dma_wait3A_301 = tpu.memref_squeeze %dma_wait3A_300 : memref<1x1x1x8x128xf32, #tpu.memory_space<hbm>> -> memref<8x128xf32, #tpu.memory_space<hbm>>
    %dma_wait3A_302 = arith.constant 0 : i32
    %dma_wait3A_303 = arith.constant 0 : i32
    %dma_wait3A_304 = tpu.memref_slice %arg17[%dma_wait3A_302, %dma_wait3A_303] : memref<64x129xf32, #tpu.memory_space<vmem>> -> memref<8x128xf32, #tpu.memory_space<vmem>>
    tpu.wait_dma2 semaphore(%arg33 : memref<!tpu.dma_semaphore, #tpu.memory_space<semaphore_mem>>) src(%dma_wait3A_304 : memref<8x128xf32, #tpu.memory_space<vmem>>) dst(%dma_wait3A_301 : memref<8x128xf32, #tpu.memory_space<hbm>>)
    %dma_wait3A_305 = arith.constant 0 : i32
    %dma_wait3A_306 = arith.constant 0 : i32
    %dma_wait3A_307 = arith.constant 0 : i32
    %dma_wait3A_308 = arith.constant 0 : i32
    %dma_wait3A_309 = arith.constant 0 : i32
    %dma_wait3A_310 = tpu.memref_slice %arg17[%dma_wait3A_308, %dma_wait3A_309] : memref<64x129xf32, #tpu.memory_space<vmem>> -> memref<8x128xf32, #tpu.memory_space<vmem>>
    %dma_wait3A_311 = arith.constant 0 : i32
    %dma_wait3A_312 = arith.constant 0 : i32
    %dma_wait3A_313 = tpu.memref_slice %arg5[%dma_wait3A_305, %dma_wait3A_306, %dma_wait3A_307, %dma_wait3A_311, %dma_wait3A_312] : memref<200x4x32x8x128xf32, #tpu.memory_space<hbm>> -> memref<1x1x1x8x128xf32, #tpu.memory_space<hbm>>
    %dma_wait3A_314 = tpu.memref_squeeze %dma_wait3A_313 : memref<1x1x1x8x128xf32, #tpu.memory_space<hbm>> -> memref<8x128xf32, #tpu.memory_space<hbm>>
    %dma_wait3A_315 = arith.constant 0 : i32
    %dma_wait3A_316 = arith.constant 0 : i32
    %dma_wait3A_317 = tpu.memref_slice %arg5[%dma_wait3A_305, %dma_wait3A_306, %dma_wait3A_307, %dma_wait3A_315, %dma_wait3A_316] : memref<200x4x32x8x128xf32, #tpu.memory_space<hbm>> -> memref<1x1x1x8x128xf32, #tpu.memory_space<hbm>>
    %dma_wait3A_318 = tpu.memref_squeeze %dma_wait3A_317 : memref<1x1x1x8x128xf32, #tpu.memory_space<hbm>> -> memref<8x128xf32, #tpu.memory_space<hbm>>
    %dma_wait3A_319 = arith.constant 0 : i32
    %dma_wait3A_320 = arith.constant 0 : i32
    %dma_wait3A_321 = tpu.memref_slice %arg17[%dma_wait3A_319, %dma_wait3A_320] : memref<64x129xf32, #tpu.memory_space<vmem>> -> memref<8x128xf32, #tpu.memory_space<vmem>>
    tpu.wait_dma2 semaphore(%arg33 : memref<!tpu.dma_semaphore, #tpu.memory_space<semaphore_mem>>) src(%dma_wait3A_321 : memref<8x128xf32, #tpu.memory_space<vmem>>) dst(%dma_wait3A_318 : memref<8x128xf32, #tpu.memory_space<hbm>>)
    %dma_wait3A_322 = arith.constant 0 : i32
    %dma_wait3A_323 = arith.constant 0 : i32
    %dma_wait3A_324 = arith.constant 0 : i32
    %dma_wait3A_325 = arith.constant 0 : i32
    %dma_wait3A_326 = arith.constant 0 : i32
    %dma_wait3A_327 = tpu.memref_slice %arg18[%dma_wait3A_325, %dma_wait3A_326] : memref<64x129xf32, #tpu.memory_space<vmem>> -> memref<8x128xf32, #tpu.memory_space<vmem>>
    %dma_wait3A_328 = arith.constant 0 : i32
    %dma_wait3A_329 = arith.constant 0 : i32
    %dma_wait3A_330 = tpu.memref_slice %arg5[%dma_wait3A_322, %dma_wait3A_323, %dma_wait3A_324, %dma_wait3A_328, %dma_wait3A_329] : memref<200x4x32x8x128xf32, #tpu.memory_space<hbm>> -> memref<1x1x1x8x128xf32, #tpu.memory_space<hbm>>
    %dma_wait3A_331 = tpu.memref_squeeze %dma_wait3A_330 : memref<1x1x1x8x128xf32, #tpu.memory_space<hbm>> -> memref<8x128xf32, #tpu.memory_space<hbm>>
    %dma_wait3A_332 = arith.constant 0 : i32
    %dma_wait3A_333 = arith.constant 0 : i32
    %dma_wait3A_334 = tpu.memref_slice %arg5[%dma_wait3A_322, %dma_wait3A_323, %dma_wait3A_324, %dma_wait3A_332, %dma_wait3A_333] : memref<200x4x32x8x128xf32, #tpu.memory_space<hbm>> -> memref<1x1x1x8x128xf32, #tpu.memory_space<hbm>>
    %dma_wait3A_335 = tpu.memref_squeeze %dma_wait3A_334 : memref<1x1x1x8x128xf32, #tpu.memory_space<hbm>> -> memref<8x128xf32, #tpu.memory_space<hbm>>
    %dma_wait3A_336 = arith.constant 0 : i32
    %dma_wait3A_337 = arith.constant 0 : i32
    %dma_wait3A_338 = tpu.memref_slice %arg18[%dma_wait3A_336, %dma_wait3A_337] : memref<64x129xf32, #tpu.memory_space<vmem>> -> memref<8x128xf32, #tpu.memory_space<vmem>>
    tpu.wait_dma2 semaphore(%arg34 : memref<!tpu.dma_semaphore, #tpu.memory_space<semaphore_mem>>) src(%dma_wait3A_338 : memref<8x128xf32, #tpu.memory_space<vmem>>) dst(%dma_wait3A_335 : memref<8x128xf32, #tpu.memory_space<hbm>>)
    %dma_wait3A_339 = arith.constant 0 : i32
    %dma_wait3A_340 = arith.constant 0 : i32
    %dma_wait3A_341 = arith.constant 0 : i32
    %dma_wait3A_342 = arith.constant 0 : i32
    %dma_wait3A_343 = arith.constant 0 : i32
    %dma_wait3A_344 = tpu.memref_slice %arg18[%dma_wait3A_342, %dma_wait3A_343] : memref<64x129xf32, #tpu.memory_space<vmem>> -> memref<8x128xf32, #tpu.memory_space<vmem>>
    %dma_wait3A_345 = arith.constant 0 : i32
    %dma_wait3A_346 = arith.constant 0 : i32
    %dma_wait3A_347 = tpu.memref_slice %arg5[%dma_wait3A_339, %dma_wait3A_340, %dma_wait3A_341, %dma_wait3A_345, %dma_wait3A_346] : memref<200x4x32x8x128xf32, #tpu.memory_space<hbm>> -> memref<1x1x1x8x128xf32, #tpu.memory_space<hbm>>
    %dma_wait3A_348 = tpu.memref_squeeze %dma_wait3A_347 : memref<1x1x1x8x128xf32, #tpu.memory_space<hbm>> -> memref<8x128xf32, #tpu.memory_space<hbm>>
    %dma_wait3A_349 = arith.constant 0 : i32
    %dma_wait3A_350 = arith.constant 0 : i32
    %dma_wait3A_351 = tpu.memref_slice %arg5[%dma_wait3A_339, %dma_wait3A_340, %dma_wait3A_341, %dma_wait3A_349, %dma_wait3A_350] : memref<200x4x32x8x128xf32, #tpu.memory_space<hbm>> -> memref<1x1x1x8x128xf32, #tpu.memory_space<hbm>>
    %dma_wait3A_352 = tpu.memref_squeeze %dma_wait3A_351 : memref<1x1x1x8x128xf32, #tpu.memory_space<hbm>> -> memref<8x128xf32, #tpu.memory_space<hbm>>
    %dma_wait3A_353 = arith.constant 0 : i32
    %dma_wait3A_354 = arith.constant 0 : i32
    %dma_wait3A_355 = tpu.memref_slice %arg18[%dma_wait3A_353, %dma_wait3A_354] : memref<64x129xf32, #tpu.memory_space<vmem>> -> memref<8x128xf32, #tpu.memory_space<vmem>>
    tpu.wait_dma2 semaphore(%arg34 : memref<!tpu.dma_semaphore, #tpu.memory_space<semaphore_mem>>) src(%dma_wait3A_355 : memref<8x128xf32, #tpu.memory_space<vmem>>) dst(%dma_wait3A_352 : memref<8x128xf32, #tpu.memory_space<hbm>>)
    %dma_wait3A_356 = arith.constant 0 : i32
    %dma_wait3A_357 = arith.constant 0 : i32
    %dma_wait3A_358 = arith.constant 0 : i32
    %dma_wait3A_359 = arith.constant 0 : i32
    %dma_wait3A_360 = arith.constant 0 : i32
    %dma_wait3A_361 = tpu.memref_slice %arg18[%dma_wait3A_359, %dma_wait3A_360] : memref<64x129xf32, #tpu.memory_space<vmem>> -> memref<8x128xf32, #tpu.memory_space<vmem>>
    %dma_wait3A_362 = arith.constant 0 : i32
    %dma_wait3A_363 = arith.constant 0 : i32
    %dma_wait3A_364 = tpu.memref_slice %arg5[%dma_wait3A_356, %dma_wait3A_357, %dma_wait3A_358, %dma_wait3A_362, %dma_wait3A_363] : memref<200x4x32x8x128xf32, #tpu.memory_space<hbm>> -> memref<1x1x1x8x128xf32, #tpu.memory_space<hbm>>
    %dma_wait3A_365 = tpu.memref_squeeze %dma_wait3A_364 : memref<1x1x1x8x128xf32, #tpu.memory_space<hbm>> -> memref<8x128xf32, #tpu.memory_space<hbm>>
    %dma_wait3A_366 = arith.constant 0 : i32
    %dma_wait3A_367 = arith.constant 0 : i32
    %dma_wait3A_368 = tpu.memref_slice %arg5[%dma_wait3A_356, %dma_wait3A_357, %dma_wait3A_358, %dma_wait3A_366, %dma_wait3A_367] : memref<200x4x32x8x128xf32, #tpu.memory_space<hbm>> -> memref<1x1x1x8x128xf32, #tpu.memory_space<hbm>>
    %dma_wait3A_369 = tpu.memref_squeeze %dma_wait3A_368 : memref<1x1x1x8x128xf32, #tpu.memory_space<hbm>> -> memref<8x128xf32, #tpu.memory_space<hbm>>
    %dma_wait3A_370 = arith.constant 0 : i32
    %dma_wait3A_371 = arith.constant 0 : i32
    %dma_wait3A_372 = tpu.memref_slice %arg18[%dma_wait3A_370, %dma_wait3A_371] : memref<64x129xf32, #tpu.memory_space<vmem>> -> memref<8x128xf32, #tpu.memory_space<vmem>>
    tpu.wait_dma2 semaphore(%arg34 : memref<!tpu.dma_semaphore, #tpu.memory_space<semaphore_mem>>) src(%dma_wait3A_372 : memref<8x128xf32, #tpu.memory_space<vmem>>) dst(%dma_wait3A_369 : memref<8x128xf32, #tpu.memory_space<hbm>>)
    %dma_wait3A_373 = arith.constant 0 : i32
    %dma_wait3A_374 = arith.constant 0 : i32
    %dma_wait3A_375 = arith.constant 0 : i32
    %dma_wait3A_376 = arith.constant 0 : i32
    %dma_wait3A_377 = arith.constant 0 : i32
    %dma_wait3A_378 = tpu.memref_slice %arg18[%dma_wait3A_376, %dma_wait3A_377] : memref<64x129xf32, #tpu.memory_space<vmem>> -> memref<8x128xf32, #tpu.memory_space<vmem>>
    %dma_wait3A_379 = arith.constant 0 : i32
    %dma_wait3A_380 = arith.constant 0 : i32
    %dma_wait3A_381 = tpu.memref_slice %arg5[%dma_wait3A_373, %dma_wait3A_374, %dma_wait3A_375, %dma_wait3A_379, %dma_wait3A_380] : memref<200x4x32x8x128xf32, #tpu.memory_space<hbm>> -> memref<1x1x1x8x128xf32, #tpu.memory_space<hbm>>
    %dma_wait3A_382 = tpu.memref_squeeze %dma_wait3A_381 : memref<1x1x1x8x128xf32, #tpu.memory_space<hbm>> -> memref<8x128xf32, #tpu.memory_space<hbm>>
    %dma_wait3A_383 = arith.constant 0 : i32
    %dma_wait3A_384 = arith.constant 0 : i32
    %dma_wait3A_385 = tpu.memref_slice %arg5[%dma_wait3A_373, %dma_wait3A_374, %dma_wait3A_375, %dma_wait3A_383, %dma_wait3A_384] : memref<200x4x32x8x128xf32, #tpu.memory_space<hbm>> -> memref<1x1x1x8x128xf32, #tpu.memory_space<hbm>>
    %dma_wait3A_386 = tpu.memref_squeeze %dma_wait3A_385 : memref<1x1x1x8x128xf32, #tpu.memory_space<hbm>> -> memref<8x128xf32, #tpu.memory_space<hbm>>
    %dma_wait3A_387 = arith.constant 0 : i32
    %dma_wait3A_388 = arith.constant 0 : i32
    %dma_wait3A_389 = tpu.memref_slice %arg18[%dma_wait3A_387, %dma_wait3A_388] : memref<64x129xf32, #tpu.memory_space<vmem>> -> memref<8x128xf32, #tpu.memory_space<vmem>>
    tpu.wait_dma2 semaphore(%arg34 : memref<!tpu.dma_semaphore, #tpu.memory_space<semaphore_mem>>) src(%dma_wait3A_389 : memref<8x128xf32, #tpu.memory_space<vmem>>) dst(%dma_wait3A_386 : memref<8x128xf32, #tpu.memory_space<hbm>>)
    %dma_wait3A_390 = arith.constant 0 : i32
    %dma_wait3A_391 = arith.constant 0 : i32
    %dma_wait3A_392 = arith.constant 0 : i32
    %dma_wait3A_393 = arith.constant 0 : i32
    %dma_wait3A_394 = arith.constant 0 : i32
    %dma_wait3A_395 = tpu.memref_slice %arg18[%dma_wait3A_393, %dma_wait3A_394] : memref<64x129xf32, #tpu.memory_space<vmem>> -> memref<8x128xf32, #tpu.memory_space<vmem>>
    %dma_wait3A_396 = arith.constant 0 : i32
    %dma_wait3A_397 = arith.constant 0 : i32
    %dma_wait3A_398 = tpu.memref_slice %arg5[%dma_wait3A_390, %dma_wait3A_391, %dma_wait3A_392, %dma_wait3A_396, %dma_wait3A_397] : memref<200x4x32x8x128xf32, #tpu.memory_space<hbm>> -> memref<1x1x1x8x128xf32, #tpu.memory_space<hbm>>
    %dma_wait3A_399 = tpu.memref_squeeze %dma_wait3A_398 : memref<1x1x1x8x128xf32, #tpu.memory_space<hbm>> -> memref<8x128xf32, #tpu.memory_space<hbm>>
    %dma_wait3A_400 = arith.constant 0 : i32
    %dma_wait3A_401 = arith.constant 0 : i32
    %dma_wait3A_402 = tpu.memref_slice %arg5[%dma_wait3A_390, %dma_wait3A_391, %dma_wait3A_392, %dma_wait3A_400, %dma_wait3A_401] : memref<200x4x32x8x128xf32, #tpu.memory_space<hbm>> -> memref<1x1x1x8x128xf32, #tpu.memory_space<hbm>>
    %dma_wait3A_403 = tpu.memref_squeeze %dma_wait3A_402 : memref<1x1x1x8x128xf32, #tpu.memory_space<hbm>> -> memref<8x128xf32, #tpu.memory_space<hbm>>
    %dma_wait3A_404 = arith.constant 0 : i32
    %dma_wait3A_405 = arith.constant 0 : i32
    %dma_wait3A_406 = tpu.memref_slice %arg18[%dma_wait3A_404, %dma_wait3A_405] : memref<64x129xf32, #tpu.memory_space<vmem>> -> memref<8x128xf32, #tpu.memory_space<vmem>>
    tpu.wait_dma2 semaphore(%arg34 : memref<!tpu.dma_semaphore, #tpu.memory_space<semaphore_mem>>) src(%dma_wait3A_406 : memref<8x128xf32, #tpu.memory_space<vmem>>) dst(%dma_wait3A_403 : memref<8x128xf32, #tpu.memory_space<hbm>>)
    %dma_wait3A_407 = arith.constant 0 : i32
    %dma_wait3A_408 = arith.constant 0 : i32
    %dma_wait3A_409 = arith.constant 0 : i32
    %dma_wait3A_410 = arith.constant 0 : i32
    %dma_wait3A_411 = arith.constant 0 : i32
    %dma_wait3A_412 = tpu.memref_slice %arg18[%dma_wait3A_410, %dma_wait3A_411] : memref<64x129xf32, #tpu.memory_space<vmem>> -> memref<8x128xf32, #tpu.memory_space<vmem>>
    %dma_wait3A_413 = arith.constant 0 : i32
    %dma_wait3A_414 = arith.constant 0 : i32
    %dma_wait3A_415 = tpu.memref_slice %arg5[%dma_wait3A_407, %dma_wait3A_408, %dma_wait3A_409, %dma_wait3A_413, %dma_wait3A_414] : memref<200x4x32x8x128xf32, #tpu.memory_space<hbm>> -> memref<1x1x1x8x128xf32, #tpu.memory_space<hbm>>
    %dma_wait3A_416 = tpu.memref_squeeze %dma_wait3A_415 : memref<1x1x1x8x128xf32, #tpu.memory_space<hbm>> -> memref<8x128xf32, #tpu.memory_space<hbm>>
    %dma_wait3A_417 = arith.constant 0 : i32
    %dma_wait3A_418 = arith.constant 0 : i32
    %dma_wait3A_419 = tpu.memref_slice %arg5[%dma_wait3A_407, %dma_wait3A_408, %dma_wait3A_409, %dma_wait3A_417, %dma_wait3A_418] : memref<200x4x32x8x128xf32, #tpu.memory_space<hbm>> -> memref<1x1x1x8x128xf32, #tpu.memory_space<hbm>>
    %dma_wait3A_420 = tpu.memref_squeeze %dma_wait3A_419 : memref<1x1x1x8x128xf32, #tpu.memory_space<hbm>> -> memref<8x128xf32, #tpu.memory_space<hbm>>
    %dma_wait3A_421 = arith.constant 0 : i32
    %dma_wait3A_422 = arith.constant 0 : i32
    %dma_wait3A_423 = tpu.memref_slice %arg18[%dma_wait3A_421, %dma_wait3A_422] : memref<64x129xf32, #tpu.memory_space<vmem>> -> memref<8x128xf32, #tpu.memory_space<vmem>>
    tpu.wait_dma2 semaphore(%arg34 : memref<!tpu.dma_semaphore, #tpu.memory_space<semaphore_mem>>) src(%dma_wait3A_423 : memref<8x128xf32, #tpu.memory_space<vmem>>) dst(%dma_wait3A_420 : memref<8x128xf32, #tpu.memory_space<hbm>>)
    %dma_wait3A_424 = arith.constant 0 : i32
    %dma_wait3A_425 = arith.constant 0 : i32
    %dma_wait3A_426 = arith.constant 0 : i32
    %dma_wait3A_427 = arith.constant 0 : i32
    %dma_wait3A_428 = arith.constant 0 : i32
    %dma_wait3A_429 = tpu.memref_slice %arg18[%dma_wait3A_427, %dma_wait3A_428] : memref<64x129xf32, #tpu.memory_space<vmem>> -> memref<8x128xf32, #tpu.memory_space<vmem>>
    %dma_wait3A_430 = arith.constant 0 : i32
    %dma_wait3A_431 = arith.constant 0 : i32
    %dma_wait3A_432 = tpu.memref_slice %arg5[%dma_wait3A_424, %dma_wait3A_425, %dma_wait3A_426, %dma_wait3A_430, %dma_wait3A_431] : memref<200x4x32x8x128xf32, #tpu.memory_space<hbm>> -> memref<1x1x1x8x128xf32, #tpu.memory_space<hbm>>
    %dma_wait3A_433 = tpu.memref_squeeze %dma_wait3A_432 : memref<1x1x1x8x128xf32, #tpu.memory_space<hbm>> -> memref<8x128xf32, #tpu.memory_space<hbm>>
    %dma_wait3A_434 = arith.constant 0 : i32
    %dma_wait3A_435 = arith.constant 0 : i32
    %dma_wait3A_436 = tpu.memref_slice %arg5[%dma_wait3A_424, %dma_wait3A_425, %dma_wait3A_426, %dma_wait3A_434, %dma_wait3A_435] : memref<200x4x32x8x128xf32, #tpu.memory_space<hbm>> -> memref<1x1x1x8x128xf32, #tpu.memory_space<hbm>>
    %dma_wait3A_437 = tpu.memref_squeeze %dma_wait3A_436 : memref<1x1x1x8x128xf32, #tpu.memory_space<hbm>> -> memref<8x128xf32, #tpu.memory_space<hbm>>
    %dma_wait3A_438 = arith.constant 0 : i32
    %dma_wait3A_439 = arith.constant 0 : i32
    %dma_wait3A_440 = tpu.memref_slice %arg18[%dma_wait3A_438, %dma_wait3A_439] : memref<64x129xf32, #tpu.memory_space<vmem>> -> memref<8x128xf32, #tpu.memory_space<vmem>>
    tpu.wait_dma2 semaphore(%arg34 : memref<!tpu.dma_semaphore, #tpu.memory_space<semaphore_mem>>) src(%dma_wait3A_440 : memref<8x128xf32, #tpu.memory_space<vmem>>) dst(%dma_wait3A_437 : memref<8x128xf32, #tpu.memory_space<hbm>>)
    %dma_wait3A_441 = arith.constant 0 : i32
    %dma_wait3A_442 = arith.constant 0 : i32
    %dma_wait3A_443 = arith.constant 0 : i32
    %dma_wait3A_444 = arith.constant 0 : i32
    %dma_wait3A_445 = arith.constant 0 : i32
    %dma_wait3A_446 = tpu.memref_slice %arg18[%dma_wait3A_444, %dma_wait3A_445] : memref<64x129xf32, #tpu.memory_space<vmem>> -> memref<8x128xf32, #tpu.memory_space<vmem>>
    %dma_wait3A_447 = arith.constant 0 : i32
    %dma_wait3A_448 = arith.constant 0 : i32
    %dma_wait3A_449 = tpu.memref_slice %arg5[%dma_wait3A_441, %dma_wait3A_442, %dma_wait3A_443, %dma_wait3A_447, %dma_wait3A_448] : memref<200x4x32x8x128xf32, #tpu.memory_space<hbm>> -> memref<1x1x1x8x128xf32, #tpu.memory_space<hbm>>
    %dma_wait3A_450 = tpu.memref_squeeze %dma_wait3A_449 : memref<1x1x1x8x128xf32, #tpu.memory_space<hbm>> -> memref<8x128xf32, #tpu.memory_space<hbm>>
    %dma_wait3A_451 = arith.constant 0 : i32
    %dma_wait3A_452 = arith.constant 0 : i32
    %dma_wait3A_453 = tpu.memref_slice %arg5[%dma_wait3A_441, %dma_wait3A_442, %dma_wait3A_443, %dma_wait3A_451, %dma_wait3A_452] : memref<200x4x32x8x128xf32, #tpu.memory_space<hbm>> -> memref<1x1x1x8x128xf32, #tpu.memory_space<hbm>>
    %dma_wait3A_454 = tpu.memref_squeeze %dma_wait3A_453 : memref<1x1x1x8x128xf32, #tpu.memory_space<hbm>> -> memref<8x128xf32, #tpu.memory_space<hbm>>
    %dma_wait3A_455 = arith.constant 0 : i32
    %dma_wait3A_456 = arith.constant 0 : i32
    %dma_wait3A_457 = tpu.memref_slice %arg18[%dma_wait3A_455, %dma_wait3A_456] : memref<64x129xf32, #tpu.memory_space<vmem>> -> memref<8x128xf32, #tpu.memory_space<vmem>>
    tpu.wait_dma2 semaphore(%arg34 : memref<!tpu.dma_semaphore, #tpu.memory_space<semaphore_mem>>) src(%dma_wait3A_457 : memref<8x128xf32, #tpu.memory_space<vmem>>) dst(%dma_wait3A_454 : memref<8x128xf32, #tpu.memory_space<hbm>>)
    %dma_wait3A_458 = arith.constant 0 : i32
    %dma_wait3A_459 = arith.constant 0 : i32
    %dma_wait3A_460 = arith.constant 0 : i32
    %dma_wait3A_461 = arith.constant 0 : i32
    %dma_wait3A_462 = arith.constant 0 : i32
    %dma_wait3A_463 = tpu.memref_slice %arg19[%dma_wait3A_461, %dma_wait3A_462] : memref<64x129xf32, #tpu.memory_space<vmem>> -> memref<8x128xf32, #tpu.memory_space<vmem>>
    %dma_wait3A_464 = arith.constant 0 : i32
    %dma_wait3A_465 = arith.constant 0 : i32
    %dma_wait3A_466 = tpu.memref_slice %arg5[%dma_wait3A_458, %dma_wait3A_459, %dma_wait3A_460, %dma_wait3A_464, %dma_wait3A_465] : memref<200x4x32x8x128xf32, #tpu.memory_space<hbm>> -> memref<1x1x1x8x128xf32, #tpu.memory_space<hbm>>
    %dma_wait3A_467 = tpu.memref_squeeze %dma_wait3A_466 : memref<1x1x1x8x128xf32, #tpu.memory_space<hbm>> -> memref<8x128xf32, #tpu.memory_space<hbm>>
    %dma_wait3A_468 = arith.constant 0 : i32
    %dma_wait3A_469 = arith.constant 0 : i32
    %dma_wait3A_470 = tpu.memref_slice %arg5[%dma_wait3A_458, %dma_wait3A_459, %dma_wait3A_460, %dma_wait3A_468, %dma_wait3A_469] : memref<200x4x32x8x128xf32, #tpu.memory_space<hbm>> -> memref<1x1x1x8x128xf32, #tpu.memory_space<hbm>>
    %dma_wait3A_471 = tpu.memref_squeeze %dma_wait3A_470 : memref<1x1x1x8x128xf32, #tpu.memory_space<hbm>> -> memref<8x128xf32, #tpu.memory_space<hbm>>
    %dma_wait3A_472 = arith.constant 0 : i32
    %dma_wait3A_473 = arith.constant 0 : i32
    %dma_wait3A_474 = tpu.memref_slice %arg19[%dma_wait3A_472, %dma_wait3A_473] : memref<64x129xf32, #tpu.memory_space<vmem>> -> memref<8x128xf32, #tpu.memory_space<vmem>>
    tpu.wait_dma2 semaphore(%arg35 : memref<!tpu.dma_semaphore, #tpu.memory_space<semaphore_mem>>) src(%dma_wait3A_474 : memref<8x128xf32, #tpu.memory_space<vmem>>) dst(%dma_wait3A_471 : memref<8x128xf32, #tpu.memory_space<hbm>>)
    %dma_wait3A_475 = arith.constant 0 : i32
    %dma_wait3A_476 = arith.constant 0 : i32
    %dma_wait3A_477 = arith.constant 0 : i32
    %dma_wait3A_478 = arith.constant 0 : i32
    %dma_wait3A_479 = arith.constant 0 : i32
    %dma_wait3A_480 = tpu.memref_slice %arg19[%dma_wait3A_478, %dma_wait3A_479] : memref<64x129xf32, #tpu.memory_space<vmem>> -> memref<8x128xf32, #tpu.memory_space<vmem>>
    %dma_wait3A_481 = arith.constant 0 : i32
    %dma_wait3A_482 = arith.constant 0 : i32
    %dma_wait3A_483 = tpu.memref_slice %arg5[%dma_wait3A_475, %dma_wait3A_476, %dma_wait3A_477, %dma_wait3A_481, %dma_wait3A_482] : memref<200x4x32x8x128xf32, #tpu.memory_space<hbm>> -> memref<1x1x1x8x128xf32, #tpu.memory_space<hbm>>
    %dma_wait3A_484 = tpu.memref_squeeze %dma_wait3A_483 : memref<1x1x1x8x128xf32, #tpu.memory_space<hbm>> -> memref<8x128xf32, #tpu.memory_space<hbm>>
    %dma_wait3A_485 = arith.constant 0 : i32
    %dma_wait3A_486 = arith.constant 0 : i32
    %dma_wait3A_487 = tpu.memref_slice %arg5[%dma_wait3A_475, %dma_wait3A_476, %dma_wait3A_477, %dma_wait3A_485, %dma_wait3A_486] : memref<200x4x32x8x128xf32, #tpu.memory_space<hbm>> -> memref<1x1x1x8x128xf32, #tpu.memory_space<hbm>>
    %dma_wait3A_488 = tpu.memref_squeeze %dma_wait3A_487 : memref<1x1x1x8x128xf32, #tpu.memory_space<hbm>> -> memref<8x128xf32, #tpu.memory_space<hbm>>
    %dma_wait3A_489 = arith.constant 0 : i32
    %dma_wait3A_490 = arith.constant 0 : i32
    %dma_wait3A_491 = tpu.memref_slice %arg19[%dma_wait3A_489, %dma_wait3A_490] : memref<64x129xf32, #tpu.memory_space<vmem>> -> memref<8x128xf32, #tpu.memory_space<vmem>>
    tpu.wait_dma2 semaphore(%arg35 : memref<!tpu.dma_semaphore, #tpu.memory_space<semaphore_mem>>) src(%dma_wait3A_491 : memref<8x128xf32, #tpu.memory_space<vmem>>) dst(%dma_wait3A_488 : memref<8x128xf32, #tpu.memory_space<hbm>>)
    %dma_wait3A_492 = arith.constant 0 : i32
    %dma_wait3A_493 = arith.constant 0 : i32
    %dma_wait3A_494 = arith.constant 0 : i32
    %dma_wait3A_495 = arith.constant 0 : i32
    %dma_wait3A_496 = arith.constant 0 : i32
    %dma_wait3A_497 = tpu.memref_slice %arg19[%dma_wait3A_495, %dma_wait3A_496] : memref<64x129xf32, #tpu.memory_space<vmem>> -> memref<8x128xf32, #tpu.memory_space<vmem>>
    %dma_wait3A_498 = arith.constant 0 : i32
    %dma_wait3A_499 = arith.constant 0 : i32
    %dma_wait3A_500 = tpu.memref_slice %arg5[%dma_wait3A_492, %dma_wait3A_493, %dma_wait3A_494, %dma_wait3A_498, %dma_wait3A_499] : memref<200x4x32x8x128xf32, #tpu.memory_space<hbm>> -> memref<1x1x1x8x128xf32, #tpu.memory_space<hbm>>
    %dma_wait3A_501 = tpu.memref_squeeze %dma_wait3A_500 : memref<1x1x1x8x128xf32, #tpu.memory_space<hbm>> -> memref<8x128xf32, #tpu.memory_space<hbm>>
    %dma_wait3A_502 = arith.constant 0 : i32
    %dma_wait3A_503 = arith.constant 0 : i32
    %dma_wait3A_504 = tpu.memref_slice %arg5[%dma_wait3A_492, %dma_wait3A_493, %dma_wait3A_494, %dma_wait3A_502, %dma_wait3A_503] : memref<200x4x32x8x128xf32, #tpu.memory_space<hbm>> -> memref<1x1x1x8x128xf32, #tpu.memory_space<hbm>>
    %dma_wait3A_505 = tpu.memref_squeeze %dma_wait3A_504 : memref<1x1x1x8x128xf32, #tpu.memory_space<hbm>> -> memref<8x128xf32, #tpu.memory_space<hbm>>
    %dma_wait3A_506 = arith.constant 0 : i32
    %dma_wait3A_507 = arith.constant 0 : i32
    %dma_wait3A_508 = tpu.memref_slice %arg19[%dma_wait3A_506, %dma_wait3A_507] : memref<64x129xf32, #tpu.memory_space<vmem>> -> memref<8x128xf32, #tpu.memory_space<vmem>>
    tpu.wait_dma2 semaphore(%arg35 : memref<!tpu.dma_semaphore, #tpu.memory_space<semaphore_mem>>) src(%dma_wait3A_508 : memref<8x128xf32, #tpu.memory_space<vmem>>) dst(%dma_wait3A_505 : memref<8x128xf32, #tpu.memory_space<hbm>>)
    %dma_wait3A_509 = arith.constant 0 : i32
    %dma_wait3A_510 = arith.constant 0 : i32
    %dma_wait3A_511 = arith.constant 0 : i32
    %dma_wait3A_512 = arith.constant 0 : i32
    %dma_wait3A_513 = arith.constant 0 : i32
    %dma_wait3A_514 = tpu.memref_slice %arg19[%dma_wait3A_512, %dma_wait3A_513] : memref<64x129xf32, #tpu.memory_space<vmem>> -> memref<8x128xf32, #tpu.memory_space<vmem>>
    %dma_wait3A_515 = arith.constant 0 : i32
    %dma_wait3A_516 = arith.constant 0 : i32
    %dma_wait3A_517 = tpu.memref_slice %arg5[%dma_wait3A_509, %dma_wait3A_510, %dma_wait3A_511, %dma_wait3A_515, %dma_wait3A_516] : memref<200x4x32x8x128xf32, #tpu.memory_space<hbm>> -> memref<1x1x1x8x128xf32, #tpu.memory_space<hbm>>
    %dma_wait3A_518 = tpu.memref_squeeze %dma_wait3A_517 : memref<1x1x1x8x128xf32, #tpu.memory_space<hbm>> -> memref<8x128xf32, #tpu.memory_space<hbm>>
    %dma_wait3A_519 = arith.constant 0 : i32
    %dma_wait3A_520 = arith.constant 0 : i32
    %dma_wait3A_521 = tpu.memref_slice %arg5[%dma_wait3A_509, %dma_wait3A_510, %dma_wait3A_511, %dma_wait3A_519, %dma_wait3A_520] : memref<200x4x32x8x128xf32, #tpu.memory_space<hbm>> -> memref<1x1x1x8x128xf32, #tpu.memory_space<hbm>>
    %dma_wait3A_522 = tpu.memref_squeeze %dma_wait3A_521 : memref<1x1x1x8x128xf32, #tpu.memory_space<hbm>> -> memref<8x128xf32, #tpu.memory_space<hbm>>
    %dma_wait3A_523 = arith.constant 0 : i32
    %dma_wait3A_524 = arith.constant 0 : i32
    %dma_wait3A_525 = tpu.memref_slice %arg19[%dma_wait3A_523, %dma_wait3A_524] : memref<64x129xf32, #tpu.memory_space<vmem>> -> memref<8x128xf32, #tpu.memory_space<vmem>>
    tpu.wait_dma2 semaphore(%arg35 : memref<!tpu.dma_semaphore, #tpu.memory_space<semaphore_mem>>) src(%dma_wait3A_525 : memref<8x128xf32, #tpu.memory_space<vmem>>) dst(%dma_wait3A_522 : memref<8x128xf32, #tpu.memory_space<hbm>>)
    %dma_wait3A_526 = arith.constant 0 : i32
    %dma_wait3A_527 = arith.constant 0 : i32
    %dma_wait3A_528 = arith.constant 0 : i32
    %dma_wait3A_529 = arith.constant 0 : i32
    %dma_wait3A_530 = arith.constant 0 : i32
    %dma_wait3A_531 = tpu.memref_slice %arg19[%dma_wait3A_529, %dma_wait3A_530] : memref<64x129xf32, #tpu.memory_space<vmem>> -> memref<8x128xf32, #tpu.memory_space<vmem>>
    %dma_wait3A_532 = arith.constant 0 : i32
    %dma_wait3A_533 = arith.constant 0 : i32
    %dma_wait3A_534 = tpu.memref_slice %arg5[%dma_wait3A_526, %dma_wait3A_527, %dma_wait3A_528, %dma_wait3A_532, %dma_wait3A_533] : memref<200x4x32x8x128xf32, #tpu.memory_space<hbm>> -> memref<1x1x1x8x128xf32, #tpu.memory_space<hbm>>
    %dma_wait3A_535 = tpu.memref_squeeze %dma_wait3A_534 : memref<1x1x1x8x128xf32, #tpu.memory_space<hbm>> -> memref<8x128xf32, #tpu.memory_space<hbm>>
    %dma_wait3A_536 = arith.constant 0 : i32
    %dma_wait3A_537 = arith.constant 0 : i32
    %dma_wait3A_538 = tpu.memref_slice %arg5[%dma_wait3A_526, %dma_wait3A_527, %dma_wait3A_528, %dma_wait3A_536, %dma_wait3A_537] : memref<200x4x32x8x128xf32, #tpu.memory_space<hbm>> -> memref<1x1x1x8x128xf32, #tpu.memory_space<hbm>>
    %dma_wait3A_539 = tpu.memref_squeeze %dma_wait3A_538 : memref<1x1x1x8x128xf32, #tpu.memory_space<hbm>> -> memref<8x128xf32, #tpu.memory_space<hbm>>
    %dma_wait3A_540 = arith.constant 0 : i32
    %dma_wait3A_541 = arith.constant 0 : i32
    %dma_wait3A_542 = tpu.memref_slice %arg19[%dma_wait3A_540, %dma_wait3A_541] : memref<64x129xf32, #tpu.memory_space<vmem>> -> memref<8x128xf32, #tpu.memory_space<vmem>>
    tpu.wait_dma2 semaphore(%arg35 : memref<!tpu.dma_semaphore, #tpu.memory_space<semaphore_mem>>) src(%dma_wait3A_542 : memref<8x128xf32, #tpu.memory_space<vmem>>) dst(%dma_wait3A_539 : memref<8x128xf32, #tpu.memory_space<hbm>>)
    %dma_wait3A_543 = arith.constant 0 : i32
    %dma_wait3A_544 = arith.constant 0 : i32
    %dma_wait3A_545 = arith.constant 0 : i32
    %dma_wait3A_546 = arith.constant 0 : i32
    %dma_wait3A_547 = arith.constant 0 : i32
    %dma_wait3A_548 = tpu.memref_slice %arg19[%dma_wait3A_546, %dma_wait3A_547] : memref<64x129xf32, #tpu.memory_space<vmem>> -> memref<8x128xf32, #tpu.memory_space<vmem>>
    %dma_wait3A_549 = arith.constant 0 : i32
    %dma_wait3A_550 = arith.constant 0 : i32
    %dma_wait3A_551 = tpu.memref_slice %arg5[%dma_wait3A_543, %dma_wait3A_544, %dma_wait3A_545, %dma_wait3A_549, %dma_wait3A_550] : memref<200x4x32x8x128xf32, #tpu.memory_space<hbm>> -> memref<1x1x1x8x128xf32, #tpu.memory_space<hbm>>
    %dma_wait3A_552 = tpu.memref_squeeze %dma_wait3A_551 : memref<1x1x1x8x128xf32, #tpu.memory_space<hbm>> -> memref<8x128xf32, #tpu.memory_space<hbm>>
    %dma_wait3A_553 = arith.constant 0 : i32
    %dma_wait3A_554 = arith.constant 0 : i32
    %dma_wait3A_555 = tpu.memref_slice %arg5[%dma_wait3A_543, %dma_wait3A_544, %dma_wait3A_545, %dma_wait3A_553, %dma_wait3A_554] : memref<200x4x32x8x128xf32, #tpu.memory_space<hbm>> -> memref<1x1x1x8x128xf32, #tpu.memory_space<hbm>>
    %dma_wait3A_556 = tpu.memref_squeeze %dma_wait3A_555 : memref<1x1x1x8x128xf32, #tpu.memory_space<hbm>> -> memref<8x128xf32, #tpu.memory_space<hbm>>
    %dma_wait3A_557 = arith.constant 0 : i32
    %dma_wait3A_558 = arith.constant 0 : i32
    %dma_wait3A_559 = tpu.memref_slice %arg19[%dma_wait3A_557, %dma_wait3A_558] : memref<64x129xf32, #tpu.memory_space<vmem>> -> memref<8x128xf32, #tpu.memory_space<vmem>>
    tpu.wait_dma2 semaphore(%arg35 : memref<!tpu.dma_semaphore, #tpu.memory_space<semaphore_mem>>) src(%dma_wait3A_559 : memref<8x128xf32, #tpu.memory_space<vmem>>) dst(%dma_wait3A_556 : memref<8x128xf32, #tpu.memory_space<hbm>>)
    %dma_wait3A_560 = arith.constant 0 : i32
    %dma_wait3A_561 = arith.constant 0 : i32
    %dma_wait3A_562 = arith.constant 0 : i32
    %dma_wait3A_563 = arith.constant 0 : i32
    %dma_wait3A_564 = arith.constant 0 : i32
    %dma_wait3A_565 = tpu.memref_slice %arg19[%dma_wait3A_563, %dma_wait3A_564] : memref<64x129xf32, #tpu.memory_space<vmem>> -> memref<8x128xf32, #tpu.memory_space<vmem>>
    %dma_wait3A_566 = arith.constant 0 : i32
    %dma_wait3A_567 = arith.constant 0 : i32
    %dma_wait3A_568 = tpu.memref_slice %arg5[%dma_wait3A_560, %dma_wait3A_561, %dma_wait3A_562, %dma_wait3A_566, %dma_wait3A_567] : memref<200x4x32x8x128xf32, #tpu.memory_space<hbm>> -> memref<1x1x1x8x128xf32, #tpu.memory_space<hbm>>
    %dma_wait3A_569 = tpu.memref_squeeze %dma_wait3A_568 : memref<1x1x1x8x128xf32, #tpu.memory_space<hbm>> -> memref<8x128xf32, #tpu.memory_space<hbm>>
    %dma_wait3A_570 = arith.constant 0 : i32
    %dma_wait3A_571 = arith.constant 0 : i32
    %dma_wait3A_572 = tpu.memref_slice %arg5[%dma_wait3A_560, %dma_wait3A_561, %dma_wait3A_562, %dma_wait3A_570, %dma_wait3A_571] : memref<200x4x32x8x128xf32, #tpu.memory_space<hbm>> -> memref<1x1x1x8x128xf32, #tpu.memory_space<hbm>>
    %dma_wait3A_573 = tpu.memref_squeeze %dma_wait3A_572 : memref<1x1x1x8x128xf32, #tpu.memory_space<hbm>> -> memref<8x128xf32, #tpu.memory_space<hbm>>
    %dma_wait3A_574 = arith.constant 0 : i32
    %dma_wait3A_575 = arith.constant 0 : i32
    %dma_wait3A_576 = tpu.memref_slice %arg19[%dma_wait3A_574, %dma_wait3A_575] : memref<64x129xf32, #tpu.memory_space<vmem>> -> memref<8x128xf32, #tpu.memory_space<vmem>>
    tpu.wait_dma2 semaphore(%arg35 : memref<!tpu.dma_semaphore, #tpu.memory_space<semaphore_mem>>) src(%dma_wait3A_576 : memref<8x128xf32, #tpu.memory_space<vmem>>) dst(%dma_wait3A_573 : memref<8x128xf32, #tpu.memory_space<hbm>>)
    %dma_wait3A_577 = arith.constant 0 : i32
    %dma_wait3A_578 = arith.constant 0 : i32
    %dma_wait3A_579 = arith.constant 0 : i32
    %dma_wait3A_580 = arith.constant 0 : i32
    %dma_wait3A_581 = arith.constant 0 : i32
    %dma_wait3A_582 = tpu.memref_slice %arg19[%dma_wait3A_580, %dma_wait3A_581] : memref<64x129xf32, #tpu.memory_space<vmem>> -> memref<8x128xf32, #tpu.memory_space<vmem>>
    %dma_wait3A_583 = arith.constant 0 : i32
    %dma_wait3A_584 = arith.constant 0 : i32
    %dma_wait3A_585 = tpu.memref_slice %arg5[%dma_wait3A_577, %dma_wait3A_578, %dma_wait3A_579, %dma_wait3A_583, %dma_wait3A_584] : memref<200x4x32x8x128xf32, #tpu.memory_space<hbm>> -> memref<1x1x1x8x128xf32, #tpu.memory_space<hbm>>
    %dma_wait3A_586 = tpu.memref_squeeze %dma_wait3A_585 : memref<1x1x1x8x128xf32, #tpu.memory_space<hbm>> -> memref<8x128xf32, #tpu.memory_space<hbm>>
    %dma_wait3A_587 = arith.constant 0 : i32
    %dma_wait3A_588 = arith.constant 0 : i32
    %dma_wait3A_589 = tpu.memref_slice %arg5[%dma_wait3A_577, %dma_wait3A_578, %dma_wait3A_579, %dma_wait3A_587, %dma_wait3A_588] : memref<200x4x32x8x128xf32, #tpu.memory_space<hbm>> -> memref<1x1x1x8x128xf32, #tpu.memory_space<hbm>>
    %dma_wait3A_590 = tpu.memref_squeeze %dma_wait3A_589 : memref<1x1x1x8x128xf32, #tpu.memory_space<hbm>> -> memref<8x128xf32, #tpu.memory_space<hbm>>
    %dma_wait3A_591 = arith.constant 0 : i32
    %dma_wait3A_592 = arith.constant 0 : i32
    %dma_wait3A_593 = tpu.memref_slice %arg19[%dma_wait3A_591, %dma_wait3A_592] : memref<64x129xf32, #tpu.memory_space<vmem>> -> memref<8x128xf32, #tpu.memory_space<vmem>>
    tpu.wait_dma2 semaphore(%arg35 : memref<!tpu.dma_semaphore, #tpu.memory_space<semaphore_mem>>) src(%dma_wait3A_593 : memref<8x128xf32, #tpu.memory_space<vmem>>) dst(%dma_wait3A_590 : memref<8x128xf32, #tpu.memory_space<hbm>>)
    %dma_wait3A_594 = arith.constant 0 : i32
    %dma_wait3A_595 = arith.constant 0 : i32
    %dma_wait3A_596 = arith.constant 0 : i32
    %dma_wait3A_597 = arith.constant 0 : i32
    %dma_wait3A_598 = arith.constant 0 : i32
    %dma_wait3A_599 = tpu.memref_slice %arg20[%dma_wait3A_597, %dma_wait3A_598] : memref<64x129xf32, #tpu.memory_space<vmem>> -> memref<8x128xf32, #tpu.memory_space<vmem>>
    %dma_wait3A_600 = arith.constant 0 : i32
    %dma_wait3A_601 = arith.constant 0 : i32
    %dma_wait3A_602 = tpu.memref_slice %arg5[%dma_wait3A_594, %dma_wait3A_595, %dma_wait3A_596, %dma_wait3A_600, %dma_wait3A_601] : memref<200x4x32x8x128xf32, #tpu.memory_space<hbm>> -> memref<1x1x1x8x128xf32, #tpu.memory_space<hbm>>
    %dma_wait3A_603 = tpu.memref_squeeze %dma_wait3A_602 : memref<1x1x1x8x128xf32, #tpu.memory_space<hbm>> -> memref<8x128xf32, #tpu.memory_space<hbm>>
    %dma_wait3A_604 = arith.constant 0 : i32
    %dma_wait3A_605 = arith.constant 0 : i32
    %dma_wait3A_606 = tpu.memref_slice %arg5[%dma_wait3A_594, %dma_wait3A_595, %dma_wait3A_596, %dma_wait3A_604, %dma_wait3A_605] : memref<200x4x32x8x128xf32, #tpu.memory_space<hbm>> -> memref<1x1x1x8x128xf32, #tpu.memory_space<hbm>>
    %dma_wait3A_607 = tpu.memref_squeeze %dma_wait3A_606 : memref<1x1x1x8x128xf32, #tpu.memory_space<hbm>> -> memref<8x128xf32, #tpu.memory_space<hbm>>
    %dma_wait3A_608 = arith.constant 0 : i32
    %dma_wait3A_609 = arith.constant 0 : i32
    %dma_wait3A_610 = tpu.memref_slice %arg20[%dma_wait3A_608, %dma_wait3A_609] : memref<64x129xf32, #tpu.memory_space<vmem>> -> memref<8x128xf32, #tpu.memory_space<vmem>>
    tpu.wait_dma2 semaphore(%arg36 : memref<!tpu.dma_semaphore, #tpu.memory_space<semaphore_mem>>) src(%dma_wait3A_610 : memref<8x128xf32, #tpu.memory_space<vmem>>) dst(%dma_wait3A_607 : memref<8x128xf32, #tpu.memory_space<hbm>>)
    %dma_wait3A_611 = arith.constant 0 : i32
    %dma_wait3A_612 = arith.constant 0 : i32
    %dma_wait3A_613 = arith.constant 0 : i32
    %dma_wait3A_614 = arith.constant 0 : i32
    %dma_wait3A_615 = arith.constant 0 : i32
    %dma_wait3A_616 = tpu.memref_slice %arg20[%dma_wait3A_614, %dma_wait3A_615] : memref<64x129xf32, #tpu.memory_space<vmem>> -> memref<8x128xf32, #tpu.memory_space<vmem>>
    %dma_wait3A_617 = arith.constant 0 : i32
    %dma_wait3A_618 = arith.constant 0 : i32
    %dma_wait3A_619 = tpu.memref_slice %arg5[%dma_wait3A_611, %dma_wait3A_612, %dma_wait3A_613, %dma_wait3A_617, %dma_wait3A_618] : memref<200x4x32x8x128xf32, #tpu.memory_space<hbm>> -> memref<1x1x1x8x128xf32, #tpu.memory_space<hbm>>
    %dma_wait3A_620 = tpu.memref_squeeze %dma_wait3A_619 : memref<1x1x1x8x128xf32, #tpu.memory_space<hbm>> -> memref<8x128xf32, #tpu.memory_space<hbm>>
    %dma_wait3A_621 = arith.constant 0 : i32
    %dma_wait3A_622 = arith.constant 0 : i32
    %dma_wait3A_623 = tpu.memref_slice %arg5[%dma_wait3A_611, %dma_wait3A_612, %dma_wait3A_613, %dma_wait3A_621, %dma_wait3A_622] : memref<200x4x32x8x128xf32, #tpu.memory_space<hbm>> -> memref<1x1x1x8x128xf32, #tpu.memory_space<hbm>>
    %dma_wait3A_624 = tpu.memref_squeeze %dma_wait3A_623 : memref<1x1x1x8x128xf32, #tpu.memory_space<hbm>> -> memref<8x128xf32, #tpu.memory_space<hbm>>
    %dma_wait3A_625 = arith.constant 0 : i32
    %dma_wait3A_626 = arith.constant 0 : i32
    %dma_wait3A_627 = tpu.memref_slice %arg20[%dma_wait3A_625, %dma_wait3A_626] : memref<64x129xf32, #tpu.memory_space<vmem>> -> memref<8x128xf32, #tpu.memory_space<vmem>>
    tpu.wait_dma2 semaphore(%arg36 : memref<!tpu.dma_semaphore, #tpu.memory_space<semaphore_mem>>) src(%dma_wait3A_627 : memref<8x128xf32, #tpu.memory_space<vmem>>) dst(%dma_wait3A_624 : memref<8x128xf32, #tpu.memory_space<hbm>>)
    %dma_wait3A_628 = arith.constant 0 : i32
    %dma_wait3A_629 = arith.constant 0 : i32
    %dma_wait3A_630 = arith.constant 0 : i32
    %dma_wait3A_631 = arith.constant 0 : i32
    %dma_wait3A_632 = arith.constant 0 : i32
    %dma_wait3A_633 = tpu.memref_slice %arg20[%dma_wait3A_631, %dma_wait3A_632] : memref<64x129xf32, #tpu.memory_space<vmem>> -> memref<8x128xf32, #tpu.memory_space<vmem>>
    %dma_wait3A_634 = arith.constant 0 : i32
    %dma_wait3A_635 = arith.constant 0 : i32
    %dma_wait3A_636 = tpu.memref_slice %arg5[%dma_wait3A_628, %dma_wait3A_629, %dma_wait3A_630, %dma_wait3A_634, %dma_wait3A_635] : memref<200x4x32x8x128xf32, #tpu.memory_space<hbm>> -> memref<1x1x1x8x128xf32, #tpu.memory_space<hbm>>
    %dma_wait3A_637 = tpu.memref_squeeze %dma_wait3A_636 : memref<1x1x1x8x128xf32, #tpu.memory_space<hbm>> -> memref<8x128xf32, #tpu.memory_space<hbm>>
    %dma_wait3A_638 = arith.constant 0 : i32
    %dma_wait3A_639 = arith.constant 0 : i32
    %dma_wait3A_640 = tpu.memref_slice %arg5[%dma_wait3A_628, %dma_wait3A_629, %dma_wait3A_630, %dma_wait3A_638, %dma_wait3A_639] : memref<200x4x32x8x128xf32, #tpu.memory_space<hbm>> -> memref<1x1x1x8x128xf32, #tpu.memory_space<hbm>>
    %dma_wait3A_641 = tpu.memref_squeeze %dma_wait3A_640 : memref<1x1x1x8x128xf32, #tpu.memory_space<hbm>> -> memref<8x128xf32, #tpu.memory_space<hbm>>
    %dma_wait3A_642 = arith.constant 0 : i32
    %dma_wait3A_643 = arith.constant 0 : i32
    %dma_wait3A_644 = tpu.memref_slice %arg20[%dma_wait3A_642, %dma_wait3A_643] : memref<64x129xf32, #tpu.memory_space<vmem>> -> memref<8x128xf32, #tpu.memory_space<vmem>>
    tpu.wait_dma2 semaphore(%arg36 : memref<!tpu.dma_semaphore, #tpu.memory_space<semaphore_mem>>) src(%dma_wait3A_644 : memref<8x128xf32, #tpu.memory_space<vmem>>) dst(%dma_wait3A_641 : memref<8x128xf32, #tpu.memory_space<hbm>>)
    %dma_wait3A_645 = arith.constant 0 : i32
    %dma_wait3A_646 = arith.constant 0 : i32
    %dma_wait3A_647 = arith.constant 0 : i32
    %dma_wait3A_648 = arith.constant 0 : i32
    %dma_wait3A_649 = arith.constant 0 : i32
    %dma_wait3A_650 = tpu.memref_slice %arg20[%dma_wait3A_648, %dma_wait3A_649] : memref<64x129xf32, #tpu.memory_space<vmem>> -> memref<8x128xf32, #tpu.memory_space<vmem>>
    %dma_wait3A_651 = arith.constant 0 : i32
    %dma_wait3A_652 = arith.constant 0 : i32
    %dma_wait3A_653 = tpu.memref_slice %arg5[%dma_wait3A_645, %dma_wait3A_646, %dma_wait3A_647, %dma_wait3A_651, %dma_wait3A_652] : memref<200x4x32x8x128xf32, #tpu.memory_space<hbm>> -> memref<1x1x1x8x128xf32, #tpu.memory_space<hbm>>
    %dma_wait3A_654 = tpu.memref_squeeze %dma_wait3A_653 : memref<1x1x1x8x128xf32, #tpu.memory_space<hbm>> -> memref<8x128xf32, #tpu.memory_space<hbm>>
    %dma_wait3A_655 = arith.constant 0 : i32
    %dma_wait3A_656 = arith.constant 0 : i32
    %dma_wait3A_657 = tpu.memref_slice %arg5[%dma_wait3A_645, %dma_wait3A_646, %dma_wait3A_647, %dma_wait3A_655, %dma_wait3A_656] : memref<200x4x32x8x128xf32, #tpu.memory_space<hbm>> -> memref<1x1x1x8x128xf32, #tpu.memory_space<hbm>>
    %dma_wait3A_658 = tpu.memref_squeeze %dma_wait3A_657 : memref<1x1x1x8x128xf32, #tpu.memory_space<hbm>> -> memref<8x128xf32, #tpu.memory_space<hbm>>
    %dma_wait3A_659 = arith.constant 0 : i32
    %dma_wait3A_660 = arith.constant 0 : i32
    %dma_wait3A_661 = tpu.memref_slice %arg20[%dma_wait3A_659, %dma_wait3A_660] : memref<64x129xf32, #tpu.memory_space<vmem>> -> memref<8x128xf32, #tpu.memory_space<vmem>>
    tpu.wait_dma2 semaphore(%arg36 : memref<!tpu.dma_semaphore, #tpu.memory_space<semaphore_mem>>) src(%dma_wait3A_661 : memref<8x128xf32, #tpu.memory_space<vmem>>) dst(%dma_wait3A_658 : memref<8x128xf32, #tpu.memory_space<hbm>>)
    %dma_wait3A_662 = arith.constant 0 : i32
    %dma_wait3A_663 = arith.constant 0 : i32
    %dma_wait3A_664 = arith.constant 0 : i32
    %dma_wait3A_665 = arith.constant 0 : i32
    %dma_wait3A_666 = arith.constant 0 : i32
    %dma_wait3A_667 = tpu.memref_slice %arg20[%dma_wait3A_665, %dma_wait3A_666] : memref<64x129xf32, #tpu.memory_space<vmem>> -> memref<8x128xf32, #tpu.memory_space<vmem>>
    %dma_wait3A_668 = arith.constant 0 : i32
    %dma_wait3A_669 = arith.constant 0 : i32
    %dma_wait3A_670 = tpu.memref_slice %arg5[%dma_wait3A_662, %dma_wait3A_663, %dma_wait3A_664, %dma_wait3A_668, %dma_wait3A_669] : memref<200x4x32x8x128xf32, #tpu.memory_space<hbm>> -> memref<1x1x1x8x128xf32, #tpu.memory_space<hbm>>
    %dma_wait3A_671 = tpu.memref_squeeze %dma_wait3A_670 : memref<1x1x1x8x128xf32, #tpu.memory_space<hbm>> -> memref<8x128xf32, #tpu.memory_space<hbm>>
    %dma_wait3A_672 = arith.constant 0 : i32
    %dma_wait3A_673 = arith.constant 0 : i32
    %dma_wait3A_674 = tpu.memref_slice %arg5[%dma_wait3A_662, %dma_wait3A_663, %dma_wait3A_664, %dma_wait3A_672, %dma_wait3A_673] : memref<200x4x32x8x128xf32, #tpu.memory_space<hbm>> -> memref<1x1x1x8x128xf32, #tpu.memory_space<hbm>>
    %dma_wait3A_675 = tpu.memref_squeeze %dma_wait3A_674 : memref<1x1x1x8x128xf32, #tpu.memory_space<hbm>> -> memref<8x128xf32, #tpu.memory_space<hbm>>
    %dma_wait3A_676 = arith.constant 0 : i32
    %dma_wait3A_677 = arith.constant 0 : i32
    %dma_wait3A_678 = tpu.memref_slice %arg20[%dma_wait3A_676, %dma_wait3A_677] : memref<64x129xf32, #tpu.memory_space<vmem>> -> memref<8x128xf32, #tpu.memory_space<vmem>>
    tpu.wait_dma2 semaphore(%arg36 : memref<!tpu.dma_semaphore, #tpu.memory_space<semaphore_mem>>) src(%dma_wait3A_678 : memref<8x128xf32, #tpu.memory_space<vmem>>) dst(%dma_wait3A_675 : memref<8x128xf32, #tpu.memory_space<hbm>>)
    %dma_wait3A_679 = arith.constant 0 : i32
    %dma_wait3A_680 = arith.constant 0 : i32
    %dma_wait3A_681 = arith.constant 0 : i32
    %dma_wait3A_682 = arith.constant 0 : i32
    %dma_wait3A_683 = arith.constant 0 : i32
    %dma_wait3A_684 = tpu.memref_slice %arg20[%dma_wait3A_682, %dma_wait3A_683] : memref<64x129xf32, #tpu.memory_space<vmem>> -> memref<8x128xf32, #tpu.memory_space<vmem>>
    %dma_wait3A_685 = arith.constant 0 : i32
    %dma_wait3A_686 = arith.constant 0 : i32
    %dma_wait3A_687 = tpu.memref_slice %arg5[%dma_wait3A_679, %dma_wait3A_680, %dma_wait3A_681, %dma_wait3A_685, %dma_wait3A_686] : memref<200x4x32x8x128xf32, #tpu.memory_space<hbm>> -> memref<1x1x1x8x128xf32, #tpu.memory_space<hbm>>
    %dma_wait3A_688 = tpu.memref_squeeze %dma_wait3A_687 : memref<1x1x1x8x128xf32, #tpu.memory_space<hbm>> -> memref<8x128xf32, #tpu.memory_space<hbm>>
    %dma_wait3A_689 = arith.constant 0 : i32
    %dma_wait3A_690 = arith.constant 0 : i32
    %dma_wait3A_691 = tpu.memref_slice %arg5[%dma_wait3A_679, %dma_wait3A_680, %dma_wait3A_681, %dma_wait3A_689, %dma_wait3A_690] : memref<200x4x32x8x128xf32, #tpu.memory_space<hbm>> -> memref<1x1x1x8x128xf32, #tpu.memory_space<hbm>>
    %dma_wait3A_692 = tpu.memref_squeeze %dma_wait3A_691 : memref<1x1x1x8x128xf32, #tpu.memory_space<hbm>> -> memref<8x128xf32, #tpu.memory_space<hbm>>
    %dma_wait3A_693 = arith.constant 0 : i32
    %dma_wait3A_694 = arith.constant 0 : i32
    %dma_wait3A_695 = tpu.memref_slice %arg20[%dma_wait3A_693, %dma_wait3A_694] : memref<64x129xf32, #tpu.memory_space<vmem>> -> memref<8x128xf32, #tpu.memory_space<vmem>>
    tpu.wait_dma2 semaphore(%arg36 : memref<!tpu.dma_semaphore, #tpu.memory_space<semaphore_mem>>) src(%dma_wait3A_695 : memref<8x128xf32, #tpu.memory_space<vmem>>) dst(%dma_wait3A_692 : memref<8x128xf32, #tpu.memory_space<hbm>>)
    %dma_wait3A_696 = arith.constant 0 : i32
    %dma_wait3A_697 = arith.constant 0 : i32
    %dma_wait3A_698 = arith.constant 0 : i32
    %dma_wait3A_699 = arith.constant 0 : i32
    %dma_wait3A_700 = arith.constant 0 : i32
    %dma_wait3A_701 = tpu.memref_slice %arg20[%dma_wait3A_699, %dma_wait3A_700] : memref<64x129xf32, #tpu.memory_space<vmem>> -> memref<8x128xf32, #tpu.memory_space<vmem>>
    %dma_wait3A_702 = arith.constant 0 : i32
    %dma_wait3A_703 = arith.constant 0 : i32
    %dma_wait3A_704 = tpu.memref_slice %arg5[%dma_wait3A_696, %dma_wait3A_697, %dma_wait3A_698, %dma_wait3A_702, %dma_wait3A_703] : memref<200x4x32x8x128xf32, #tpu.memory_space<hbm>> -> memref<1x1x1x8x128xf32, #tpu.memory_space<hbm>>
    %dma_wait3A_705 = tpu.memref_squeeze %dma_wait3A_704 : memref<1x1x1x8x128xf32, #tpu.memory_space<hbm>> -> memref<8x128xf32, #tpu.memory_space<hbm>>
    %dma_wait3A_706 = arith.constant 0 : i32
    %dma_wait3A_707 = arith.constant 0 : i32
    %dma_wait3A_708 = tpu.memref_slice %arg5[%dma_wait3A_696, %dma_wait3A_697, %dma_wait3A_698, %dma_wait3A_706, %dma_wait3A_707] : memref<200x4x32x8x128xf32, #tpu.memory_space<hbm>> -> memref<1x1x1x8x128xf32, #tpu.memory_space<hbm>>
    %dma_wait3A_709 = tpu.memref_squeeze %dma_wait3A_708 : memref<1x1x1x8x128xf32, #tpu.memory_space<hbm>> -> memref<8x128xf32, #tpu.memory_space<hbm>>
    %dma_wait3A_710 = arith.constant 0 : i32
    %dma_wait3A_711 = arith.constant 0 : i32
    %dma_wait3A_712 = tpu.memref_slice %arg20[%dma_wait3A_710, %dma_wait3A_711] : memref<64x129xf32, #tpu.memory_space<vmem>> -> memref<8x128xf32, #tpu.memory_space<vmem>>
    tpu.wait_dma2 semaphore(%arg36 : memref<!tpu.dma_semaphore, #tpu.memory_space<semaphore_mem>>) src(%dma_wait3A_712 : memref<8x128xf32, #tpu.memory_space<vmem>>) dst(%dma_wait3A_709 : memref<8x128xf32, #tpu.memory_space<hbm>>)
    %dma_wait3A_713 = arith.constant 0 : i32
    %dma_wait3A_714 = arith.constant 0 : i32
    %dma_wait3A_715 = arith.constant 0 : i32
    %dma_wait3A_716 = arith.constant 0 : i32
    %dma_wait3A_717 = arith.constant 0 : i32
    %dma_wait3A_718 = tpu.memref_slice %arg20[%dma_wait3A_716, %dma_wait3A_717] : memref<64x129xf32, #tpu.memory_space<vmem>> -> memref<8x128xf32, #tpu.memory_space<vmem>>
    %dma_wait3A_719 = arith.constant 0 : i32
    %dma_wait3A_720 = arith.constant 0 : i32
    %dma_wait3A_721 = tpu.memref_slice %arg5[%dma_wait3A_713, %dma_wait3A_714, %dma_wait3A_715, %dma_wait3A_719, %dma_wait3A_720] : memref<200x4x32x8x128xf32, #tpu.memory_space<hbm>> -> memref<1x1x1x8x128xf32, #tpu.memory_space<hbm>>
    %dma_wait3A_722 = tpu.memref_squeeze %dma_wait3A_721 : memref<1x1x1x8x128xf32, #tpu.memory_space<hbm>> -> memref<8x128xf32, #tpu.memory_space<hbm>>
    %dma_wait3A_723 = arith.constant 0 : i32
    %dma_wait3A_724 = arith.constant 0 : i32
    %dma_wait3A_725 = tpu.memref_slice %arg5[%dma_wait3A_713, %dma_wait3A_714, %dma_wait3A_715, %dma_wait3A_723, %dma_wait3A_724] : memref<200x4x32x8x128xf32, #tpu.memory_space<hbm>> -> memref<1x1x1x8x128xf32, #tpu.memory_space<hbm>>
    %dma_wait3A_726 = tpu.memref_squeeze %dma_wait3A_725 : memref<1x1x1x8x128xf32, #tpu.memory_space<hbm>> -> memref<8x128xf32, #tpu.memory_space<hbm>>
    %dma_wait3A_727 = arith.constant 0 : i32
    %dma_wait3A_728 = arith.constant 0 : i32
    %dma_wait3A_729 = tpu.memref_slice %arg20[%dma_wait3A_727, %dma_wait3A_728] : memref<64x129xf32, #tpu.memory_space<vmem>> -> memref<8x128xf32, #tpu.memory_space<vmem>>
    tpu.wait_dma2 semaphore(%arg36 : memref<!tpu.dma_semaphore, #tpu.memory_space<semaphore_mem>>) src(%dma_wait3A_729 : memref<8x128xf32, #tpu.memory_space<vmem>>) dst(%dma_wait3A_726 : memref<8x128xf32, #tpu.memory_space<hbm>>)
    return
  }
}

</mosaic_0001>

<sc_bundles>
// kernel: _pos_embed_sc.3.cloned.1.call-start
scs
__scs_entry_jumppad:
0x0: {  	(pc) =	sbr.rel $0x88, $3  }
0x1: {  	(tag) =	ssettag $0x0;
	lr =	simm.s32 $0x1  }
0x2: {  	[smem:$0x3F9E] =	sst lr;
	_ =	strace $0xD0000000  }
0x3: {  	_ = 	snop  }
0x4: {  	_ = 	snop  }
0x5: {  	_ = 	snop  }
0x6: {  	_ = 	snop  }
0x7: {  	_ = 	snop  }
__scs_overlays_trampoline_lowered:
0x8: {  	[smem:$0x3FAD] =	sst s0  }
0x9: {  	[smem:$0x3FAE] =	sst s1  }
0xa: {  	[smem:$0x3FAF] =	sst s2  }
0xb: {  	[smem:$0x3FB0] =	sst s3  }
0xc: {  	[smem:$0x3FB1] =	sst s4  }
0xd: {  	[smem:$0x3FB2] =	sst s5  }
0xe: {  	[smem:$0x3FB3] =	sst s6  }
0xf: {  	[smem:$0x3FB4] =	sst s7  }
0x10: {  	[smem:$0x3FB5] =	sst s8  }
0x11: {  	[smem:$0x3FB6] =	sst s9;
	s0 =	simm.s32 @!p0 $0x0  }
0x12: {  	s1 =	sld [smem:$0x3F9C];
	s0 =	simm.s32 @p0 $0x1  }
0x13: {  	[smem:$0x3FB7] =	sst s0;
	s0 =	simm.s32 @!p1 $0x0  }
0x14: {  	s2 =	sld [smem:$0x3F9B];
	s0 =	simm.s32 @p1 $0x1  }
0x15: {  	[smem:$0x3FB8] =	sst s0;
	s0 =	simm.s32 @!p2 $0x0  }
0x16: {  	s3 =	sld [smem:$0x3FDB];
	s0 =	simm.s32 @p2 $0x1  }
0x17: {  	s4 =	simm.s32 $0x1BF5;
	[smem:$0x3FBA] =	sst s0  }
0x18: {  	s0 =	sld [smem:$0x3F9D];
	_ =	swait.ge [sflag:s4], $0x0  }
0x19: {  	s7 =	sld [smem:$0x3F9E]  }
0x1a: {  	s8 =	sadd.s32 $0xFFFFE003, lr  }
0x1b: {  	s9 =	sadd.s32 $0xFFFFFEF7, lr;
	s5 =	simm.s32 $0xFFFFFFFF;
	p2 =	slt.u32 s8, $0xFFFFF086  }
0x1c: {  	p1 =	slt.u32 s9, $0xF7A;
	s5 =	simm.s32 @!p2 $0x0  }
0x1d: {  	s5 =	simm.s32 @p1 $0x1;
	p0 =	seq.s32 s7, s2  }
0x1e: {  	s7 =	smul.u32 @!p0 $0xF7A, s2;
	p2 =	seq.s32 @!p0 s5, $0x0  }
0x1f: {  	s9 =	smul.u32 $0xF7A, s1;
	s8 =	simm.s32 @!p0 $0x1BF5;
	p2 =	por !p2, p0  }
0x20: {  	[sflag:s8] =	ssyncset.s32 @!p0 $0xFFFFF086;
	s6 =	sadd.s32 @!p0 s3, s7;
	s7 =	simm.s32 @!p0 $0x108  }
0x21: {  	s3 =	sadd.s32 s3, s9;
	s6 =	sadd.s32 @!p0 $0x88, s6;
	s7 =	simm.s32 @p2 $0x1082  }
0x22: {  	[simem:s7], [sflag:s8] =	dma.local @!p0 [hbm:s6], $0xF7A  }
0x23: {  	s9 =	sor.u32 $0xD0000000, s2;
	s6 =	simm.s32 $0x108;
	_ =	swait.ge @!p0 [sflag:s8], $0x0  }
0x24: {  	s3 =	sadd.s32 $0x88, s3;
	s6 =	simm.s32 @!p1 $0x1082;
	[sflag:s4] =	ssyncset.s32 $0xFFFFF086  }
0x25: {  	[simem:s6], [sflag:s4] =	dma.local [hbm:s3], $0xF7A  }
0x26: {  	[smem:$0x3F9E] =	sst s1;
	(tag) =	ssettag s2;
	_ =	strace s9  }
0x27: {  	s1 =	sld [smem:$0x3FAE]  }
0x28: {  	s2 =	sld [smem:$0x3FAF]  }
0x29: {  	s4 =	sld [smem:$0x3FB1]  }
0x2a: {  	p0 =	seq.s32 s5, $0x0;
	s5 =	sld [smem:$0x3FB2]  }
0x2b: {  	s6 =	sld [smem:$0x3FB3]  }
0x2c: {  	s7 =	sld [smem:$0x3FB4]  }
0x2d: {  	s3 =	simm.s32 $0x108;
	s8 =	sld [smem:$0x3FB5]  }
0x2e: {  	s3 =	simm.s32 @!p0 $0x1082;
	s9 =	sld [smem:$0x3FB6]  }
0x2f: {  	lr =	sadd.s32 s0, s3;
	s0 =	sld [smem:$0x3FAD]  }
0x30: {  	s3 =	sld [smem:$0x3FB0]  }
0x31: {  	[smem:$0x3FB9] =	sst s10  }
0x32: {  	s10 =	sld [smem:$0x3FB7];
	_ =	sdelay $0x3  }
0x33: {  	p0 =	seq.s32 s10, $0x1;
	s10 =	sld [smem:$0x3FB9];
	_ =	sdelay $0x3  }
0x34: {  	[smem:$0x3FB9] =	sst s10  }
0x35: {  	s10 =	sld [smem:$0x3FB8];
	_ =	sdelay $0x3  }
0x36: {  	p1 =	seq.s32 s10, $0x1;
	s10 =	sld [smem:$0x3FB9];
	_ =	sdelay $0x3  }
0x37: {  	[smem:$0x3FB9] =	sst s10  }
0x38: {  	s10 =	sld [smem:$0x3FBA]  }
0x39: {  	_ = 	snop;
	(pc) =	sbr.ind lr, $3  }
0x3a: {  	_ = 	snop  }
0x3b: {  	_ = 	snop  }
0x3c: {  	p2 =	seq.s32 s10, $0x1;
	s10 =	sld [smem:$0x3FB9]  }
0x3d: {  	_ =	shalt  }
0x3e: {  	_ =	shalt  }
0x3f: {  	_ =	shalt  }
0x40: {  	_ =	shalt  }
0x41: {  	_ =	shalt  }
0x42: {  	_ =	shalt  }
0x43: {  	_ =	shalt  }
0x44: {  	_ =	shalt  }
0x45: {  	_ =	shalt  }
0x46: {  	_ =	shalt  }
0x47: {  	_ =	shalt  }
0x48: {  	_ =	shalt  }
0x49: {  	_ =	shalt  }
0x4a: {  	_ =	shalt  }
0x4b: {  	_ =	shalt  }
0x4c: {  	_ =	shalt  }
0x4d: {  	_ =	shalt  }
0x4e: {  	_ =	shalt  }
0x4f: {  	_ =	shalt  }
0x50: {  	_ =	shalt  }
0x51: {  	_ =	shalt  }
0x52: {  	_ =	shalt  }
0x53: {  	_ =	shalt  }
0x54: {  	_ =	shalt  }
0x55: {  	_ =	shalt  }
0x56: {  	_ =	shalt  }
0x57: {  	_ =	shalt  }
0x58: {  	_ =	shalt  }
0x59: {  	_ =	shalt  }
0x5a: {  	_ =	shalt  }
0x5b: {  	_ =	shalt  }
0x5c: {  	_ =	shalt  }
0x5d: {  	_ =	shalt  }
0x5e: {  	_ =	shalt  }
0x5f: {  	_ =	shalt  }
0x60: {  	_ =	shalt  }
0x61: {  	_ =	shalt  }
0x62: {  	_ =	shalt  }
0x63: {  	_ =	shalt  }
0x64: {  	_ =	shalt  }
0x65: {  	_ =	shalt  }
0x66: {  	_ =	shalt  }
0x67: {  	_ =	shalt  }
0x68: {  	_ =	shalt  }
0x69: {  	_ =	shalt  }
0x6a: {  	_ =	shalt  }
0x6b: {  	_ =	shalt  }
0x6c: {  	_ =	shalt  }
0x6d: {  	_ =	shalt  }
0x6e: {  	_ =	shalt  }
0x6f: {  	_ =	shalt  }
0x70: {  	_ =	shalt  }
0x71: {  	_ =	shalt  }
0x72: {  	_ =	shalt  }
0x73: {  	_ =	shalt  }
0x74: {  	_ =	shalt  }
0x75: {  	_ =	shalt  }
0x76: {  	_ =	shalt  }
0x77: {  	_ =	shalt  }
0x78: {  	_ =	shalt  }
0x79: {  	_ =	shalt  }
0x7a: {  	_ =	shalt  }
0x7b: {  	_ =	shalt  }
0x7c: {  	_ =	shalt  }
0x7d: {  	_ =	shalt  }
0x7e: {  	_ =	shalt  }
0x7f: {  	_ =	shalt  }
0x80: {  	_ =	shalt  }
0x81: {  	_ =	shalt  }
0x82: {  	_ =	shalt  }
0x83: {  	_ =	shalt  }
0x84: {  	_ =	shalt  }
0x85: {  	_ =	shalt  }
0x86: {  	_ =	shalt  }
0x87: {  	_ =	shalt  }
.Lfunc_end0:
.L_simem_size_0:
called_computation_lowered:
.L_overlay_start_0:
0x88: {  	s2 =	sld [smem:$0x3FD9]  }
0x89: {  	s3 =	sld [smem:$0x3FFE];
	_ =	sdelay $0x1  }
0x8a: {  	s1 =	srdreg.scid  }
0x8b: {  	s0 =	sand.u32 $0x1, s1  }
0x8c: {  	s17 =	sshll.u32 s0, $0xA;
	s2 =	sadd.s32 s3, s2  }
0x8d: {  	s2 =	sadd.s32 s2, s17  }
0x8e: {  	[smem:$0x3FC5] =	sst s2  }
0x8f: {  	_ = 	snop  }
0x90: {  	s2 =	sld [smem:$0x3FC9]  }
0x91: {  	s18 =	sld [smem:$0x3FD0];
	(tm) =	ssettm $0x1  }
0x92: {  	s4 =	sld [smem:$0x3FFB];
	_ =	sdelay $0x3  }
0x93: {  	_ =	strace s4  }
0x94: {  	s4 =	sld [smem:$0x3FFC];
	_ =	sdelay $0x3  }
0x95: {  	_ =	strace s4  }
0x96: {  	s4 =	sld [smem:$0x3FFD];
	_ =	sdelay $0x3  }
0x97: {  	_ =	strace s4  }
0x98: {  	_ =	strace $0x8FFFFFFF  }
0x99: {  	s19 =	sld [smem:$0x3FDB];
	_ =	sdelay $0x1  }
0x9a: {  	s5 =	simm.s32 $_scs_section_size  }
0x9b: {  	s6 =	simm.s32 $_size__tile_overlayer_lowered;
	s7 =	simm.s32 $_tile_overlayer_lowered  }
0x9c: {  	s22 =	simm.s32 $0x1BFF;
	s21 =	sshll.u32 s7, $0x1;
	s4 =	sadd.s32 s5, s19  }
0x9d: {  	s8 =	simm.s32 $0x0;
	s20 =	sshll.u32 s6, $0x1;
	s6 =	sadd.s32 s21, s4  }
0x9e: {  	[timem:s8], [sflag:s22] =	dma.local [hbm:s6], s20  }
0x9f: {  	_ =	swait.ge [sflag:s22], s20  }
0xa0: {  	s5 =	ssub.s32 $0x0, s20;
	[sflag:s22] =	ssyncset.done $0x0  }
0xa1: {  	[sflag:s22] =	ssyncadd.s32 s5;
	_ =	sdelay $0x1  }
0xa2: {  	s23 =	simm.s32 $0x1B8B  }
0xa3: {  	_ =	swait.ge [sflag:s23], $0x1  }
0xa4: {  	[sflag:s23] =	ssyncset.done $0x0  }
0xa5: {  	s25 =	simm.s32 $0x1B8E;
	s24 =	sld [smem:$0x3FFE];
	[sflag:s23] =	ssyncadd.s32 $0xFFFFFFFF  }
0xa6: {  	s26 =	simm.s32 $execute0_lowered;
	[smem:$0x3FD2] =	sst s25  }
0xa7: {  	s6 =	sshll.u32 s26, $0x1;
	_ =	strace $0x80000046;
	[dreg:$0x1] =	wrdreg $0xFFFFFFFF  }
0xa8: {  	s28 =	simm.s32 $_size_execute0_lowered;
	s4 =	sadd.s32 s4, s6;
	[dreg:$0x0] =	wrdreg $0x0  }
0xa9: {  	s6 =	sshll.u32 s28, $0x1;
	[dreg:$0x2] =	wrdreg s4  }
0xaa: {  	[dreg:$0x3] =	wrdreg s6  }
0xab: {  	[dreg:$0x4] =	wrdreg $0xC0  }
0xac: {  	_ =	task [dreg:s8], $0x5FFFF  }
0xad: {  	[dreg:$0x1] =	wrdreg $0xFFFFFFFF  }
0xae: {  	[dreg:$0x0] =	wrdreg $0x60  }
0xaf: {  	[dreg:$0x2] =	wrdreg s2  }
0xb0: {  	[dreg:$0x3] =	wrdreg s24  }
0xb1: {  	[dreg:$0x4] =	wrdreg s18  }
0xb2: {  	[dreg:$0x5] =	wrdreg $0x9  }
0xb3: {  	_ =	task.clear_ibuf [dreg:s8], $0x6FFFF;
	_ =	strace $0x90000046  }
0xb4: {  	s29 =	simm.s32 $0x9;
	_ =	strace $0x80000048  }
0xb5: {  	_ =	swait.ge [sflag:s29], $0x1  }
0xb6: {  	[sflag:s29] =	ssyncadd.s32 $0xFFFFFFFF  }
0xb7: {  	_ =	strace $0x90000048  }
0xb8: {  	_ =	sfence  }
0xb9: {  	s30 =	sld [smem:$0x0];
	_ =	sdelay $0x2  }
0xba: {  	s31 =	sshll.u32 s1, $0xD;
	s1 =	sshrl.u32 s1, $0x2  }
0xbb: {  	s3 =	sand.u32 $0x4000, s31;
	s1 =	sadd.s32 s1, s30  }
0xbc: {  	s0 =	sor.u32 s3, s0;
	s1 =	sshll.u32 s1, $0x11  }
0xbd: {  	s0 =	sor.u32 s1, s0  }
0xbe: {  	s0 =	sadd.s32 $0x8F2B, s0  }
0xbf: {  	[sflag:s0] =	ssyncadd.remote.s32 $0x1  }
0xc0: {  	_ =	sfence.sel $0xFFFF  }
0xc1: {  	[dreg:$0x0] =	wrdreg $0xFFFFFFFF;
	(pc) =	sbr.abs _section_cstart, $3  }
0xc2: {  	[dreg:$0x1] =	wrdreg $0xFFFFFFFF  }
0xc3: {  	_ =	task.clear_ibuf [dreg:s8], $0x2FFFF;
	_ =	strace $0x9FFFFFFF  }
0xc4: {  	(tm) =	ssettm $0x7FFFFFFF  }
0xc5: {  	_ =	shalt  }
tec
execute0_lowered:
.L_overlay_start_1:
0x0: {  	(tag) =	ssettag $0x1  }
0x1: {  	s1 =	rddreg [dreg:$0x0]  }
0x2: {  	s0 =	rddreg [dreg:$0x1]  }
0x3: {  	s2 =	srdreg.scid;
	s4 =	stileid.u32  }
0x4: {  	s3 =	rddreg [dreg:$0x2];
	s19 =	simm.s32 $0x400;
	s10 =	simm.s32 $0xA500  }
0x5: {  	s11 =	simm.s32 $0xC700;
	s20 =	simm.s32 $0xD;
	s17 =	simm.s32 $0x10B00  }
0x6: {  	s28 =	simm.s32 $0xF;
	s2 =	sand.u32 $0x1, s2;
	s5 =	sshll.u32 s4, $0x1  }
0x7: {  	s4 =	simm.s32 $0x0;
	s6 =	sadd.s32 $0x800, s0;
	s5 =	sor.u32 s2, s5  }
0x8: {  	s0 =	sadd.s32 $0x400, s0;
	[smem:$0x7FF] =	sst s4;
	s8 =	smul.u32 $0x6400, s5  }
0x9: {  	s30 =	simm.s32 $0x12D00;
	_ =	strace $0x80000047;
	[dreg:$0x5] =	wrdreg s0  }
0xa: {  	s13 =	sadd.s32 $0x1000, s3;
	s25 =	sadd.s32 $0x500, s8;
	[dreg:$0x4] =	wrdreg s8  }
0xb: {  	s2 =	ssub.s32 $0x2, s2;
	s26 =	sadd.s32 $0x600, s8;
	[dreg:$0xa] =	wrdreg s25  }
0xc: {  	s21 =	sshrl.u32 s2, $0x1;
	s29 =	sadd.s32 $0x700, s8;
	[dreg:$0xb] =	wrdreg s26  }
0xd: {  	s0 =	ssub.s32 s2, s21;
	s31 =	sadd.s32 $0x800, s8;
	[dreg:$0xc] =	wrdreg s29  }
0xe: {  	s7 =	sshrl.u32 s8, $0x3;
	s0 =	smax.u32 s0, $0x1;
	[dreg:$0xd] =	wrdreg s31  }
0xf: {  	s14 =	sadd.s32 $0x2000, s3;
	s7 =	sadd.s32 s1, s7;
	[dreg:$0xe] =	wrdreg s0  }
0x10: {  	s15 =	sadd.s32 $0x3000, s3;
	s22 =	sadd.s32 $0x20, s7;
	[dreg:$0x6] =	wrdreg s7  }
0x11: {  	v0 =	vlaneseq.u32;
	s12 =	sshll.u32 s5, $0xA;
	s23 =	sadd.s32 $0x40, s7;
	[dreg:$0x7] =	wrdreg s22  }
0x12: {  	v0 =	vmul.u32 $0x88, v0;
	s5 =	simm.s32 $0x0;
	s24 =	sadd.s32 $0x60, s7;
	[dreg:$0x8] =	wrdreg s23  }
0x13: {  	s2 =	simm.s32 $0x9;
	s8 =	simm.s32 $0xE900;
	[dreg:$0x9] =	wrdreg s24  }
0x14: {  	v1 =	vadd.s32 $0x880, v0;
	v2 =	vadd.s32 $0x1100, v0;
	v3 =	vadd.s32 $0x1980, v0;
	s23 =	simm.s32 $0x100;
	s24 =	simm.s32 $0xE;
	s22 =	simm.s32 $0xA  }
.LBB2_1:
0x15: {  	[dreg:$0xf] =	wrdreg s5  }
0x16: {  	s0 =	rddreg [dreg:$0x5];
	s26 =	simm.s32 $0x14F00;
	s29 =	simm.s32 $0x10  }
0x17: {  	[tilespmem:s26], [sflag:$0x10] =	stream.linear.gather [hbm4b:s0+s4], $0x1900, $0x38;
	[tilespmem:$0x16800] =	vst v63  }
0x18: {  	_ =	swait.ge [sflag:s29], $0x1900  }
0x19: {  	[sflag:s29] =	ssyncset.done $0x0  }
0x1a: {  	s31 =	rddreg [dreg:$0x6];
	[sflag:s29] =	ssyncadd.s32 $0xFFFFE700  }
0x1b: {  	[tilespmem:s4], [sflag:$0x1] =	stream.linear.gather [hbm4b:s31+s4], $0x100, $0x38;
	[tilespmem:$0x16800] =	vst v63  }
0x1c: {  	s5 =	rddreg [dreg:$0x7]  }
0x1d: {  	[tilespmem:s23], [sflag:$0x2] =	stream.linear.gather [hbm4b:s5+s4], $0x100, $0x38;
	[tilespmem:$0x16800] =	vst v63  }
0x1e: {  	s9 =	simm.s32 $0x200;
	s7 =	rddreg [dreg:$0x8]  }
0x1f: {  	[tilespmem:s9], [sflag:$0x3] =	stream.linear.gather [hbm4b:s7+s4], $0x100, $0x38;
	[tilespmem:$0x16800] =	vst v63  }
0x20: {  	s18 =	simm.s32 $0x1;
	s16 =	rddreg [dreg:$0x9];
	s7 =	simm.s32 $0x300  }
0x21: {  	[tilespmem:s7], [sflag:$0x4] =	stream.linear.gather [hbm4b:s16+s4], $0x100, $0x38;
	[tilespmem:$0x16800] =	vst v63  }
0x22: {  	_ =	swait.ge [sflag:s18], $0x100  }
0x23: {  	[sflag:s18] =	ssyncset.done $0x0  }
0x24: {  	s21 =	simm.s32 $0x500;
	s25 =	simm.s32 $0x2;
	[sflag:s18] =	ssyncadd.s32 $0xFFFFFF00  }
0x25: {  	[tilespmem:s21], [sflag:$0x6] =	stream.indirect.gather [hbm4b:s6+s23], $0x20, s4, s23, $0xb8;
	[tilespmem:$0x16800] =	vst v63  }
0x26: {  	_ =	swait.ge [sflag:s25], $0x100  }
0x27: {  	[sflag:s25] =	ssyncset.done $0x0  }
0x28: {  	s26 =	simm.s32 $0x2500;
	s29 =	simm.s32 $0x3;
	[sflag:s25] =	ssyncadd.s32 $0xFFFFFF00  }
0x29: {  	[tilespmem:s26], [sflag:$0x7] =	stream.indirect.gather [hbm4b:s6+s23], $0x20, s23, s23, $0xb8;
	[tilespmem:$0x16800] =	vst v63  }
0x2a: {  	_ =	swait.ge [sflag:s29], $0x100  }
0x2b: {  	[sflag:s29] =	ssyncset.done $0x0  }
0x2c: {  	s31 =	simm.s32 $0x4500;
	s25 =	simm.s32 $0x0;
	[sflag:s29] =	ssyncadd.s32 $0xFFFFFF00  }
0x2d: {  	[tilespmem:s31], [sflag:$0x8] =	stream.indirect.gather [hbm4b:s6+s23], $0x20, s9, s23, $0xb8;
	[tilespmem:$0x16800] =	vst v63  }
.LBB2_2:
0x2e: {  	s16 =	smul.u32 $0x5, s25;
	_ =	sdelay $0x1  }
0x2f: {  	s26 =	sadd.s32 $0x4, s16  }
0x30: {  	s0 =	rddreg [dreg:$0x4];
	s29 =	sshll.u32 s26, $0x8  }
0x31: {  	s0 =	sadd.s32 s0, s29  }
0x32: {  	s0 =	sshrl.u32 s0, $0x3  }
0x33: {  	s9 =	simm.s32 $0x4;
	s0 =	sadd.s32 s1, s0  }
0x34: {  	[tilespmem:s19], [sflag:$0x5] =	stream.linear.gather [hbm4b:s0+s4], $0x100, $0x38;
	[tilespmem:$0x16800] =	vst v63  }
0x35: {  	_ =	swait.ge [sflag:s9], $0x100  }
0x36: {  	s18 =	simm.s32 $0x300;
	[sflag:s9] =	ssyncset.done $0x0  }
0x37: {  	s5 =	simm.s32 $0x6500;
	s21 =	simm.s32 $0x6;
	[sflag:s9] =	ssyncadd.s32 $0xFFFFFF00  }
0x38: {  	[tilespmem:s5], [sflag:$0x9] =	stream.indirect.gather [hbm4b:s6+s23], $0x20, s18, s23, $0xb8;
	[tilespmem:$0x16800] =	vst v63  }
0x39: {  	_ =	swait.ge [sflag:s21], $0x2000  }
0x3a: {  	p0 =	seq.s32 s25, $0x0;
	[sflag:s21] =	ssyncset.done $0x0  }
0x3b: {  	s0 =	simm.s32 @!p0 $0xB;
	[sflag:s21] =	ssyncadd.s32 $0xFFFFE000  }
0x3c: {  	_ =	swait.ge @!p0 [sflag:s0], $0x400  }
0x3d: {  	[sflag:s0] =	ssyncset.done @!p0 $0x0  }
0x3e: {  	[sflag:s0] =	ssyncadd.s32 @!p0 $0xFFFFFC00  }
0x3f: {  	_ =	swait.ge @!p0 [sflag:s0], $0x400  }
0x40: {  	[sflag:s0] =	ssyncset.done @!p0 $0x0  }
0x41: {  	[sflag:s0] =	ssyncadd.s32 @!p0 $0xFFFFFC00  }
0x42: {  	_ =	swait.ge @!p0 [sflag:s0], $0x400  }
0x43: {  	[sflag:s0] =	ssyncset.done @!p0 $0x0  }
0x44: {  	[sflag:s0] =	ssyncadd.s32 @!p0 $0xFFFFFC00  }
0x45: {  	_ =	swait.ge @!p0 [sflag:s0], $0x400  }
0x46: {  	[sflag:s0] =	ssyncset.done @!p0 $0x0  }
0x47: {  	[sflag:s0] =	ssyncadd.s32 @!p0 $0xFFFFFC00  }
0x48: {  	_ =	swait.ge @!p0 [sflag:s0], $0x400  }
0x49: {  	[sflag:s0] =	ssyncset.done @!p0 $0x0  }
0x4a: {  	[sflag:s0] =	ssyncadd.s32 @!p0 $0xFFFFFC00  }
0x4b: {  	_ =	swait.ge @!p0 [sflag:s0], $0x400  }
0x4c: {  	[sflag:s0] =	ssyncset.done @!p0 $0x0  }
0x4d: {  	[sflag:s0] =	ssyncadd.s32 @!p0 $0xFFFFFC00  }
0x4e: {  	_ =	swait.ge @!p0 [sflag:s0], $0x400  }
0x4f: {  	[sflag:s0] =	ssyncset.done @!p0 $0x0  }
0x50: {  	[sflag:s0] =	ssyncadd.s32 @!p0 $0xFFFFFC00  }
0x51: {  	s31 =	smul.u32 $0x500, s25;
	_ =	swait.ge @!p0 [sflag:s0], $0x400  }
0x52: {  	[sflag:s0] =	ssyncset.done @!p0 $0x0  }
0x53: {  	s5 =	sshra.s32 s31, $0x2;
	[sflag:s0] =	ssyncadd.s32 @!p0 $0xFFFFFC00  }
0x54: {  	v5 =	vld [tilespmem:s5+$0x14F00]  }
0x55: {  	s7 =	simm.s32 $0x3;
	s0 =	simm.s32 $0x540;
	v4 =	vld [tilespmem:s5+$0x14F10]  }
0x56: {  	v6 =	vmov s7;
	v8 =	vld [tilespmem:s0+$0x20]  }
0x57: {  	v6 =	vand.u32 $0x7F, v6;
	s9 =	simm.s32 $0x0;
	v10 =	vld [tilespmem:s0+$0x30]  }
0x58: {  	v13 =	vadd.s32 v0, v6;
	v7 =	vmov s9;
	v11 =	vld [tilespmem:s0+$0xFFFFFFC0]  }
0x59: {  	v20 =	vadd.s32 v1, v6;
	s18 =	simm.s32 $0x1;
	v7 =	vand.u32 $0x7C, v7;
	v15 =	vld [tilespmem:s0+$0xFFFFFFD0]  }
0x5a: {  	v9 =	vmov s18;
	v12 =	vadd.s32 v0, v7;
	v14 =	vld [tilespmem:s0+$0xFFFFFFE0]  }
0x5b: {  	v6 =	vadd.s32 v1, v7;
	v17 =	vand.u32 $0x7D, v9;
	s21 =	simm.s32 $0x2;
	v7 =	vld [tilespmem:s0+$0xFFFFFFF0];
	v18 =	vadd.f32 v8, v5  }
0x5c: {  	v19 =	vmov s21;
	v9 =	vld [tilespmem:s0+$0x0];
	v8 =	vadd.s32 v0, v17;
	v21 =	vadd.f32 v10, v4  }
0x5d: {  	s7 =	simm.s32 $0x7;
	v16 =	vadd.f32 v11, v5;
	v10 =	vadd.s32 v1, v17;
	v11 =	vld [tilespmem:s0+$0x10];
	v17 =	vand.u32 $0x7E, v19;
	s0 =	simm.s32 $0x5C0;
	[tilespmem:v13+s10+$0x0] =	vst.idx.msk $0xffff, v18  }
0x5e: {  	s9 =	simm.s32 $0x4;
	s18 =	simm.s32 $0x8;
	s5 =	sadd.s32 $0x3, s16;
	v19 =	vmov s7;
	v13 =	vld [tilespmem:s0+$0x20];
	v18 =	vadd.f32 v15, v4;
	v15 =	vadd.s32 v0, v17;
	[tilespmem:v20+s10+$0x0] =	vst.idx.msk $0xffff, v21  }
.LBB2_3:
0x5f: {  	p1 =	slt.u32 s18, $0x7C;
	v20 =	vld [tilespmem:s0+$0x30];
	v19 =	vand.u32 $0x7F, v19;
	[tilespmem:v12+s10+$0x0] =	vst.idx.msk $0xffff, v16;
	v12 =	vadd.f32 v14, v5;
	v16 =	vadd.s32 v1, v17  }
0x60: {  	v14 =	vmov s9;
	v17 =	vld [tilespmem:s0+$0xFFFFFFC0];
	v21 =	vadd.s32 v0, v19;
	[tilespmem:v6+s10+$0x0] =	vst.idx.msk $0xffff, v18;
	v6 =	vadd.f32 v7, v4  }
0x61: {  	s7 =	sadd.s32 $0x1, s9;
	v7 =	vand.u32 $0x7C, v14;
	v22 =	vadd.s32 v1, v19;
	v18 =	vld [tilespmem:s0+$0xFFFFFFD0];
	[tilespmem:v8+s10+$0x0] =	vst.idx.msk $0xffff, v12;
	v8 =	vadd.f32 v9, v5  }
.Ltmp0:
0x62: {  	v12 =	vadd.s32 v0, v7;
	v9 =	vmov s7;
	v14 =	vld [tilespmem:s0+$0xFFFFFFE0];
	[tilespmem:v10+s10+$0x0] =	vst.idx.msk $0xffff, v6;
	v10 =	vadd.f32 v11, v4;
	(pc) =	sbr.rel @p1 .LBB2_3-.Ltmp0, $4  }
0x63: {  	s7 =	sadd.s32 $0x2, s9;
	s9 =	smov.u32 s18;
	v6 =	vadd.s32 v1, v7;
	v11 =	vand.u32 $0x7D, v9;
	v7 =	vld [tilespmem:s0+$0xFFFFFFF0];
	v13 =	vadd.f32 v13, v5;
	[tilespmem:v15+s10+$0x0] =	vst.idx.msk $0xffff, v8  }
0x64: {  	v8 =	vadd.s32 v0, v11;
	v15 =	vmov s7;
	v9 =	vld [tilespmem:s0+$0x0];
	v20 =	vadd.f32 v20, v4;
	[tilespmem:v16+s10+$0x0] =	vst.idx.msk $0xffff, v10  }
0x65: {  	s7 =	sadd.s32 $0x3, s18;
	v10 =	vadd.s32 v1, v11;
	v16 =	vadd.f32 v17, v5;
	v11 =	vld [tilespmem:s0+$0x10];
	v17 =	vand.u32 $0x7E, v15;
	[tilespmem:v21+s10+$0x0] =	vst.idx.msk $0xffff, v13;
	s0 =	sadd.s32 $0x80, s0  }
0x66: {  	s18 =	sadd.s32 $0x4, s18;
	v19 =	vmov s7;
	v13 =	vld [tilespmem:s0+$0x20];
	v18 =	vadd.f32 v18, v4;
	v15 =	vadd.s32 v0, v17;
	[tilespmem:v22+s10+$0x0] =	vst.idx.msk $0xffff, v20  }
0x67: {  	_ =	sdelay $0x3  }
0x68: {  	v20 =	vld [tilespmem:s0+$0x30];
	v19 =	vand.u32 $0x7F, v19;
	[tilespmem:v12+s10+$0x0] =	vst.idx.msk $0xffff, v16;
	v12 =	vadd.f32 v14, v5;
	v14 =	vadd.s32 v1, v17  }
0x69: {  	v16 =	vmov s9;
	v17 =	vld [tilespmem:s0+$0xFFFFFFC0];
	v21 =	vadd.s32 v0, v19;
	[tilespmem:v6+s10+$0x0] =	vst.idx.msk $0xffff, v18;
	v6 =	vadd.f32 v7, v4  }
0x6a: {  	s7 =	sadd.s32 $0x1, s9;
	v7 =	vld [tilespmem:s0+$0xFFFFFFD0];
	v16 =	vand.u32 $0x7C, v16;
	v18 =	vadd.s32 v1, v19;
	[tilespmem:v8+s10+$0x0] =	vst.idx.msk $0xffff, v12;
	v8 =	vadd.f32 v9, v5  }
0x6b: {  	v19 =	vld [tilespmem:s0+$0xFFFFFFE0];
	v9 =	vadd.s32 v0, v16;
	v12 =	vmov s7;
	[tilespmem:v10+s10+$0x0] =	vst.idx.msk $0xffff, v6;
	v6 =	vadd.f32 v11, v4  }
0x6c: {  	s21 =	sadd.s32 $0x2, s9;
	v10 =	vadd.s32 v1, v16;
	v11 =	vld [tilespmem:s0+$0xFFFFFFF0];
	v12 =	vand.u32 $0x7D, v12;
	v13 =	vadd.f32 v13, v5;
	[tilespmem:v15+s10+$0x0] =	vst.idx.msk $0xffff, v8  }
0x6d: {  	v16 =	vld [tilespmem:s0+$0x0];
	v8 =	vadd.s32 v0, v12;
	v15 =	vmov s21;
	v20 =	vadd.f32 v20, v4;
	[tilespmem:v14+s10+$0x0] =	vst.idx.msk $0xffff, v6  }
0x6e: {  	v12 =	vadd.s32 v1, v12;
	v6 =	vadd.f32 v17, v5;
	v14 =	vld [tilespmem:s0+$0x10];
	v15 =	vand.u32 $0x7E, v15;
	[tilespmem:v21+s10+$0x0] =	vst.idx.msk $0xffff, v13  }
0x6f: {  	v7 =	vadd.f32 v7, v4;
	v13 =	vadd.s32 v0, v15;
	[tilespmem:v18+s10+$0x0] =	vst.idx.msk $0xffff, v20  }
0x70: {  	[tilespmem:v9+s10+$0x0] =	vst.idx.msk $0xffff, v6;
	v6 =	vadd.f32 v19, v5;
	v9 =	vadd.s32 v1, v15  }
0x71: {  	s7 =	smul.u32 $0xA, s25;
	[tilespmem:v10+s10+$0x0] =	vst.idx.msk $0xffff, v7;
	v7 =	vadd.f32 v11, v4  }
0x72: {  	v5 =	vadd.f32 v16, v5;
	[tilespmem:v8+s10+$0x0] =	vst.idx.msk $0xffff, v6  }
0x73: {  	s0 =	sor.u32 $0x1, s7;
	[tilespmem:v12+s10+$0x0] =	vst.idx.msk $0xffff, v7;
	v4 =	vadd.f32 v14, v4  }
0x74: {  	s9 =	sshll.u32 s0, $0x5;
	[tilespmem:v13+s10+$0x0] =	vst.idx.msk $0xffff, v5  }
0x75: {  	s7 =	sand.u32 $0x3FFFFFE0, s9;
	[tilespmem:v9+s10+$0x0] =	vst.idx.msk $0xffff, v4  }
0x76: {  	v5 =	vld [tilespmem:s7+$0x14F00]  }
0x77: {  	s18 =	simm.s32 $0x3;
	v4 =	vld [tilespmem:s7+$0x14F10];
	s7 =	simm.s32 $0x1570  }
0x78: {  	v6 =	vmov s18;
	v8 =	vld [tilespmem:s7+$0xFFFFFFF0]  }
0x79: {  	s21 =	simm.s32 $0x0;
	v6 =	vand.u32 $0x7F, v6;
	v10 =	vld [tilespmem:s7+$0x0]  }
0x7a: {  	v7 =	vmov s21;
	v13 =	vadd.s32 v2, v6;
	v11 =	vld [tilespmem:s7+$0xFFFFFF90]  }
0x7b: {  	s18 =	simm.s32 $0x1;
	v7 =	vand.u32 $0x7C, v7;
	v20 =	vadd.s32 v3, v6;
	v15 =	vld [tilespmem:s7+$0xFFFFFFA0]  }
0x7c: {  	v12 =	vadd.s32 v2, v7;
	v9 =	vmov s18;
	v14 =	vld [tilespmem:s7+$0xFFFFFFB0]  }
0x7d: {  	s21 =	simm.s32 $0x2;
	v6 =	vadd.s32 v3, v7;
	v17 =	vand.u32 $0x7D, v9;
	v7 =	vld [tilespmem:s7+$0xFFFFFFC0];
	v18 =	vadd.f32 v8, v5  }
0x7e: {  	v19 =	vmov s21;
	v9 =	vld [tilespmem:s7+$0xFFFFFFD0];
	v8 =	vadd.s32 v2, v17;
	v63 =	vadd.f32 v10, v4  }
0x7f: {  	s21 =	simm.s32 $0x15F0;
	s18 =	simm.s32 $0x7;
	v16 =	vadd.f32 v11, v5;
	v10 =	vadd.s32 v3, v17;
	v11 =	vld [tilespmem:s7+$0xFFFFFFE0];
	v17 =	vand.u32 $0x7E, v19;
	[tilespmem:v13+s10+$0x0] =	vst.idx.msk $0xffff, v18  }
0x80: {  	s9 =	simm.s32 $0x4;
	v19 =	vmov s18;
	s18 =	simm.s32 $0x8;
	v13 =	vld [tilespmem:s21+$0xFFFFFFF0];
	v18 =	vadd.f32 v15, v4;
	v15 =	vadd.s32 v2, v17;
	[tilespmem:v20+s10+$0x0] =	vst.idx.msk $0xffff, v63  }
.LBB2_5:
0x81: {  	p1 =	slt.u32 s18, $0x7C;
	v20 =	vld [tilespmem:s21+$0x0];
	v19 =	vand.u32 $0x7F, v19;
	[tilespmem:v12+s10+$0x0] =	vst.idx.msk $0xffff, v16;
	v12 =	vadd.f32 v14, v5;
	v16 =	vadd.s32 v3, v17  }
0x82: {  	v14 =	vmov s9;
	v17 =	vld [tilespmem:s21+$0xFFFFFF90];
	v21 =	vadd.s32 v2, v19;
	[tilespmem:v6+s10+$0x0] =	vst.idx.msk $0xffff, v18;
	v6 =	vadd.f32 v7, v4  }
0x83: {  	s7 =	sadd.s32 $0x1, s9;
	v7 =	vand.u32 $0x7C, v14;
	v22 =	vadd.s32 v3, v19;
	v18 =	vld [tilespmem:s21+$0xFFFFFFA0];
	[tilespmem:v8+s10+$0x0] =	vst.idx.msk $0xffff, v12;
	v8 =	vadd.f32 v9, v5  }
.Ltmp1:
0x84: {  	v12 =	vadd.s32 v2, v7;
	v9 =	vmov s7;
	v14 =	vld [tilespmem:s21+$0xFFFFFFB0];
	[tilespmem:v10+s10+$0x0] =	vst.idx.msk $0xffff, v6;
	v10 =	vadd.f32 v11, v4;
	(pc) =	sbr.rel @p1 .LBB2_5-.Ltmp1, $4  }
0x85: {  	s7 =	sadd.s32 $0x2, s9;
	s9 =	smov.u32 s18;
	v6 =	vadd.s32 v3, v7;
	v11 =	vand.u32 $0x7D, v9;
	v7 =	vld [tilespmem:s21+$0xFFFFFFC0];
	v13 =	vadd.f32 v13, v5;
	[tilespmem:v15+s10+$0x0] =	vst.idx.msk $0xffff, v8  }
0x86: {  	v8 =	vadd.s32 v2, v11;
	v15 =	vmov s7;
	v9 =	vld [tilespmem:s21+$0xFFFFFFD0];
	v20 =	vadd.f32 v20, v4;
	[tilespmem:v16+s10+$0x0] =	vst.idx.msk $0xffff, v10  }
0x87: {  	s7 =	sadd.s32 $0x3, s18;
	v10 =	vadd.s32 v3, v11;
	v16 =	vadd.f32 v17, v5;
	v11 =	vld [tilespmem:s21+$0xFFFFFFE0];
	v17 =	vand.u32 $0x7E, v15;
	[tilespmem:v21+s10+$0x0] =	vst.idx.msk $0xffff, v13;
	s21 =	sadd.s32 $0x80, s21  }
0x88: {  	s18 =	sadd.s32 $0x4, s18;
	v19 =	vmov s7;
	v13 =	vld [tilespmem:s21+$0xFFFFFFF0];
	v18 =	vadd.f32 v18, v4;
	v15 =	vadd.s32 v2, v17;
	[tilespmem:v22+s10+$0x0] =	vst.idx.msk $0xffff, v20  }
0x89: {  	_ =	sdelay $0x3  }
0x8a: {  	v20 =	vld [tilespmem:s21+$0x0];
	v19 =	vand.u32 $0x7F, v19;
	[tilespmem:v12+s10+$0x0] =	vst.idx.msk $0xffff, v16;
	v12 =	vadd.f32 v14, v5;
	v14 =	vadd.s32 v3, v17  }
0x8b: {  	v16 =	vmov s9;
	v17 =	vld [tilespmem:s21+$0xFFFFFF90];
	v21 =	vadd.s32 v2, v19;
	[tilespmem:v6+s10+$0x0] =	vst.idx.msk $0xffff, v18;
	v6 =	vadd.f32 v7, v4  }
0x8c: {  	s7 =	sadd.s32 $0x1, s9;
	v7 =	vld [tilespmem:s21+$0xFFFFFFA0];
	v16 =	vand.u32 $0x7C, v16;
	v18 =	vadd.s32 v3, v19;
	[tilespmem:v8+s10+$0x0] =	vst.idx.msk $0xffff, v12;
	v8 =	vadd.f32 v9, v5  }
0x8d: {  	v19 =	vld [tilespmem:s21+$0xFFFFFFB0];
	v9 =	vadd.s32 v2, v16;
	v12 =	vmov s7;
	[tilespmem:v10+s10+$0x0] =	vst.idx.msk $0xffff, v6;
	v6 =	vadd.f32 v11, v4  }
0x8e: {  	s9 =	sadd.s32 $0x2, s9;
	v10 =	vadd.s32 v3, v16;
	v11 =	vld [tilespmem:s21+$0xFFFFFFC0];
	v12 =	vand.u32 $0x7D, v12;
	v13 =	vadd.f32 v13, v5;
	[tilespmem:v15+s10+$0x0] =	vst.idx.msk $0xffff, v8  }
0x8f: {  	v16 =	vld [tilespmem:s21+$0xFFFFFFD0];
	v8 =	vadd.s32 v2, v12;
	v15 =	vmov s9;
	v20 =	vadd.f32 v20, v4;
	[tilespmem:v14+s10+$0x0] =	vst.idx.msk $0xffff, v6  }
0x90: {  	v12 =	vadd.s32 v3, v12;
	v6 =	vadd.f32 v17, v5;
	v14 =	vld [tilespmem:s21+$0xFFFFFFE0];
	v15 =	vand.u32 $0x7E, v15;
	[tilespmem:v21+s10+$0x0] =	vst.idx.msk $0xffff, v13  }
0x91: {  	v7 =	vadd.f32 v7, v4;
	v13 =	vadd.s32 v2, v15;
	[tilespmem:v18+s10+$0x0] =	vst.idx.msk $0xffff, v20  }
0x92: {  	[tilespmem:v9+s10+$0x0] =	vst.idx.msk $0xffff, v6;
	v6 =	vadd.f32 v19, v5;
	v9 =	vadd.s32 v3, v15  }
0x93: {  	s18 =	smul.u32 $0x140000, s25;
	[tilespmem:v10+s10+$0x0] =	vst.idx.msk $0xffff, v7;
	v7 =	vadd.f32 v11, v4  }
0x94: {  	v5 =	vadd.f32 v16, v5;
	[tilespmem:v8+s10+$0x0] =	vst.idx.msk $0xffff, v6  }
0x95: {  	s7 =	sor.u32 s12, s18;
	[tilespmem:v12+s10+$0x0] =	vst.idx.msk $0xffff, v7;
	v4 =	vadd.f32 v14, v4  }
0x96: {  	s7 =	sshrl.u32 s7, $0x3;
	[tilespmem:v13+s10+$0x0] =	vst.idx.msk $0xffff, v5  }
0x97: {  	s9 =	sadd.s32 s3, s7;
	[tilespmem:v9+s10+$0x0] =	vst.idx.msk $0xffff, v4  }
0x98: {  	[hbm4b:s9+s4] =	stream.linear.scatter [tilespmem:s10], [sflag:$0xB], $0x80, $0x38;
	[tilespmem:$0x16800] =	vst v63  }
0x99: {  	s18 =	sadd.s32 $0x10, s9;
	s21 =	simm.s32 $0xA588  }
0x9a: {  	[hbm4b:s18+s4] =	stream.linear.scatter [tilespmem:s21], [sflag:$0xB], $0x80, $0x38;
	[tilespmem:$0x16800] =	vst v63  }
0x9b: {  	s18 =	sadd.s32 $0x20, s9;
	s21 =	simm.s32 $0xA610  }
0x9c: {  	[hbm4b:s18+s4] =	stream.linear.scatter [tilespmem:s21], [sflag:$0xB], $0x80, $0x38;
	[tilespmem:$0x16800] =	vst v63  }
0x9d: {  	s18 =	sadd.s32 $0x30, s9;
	s21 =	simm.s32 $0xA698  }
0x9e: {  	[hbm4b:s18+s4] =	stream.linear.scatter [tilespmem:s21], [sflag:$0xB], $0x80, $0x38;
	[tilespmem:$0x16800] =	vst v63  }
0x9f: {  	s18 =	sadd.s32 $0x40, s9;
	s21 =	simm.s32 $0xA720  }
0xa0: {  	[hbm4b:s18+s4] =	stream.linear.scatter [tilespmem:s21], [sflag:$0xB], $0x80, $0x38;
	[tilespmem:$0x16800] =	vst v63  }
0xa1: {  	s18 =	sadd.s32 $0x50, s9;
	s21 =	simm.s32 $0xA7A8  }
0xa2: {  	[hbm4b:s18+s4] =	stream.linear.scatter [tilespmem:s21], [sflag:$0xB], $0x80, $0x38;
	[tilespmem:$0x16800] =	vst v63  }
0xa3: {  	s18 =	sadd.s32 $0x60, s9;
	s21 =	simm.s32 $0xA830  }
0xa4: {  	[hbm4b:s18+s4] =	stream.linear.scatter [tilespmem:s21], [sflag:$0xB], $0x80, $0x38;
	[tilespmem:$0x16800] =	vst v63  }
0xa5: {  	s9 =	sadd.s32 $0x70, s9;
	s21 =	simm.s32 $0xA8B8  }
0xa6: {  	[hbm4b:s9+s4] =	stream.linear.scatter [tilespmem:s21], [sflag:$0xB], $0x80, $0x38;
	[tilespmem:$0x16800] =	vst v63  }
0xa7: {  	s9 =	sadd.s32 s7, s13;
	s21 =	simm.s32 $0xA940  }
0xa8: {  	[hbm4b:s9+s4] =	stream.linear.scatter [tilespmem:s21], [sflag:$0xB], $0x80, $0x38;
	[tilespmem:$0x16800] =	vst v63  }
0xa9: {  	s18 =	sadd.s32 $0x10, s9;
	s21 =	simm.s32 $0xA9C8  }
0xaa: {  	[hbm4b:s18+s4] =	stream.linear.scatter [tilespmem:s21], [sflag:$0xB], $0x80, $0x38;
	[tilespmem:$0x16800] =	vst v63  }
0xab: {  	s18 =	sadd.s32 $0x20, s9;
	s21 =	simm.s32 $0xAA50  }
0xac: {  	[hbm4b:s18+s4] =	stream.linear.scatter [tilespmem:s21], [sflag:$0xB], $0x80, $0x38;
	[tilespmem:$0x16800] =	vst v63  }
0xad: {  	s18 =	sadd.s32 $0x30, s9;
	s21 =	simm.s32 $0xAAD8  }
0xae: {  	[hbm4b:s18+s4] =	stream.linear.scatter [tilespmem:s21], [sflag:$0xB], $0x80, $0x38;
	[tilespmem:$0x16800] =	vst v63  }
0xaf: {  	s18 =	sadd.s32 $0x40, s9;
	s21 =	simm.s32 $0xAB60  }
0xb0: {  	[hbm4b:s18+s4] =	stream.linear.scatter [tilespmem:s21], [sflag:$0xB], $0x80, $0x38;
	[tilespmem:$0x16800] =	vst v63  }
0xb1: {  	s18 =	sadd.s32 $0x50, s9;
	s21 =	simm.s32 $0xABE8  }
0xb2: {  	[hbm4b:s18+s4] =	stream.linear.scatter [tilespmem:s21], [sflag:$0xB], $0x80, $0x38;
	[tilespmem:$0x16800] =	vst v63  }
0xb3: {  	s18 =	sadd.s32 $0x60, s9;
	s21 =	simm.s32 $0xAC70  }
0xb4: {  	[hbm4b:s18+s4] =	stream.linear.scatter [tilespmem:s21], [sflag:$0xB], $0x80, $0x38;
	[tilespmem:$0x16800] =	vst v63  }
0xb5: {  	s9 =	sadd.s32 $0x70, s9;
	s21 =	simm.s32 $0xACF8  }
0xb6: {  	[hbm4b:s9+s4] =	stream.linear.scatter [tilespmem:s21], [sflag:$0xB], $0x80, $0x38;
	[tilespmem:$0x16800] =	vst v63  }
0xb7: {  	s9 =	sadd.s32 s7, s14;
	s21 =	simm.s32 $0xAD80  }
0xb8: {  	[hbm4b:s9+s4] =	stream.linear.scatter [tilespmem:s21], [sflag:$0xB], $0x80, $0x38;
	[tilespmem:$0x16800] =	vst v63  }
0xb9: {  	s18 =	sadd.s32 $0x10, s9;
	s21 =	simm.s32 $0xAE08  }
0xba: {  	[hbm4b:s18+s4] =	stream.linear.scatter [tilespmem:s21], [sflag:$0xB], $0x80, $0x38;
	[tilespmem:$0x16800] =	vst v63  }
0xbb: {  	s18 =	sadd.s32 $0x20, s9;
	s21 =	simm.s32 $0xAE90  }
0xbc: {  	[hbm4b:s18+s4] =	stream.linear.scatter [tilespmem:s21], [sflag:$0xB], $0x80, $0x38;
	[tilespmem:$0x16800] =	vst v63  }
0xbd: {  	s18 =	sadd.s32 $0x30, s9;
	s21 =	simm.s32 $0xAF18  }
0xbe: {  	[hbm4b:s18+s4] =	stream.linear.scatter [tilespmem:s21], [sflag:$0xB], $0x80, $0x38;
	[tilespmem:$0x16800] =	vst v63  }
0xbf: {  	s18 =	sadd.s32 $0x40, s9;
	s21 =	simm.s32 $0xAFA0  }
0xc0: {  	[hbm4b:s18+s4] =	stream.linear.scatter [tilespmem:s21], [sflag:$0xB], $0x80, $0x38;
	[tilespmem:$0x16800] =	vst v63  }
0xc1: {  	s18 =	sadd.s32 $0x50, s9;
	s21 =	simm.s32 $0xB028  }
0xc2: {  	[hbm4b:s18+s4] =	stream.linear.scatter [tilespmem:s21], [sflag:$0xB], $0x80, $0x38;
	[tilespmem:$0x16800] =	vst v63  }
0xc3: {  	s18 =	sadd.s32 $0x60, s9;
	s21 =	simm.s32 $0xB0B0  }
0xc4: {  	[hbm4b:s18+s4] =	stream.linear.scatter [tilespmem:s21], [sflag:$0xB], $0x80, $0x38;
	[tilespmem:$0x16800] =	vst v63  }
0xc5: {  	s9 =	sadd.s32 $0x70, s9;
	s21 =	simm.s32 $0xB138  }
0xc6: {  	[hbm4b:s9+s4] =	stream.linear.scatter [tilespmem:s21], [sflag:$0xB], $0x80, $0x38;
	[tilespmem:$0x16800] =	vst v63  }
0xc7: {  	s7 =	sadd.s32 s7, s15;
	s21 =	simm.s32 $0xB1C0  }
0xc8: {  	[hbm4b:s7+s4] =	stream.linear.scatter [tilespmem:s21], [sflag:$0xB], $0x80, $0x38;
	[tilespmem:$0x16800] =	vst v63  }
0xc9: {  	s18 =	sadd.s32 $0x10, s7;
	s21 =	simm.s32 $0xB248  }
0xca: {  	[hbm4b:s18+s4] =	stream.linear.scatter [tilespmem:s21], [sflag:$0xB], $0x80, $0x38;
	[tilespmem:$0x16800] =	vst v63  }
0xcb: {  	s18 =	sadd.s32 $0x20, s7;
	s21 =	simm.s32 $0xB2D0  }
0xcc: {  	[hbm4b:s18+s4] =	stream.linear.scatter [tilespmem:s21], [sflag:$0xB], $0x80, $0x38;
	[tilespmem:$0x16800] =	vst v63  }
0xcd: {  	s18 =	sadd.s32 $0x30, s7;
	s21 =	simm.s32 $0xB358  }
0xce: {  	[hbm4b:s18+s4] =	stream.linear.scatter [tilespmem:s21], [sflag:$0xB], $0x80, $0x38;
	[tilespmem:$0x16800] =	vst v63  }
0xcf: {  	s18 =	sadd.s32 $0x40, s7;
	s21 =	simm.s32 $0xB3E0  }
0xd0: {  	[hbm4b:s18+s4] =	stream.linear.scatter [tilespmem:s21], [sflag:$0xB], $0x80, $0x38;
	[tilespmem:$0x16800] =	vst v63  }
0xd1: {  	s0 =	sshll.u32 s0, $0x11;
	s18 =	sadd.s32 $0x50, s7;
	s21 =	simm.s32 $0xB468  }
0xd2: {  	[hbm4b:s18+s4] =	stream.linear.scatter [tilespmem:s21], [sflag:$0xB], $0x80, $0x38;
	[tilespmem:$0x16800] =	vst v63  }
0xd3: {  	s0 =	sor.u32 s12, s0;
	s18 =	sadd.s32 $0x60, s7;
	s21 =	simm.s32 $0xB4F0  }
0xd4: {  	[hbm4b:s18+s4] =	stream.linear.scatter [tilespmem:s21], [sflag:$0xB], $0x80, $0x38;
	[tilespmem:$0x16800] =	vst v63  }
0xd5: {  	s0 =	sshrl.u32 s0, $0x3;
	s7 =	sadd.s32 $0x70, s7;
	s18 =	simm.s32 $0xB578  }
0xd6: {  	[hbm4b:s7+s4] =	stream.linear.scatter [tilespmem:s18], [sflag:$0xB], $0x80, $0x38;
	[tilespmem:$0x16800] =	vst v63  }
0xd7: {  	s21 =	simm.s32 $0xB600;
	s7 =	sadd.s32 s3, s0  }
0xd8: {  	[hbm4b:s7+s4] =	stream.linear.scatter [tilespmem:s21], [sflag:$0xB], $0x80, $0x38;
	[tilespmem:$0x16800] =	vst v63  }
0xd9: {  	s18 =	sadd.s32 $0x10, s7;
	s21 =	simm.s32 $0xB688  }
0xda: {  	[hbm4b:s18+s4] =	stream.linear.scatter [tilespmem:s21], [sflag:$0xB], $0x80, $0x38;
	[tilespmem:$0x16800] =	vst v63  }
0xdb: {  	s18 =	sadd.s32 $0x20, s7;
	s21 =	simm.s32 $0xB710  }
0xdc: {  	[hbm4b:s18+s4] =	stream.linear.scatter [tilespmem:s21], [sflag:$0xB], $0x80, $0x38;
	[tilespmem:$0x16800] =	vst v63  }
0xdd: {  	s18 =	sadd.s32 $0x30, s7;
	s21 =	simm.s32 $0xB798  }
0xde: {  	[hbm4b:s18+s4] =	stream.linear.scatter [tilespmem:s21], [sflag:$0xB], $0x80, $0x38;
	[tilespmem:$0x16800] =	vst v63  }
0xdf: {  	s18 =	sadd.s32 $0x40, s7;
	s21 =	simm.s32 $0xB820  }
0xe0: {  	[hbm4b:s18+s4] =	stream.linear.scatter [tilespmem:s21], [sflag:$0xB], $0x80, $0x38;
	[tilespmem:$0x16800] =	vst v63  }
0xe1: {  	s18 =	sadd.s32 $0x50, s7;
	s21 =	simm.s32 $0xB8A8  }
0xe2: {  	[hbm4b:s18+s4] =	stream.linear.scatter [tilespmem:s21], [sflag:$0xB], $0x80, $0x38;
	[tilespmem:$0x16800] =	vst v63  }
0xe3: {  	s18 =	sadd.s32 $0x60, s7;
	s21 =	simm.s32 $0xB930  }
0xe4: {  	[hbm4b:s18+s4] =	stream.linear.scatter [tilespmem:s21], [sflag:$0xB], $0x80, $0x38;
	[tilespmem:$0x16800] =	vst v63  }
0xe5: {  	s7 =	sadd.s32 $0x70, s7;
	s18 =	simm.s32 $0xB9B8  }
0xe6: {  	[hbm4b:s7+s4] =	stream.linear.scatter [tilespmem:s18], [sflag:$0xB], $0x80, $0x38;
	[tilespmem:$0x16800] =	vst v63  }
0xe7: {  	s21 =	simm.s32 $0xBA40;
	s7 =	sadd.s32 s0, s13  }
0xe8: {  	[hbm4b:s7+s4] =	stream.linear.scatter [tilespmem:s21], [sflag:$0xB], $0x80, $0x38;
	[tilespmem:$0x16800] =	vst v63  }
0xe9: {  	s18 =	sadd.s32 $0x10, s7;
	s21 =	simm.s32 $0xBAC8  }
0xea: {  	[hbm4b:s18+s4] =	stream.linear.scatter [tilespmem:s21], [sflag:$0xB], $0x80, $0x38;
	[tilespmem:$0x16800] =	vst v63  }
0xeb: {  	s18 =	sadd.s32 $0x20, s7;
	s21 =	simm.s32 $0xBB50  }
0xec: {  	[hbm4b:s18+s4] =	stream.linear.scatter [tilespmem:s21], [sflag:$0xB], $0x80, $0x38;
	[tilespmem:$0x16800] =	vst v63  }
0xed: {  	s18 =	sadd.s32 $0x30, s7;
	s21 =	simm.s32 $0xBBD8  }
0xee: {  	[hbm4b:s18+s4] =	stream.linear.scatter [tilespmem:s21], [sflag:$0xB], $0x80, $0x38;
	[tilespmem:$0x16800] =	vst v63  }
0xef: {  	s18 =	sadd.s32 $0x40, s7;
	s21 =	simm.s32 $0xBC60  }
0xf0: {  	[hbm4b:s18+s4] =	stream.linear.scatter [tilespmem:s21], [sflag:$0xB], $0x80, $0x38;
	[tilespmem:$0x16800] =	vst v63  }
0xf1: {  	s18 =	sadd.s32 $0x50, s7;
	s21 =	simm.s32 $0xBCE8  }
0xf2: {  	[hbm4b:s18+s4] =	stream.linear.scatter [tilespmem:s21], [sflag:$0xB], $0x80, $0x38;
	[tilespmem:$0x16800] =	vst v63  }
0xf3: {  	s18 =	sadd.s32 $0x60, s7;
	s21 =	simm.s32 $0xBD70  }
0xf4: {  	[hbm4b:s18+s4] =	stream.linear.scatter [tilespmem:s21], [sflag:$0xB], $0x80, $0x38;
	[tilespmem:$0x16800] =	vst v63  }
0xf5: {  	s7 =	sadd.s32 $0x70, s7;
	s18 =	simm.s32 $0xBDF8  }
0xf6: {  	[hbm4b:s7+s4] =	stream.linear.scatter [tilespmem:s18], [sflag:$0xB], $0x80, $0x38;
	[tilespmem:$0x16800] =	vst v63  }
0xf7: {  	s21 =	simm.s32 $0xBE80;
	s7 =	sadd.s32 s0, s14  }
0xf8: {  	[hbm4b:s7+s4] =	stream.linear.scatter [tilespmem:s21], [sflag:$0xB], $0x80, $0x38;
	[tilespmem:$0x16800] =	vst v63  }
0xf9: {  	s18 =	sadd.s32 $0x10, s7;
	s21 =	simm.s32 $0xBF08  }
0xfa: {  	[hbm4b:s18+s4] =	stream.linear.scatter [tilespmem:s21], [sflag:$0xB], $0x80, $0x38;
	[tilespmem:$0x16800] =	vst v63  }
0xfb: {  	s18 =	sadd.s32 $0x20, s7;
	s21 =	simm.s32 $0xBF90  }
0xfc: {  	[hbm4b:s18+s4] =	stream.linear.scatter [tilespmem:s21], [sflag:$0xB], $0x80, $0x38;
	[tilespmem:$0x16800] =	vst v63  }
0xfd: {  	s18 =	sadd.s32 $0x30, s7;
	s21 =	simm.s32 $0xC018  }
0xfe: {  	[hbm4b:s18+s4] =	stream.linear.scatter [tilespmem:s21], [sflag:$0xB], $0x80, $0x38;
	[tilespmem:$0x16800] =	vst v63  }
0xff: {  	s18 =	sadd.s32 $0x40, s7;
	s21 =	simm.s32 $0xC0A0  }
0x100: {  	[hbm4b:s18+s4] =	stream.linear.scatter [tilespmem:s21], [sflag:$0xB], $0x80, $0x38;
	[tilespmem:$0x16800] =	vst v63  }
0x101: {  	s18 =	sadd.s32 $0x50, s7;
	s21 =	simm.s32 $0xC128  }
0x102: {  	[hbm4b:s18+s4] =	stream.linear.scatter [tilespmem:s21], [sflag:$0xB], $0x80, $0x38;
	[tilespmem:$0x16800] =	vst v63  }
0x103: {  	s18 =	sadd.s32 $0x60, s7;
	s21 =	simm.s32 $0xC1B0  }
0x104: {  	[hbm4b:s18+s4] =	stream.linear.scatter [tilespmem:s21], [sflag:$0xB], $0x80, $0x38;
	[tilespmem:$0x16800] =	vst v63  }
0x105: {  	s7 =	sadd.s32 $0x70, s7;
	s21 =	simm.s32 $0xC238  }
0x106: {  	[hbm4b:s7+s4] =	stream.linear.scatter [tilespmem:s21], [sflag:$0xB], $0x80, $0x38;
	[tilespmem:$0x16800] =	vst v63  }
0x107: {  	s9 =	simm.s32 $0xC2C0;
	s0 =	sadd.s32 s0, s15  }
0x108: {  	[hbm4b:s0+s4] =	stream.linear.scatter [tilespmem:s9], [sflag:$0xB], $0x80, $0x38;
	[tilespmem:$0x16800] =	vst v63  }
0x109: {  	s18 =	sadd.s32 $0x10, s0;
	s21 =	simm.s32 $0xC348  }
0x10a: {  	[hbm4b:s18+s4] =	stream.linear.scatter [tilespmem:s21], [sflag:$0xB], $0x80, $0x38;
	[tilespmem:$0x16800] =	vst v63  }
0x10b: {  	s18 =	sadd.s32 $0x20, s0;
	s21 =	simm.s32 $0xC3D0  }
0x10c: {  	[hbm4b:s18+s4] =	stream.linear.scatter [tilespmem:s21], [sflag:$0xB], $0x80, $0x38;
	[tilespmem:$0x16800] =	vst v63  }
0x10d: {  	s18 =	sadd.s32 $0x30, s0;
	s21 =	simm.s32 $0xC458  }
0x10e: {  	[hbm4b:s18+s4] =	stream.linear.scatter [tilespmem:s21], [sflag:$0xB], $0x80, $0x38;
	[tilespmem:$0x16800] =	vst v63  }
0x10f: {  	s18 =	sadd.s32 $0x40, s0;
	s21 =	simm.s32 $0xC4E0  }
0x110: {  	[hbm4b:s18+s4] =	stream.linear.scatter [tilespmem:s21], [sflag:$0xB], $0x80, $0x38;
	[tilespmem:$0x16800] =	vst v63  }
0x111: {  	s18 =	sadd.s32 $0x50, s0;
	s21 =	simm.s32 $0xC568  }
0x112: {  	[hbm4b:s18+s4] =	stream.linear.scatter [tilespmem:s21], [sflag:$0xB], $0x80, $0x38;
	[tilespmem:$0x16800] =	vst v63  }
0x113: {  	s9 =	sadd.s32 $0x60, s0;
	s18 =	simm.s32 $0xC5F0  }
0x114: {  	[hbm4b:s9+s4] =	stream.linear.scatter [tilespmem:s18], [sflag:$0xB], $0x80, $0x38;
	[tilespmem:$0x16800] =	vst v63  }
0x115: {  	s0 =	sadd.s32 $0x70, s0;
	s21 =	simm.s32 $0xC678  }
0x116: {  	[hbm4b:s0+s4] =	stream.linear.scatter [tilespmem:s21], [sflag:$0xB], $0x80, $0x38;
	[tilespmem:$0x16800] =	vst v63  }
0x117: {  	p1 =	seq.s32 s25, $0x13;
	s0 =	rddreg [dreg:$0xa]  }
0x118: {  	s0 =	sadd.s32 @!p1 s31, s0  }
0x119: {  	s0 =	sshrl.u32 @!p1 s0, $0x3  }
0x11a: {  	s7 =	simm.s32 @!p1 $0x0;
	s9 =	simm.s32 $0x5;
	s0 =	sadd.s32 @!p1 s1, s0  }
0x11b: {  	[tilespmem:s7], [sflag:$0x1] =	stream.linear.gather @!p1 [hbm4b:s0+s7], $0x100, $0x38;
	[tilespmem:$0x16800] =	vst v63  }
0x11c: {  	_ =	swait.ge [sflag:s9], $0x100  }
0x11d: {  	[sflag:s9] =	ssyncset.done $0x0  }
0x11e: {  	s18 =	simm.s32 $0x8500;
	[sflag:s9] =	ssyncadd.s32 $0xFFFFFF00  }
0x11f: {  	[tilespmem:s18], [sflag:$0xA] =	stream.indirect.gather [hbm4b:s6+s23], $0x20, s19, s23, $0xb8;
	[tilespmem:$0x16800] =	vst v63  }
0x120: {  	s19 =	simm.s32 $0x7  }
0x121: {  	_ =	swait.ge [sflag:s19], $0x2000  }
0x122: {  	[sflag:s19] =	ssyncset.done $0x0  }
0x123: {  	s7 =	simm.s32 @!p0 $0xC;
	[sflag:s19] =	ssyncadd.s32 $0xFFFFE000  }
0x124: {  	_ =	swait.ge @!p0 [sflag:s7], $0x400  }
0x125: {  	[sflag:s7] =	ssyncset.done @!p0 $0x0  }
0x126: {  	[sflag:s7] =	ssyncadd.s32 @!p0 $0xFFFFFC00  }
0x127: {  	_ =	swait.ge @!p0 [sflag:s7], $0x400  }
0x128: {  	[sflag:s7] =	ssyncset.done @!p0 $0x0  }
0x129: {  	[sflag:s7] =	ssyncadd.s32 @!p0 $0xFFFFFC00  }
0x12a: {  	_ =	swait.ge @!p0 [sflag:s7], $0x400  }
0x12b: {  	[sflag:s7] =	ssyncset.done @!p0 $0x0  }
0x12c: {  	[sflag:s7] =	ssyncadd.s32 @!p0 $0xFFFFFC00  }
0x12d: {  	_ =	swait.ge @!p0 [sflag:s7], $0x400  }
0x12e: {  	[sflag:s7] =	ssyncset.done @!p0 $0x0  }
0x12f: {  	[sflag:s7] =	ssyncadd.s32 @!p0 $0xFFFFFC00  }
0x130: {  	_ =	swait.ge @!p0 [sflag:s7], $0x400  }
0x131: {  	[sflag:s7] =	ssyncset.done @!p0 $0x0  }
0x132: {  	[sflag:s7] =	ssyncadd.s32 @!p0 $0xFFFFFC00  }
0x133: {  	_ =	swait.ge @!p0 [sflag:s7], $0x400  }
0x134: {  	[sflag:s7] =	ssyncset.done @!p0 $0x0  }
0x135: {  	[sflag:s7] =	ssyncadd.s32 @!p0 $0xFFFFFC00  }
0x136: {  	_ =	swait.ge @!p0 [sflag:s7], $0x400  }
0x137: {  	[sflag:s7] =	ssyncset.done @!p0 $0x0  }
0x138: {  	[sflag:s7] =	ssyncadd.s32 @!p0 $0xFFFFFC00  }
0x139: {  	s0 =	sadd.s32 $0x1, s16;
	_ =	swait.ge @!p0 [sflag:s7], $0x400  }
0x13a: {  	s21 =	sshll.u32 s0, $0x6;
	[sflag:s7] =	ssyncset.done @!p0 $0x0  }
0x13b: {  	s9 =	sand.u32 $0x3FFFFFC0, s21;
	[sflag:s7] =	ssyncadd.s32 @!p0 $0xFFFFFC00  }
0x13c: {  	v5 =	vld [tilespmem:s9+$0x14F00]  }
0x13d: {  	s18 =	simm.s32 $0x3;
	s7 =	simm.s32 $0x2540;
	v4 =	vld [tilespmem:s9+$0x14F10]  }
0x13e: {  	v6 =	vmov s18;
	v8 =	vld [tilespmem:s7+$0x20]  }
0x13f: {  	v6 =	vand.u32 $0x7F, v6;
	s19 =	simm.s32 $0x0;
	v10 =	vld [tilespmem:s7+$0x30]  }
0x140: {  	v13 =	vadd.s32 v0, v6;
	v7 =	vmov s19;
	v11 =	vld [tilespmem:s7+$0xFFFFFFC0]  }
0x141: {  	s21 =	simm.s32 $0x1;
	v20 =	vadd.s32 v1, v6;
	v7 =	vand.u32 $0x7C, v7;
	v15 =	vld [tilespmem:s7+$0xFFFFFFD0]  }
0x142: {  	v9 =	vmov s21;
	v12 =	vadd.s32 v0, v7;
	v14 =	vld [tilespmem:s7+$0xFFFFFFE0]  }
0x143: {  	v17 =	vand.u32 $0x7D, v9;
	s18 =	simm.s32 $0x2;
	v6 =	vadd.s32 v1, v7;
	v7 =	vld [tilespmem:s7+$0xFFFFFFF0];
	v18 =	vadd.f32 v8, v5  }
0x144: {  	v19 =	vmov s18;
	v9 =	vld [tilespmem:s7+$0x0];
	v8 =	vadd.s32 v0, v17;
	v63 =	vadd.f32 v10, v4  }
0x145: {  	s21 =	simm.s32 $0x25C0;
	s19 =	simm.s32 $0x7;
	v16 =	vadd.f32 v11, v5;
	v10 =	vadd.s32 v1, v17;
	v11 =	vld [tilespmem:s7+$0x10];
	v17 =	vand.u32 $0x7E, v19;
	[tilespmem:v13+s11+$0x0] =	vst.idx.msk $0xffff, v18  }
0x146: {  	s18 =	simm.s32 $0x8;
	s9 =	simm.s32 $0x4;
	v19 =	vmov s19;
	v13 =	vld [tilespmem:s21+$0x20];
	v18 =	vadd.f32 v15, v4;
	v15 =	vadd.s32 v0, v17;
	[tilespmem:v20+s11+$0x0] =	vst.idx.msk $0xffff, v63  }
.LBB2_7:
0x147: {  	p1 =	slt.u32 s18, $0x7C;
	v20 =	vld [tilespmem:s21+$0x30];
	v19 =	vand.u32 $0x7F, v19;
	[tilespmem:v12+s11+$0x0] =	vst.idx.msk $0xffff, v16;
	v12 =	vadd.f32 v14, v5;
	v16 =	vadd.s32 v1, v17  }
0x148: {  	v14 =	vmov s9;
	v17 =	vld [tilespmem:s21+$0xFFFFFFC0];
	v21 =	vadd.s32 v0, v19;
	[tilespmem:v6+s11+$0x0] =	vst.idx.msk $0xffff, v18;
	v6 =	vadd.f32 v7, v4  }
0x149: {  	s7 =	sadd.s32 $0x1, s9;
	v7 =	vand.u32 $0x7C, v14;
	v22 =	vadd.s32 v1, v19;
	v18 =	vld [tilespmem:s21+$0xFFFFFFD0];
	[tilespmem:v8+s11+$0x0] =	vst.idx.msk $0xffff, v12;
	v8 =	vadd.f32 v9, v5  }
.Ltmp2:
0x14a: {  	v12 =	vadd.s32 v0, v7;
	v9 =	vmov s7;
	v14 =	vld [tilespmem:s21+$0xFFFFFFE0];
	[tilespmem:v10+s11+$0x0] =	vst.idx.msk $0xffff, v6;
	v10 =	vadd.f32 v11, v4;
	(pc) =	sbr.rel @p1 .LBB2_7-.Ltmp2, $4  }
0x14b: {  	s7 =	sadd.s32 $0x2, s9;
	s9 =	smov.u32 s18;
	v6 =	vadd.s32 v1, v7;
	v11 =	vand.u32 $0x7D, v9;
	v7 =	vld [tilespmem:s21+$0xFFFFFFF0];
	v13 =	vadd.f32 v13, v5;
	[tilespmem:v15+s11+$0x0] =	vst.idx.msk $0xffff, v8  }
0x14c: {  	v8 =	vadd.s32 v0, v11;
	v15 =	vmov s7;
	v9 =	vld [tilespmem:s21+$0x0];
	v20 =	vadd.f32 v20, v4;
	[tilespmem:v16+s11+$0x0] =	vst.idx.msk $0xffff, v10  }
0x14d: {  	s7 =	sadd.s32 $0x3, s18;
	v10 =	vadd.s32 v1, v11;
	v16 =	vadd.f32 v17, v5;
	v11 =	vld [tilespmem:s21+$0x10];
	v17 =	vand.u32 $0x7E, v15;
	[tilespmem:v21+s11+$0x0] =	vst.idx.msk $0xffff, v13;
	s21 =	sadd.s32 $0x80, s21  }
0x14e: {  	s18 =	sadd.s32 $0x4, s18;
	v19 =	vmov s7;
	v13 =	vld [tilespmem:s21+$0x20];
	v18 =	vadd.f32 v18, v4;
	v15 =	vadd.s32 v0, v17;
	[tilespmem:v22+s11+$0x0] =	vst.idx.msk $0xffff, v20  }
0x14f: {  	_ =	sdelay $0x3  }
0x150: {  	v20 =	vld [tilespmem:s21+$0x30];
	v19 =	vand.u32 $0x7F, v19;
	[tilespmem:v12+s11+$0x0] =	vst.idx.msk $0xffff, v16;
	v12 =	vadd.f32 v14, v5;
	v14 =	vadd.s32 v1, v17  }
0x151: {  	v16 =	vmov s9;
	v17 =	vld [tilespmem:s21+$0xFFFFFFC0];
	v21 =	vadd.s32 v0, v19;
	[tilespmem:v6+s11+$0x0] =	vst.idx.msk $0xffff, v18;
	v6 =	vadd.f32 v7, v4  }
0x152: {  	s7 =	sadd.s32 $0x1, s9;
	v7 =	vld [tilespmem:s21+$0xFFFFFFD0];
	v16 =	vand.u32 $0x7C, v16;
	v18 =	vadd.s32 v1, v19;
	[tilespmem:v8+s11+$0x0] =	vst.idx.msk $0xffff, v12;
	v8 =	vadd.f32 v9, v5  }
0x153: {  	v19 =	vld [tilespmem:s21+$0xFFFFFFE0];
	v9 =	vadd.s32 v0, v16;
	v12 =	vmov s7;
	[tilespmem:v10+s11+$0x0] =	vst.idx.msk $0xffff, v6;
	v6 =	vadd.f32 v11, v4  }
0x154: {  	s19 =	sadd.s32 $0x2, s9;
	v10 =	vadd.s32 v1, v16;
	v11 =	vld [tilespmem:s21+$0xFFFFFFF0];
	v12 =	vand.u32 $0x7D, v12;
	v13 =	vadd.f32 v13, v5;
	[tilespmem:v15+s11+$0x0] =	vst.idx.msk $0xffff, v8  }
0x155: {  	v16 =	vld [tilespmem:s21+$0x0];
	v8 =	vadd.s32 v0, v12;
	v15 =	vmov s19;
	v20 =	vadd.f32 v20, v4;
	[tilespmem:v14+s11+$0x0] =	vst.idx.msk $0xffff, v6  }
0x156: {  	v12 =	vadd.s32 v1, v12;
	v6 =	vadd.f32 v17, v5;
	v14 =	vld [tilespmem:s21+$0x10];
	v15 =	vand.u32 $0x7E, v15;
	[tilespmem:v21+s11+$0x0] =	vst.idx.msk $0xffff, v13  }
0x157: {  	v7 =	vadd.f32 v7, v4;
	v13 =	vadd.s32 v0, v15;
	[tilespmem:v18+s11+$0x0] =	vst.idx.msk $0xffff, v20  }
0x158: {  	[tilespmem:v9+s11+$0x0] =	vst.idx.msk $0xffff, v6;
	v6 =	vadd.f32 v19, v5;
	v9 =	vadd.s32 v1, v15  }
0x159: {  	[tilespmem:v10+s11+$0x0] =	vst.idx.msk $0xffff, v7;
	v7 =	vadd.f32 v11, v4  }
0x15a: {  	v5 =	vadd.f32 v16, v5;
	[tilespmem:v8+s11+$0x0] =	vst.idx.msk $0xffff, v6  }
0x15b: {  	s21 =	sshllo.u32 s0, $0x1;
	[tilespmem:v12+s11+$0x0] =	vst.idx.msk $0xffff, v7;
	v4 =	vadd.f32 v14, v4  }
0x15c: {  	s9 =	sshll.u32 s21, $0x5;
	[tilespmem:v13+s11+$0x0] =	vst.idx.msk $0xffff, v5  }
0x15d: {  	s7 =	sand.u32 $0x3FFFFFE0, s9;
	[tilespmem:v9+s11+$0x0] =	vst.idx.msk $0xffff, v4  }
0x15e: {  	v5 =	vld [tilespmem:s7+$0x14F00]  }
0x15f: {  	s18 =	simm.s32 $0x3;
	v4 =	vld [tilespmem:s7+$0x14F10];
	s7 =	simm.s32 $0x3570  }
0x160: {  	v6 =	vmov s18;
	v8 =	vld [tilespmem:s7+$0xFFFFFFF0]  }
0x161: {  	s19 =	simm.s32 $0x0;
	v6 =	vand.u32 $0x7F, v6;
	v10 =	vld [tilespmem:s7+$0x0]  }
0x162: {  	v7 =	vmov s19;
	v13 =	vadd.s32 v2, v6;
	v11 =	vld [tilespmem:s7+$0xFFFFFF90]  }
0x163: {  	s18 =	simm.s32 $0x1;
	v7 =	vand.u32 $0x7C, v7;
	v20 =	vadd.s32 v3, v6;
	v15 =	vld [tilespmem:s7+$0xFFFFFFA0]  }
0x164: {  	v12 =	vadd.s32 v2, v7;
	v9 =	vmov s18;
	v14 =	vld [tilespmem:s7+$0xFFFFFFB0]  }
0x165: {  	s19 =	simm.s32 $0x2;
	v6 =	vadd.s32 v3, v7;
	v17 =	vand.u32 $0x7D, v9;
	v7 =	vld [tilespmem:s7+$0xFFFFFFC0];
	v18 =	vadd.f32 v8, v5  }
0x166: {  	v19 =	vmov s19;
	v9 =	vld [tilespmem:s7+$0xFFFFFFD0];
	v8 =	vadd.s32 v2, v17;
	v63 =	vadd.f32 v10, v4  }
0x167: {  	s9 =	simm.s32 $0x35F0;
	s19 =	simm.s32 $0x7;
	v16 =	vadd.f32 v11, v5;
	v10 =	vadd.s32 v3, v17;
	v11 =	vld [tilespmem:s7+$0xFFFFFFE0];
	v17 =	vand.u32 $0x7E, v19;
	[tilespmem:v13+s11+$0x0] =	vst.idx.msk $0xffff, v18  }
0x168: {  	s18 =	simm.s32 $0x4;
	v19 =	vmov s19;
	s7 =	simm.s32 $0x8;
	v13 =	vld [tilespmem:s9+$0xFFFFFFF0];
	v18 =	vadd.f32 v15, v4;
	v15 =	vadd.s32 v2, v17;
	[tilespmem:v20+s11+$0x0] =	vst.idx.msk $0xffff, v63  }
.LBB2_9:
0x169: {  	p1 =	slt.u32 s7, $0x7C;
	v20 =	vld [tilespmem:s9+$0x0];
	v19 =	vand.u32 $0x7F, v19;
	[tilespmem:v12+s11+$0x0] =	vst.idx.msk $0xffff, v16;
	v12 =	vadd.f32 v14, v5;
	v16 =	vadd.s32 v3, v17  }
0x16a: {  	v14 =	vmov s18;
	v17 =	vld [tilespmem:s9+$0xFFFFFF90];
	v21 =	vadd.s32 v2, v19;
	[tilespmem:v6+s11+$0x0] =	vst.idx.msk $0xffff, v18;
	v6 =	vadd.f32 v7, v4  }
0x16b: {  	s19 =	sadd.s32 $0x1, s18;
	v7 =	vand.u32 $0x7C, v14;
	v22 =	vadd.s32 v3, v19;
	v18 =	vld [tilespmem:s9+$0xFFFFFFA0];
	[tilespmem:v8+s11+$0x0] =	vst.idx.msk $0xffff, v12;
	v8 =	vadd.f32 v9, v5  }
.Ltmp3:
0x16c: {  	v12 =	vadd.s32 v2, v7;
	v9 =	vmov s19;
	v14 =	vld [tilespmem:s9+$0xFFFFFFB0];
	[tilespmem:v10+s11+$0x0] =	vst.idx.msk $0xffff, v6;
	v10 =	vadd.f32 v11, v4;
	(pc) =	sbr.rel @p1 .LBB2_9-.Ltmp3, $4  }
0x16d: {  	s19 =	sadd.s32 $0x2, s18;
	s18 =	smov.u32 s7;
	v6 =	vadd.s32 v3, v7;
	v11 =	vand.u32 $0x7D, v9;
	v7 =	vld [tilespmem:s9+$0xFFFFFFC0];
	v13 =	vadd.f32 v13, v5;
	[tilespmem:v15+s11+$0x0] =	vst.idx.msk $0xffff, v8  }
0x16e: {  	v8 =	vadd.s32 v2, v11;
	v15 =	vmov s19;
	v9 =	vld [tilespmem:s9+$0xFFFFFFD0];
	v20 =	vadd.f32 v20, v4;
	[tilespmem:v16+s11+$0x0] =	vst.idx.msk $0xffff, v10  }
0x16f: {  	s19 =	sadd.s32 $0x3, s7;
	v10 =	vadd.s32 v3, v11;
	v16 =	vadd.f32 v17, v5;
	v11 =	vld [tilespmem:s9+$0xFFFFFFE0];
	v17 =	vand.u32 $0x7E, v15;
	[tilespmem:v21+s11+$0x0] =	vst.idx.msk $0xffff, v13;
	s9 =	sadd.s32 $0x80, s9  }
0x170: {  	s7 =	sadd.s32 $0x4, s7;
	v19 =	vmov s19;
	v13 =	vld [tilespmem:s9+$0xFFFFFFF0];
	v18 =	vadd.f32 v18, v4;
	v15 =	vadd.s32 v2, v17;
	[tilespmem:v22+s11+$0x0] =	vst.idx.msk $0xffff, v20  }
0x171: {  	_ =	sdelay $0x3  }
0x172: {  	v20 =	vld [tilespmem:s9+$0x0];
	v19 =	vand.u32 $0x7F, v19;
	[tilespmem:v12+s11+$0x0] =	vst.idx.msk $0xffff, v16;
	v41 =	vadd.f32 v14, v5;
	v42 =	vadd.s32 v3, v17  }
0x173: {  	v43 =	vmov s18;
	v44 =	vld [tilespmem:s9+$0xFFFFFF90];
	v21 =	vadd.s32 v2, v19;
	[tilespmem:v6+s11+$0x0] =	vst.idx.msk $0xffff, v18;
	v45 =	vadd.f32 v7, v4  }
0x174: {  	v46 =	vld [tilespmem:s9+$0xFFFFFFA0];
	s7 =	sadd.s32 $0x1, s18;
	v16 =	vand.u32 $0x7C, v43;
	v47 =	vadd.s32 v3, v19;
	[tilespmem:v8+s11+$0x0] =	vst.idx.msk $0xffff, v41;
	v48 =	vadd.f32 v9, v5  }
0x175: {  	v51 =	vld [tilespmem:s9+$0xFFFFFFB0];
	v49 =	vmov s7;
	v50 =	vadd.s32 v2, v16;
	[tilespmem:v10+s11+$0x0] =	vst.idx.msk $0xffff, v45;
	v52 =	vadd.f32 v11, v4  }
0x176: {  	v54 =	vld [tilespmem:s9+$0xFFFFFFC0];
	s19 =	sadd.s32 $0x2, s18;
	v53 =	vadd.s32 v3, v16;
	v9 =	vand.u32 $0x7D, v49;
	v13 =	vadd.f32 v13, v5;
	[tilespmem:v15+s11+$0x0] =	vst.idx.msk $0xffff, v48  }
0x177: {  	v57 =	vld [tilespmem:s9+$0xFFFFFFD0];
	v56 =	vmov s19;
	v55 =	vadd.s32 v2, v9;
	v20 =	vadd.f32 v20, v4;
	[tilespmem:v42+s11+$0x0] =	vst.idx.msk $0xffff, v52  }
0x178: {  	v59 =	vld [tilespmem:s9+$0xFFFFFFE0];
	v9 =	vadd.s32 v3, v9;
	v15 =	vand.u32 $0x7E, v56;
	v58 =	vadd.f32 v44, v5;
	[tilespmem:v21+s11+$0x0] =	vst.idx.msk $0xffff, v13  }
0x179: {  	v7 =	vadd.f32 v46, v4;
	v60 =	vadd.s32 v2, v15;
	[tilespmem:v47+s11+$0x0] =	vst.idx.msk $0xffff, v20  }
0x17a: {  	v61 =	vadd.f32 v51, v5;
	v62 =	vadd.s32 v3, v15;
	[tilespmem:v50+s11+$0x0] =	vst.idx.msk $0xffff, v58  }
0x17b: {  	v63 =	vadd.f32 v54, v4;
	[tilespmem:v53+s11+$0x0] =	vst.idx.msk $0xffff, v7  }
0x17c: {  	s0 =	sshll.u32 s0, $0x12;
	v5 =	vadd.f32 v57, v5;
	[tilespmem:v55+s11+$0x0] =	vst.idx.msk $0xffff, v61  }
0x17d: {  	s0 =	sor.u32 s12, s0;
	v4 =	vadd.f32 v59, v4;
	[tilespmem:v9+s11+$0x0] =	vst.idx.msk $0xffff, v63  }
0x17e: {  	s0 =	sshrl.u32 s0, $0x3;
	[tilespmem:v60+s11+$0x0] =	vst.idx.msk $0xffff, v5  }
0x17f: {  	s7 =	sadd.s32 s3, s0;
	[tilespmem:v62+s11+$0x0] =	vst.idx.msk $0xffff, v4  }
0x180: {  	[hbm4b:s7+s4] =	stream.linear.scatter [tilespmem:s11], [sflag:$0xC], $0x80, $0x38;
	[tilespmem:$0x16800] =	vst v63  }
0x181: {  	s19 =	simm.s32 $0xC788;
	s18 =	sadd.s32 $0x10, s7  }
0x182: {  	[hbm4b:s18+s4] =	stream.linear.scatter [tilespmem:s19], [sflag:$0xC], $0x80, $0x38;
	[tilespmem:$0x16800] =	vst v63  }
0x183: {  	s18 =	sadd.s32 $0x20, s7;
	s19 =	simm.s32 $0xC810  }
0x184: {  	[hbm4b:s18+s4] =	stream.linear.scatter [tilespmem:s19], [sflag:$0xC], $0x80, $0x38;
	[tilespmem:$0x16800] =	vst v63  }
0x185: {  	s18 =	sadd.s32 $0x30, s7;
	s19 =	simm.s32 $0xC898  }
0x186: {  	[hbm4b:s18+s4] =	stream.linear.scatter [tilespmem:s19], [sflag:$0xC], $0x80, $0x38;
	[tilespmem:$0x16800] =	vst v63  }
0x187: {  	s18 =	sadd.s32 $0x40, s7;
	s19 =	simm.s32 $0xC920  }
0x188: {  	[hbm4b:s18+s4] =	stream.linear.scatter [tilespmem:s19], [sflag:$0xC], $0x80, $0x38;
	[tilespmem:$0x16800] =	vst v63  }
0x189: {  	s18 =	sadd.s32 $0x50, s7;
	s19 =	simm.s32 $0xC9A8  }
0x18a: {  	[hbm4b:s18+s4] =	stream.linear.scatter [tilespmem:s19], [sflag:$0xC], $0x80, $0x38;
	[tilespmem:$0x16800] =	vst v63  }
0x18b: {  	s18 =	sadd.s32 $0x60, s7;
	s19 =	simm.s32 $0xCA30  }
0x18c: {  	[hbm4b:s18+s4] =	stream.linear.scatter [tilespmem:s19], [sflag:$0xC], $0x80, $0x38;
	[tilespmem:$0x16800] =	vst v63  }
0x18d: {  	s7 =	sadd.s32 $0x70, s7;
	s18 =	simm.s32 $0xCAB8  }
0x18e: {  	[hbm4b:s7+s4] =	stream.linear.scatter [tilespmem:s18], [sflag:$0xC], $0x80, $0x38;
	[tilespmem:$0x16800] =	vst v63  }
0x18f: {  	s19 =	simm.s32 $0xCB40;
	s7 =	sadd.s32 s0, s13  }
0x190: {  	[hbm4b:s7+s4] =	stream.linear.scatter [tilespmem:s19], [sflag:$0xC], $0x80, $0x38;
	[tilespmem:$0x16800] =	vst v63  }
0x191: {  	s18 =	sadd.s32 $0x10, s7;
	s19 =	simm.s32 $0xCBC8  }
0x192: {  	[hbm4b:s18+s4] =	stream.linear.scatter [tilespmem:s19], [sflag:$0xC], $0x80, $0x38;
	[tilespmem:$0x16800] =	vst v63  }
0x193: {  	s18 =	sadd.s32 $0x20, s7;
	s19 =	simm.s32 $0xCC50  }
0x194: {  	[hbm4b:s18+s4] =	stream.linear.scatter [tilespmem:s19], [sflag:$0xC], $0x80, $0x38;
	[tilespmem:$0x16800] =	vst v63  }
0x195: {  	s18 =	sadd.s32 $0x30, s7;
	s19 =	simm.s32 $0xCCD8  }
0x196: {  	[hbm4b:s18+s4] =	stream.linear.scatter [tilespmem:s19], [sflag:$0xC], $0x80, $0x38;
	[tilespmem:$0x16800] =	vst v63  }
0x197: {  	s18 =	sadd.s32 $0x40, s7;
	s19 =	simm.s32 $0xCD60  }
0x198: {  	[hbm4b:s18+s4] =	stream.linear.scatter [tilespmem:s19], [sflag:$0xC], $0x80, $0x38;
	[tilespmem:$0x16800] =	vst v63  }
0x199: {  	s18 =	sadd.s32 $0x50, s7;
	s19 =	simm.s32 $0xCDE8  }
0x19a: {  	[hbm4b:s18+s4] =	stream.linear.scatter [tilespmem:s19], [sflag:$0xC], $0x80, $0x38;
	[tilespmem:$0x16800] =	vst v63  }
0x19b: {  	s18 =	sadd.s32 $0x60, s7;
	s19 =	simm.s32 $0xCE70  }
0x19c: {  	[hbm4b:s18+s4] =	stream.linear.scatter [tilespmem:s19], [sflag:$0xC], $0x80, $0x38;
	[tilespmem:$0x16800] =	vst v63  }
0x19d: {  	s7 =	sadd.s32 $0x70, s7;
	s18 =	simm.s32 $0xCEF8  }
0x19e: {  	[hbm4b:s7+s4] =	stream.linear.scatter [tilespmem:s18], [sflag:$0xC], $0x80, $0x38;
	[tilespmem:$0x16800] =	vst v63  }
0x19f: {  	s19 =	simm.s32 $0xCF80;
	s7 =	sadd.s32 s0, s14  }
0x1a0: {  	[hbm4b:s7+s4] =	stream.linear.scatter [tilespmem:s19], [sflag:$0xC], $0x80, $0x38;
	[tilespmem:$0x16800] =	vst v63  }
0x1a1: {  	s18 =	sadd.s32 $0x10, s7;
	s19 =	simm.s32 $0xD008  }
0x1a2: {  	[hbm4b:s18+s4] =	stream.linear.scatter [tilespmem:s19], [sflag:$0xC], $0x80, $0x38;
	[tilespmem:$0x16800] =	vst v63  }
0x1a3: {  	s18 =	sadd.s32 $0x20, s7;
	s19 =	simm.s32 $0xD090  }
0x1a4: {  	[hbm4b:s18+s4] =	stream.linear.scatter [tilespmem:s19], [sflag:$0xC], $0x80, $0x38;
	[tilespmem:$0x16800] =	vst v63  }
0x1a5: {  	s18 =	sadd.s32 $0x30, s7;
	s19 =	simm.s32 $0xD118  }
0x1a6: {  	[hbm4b:s18+s4] =	stream.linear.scatter [tilespmem:s19], [sflag:$0xC], $0x80, $0x38;
	[tilespmem:$0x16800] =	vst v63  }
0x1a7: {  	s18 =	sadd.s32 $0x40, s7;
	s19 =	simm.s32 $0xD1A0  }
0x1a8: {  	[hbm4b:s18+s4] =	stream.linear.scatter [tilespmem:s19], [sflag:$0xC], $0x80, $0x38;
	[tilespmem:$0x16800] =	vst v63  }
0x1a9: {  	s18 =	sadd.s32 $0x50, s7;
	s19 =	simm.s32 $0xD228  }
0x1aa: {  	[hbm4b:s18+s4] =	stream.linear.scatter [tilespmem:s19], [sflag:$0xC], $0x80, $0x38;
	[tilespmem:$0x16800] =	vst v63  }
0x1ab: {  	s18 =	sadd.s32 $0x60, s7;
	s19 =	simm.s32 $0xD2B0  }
0x1ac: {  	[hbm4b:s18+s4] =	stream.linear.scatter [tilespmem:s19], [sflag:$0xC], $0x80, $0x38;
	[tilespmem:$0x16800] =	vst v63  }
0x1ad: {  	s7 =	sadd.s32 $0x70, s7;
	s19 =	simm.s32 $0xD338  }
0x1ae: {  	[hbm4b:s7+s4] =	stream.linear.scatter [tilespmem:s19], [sflag:$0xC], $0x80, $0x38;
	[tilespmem:$0x16800] =	vst v63  }
0x1af: {  	s9 =	simm.s32 $0xD3C0;
	s0 =	sadd.s32 s0, s15  }
0x1b0: {  	[hbm4b:s0+s4] =	stream.linear.scatter [tilespmem:s9], [sflag:$0xC], $0x80, $0x38;
	[tilespmem:$0x16800] =	vst v63  }
0x1b1: {  	s18 =	sadd.s32 $0x10, s0;
	s19 =	simm.s32 $0xD448  }
0x1b2: {  	[hbm4b:s18+s4] =	stream.linear.scatter [tilespmem:s19], [sflag:$0xC], $0x80, $0x38;
	[tilespmem:$0x16800] =	vst v63  }
0x1b3: {  	s18 =	sadd.s32 $0x20, s0;
	s19 =	simm.s32 $0xD4D0  }
0x1b4: {  	[hbm4b:s18+s4] =	stream.linear.scatter [tilespmem:s19], [sflag:$0xC], $0x80, $0x38;
	[tilespmem:$0x16800] =	vst v63  }
0x1b5: {  	s18 =	sadd.s32 $0x30, s0;
	s19 =	simm.s32 $0xD558  }
0x1b6: {  	[hbm4b:s18+s4] =	stream.linear.scatter [tilespmem:s19], [sflag:$0xC], $0x80, $0x38;
	[tilespmem:$0x16800] =	vst v63  }
0x1b7: {  	s18 =	sadd.s32 $0x40, s0;
	s19 =	simm.s32 $0xD5E0  }
0x1b8: {  	[hbm4b:s18+s4] =	stream.linear.scatter [tilespmem:s19], [sflag:$0xC], $0x80, $0x38;
	[tilespmem:$0x16800] =	vst v63  }
0x1b9: {  	s18 =	sadd.s32 $0x50, s0;
	s19 =	simm.s32 $0xD668  }
0x1ba: {  	[hbm4b:s18+s4] =	stream.linear.scatter [tilespmem:s19], [sflag:$0xC], $0x80, $0x38;
	[tilespmem:$0x16800] =	vst v63  }
0x1bb: {  	s9 =	sadd.s32 $0x60, s0;
	s18 =	simm.s32 $0xD6F0  }
0x1bc: {  	[hbm4b:s9+s4] =	stream.linear.scatter [tilespmem:s18], [sflag:$0xC], $0x80, $0x38;
	[tilespmem:$0x16800] =	vst v63  }
0x1bd: {  	s0 =	sadd.s32 $0x70, s0;
	s19 =	simm.s32 $0xD778;
	s9 =	sshll.u32 s21, $0x11  }
0x1be: {  	[hbm4b:s0+s4] =	stream.linear.scatter [tilespmem:s19], [sflag:$0xC], $0x80, $0x38;
	[tilespmem:$0x16800] =	vst v63  }
0x1bf: {  	s0 =	sor.u32 s12, s9  }
0x1c0: {  	s0 =	sshrl.u32 s0, $0x3  }
0x1c1: {  	s18 =	simm.s32 $0xD800;
	s7 =	sadd.s32 s3, s0  }
0x1c2: {  	[hbm4b:s7+s4] =	stream.linear.scatter [tilespmem:s18], [sflag:$0xC], $0x80, $0x38;
	[tilespmem:$0x16800] =	vst v63  }
0x1c3: {  	s21 =	simm.s32 $0xD888;
	s19 =	sadd.s32 $0x10, s7  }
0x1c4: {  	[hbm4b:s19+s4] =	stream.linear.scatter [tilespmem:s21], [sflag:$0xC], $0x80, $0x38;
	[tilespmem:$0x16800] =	vst v63  }
0x1c5: {  	s19 =	sadd.s32 $0x20, s7;
	s21 =	simm.s32 $0xD910  }
0x1c6: {  	[hbm4b:s19+s4] =	stream.linear.scatter [tilespmem:s21], [sflag:$0xC], $0x80, $0x38;
	[tilespmem:$0x16800] =	vst v63  }
0x1c7: {  	s19 =	sadd.s32 $0x30, s7;
	s21 =	simm.s32 $0xD998  }
0x1c8: {  	[hbm4b:s19+s4] =	stream.linear.scatter [tilespmem:s21], [sflag:$0xC], $0x80, $0x38;
	[tilespmem:$0x16800] =	vst v63  }
0x1c9: {  	s19 =	sadd.s32 $0x40, s7;
	s21 =	simm.s32 $0xDA20  }
0x1ca: {  	[hbm4b:s19+s4] =	stream.linear.scatter [tilespmem:s21], [sflag:$0xC], $0x80, $0x38;
	[tilespmem:$0x16800] =	vst v63  }
0x1cb: {  	s19 =	sadd.s32 $0x50, s7;
	s21 =	simm.s32 $0xDAA8  }
0x1cc: {  	[hbm4b:s19+s4] =	stream.linear.scatter [tilespmem:s21], [sflag:$0xC], $0x80, $0x38;
	[tilespmem:$0x16800] =	vst v63  }
0x1cd: {  	s18 =	sadd.s32 $0x60, s7;
	s19 =	simm.s32 $0xDB30  }
0x1ce: {  	[hbm4b:s18+s4] =	stream.linear.scatter [tilespmem:s19], [sflag:$0xC], $0x80, $0x38;
	[tilespmem:$0x16800] =	vst v63  }
0x1cf: {  	s7 =	sadd.s32 $0x70, s7;
	s21 =	simm.s32 $0xDBB8  }
0x1d0: {  	[hbm4b:s7+s4] =	stream.linear.scatter [tilespmem:s21], [sflag:$0xC], $0x80, $0x38;
	[tilespmem:$0x16800] =	vst v63  }
0x1d1: {  	s18 =	simm.s32 $0xDC40;
	s7 =	sadd.s32 s0, s13  }
0x1d2: {  	[hbm4b:s7+s4] =	stream.linear.scatter [tilespmem:s18], [sflag:$0xC], $0x80, $0x38;
	[tilespmem:$0x16800] =	vst v63  }
0x1d3: {  	s21 =	simm.s32 $0xDCC8;
	s19 =	sadd.s32 $0x10, s7  }
0x1d4: {  	[hbm4b:s19+s4] =	stream.linear.scatter [tilespmem:s21], [sflag:$0xC], $0x80, $0x38;
	[tilespmem:$0x16800] =	vst v63  }
0x1d5: {  	s19 =	sadd.s32 $0x20, s7;
	s21 =	simm.s32 $0xDD50  }
0x1d6: {  	[hbm4b:s19+s4] =	stream.linear.scatter [tilespmem:s21], [sflag:$0xC], $0x80, $0x38;
	[tilespmem:$0x16800] =	vst v63  }
0x1d7: {  	s19 =	sadd.s32 $0x30, s7;
	s21 =	simm.s32 $0xDDD8  }
0x1d8: {  	[hbm4b:s19+s4] =	stream.linear.scatter [tilespmem:s21], [sflag:$0xC], $0x80, $0x38;
	[tilespmem:$0x16800] =	vst v63  }
0x1d9: {  	s19 =	sadd.s32 $0x40, s7;
	s21 =	simm.s32 $0xDE60  }
0x1da: {  	[hbm4b:s19+s4] =	stream.linear.scatter [tilespmem:s21], [sflag:$0xC], $0x80, $0x38;
	[tilespmem:$0x16800] =	vst v63  }
0x1db: {  	s19 =	sadd.s32 $0x50, s7;
	s21 =	simm.s32 $0xDEE8  }
0x1dc: {  	[hbm4b:s19+s4] =	stream.linear.scatter [tilespmem:s21], [sflag:$0xC], $0x80, $0x38;
	[tilespmem:$0x16800] =	vst v63  }
0x1dd: {  	s18 =	sadd.s32 $0x60, s7;
	s19 =	simm.s32 $0xDF70  }
0x1de: {  	[hbm4b:s18+s4] =	stream.linear.scatter [tilespmem:s19], [sflag:$0xC], $0x80, $0x38;
	[tilespmem:$0x16800] =	vst v63  }
0x1df: {  	s7 =	sadd.s32 $0x70, s7;
	s21 =	simm.s32 $0xDFF8  }
0x1e0: {  	[hbm4b:s7+s4] =	stream.linear.scatter [tilespmem:s21], [sflag:$0xC], $0x80, $0x38;
	[tilespmem:$0x16800] =	vst v63  }
0x1e1: {  	s18 =	simm.s32 $0xE080;
	s7 =	sadd.s32 s0, s14  }
0x1e2: {  	[hbm4b:s7+s4] =	stream.linear.scatter [tilespmem:s18], [sflag:$0xC], $0x80, $0x38;
	[tilespmem:$0x16800] =	vst v63  }
0x1e3: {  	s21 =	simm.s32 $0xE108;
	s19 =	sadd.s32 $0x10, s7  }
0x1e4: {  	[hbm4b:s19+s4] =	stream.linear.scatter [tilespmem:s21], [sflag:$0xC], $0x80, $0x38;
	[tilespmem:$0x16800] =	vst v63  }
0x1e5: {  	s19 =	sadd.s32 $0x20, s7;
	s21 =	simm.s32 $0xE190  }
0x1e6: {  	[hbm4b:s19+s4] =	stream.linear.scatter [tilespmem:s21], [sflag:$0xC], $0x80, $0x38;
	[tilespmem:$0x16800] =	vst v63  }
0x1e7: {  	s19 =	sadd.s32 $0x30, s7;
	s21 =	simm.s32 $0xE218  }
0x1e8: {  	[hbm4b:s19+s4] =	stream.linear.scatter [tilespmem:s21], [sflag:$0xC], $0x80, $0x38;
	[tilespmem:$0x16800] =	vst v63  }
0x1e9: {  	s19 =	sadd.s32 $0x40, s7;
	s21 =	simm.s32 $0xE2A0  }
0x1ea: {  	[hbm4b:s19+s4] =	stream.linear.scatter [tilespmem:s21], [sflag:$0xC], $0x80, $0x38;
	[tilespmem:$0x16800] =	vst v63  }
0x1eb: {  	s19 =	sadd.s32 $0x50, s7;
	s21 =	simm.s32 $0xE328  }
0x1ec: {  	[hbm4b:s19+s4] =	stream.linear.scatter [tilespmem:s21], [sflag:$0xC], $0x80, $0x38;
	[tilespmem:$0x16800] =	vst v63  }
0x1ed: {  	s18 =	sadd.s32 $0x60, s7;
	s19 =	simm.s32 $0xE3B0  }
0x1ee: {  	[hbm4b:s18+s4] =	stream.linear.scatter [tilespmem:s19], [sflag:$0xC], $0x80, $0x38;
	[tilespmem:$0x16800] =	vst v63  }
0x1ef: {  	s7 =	sadd.s32 $0x70, s7;
	s21 =	simm.s32 $0xE438  }
0x1f0: {  	[hbm4b:s7+s4] =	stream.linear.scatter [tilespmem:s21], [sflag:$0xC], $0x80, $0x38;
	[tilespmem:$0x16800] =	vst v63  }
0x1f1: {  	s0 =	sadd.s32 s0, s15;
	s18 =	simm.s32 $0xE4C0  }
0x1f2: {  	[hbm4b:s0+s4] =	stream.linear.scatter [tilespmem:s18], [sflag:$0xC], $0x80, $0x38;
	[tilespmem:$0x16800] =	vst v63  }
0x1f3: {  	s19 =	sadd.s32 $0x10, s0;
	s21 =	simm.s32 $0xE548  }
0x1f4: {  	[hbm4b:s19+s4] =	stream.linear.scatter [tilespmem:s21], [sflag:$0xC], $0x80, $0x38;
	[tilespmem:$0x16800] =	vst v63  }
0x1f5: {  	s9 =	sadd.s32 $0x20, s0;
	s18 =	simm.s32 $0xE5D0  }
0x1f6: {  	[hbm4b:s9+s4] =	stream.linear.scatter [tilespmem:s18], [sflag:$0xC], $0x80, $0x38;
	[tilespmem:$0x16800] =	vst v63  }
0x1f7: {  	s19 =	sadd.s32 $0x30, s0;
	s21 =	simm.s32 $0xE658  }
0x1f8: {  	[hbm4b:s19+s4] =	stream.linear.scatter [tilespmem:s21], [sflag:$0xC], $0x80, $0x38;
	[tilespmem:$0x16800] =	vst v63  }
0x1f9: {  	s9 =	sadd.s32 $0x40, s0;
	s18 =	simm.s32 $0xE6E0  }
0x1fa: {  	[hbm4b:s9+s4] =	stream.linear.scatter [tilespmem:s18], [sflag:$0xC], $0x80, $0x38;
	[tilespmem:$0x16800] =	vst v63  }
0x1fb: {  	p1 =	sne.s32 s25, $0x13;
	s19 =	sadd.s32 $0x50, s0;
	s21 =	simm.s32 $0xE768  }
0x1fc: {  	[hbm4b:s19+s4] =	stream.linear.scatter [tilespmem:s21], [sflag:$0xC], $0x80, $0x38;
	[tilespmem:$0x16800] =	vst v63  }
.Ltmp4:
0x1fd: {  	_ = 	snop;
	(pc) =	sbr.rel @p1 .LBB2_12-.Ltmp4, $4  }
0x1fe: {  	s18 =	sadd.s32 $0x60, s0;
	s19 =	simm.s32 $0xE7F0  }
0x1ff: {  	[hbm4b:s18+s4] =	stream.linear.scatter [tilespmem:s19], [sflag:$0xC], $0x80, $0x38;
	[tilespmem:$0x16800] =	vst v63  }
0x200: {  	s0 =	sadd.s32 $0x70, s0;
	s21 =	simm.s32 $0xE878  }
0x201: {  	[hbm4b:s0+s4] =	stream.linear.scatter [tilespmem:s21], [sflag:$0xC], $0x80, $0x38;
	[tilespmem:$0x16800] =	vst v63  }
.Ltmp5:
0x202: {  	(pc) =	sbr.rel .LBB2_13-.Ltmp5, $4  }
0x203: {  	s0 =	simm.s32 $0x8  }
0x204: {  	_ =	swait.ge [sflag:s0], $0x2000  }
0x205: {  	[sflag:s0] =	ssyncset.done $0x0  }
0x206: {  	[sflag:s0] =	ssyncadd.s32 $0xFFFFE000  }
.LBB2_12:
0x207: {  	s0 =	rddreg [dreg:$0xb]  }
0x208: {  	s0 =	sadd.s32 s31, s0  }
0x209: {  	s0 =	sshrl.u32 s0, $0x3  }
0x20a: {  	s18 =	simm.s32 $0x1;
	s0 =	sadd.s32 s1, s0  }
0x20b: {  	[tilespmem:s23], [sflag:$0x2] =	stream.linear.gather [hbm4b:s0+s4], $0x100, $0x38;
	[tilespmem:$0x16800] =	vst v63  }
0x20c: {  	_ =	swait.ge [sflag:s18], $0x100  }
0x20d: {  	s19 =	simm.s32 $0x500;
	[sflag:s18] =	ssyncset.done $0x0  }
.Ltmp6:
0x20e: {  	s21 =	simm.s32 $0x8;
	[sflag:s18] =	ssyncadd.s32 $0xFFFFFF00;
	(pc) =	sbr.rel @p0 .LBB2_14-.Ltmp6, $4  }
0x20f: {  	[tilespmem:s19], [sflag:$0x6] =	stream.indirect.gather [hbm4b:s6+s23], $0x20, s4, s23, $0xb8;
	[tilespmem:$0x16800] =	vst v63  }
0x210: {  	_ =	swait.ge [sflag:s21], $0x2000  }
0x211: {  	[sflag:s21] =	ssyncset.done $0x0  }
0x212: {  	[sflag:s21] =	ssyncadd.s32 $0xFFFFE000  }
.LBB2_13:
0x213: {  	_ =	swait.ge [sflag:s20], $0x400  }
0x214: {  	[sflag:s20] =	ssyncset.done $0x0  }
0x215: {  	[sflag:s20] =	ssyncadd.s32 $0xFFFFFC00  }
0x216: {  	_ =	swait.ge [sflag:s20], $0x400  }
0x217: {  	[sflag:s20] =	ssyncset.done $0x0  }
0x218: {  	[sflag:s20] =	ssyncadd.s32 $0xFFFFFC00  }
0x219: {  	_ =	swait.ge [sflag:s20], $0x400  }
0x21a: {  	[sflag:s20] =	ssyncset.done $0x0  }
0x21b: {  	[sflag:s20] =	ssyncadd.s32 $0xFFFFFC00  }
0x21c: {  	_ =	swait.ge [sflag:s20], $0x400  }
0x21d: {  	[sflag:s20] =	ssyncset.done $0x0  }
0x21e: {  	[sflag:s20] =	ssyncadd.s32 $0xFFFFFC00  }
0x21f: {  	_ =	swait.ge [sflag:s20], $0x400  }
0x220: {  	[sflag:s20] =	ssyncset.done $0x0  }
0x221: {  	[sflag:s20] =	ssyncadd.s32 $0xFFFFFC00  }
0x222: {  	_ =	swait.ge [sflag:s20], $0x400  }
0x223: {  	[sflag:s20] =	ssyncset.done $0x0  }
0x224: {  	[sflag:s20] =	ssyncadd.s32 $0xFFFFFC00  }
0x225: {  	_ =	swait.ge [sflag:s20], $0x400  }
0x226: {  	[sflag:s20] =	ssyncset.done $0x0  }
0x227: {  	[sflag:s20] =	ssyncadd.s32 $0xFFFFFC00  }
0x228: {  	_ =	swait.ge [sflag:s20], $0x400  }
0x229: {  	[sflag:s20] =	ssyncset.done $0x0  }
0x22a: {  	[sflag:s20] =	ssyncadd.s32 $0xFFFFFC00  }
.LBB2_14:
0x22b: {  	s0 =	sadd.s32 $0x2, s16;
	s16 =	simm.s32 $0x4540  }
0x22c: {  	s7 =	sshll.u32 s0, $0x6;
	v8 =	vld [tilespmem:s16+$0x20]  }
0x22d: {  	s9 =	simm.s32 $0x3;
	v10 =	vld [tilespmem:s16+$0x30];
	s7 =	sand.u32 $0x3FFFFFC0, s7  }
0x22e: {  	v6 =	vmov s9;
	v5 =	vld [tilespmem:s7+$0x14F00]  }
0x22f: {  	s18 =	simm.s32 $0x0;
	v6 =	vand.u32 $0x7F, v6;
	v4 =	vld [tilespmem:s7+$0x14F10]  }
0x230: {  	v7 =	vmov s18;
	v11 =	vld [tilespmem:s16+$0xFFFFFFC0];
	v13 =	vadd.s32 v0, v6  }
0x231: {  	s19 =	simm.s32 $0x1;
	v15 =	vld [tilespmem:s16+$0xFFFFFFD0];
	v7 =	vand.u32 $0x7C, v7;
	v20 =	vadd.s32 v1, v6  }
0x232: {  	v9 =	vmov s19;
	v14 =	vld [tilespmem:s16+$0xFFFFFFE0];
	v12 =	vadd.s32 v0, v7  }
0x233: {  	s21 =	simm.s32 $0x2;
	v17 =	vand.u32 $0x7D, v9;
	v6 =	vadd.s32 v1, v7;
	v7 =	vld [tilespmem:s16+$0xFFFFFFF0];
	v18 =	vadd.f32 v8, v5  }
0x234: {  	v19 =	vmov s21;
	v9 =	vld [tilespmem:s16+$0x0];
	v8 =	vadd.s32 v0, v17;
	v21 =	vadd.f32 v10, v4  }
0x235: {  	s18 =	simm.s32 $0x7;
	s9 =	simm.s32 $0x45C0;
	v16 =	vadd.f32 v11, v5;
	v10 =	vadd.s32 v1, v17;
	v11 =	vld [tilespmem:s16+$0x10];
	v17 =	vand.u32 $0x7E, v19;
	[tilespmem:v13+s8+$0x0] =	vst.idx.msk $0xffff, v18  }
0x236: {  	s7 =	simm.s32 $0x8;
	s16 =	simm.s32 $0x4;
	v19 =	vmov s18;
	v13 =	vld [tilespmem:s9+$0x20];
	v18 =	vadd.f32 v15, v4;
	v15 =	vadd.s32 v0, v17;
	[tilespmem:v20+s8+$0x0] =	vst.idx.msk $0xffff, v21  }
.LBB2_15:
0x237: {  	p2 =	slt.u32 s7, $0x7C;
	v20 =	vld [tilespmem:s9+$0x30];
	v19 =	vand.u32 $0x7F, v19;
	[tilespmem:v12+s8+$0x0] =	vst.idx.msk $0xffff, v16;
	v12 =	vadd.f32 v14, v5;
	v16 =	vadd.s32 v1, v17  }
0x238: {  	v14 =	vmov s16;
	v17 =	vld [tilespmem:s9+$0xFFFFFFC0];
	v21 =	vadd.s32 v0, v19;
	[tilespmem:v6+s8+$0x0] =	vst.idx.msk $0xffff, v18;
	v6 =	vadd.f32 v7, v4  }
0x239: {  	s18 =	sadd.s32 $0x1, s16;
	v7 =	vand.u32 $0x7C, v14;
	v22 =	vadd.s32 v1, v19;
	v18 =	vld [tilespmem:s9+$0xFFFFFFD0];
	[tilespmem:v8+s8+$0x0] =	vst.idx.msk $0xffff, v12;
	v8 =	vadd.f32 v9, v5  }
.Ltmp7:
0x23a: {  	v12 =	vadd.s32 v0, v7;
	v9 =	vmov s18;
	v14 =	vld [tilespmem:s9+$0xFFFFFFE0];
	[tilespmem:v10+s8+$0x0] =	vst.idx.msk $0xffff, v6;
	v10 =	vadd.f32 v11, v4;
	(pc) =	sbr.rel @p2 .LBB2_15-.Ltmp7, $4  }
0x23b: {  	s18 =	sadd.s32 $0x2, s16;
	s16 =	smov.u32 s7;
	v6 =	vadd.s32 v1, v7;
	v11 =	vand.u32 $0x7D, v9;
	v7 =	vld [tilespmem:s9+$0xFFFFFFF0];
	v13 =	vadd.f32 v13, v5;
	[tilespmem:v15+s8+$0x0] =	vst.idx.msk $0xffff, v8  }
0x23c: {  	v8 =	vadd.s32 v0, v11;
	v15 =	vmov s18;
	v9 =	vld [tilespmem:s9+$0x0];
	v20 =	vadd.f32 v20, v4;
	[tilespmem:v16+s8+$0x0] =	vst.idx.msk $0xffff, v10  }
0x23d: {  	s18 =	sadd.s32 $0x3, s7;
	v10 =	vadd.s32 v1, v11;
	v16 =	vadd.f32 v17, v5;
	v11 =	vld [tilespmem:s9+$0x10];
	v17 =	vand.u32 $0x7E, v15;
	[tilespmem:v21+s8+$0x0] =	vst.idx.msk $0xffff, v13;
	s9 =	sadd.s32 $0x80, s9  }
0x23e: {  	s7 =	sadd.s32 $0x4, s7;
	v19 =	vmov s18;
	v13 =	vld [tilespmem:s9+$0x20];
	v18 =	vadd.f32 v18, v4;
	v15 =	vadd.s32 v0, v17;
	[tilespmem:v22+s8+$0x0] =	vst.idx.msk $0xffff, v20  }
0x23f: {  	_ =	sdelay $0x3  }
0x240: {  	v20 =	vld [tilespmem:s9+$0x30];
	v19 =	vand.u32 $0x7F, v19;
	[tilespmem:v12+s8+$0x0] =	vst.idx.msk $0xffff, v16;
	v12 =	vadd.f32 v14, v5;
	v14 =	vadd.s32 v1, v17  }
0x241: {  	v16 =	vmov s16;
	v17 =	vld [tilespmem:s9+$0xFFFFFFC0];
	v21 =	vadd.s32 v0, v19;
	[tilespmem:v6+s8+$0x0] =	vst.idx.msk $0xffff, v18;
	v6 =	vadd.f32 v7, v4  }
0x242: {  	s7 =	sadd.s32 $0x1, s16;
	v7 =	vld [tilespmem:s9+$0xFFFFFFD0];
	v16 =	vand.u32 $0x7C, v16;
	v18 =	vadd.s32 v1, v19;
	[tilespmem:v8+s8+$0x0] =	vst.idx.msk $0xffff, v12;
	v8 =	vadd.f32 v9, v5  }
0x243: {  	v19 =	vld [tilespmem:s9+$0xFFFFFFE0];
	v9 =	vadd.s32 v0, v16;
	v12 =	vmov s7;
	[tilespmem:v10+s8+$0x0] =	vst.idx.msk $0xffff, v6;
	v6 =	vadd.f32 v11, v4  }
0x244: {  	s18 =	sadd.s32 $0x2, s16;
	v10 =	vadd.s32 v1, v16;
	v11 =	vld [tilespmem:s9+$0xFFFFFFF0];
	v12 =	vand.u32 $0x7D, v12;
	v13 =	vadd.f32 v13, v5;
	[tilespmem:v15+s8+$0x0] =	vst.idx.msk $0xffff, v8  }
0x245: {  	v16 =	vld [tilespmem:s9+$0x0];
	v8 =	vadd.s32 v0, v12;
	v15 =	vmov s18;
	v20 =	vadd.f32 v20, v4;
	[tilespmem:v14+s8+$0x0] =	vst.idx.msk $0xffff, v6  }
0x246: {  	v12 =	vadd.s32 v1, v12;
	v6 =	vadd.f32 v17, v5;
	v14 =	vld [tilespmem:s9+$0x10];
	v15 =	vand.u32 $0x7E, v15;
	[tilespmem:v21+s8+$0x0] =	vst.idx.msk $0xffff, v13  }
0x247: {  	v7 =	vadd.f32 v7, v4;
	v13 =	vadd.s32 v0, v15;
	[tilespmem:v18+s8+$0x0] =	vst.idx.msk $0xffff, v20  }
0x248: {  	[tilespmem:v9+s8+$0x0] =	vst.idx.msk $0xffff, v6;
	v6 =	vadd.f32 v19, v5;
	v9 =	vadd.s32 v1, v15  }
0x249: {  	[tilespmem:v10+s8+$0x0] =	vst.idx.msk $0xffff, v7;
	v7 =	vadd.f32 v11, v4  }
0x24a: {  	v5 =	vadd.f32 v16, v5;
	[tilespmem:v8+s8+$0x0] =	vst.idx.msk $0xffff, v6  }
0x24b: {  	s16 =	sshllo.u32 s0, $0x1;
	[tilespmem:v12+s8+$0x0] =	vst.idx.msk $0xffff, v7;
	v4 =	vadd.f32 v14, v4  }
0x24c: {  	s19 =	sshll.u32 s16, $0x5;
	[tilespmem:v13+s8+$0x0] =	vst.idx.msk $0xffff, v5  }
0x24d: {  	s7 =	sand.u32 $0x3FFFFFE0, s19;
	[tilespmem:v9+s8+$0x0] =	vst.idx.msk $0xffff, v4  }
0x24e: {  	v5 =	vld [tilespmem:s7+$0x14F00]  }
0x24f: {  	s21 =	simm.s32 $0x3;
	v4 =	vld [tilespmem:s7+$0x14F10];
	s7 =	simm.s32 $0x5570  }
0x250: {  	v6 =	vmov s21;
	v8 =	vld [tilespmem:s7+$0xFFFFFFF0]  }
0x251: {  	s18 =	simm.s32 $0x0;
	v6 =	vand.u32 $0x7F, v6;
	v10 =	vld [tilespmem:s7+$0x0]  }
0x252: {  	v7 =	vmov s18;
	v13 =	vadd.s32 v2, v6;
	v11 =	vld [tilespmem:s7+$0xFFFFFF90]  }
0x253: {  	s19 =	simm.s32 $0x1;
	v7 =	vand.u32 $0x7C, v7;
	v20 =	vadd.s32 v3, v6;
	v15 =	vld [tilespmem:s7+$0xFFFFFFA0]  }
0x254: {  	v12 =	vadd.s32 v2, v7;
	v9 =	vmov s19;
	v14 =	vld [tilespmem:s7+$0xFFFFFFB0]  }
0x255: {  	s21 =	simm.s32 $0x2;
	v6 =	vadd.s32 v3, v7;
	v17 =	vand.u32 $0x7D, v9;
	v7 =	vld [tilespmem:s7+$0xFFFFFFC0];
	v18 =	vadd.f32 v8, v5  }
0x256: {  	v19 =	vmov s21;
	v9 =	vld [tilespmem:s7+$0xFFFFFFD0];
	v8 =	vadd.s32 v2, v17;
	v63 =	vadd.f32 v10, v4  }
0x257: {  	s9 =	simm.s32 $0x55F0;
	s19 =	simm.s32 $0x7;
	v16 =	vadd.f32 v11, v5;
	v10 =	vadd.s32 v3, v17;
	v11 =	vld [tilespmem:s7+$0xFFFFFFE0];
	v17 =	vand.u32 $0x7E, v19;
	[tilespmem:v13+s8+$0x0] =	vst.idx.msk $0xffff, v18  }
0x258: {  	s18 =	simm.s32 $0x4;
	v19 =	vmov s19;
	s7 =	simm.s32 $0x8;
	v13 =	vld [tilespmem:s9+$0xFFFFFFF0];
	v18 =	vadd.f32 v15, v4;
	v15 =	vadd.s32 v2, v17;
	[tilespmem:v20+s8+$0x0] =	vst.idx.msk $0xffff, v63  }
.LBB2_17:
0x259: {  	p2 =	slt.u32 s7, $0x7C;
	v20 =	vld [tilespmem:s9+$0x0];
	v19 =	vand.u32 $0x7F, v19;
	[tilespmem:v12+s8+$0x0] =	vst.idx.msk $0xffff, v16;
	v12 =	vadd.f32 v14, v5;
	v16 =	vadd.s32 v3, v17  }
0x25a: {  	v14 =	vmov s18;
	v17 =	vld [tilespmem:s9+$0xFFFFFF90];
	v21 =	vadd.s32 v2, v19;
	[tilespmem:v6+s8+$0x0] =	vst.idx.msk $0xffff, v18;
	v6 =	vadd.f32 v7, v4  }
0x25b: {  	s19 =	sadd.s32 $0x1, s18;
	v7 =	vand.u32 $0x7C, v14;
	v22 =	vadd.s32 v3, v19;
	v18 =	vld [tilespmem:s9+$0xFFFFFFA0];
	[tilespmem:v8+s8+$0x0] =	vst.idx.msk $0xffff, v12;
	v8 =	vadd.f32 v9, v5  }
.Ltmp8:
0x25c: {  	v12 =	vadd.s32 v2, v7;
	v9 =	vmov s19;
	v14 =	vld [tilespmem:s9+$0xFFFFFFB0];
	[tilespmem:v10+s8+$0x0] =	vst.idx.msk $0xffff, v6;
	v10 =	vadd.f32 v11, v4;
	(pc) =	sbr.rel @p2 .LBB2_17-.Ltmp8, $4  }
0x25d: {  	s19 =	sadd.s32 $0x2, s18;
	s18 =	smov.u32 s7;
	v6 =	vadd.s32 v3, v7;
	v11 =	vand.u32 $0x7D, v9;
	v7 =	vld [tilespmem:s9+$0xFFFFFFC0];
	v13 =	vadd.f32 v13, v5;
	[tilespmem:v15+s8+$0x0] =	vst.idx.msk $0xffff, v8  }
0x25e: {  	v8 =	vadd.s32 v2, v11;
	v15 =	vmov s19;
	v9 =	vld [tilespmem:s9+$0xFFFFFFD0];
	v20 =	vadd.f32 v20, v4;
	[tilespmem:v16+s8+$0x0] =	vst.idx.msk $0xffff, v10  }
0x25f: {  	s19 =	sadd.s32 $0x3, s7;
	v10 =	vadd.s32 v3, v11;
	v16 =	vadd.f32 v17, v5;
	v11 =	vld [tilespmem:s9+$0xFFFFFFE0];
	v17 =	vand.u32 $0x7E, v15;
	[tilespmem:v21+s8+$0x0] =	vst.idx.msk $0xffff, v13;
	s9 =	sadd.s32 $0x80, s9  }
0x260: {  	s7 =	sadd.s32 $0x4, s7;
	v19 =	vmov s19;
	v13 =	vld [tilespmem:s9+$0xFFFFFFF0];
	v18 =	vadd.f32 v18, v4;
	v15 =	vadd.s32 v2, v17;
	[tilespmem:v22+s8+$0x0] =	vst.idx.msk $0xffff, v20  }
0x261: {  	_ =	sdelay $0x3  }
0x262: {  	v20 =	vld [tilespmem:s9+$0x0];
	v19 =	vand.u32 $0x7F, v19;
	[tilespmem:v12+s8+$0x0] =	vst.idx.msk $0xffff, v16;
	v41 =	vadd.f32 v14, v5;
	v42 =	vadd.s32 v3, v17  }
0x263: {  	v43 =	vmov s18;
	v44 =	vld [tilespmem:s9+$0xFFFFFF90];
	v21 =	vadd.s32 v2, v19;
	[tilespmem:v6+s8+$0x0] =	vst.idx.msk $0xffff, v18;
	v45 =	vadd.f32 v7, v4  }
0x264: {  	v46 =	vld [tilespmem:s9+$0xFFFFFFA0];
	s7 =	sadd.s32 $0x1, s18;
	v16 =	vand.u32 $0x7C, v43;
	v47 =	vadd.s32 v3, v19;
	[tilespmem:v8+s8+$0x0] =	vst.idx.msk $0xffff, v41;
	v48 =	vadd.f32 v9, v5  }
0x265: {  	v51 =	vld [tilespmem:s9+$0xFFFFFFB0];
	v49 =	vmov s7;
	v50 =	vadd.s32 v2, v16;
	[tilespmem:v10+s8+$0x0] =	vst.idx.msk $0xffff, v45;
	v52 =	vadd.f32 v11, v4  }
0x266: {  	v54 =	vld [tilespmem:s9+$0xFFFFFFC0];
	s18 =	sadd.s32 $0x2, s18;
	v53 =	vadd.s32 v3, v16;
	v9 =	vand.u32 $0x7D, v49;
	v13 =	vadd.f32 v13, v5;
	[tilespmem:v15+s8+$0x0] =	vst.idx.msk $0xffff, v48  }
0x267: {  	v57 =	vld [tilespmem:s9+$0xFFFFFFD0];
	v56 =	vmov s18;
	v55 =	vadd.s32 v2, v9;
	v20 =	vadd.f32 v20, v4;
	[tilespmem:v42+s8+$0x0] =	vst.idx.msk $0xffff, v52  }
0x268: {  	v59 =	vld [tilespmem:s9+$0xFFFFFFE0];
	v9 =	vadd.s32 v3, v9;
	v15 =	vand.u32 $0x7E, v56;
	v58 =	vadd.f32 v44, v5;
	[tilespmem:v21+s8+$0x0] =	vst.idx.msk $0xffff, v13  }
0x269: {  	v7 =	vadd.f32 v46, v4;
	v60 =	vadd.s32 v2, v15;
	[tilespmem:v47+s8+$0x0] =	vst.idx.msk $0xffff, v20  }
0x26a: {  	v61 =	vadd.f32 v51, v5;
	v62 =	vadd.s32 v3, v15;
	[tilespmem:v50+s8+$0x0] =	vst.idx.msk $0xffff, v58  }
0x26b: {  	v63 =	vadd.f32 v54, v4;
	[tilespmem:v53+s8+$0x0] =	vst.idx.msk $0xffff, v7  }
0x26c: {  	s0 =	sshll.u32 s0, $0x12;
	v5 =	vadd.f32 v57, v5;
	[tilespmem:v55+s8+$0x0] =	vst.idx.msk $0xffff, v61  }
0x26d: {  	s0 =	sor.u32 s12, s0;
	v4 =	vadd.f32 v59, v4;
	[tilespmem:v9+s8+$0x0] =	vst.idx.msk $0xffff, v63  }
0x26e: {  	s0 =	sshrl.u32 s0, $0x3;
	[tilespmem:v60+s8+$0x0] =	vst.idx.msk $0xffff, v5  }
0x26f: {  	s7 =	sadd.s32 s3, s0;
	[tilespmem:v62+s8+$0x0] =	vst.idx.msk $0xffff, v4  }
0x270: {  	[hbm4b:s7+s4] =	stream.linear.scatter [tilespmem:s8], [sflag:$0xD], $0x80, $0x38;
	[tilespmem:$0x16800] =	vst v63  }
0x271: {  	s21 =	simm.s32 $0xE988;
	s19 =	sadd.s32 $0x10, s7  }
0x272: {  	[hbm4b:s19+s4] =	stream.linear.scatter [tilespmem:s21], [sflag:$0xD], $0x80, $0x38;
	[tilespmem:$0x16800] =	vst v63  }
0x273: {  	s19 =	sadd.s32 $0x20, s7;
	s21 =	simm.s32 $0xEA10  }
0x274: {  	[hbm4b:s19+s4] =	stream.linear.scatter [tilespmem:s21], [sflag:$0xD], $0x80, $0x38;
	[tilespmem:$0x16800] =	vst v63  }
0x275: {  	s19 =	sadd.s32 $0x30, s7;
	s21 =	simm.s32 $0xEA98  }
0x276: {  	[hbm4b:s19+s4] =	stream.linear.scatter [tilespmem:s21], [sflag:$0xD], $0x80, $0x38;
	[tilespmem:$0x16800] =	vst v63  }
0x277: {  	s19 =	sadd.s32 $0x40, s7;
	s21 =	simm.s32 $0xEB20  }
0x278: {  	[hbm4b:s19+s4] =	stream.linear.scatter [tilespmem:s21], [sflag:$0xD], $0x80, $0x38;
	[tilespmem:$0x16800] =	vst v63  }
0x279: {  	s19 =	sadd.s32 $0x50, s7;
	s21 =	simm.s32 $0xEBA8  }
0x27a: {  	[hbm4b:s19+s4] =	stream.linear.scatter [tilespmem:s21], [sflag:$0xD], $0x80, $0x38;
	[tilespmem:$0x16800] =	vst v63  }
0x27b: {  	s18 =	sadd.s32 $0x60, s7;
	s19 =	simm.s32 $0xEC30  }
0x27c: {  	[hbm4b:s18+s4] =	stream.linear.scatter [tilespmem:s19], [sflag:$0xD], $0x80, $0x38;
	[tilespmem:$0x16800] =	vst v63  }
0x27d: {  	s7 =	sadd.s32 $0x70, s7;
	s21 =	simm.s32 $0xECB8  }
0x27e: {  	[hbm4b:s7+s4] =	stream.linear.scatter [tilespmem:s21], [sflag:$0xD], $0x80, $0x38;
	[tilespmem:$0x16800] =	vst v63  }
0x27f: {  	s18 =	simm.s32 $0xED40;
	s7 =	sadd.s32 s0, s13  }
0x280: {  	[hbm4b:s7+s4] =	stream.linear.scatter [tilespmem:s18], [sflag:$0xD], $0x80, $0x38;
	[tilespmem:$0x16800] =	vst v63  }
0x281: {  	s21 =	simm.s32 $0xEDC8;
	s19 =	sadd.s32 $0x10, s7  }
0x282: {  	[hbm4b:s19+s4] =	stream.linear.scatter [tilespmem:s21], [sflag:$0xD], $0x80, $0x38;
	[tilespmem:$0x16800] =	vst v63  }
0x283: {  	s19 =	sadd.s32 $0x20, s7;
	s21 =	simm.s32 $0xEE50  }
0x284: {  	[hbm4b:s19+s4] =	stream.linear.scatter [tilespmem:s21], [sflag:$0xD], $0x80, $0x38;
	[tilespmem:$0x16800] =	vst v63  }
0x285: {  	s19 =	sadd.s32 $0x30, s7;
	s21 =	simm.s32 $0xEED8  }
0x286: {  	[hbm4b:s19+s4] =	stream.linear.scatter [tilespmem:s21], [sflag:$0xD], $0x80, $0x38;
	[tilespmem:$0x16800] =	vst v63  }
0x287: {  	s19 =	sadd.s32 $0x40, s7;
	s21 =	simm.s32 $0xEF60  }
0x288: {  	[hbm4b:s19+s4] =	stream.linear.scatter [tilespmem:s21], [sflag:$0xD], $0x80, $0x38;
	[tilespmem:$0x16800] =	vst v63  }
0x289: {  	s19 =	sadd.s32 $0x50, s7;
	s21 =	simm.s32 $0xEFE8  }
0x28a: {  	[hbm4b:s19+s4] =	stream.linear.scatter [tilespmem:s21], [sflag:$0xD], $0x80, $0x38;
	[tilespmem:$0x16800] =	vst v63  }
0x28b: {  	s18 =	sadd.s32 $0x60, s7;
	s19 =	simm.s32 $0xF070  }
0x28c: {  	[hbm4b:s18+s4] =	stream.linear.scatter [tilespmem:s19], [sflag:$0xD], $0x80, $0x38;
	[tilespmem:$0x16800] =	vst v63  }
0x28d: {  	s7 =	sadd.s32 $0x70, s7;
	s21 =	simm.s32 $0xF0F8  }
0x28e: {  	[hbm4b:s7+s4] =	stream.linear.scatter [tilespmem:s21], [sflag:$0xD], $0x80, $0x38;
	[tilespmem:$0x16800] =	vst v63  }
0x28f: {  	s18 =	simm.s32 $0xF180;
	s7 =	sadd.s32 s0, s14  }
0x290: {  	[hbm4b:s7+s4] =	stream.linear.scatter [tilespmem:s18], [sflag:$0xD], $0x80, $0x38;
	[tilespmem:$0x16800] =	vst v63  }
0x291: {  	s21 =	simm.s32 $0xF208;
	s19 =	sadd.s32 $0x10, s7  }
0x292: {  	[hbm4b:s19+s4] =	stream.linear.scatter [tilespmem:s21], [sflag:$0xD], $0x80, $0x38;
	[tilespmem:$0x16800] =	vst v63  }
0x293: {  	s19 =	sadd.s32 $0x20, s7;
	s21 =	simm.s32 $0xF290  }
0x294: {  	[hbm4b:s19+s4] =	stream.linear.scatter [tilespmem:s21], [sflag:$0xD], $0x80, $0x38;
	[tilespmem:$0x16800] =	vst v63  }
0x295: {  	s19 =	sadd.s32 $0x30, s7;
	s21 =	simm.s32 $0xF318  }
0x296: {  	[hbm4b:s19+s4] =	stream.linear.scatter [tilespmem:s21], [sflag:$0xD], $0x80, $0x38;
	[tilespmem:$0x16800] =	vst v63  }
0x297: {  	s19 =	sadd.s32 $0x40, s7;
	s21 =	simm.s32 $0xF3A0  }
0x298: {  	[hbm4b:s19+s4] =	stream.linear.scatter [tilespmem:s21], [sflag:$0xD], $0x80, $0x38;
	[tilespmem:$0x16800] =	vst v63  }
0x299: {  	s19 =	sadd.s32 $0x50, s7;
	s21 =	simm.s32 $0xF428  }
0x29a: {  	[hbm4b:s19+s4] =	stream.linear.scatter [tilespmem:s21], [sflag:$0xD], $0x80, $0x38;
	[tilespmem:$0x16800] =	vst v63  }
0x29b: {  	s19 =	sadd.s32 $0x60, s7;
	s21 =	simm.s32 $0xF4B0  }
0x29c: {  	[hbm4b:s19+s4] =	stream.linear.scatter [tilespmem:s21], [sflag:$0xD], $0x80, $0x38;
	[tilespmem:$0x16800] =	vst v63  }
0x29d: {  	s7 =	sadd.s32 $0x70, s7;
	s19 =	simm.s32 $0xF538  }
0x29e: {  	[hbm4b:s7+s4] =	stream.linear.scatter [tilespmem:s19], [sflag:$0xD], $0x80, $0x38;
	[tilespmem:$0x16800] =	vst v63  }
0x29f: {  	s0 =	sadd.s32 s0, s15;
	s21 =	simm.s32 $0xF5C0  }
0x2a0: {  	[hbm4b:s0+s4] =	stream.linear.scatter [tilespmem:s21], [sflag:$0xD], $0x80, $0x38;
	[tilespmem:$0x16800] =	vst v63  }
0x2a1: {  	s9 =	sadd.s32 $0x10, s0;
	s18 =	simm.s32 $0xF648  }
0x2a2: {  	[hbm4b:s9+s4] =	stream.linear.scatter [tilespmem:s18], [sflag:$0xD], $0x80, $0x38;
	[tilespmem:$0x16800] =	vst v63  }
0x2a3: {  	s19 =	sadd.s32 $0x20, s0;
	s21 =	simm.s32 $0xF6D0  }
0x2a4: {  	[hbm4b:s19+s4] =	stream.linear.scatter [tilespmem:s21], [sflag:$0xD], $0x80, $0x38;
	[tilespmem:$0x16800] =	vst v63  }
0x2a5: {  	s9 =	sadd.s32 $0x30, s0;
	s18 =	simm.s32 $0xF758  }
0x2a6: {  	[hbm4b:s9+s4] =	stream.linear.scatter [tilespmem:s18], [sflag:$0xD], $0x80, $0x38;
	[tilespmem:$0x16800] =	vst v63  }
0x2a7: {  	s19 =	sadd.s32 $0x40, s0;
	s21 =	simm.s32 $0xF7E0  }
0x2a8: {  	[hbm4b:s19+s4] =	stream.linear.scatter [tilespmem:s21], [sflag:$0xD], $0x80, $0x38;
	[tilespmem:$0x16800] =	vst v63  }
0x2a9: {  	s9 =	sadd.s32 $0x50, s0;
	s18 =	simm.s32 $0xF868  }
0x2aa: {  	[hbm4b:s9+s4] =	stream.linear.scatter [tilespmem:s18], [sflag:$0xD], $0x80, $0x38;
	[tilespmem:$0x16800] =	vst v63  }
0x2ab: {  	s19 =	sadd.s32 $0x60, s0;
	s21 =	simm.s32 $0xF8F0  }
0x2ac: {  	[hbm4b:s19+s4] =	stream.linear.scatter [tilespmem:s21], [sflag:$0xD], $0x80, $0x38;
	[tilespmem:$0x16800] =	vst v63  }
0x2ad: {  	s16 =	sshll.u32 s16, $0x11;
	s0 =	sadd.s32 $0x70, s0;
	s9 =	simm.s32 $0xF978  }
0x2ae: {  	[hbm4b:s0+s4] =	stream.linear.scatter [tilespmem:s9], [sflag:$0xD], $0x80, $0x38;
	[tilespmem:$0x16800] =	vst v63  }
0x2af: {  	s0 =	sor.u32 s12, s16  }
0x2b0: {  	s0 =	sshrl.u32 s0, $0x3  }
0x2b1: {  	s18 =	simm.s32 $0xFA00;
	s7 =	sadd.s32 s3, s0  }
0x2b2: {  	[hbm4b:s7+s4] =	stream.linear.scatter [tilespmem:s18], [sflag:$0xD], $0x80, $0x38;
	[tilespmem:$0x16800] =	vst v63  }
0x2b3: {  	s21 =	simm.s32 $0xFA88;
	s19 =	sadd.s32 $0x10, s7  }
0x2b4: {  	[hbm4b:s19+s4] =	stream.linear.scatter [tilespmem:s21], [sflag:$0xD], $0x80, $0x38;
	[tilespmem:$0x16800] =	vst v63  }
0x2b5: {  	s16 =	sadd.s32 $0x20, s7;
	s18 =	simm.s32 $0xFB10  }
0x2b6: {  	[hbm4b:s16+s4] =	stream.linear.scatter [tilespmem:s18], [sflag:$0xD], $0x80, $0x38;
	[tilespmem:$0x16800] =	vst v63  }
0x2b7: {  	s19 =	sadd.s32 $0x30, s7;
	s21 =	simm.s32 $0xFB98  }
0x2b8: {  	[hbm4b:s19+s4] =	stream.linear.scatter [tilespmem:s21], [sflag:$0xD], $0x80, $0x38;
	[tilespmem:$0x16800] =	vst v63  }
0x2b9: {  	s16 =	sadd.s32 $0x40, s7;
	s18 =	simm.s32 $0xFC20  }
0x2ba: {  	[hbm4b:s16+s4] =	stream.linear.scatter [tilespmem:s18], [sflag:$0xD], $0x80, $0x38;
	[tilespmem:$0x16800] =	vst v63  }
0x2bb: {  	s19 =	sadd.s32 $0x50, s7;
	s21 =	simm.s32 $0xFCA8  }
0x2bc: {  	[hbm4b:s19+s4] =	stream.linear.scatter [tilespmem:s21], [sflag:$0xD], $0x80, $0x38;
	[tilespmem:$0x16800] =	vst v63  }
0x2bd: {  	s16 =	sadd.s32 $0x60, s7;
	s18 =	simm.s32 $0xFD30  }
0x2be: {  	[hbm4b:s16+s4] =	stream.linear.scatter [tilespmem:s18], [sflag:$0xD], $0x80, $0x38;
	[tilespmem:$0x16800] =	vst v63  }
0x2bf: {  	s7 =	sadd.s32 $0x70, s7;
	s19 =	simm.s32 $0xFDB8  }
0x2c0: {  	[hbm4b:s7+s4] =	stream.linear.scatter [tilespmem:s19], [sflag:$0xD], $0x80, $0x38;
	[tilespmem:$0x16800] =	vst v63  }
0x2c1: {  	s21 =	simm.s32 $0xFE40;
	s7 =	sadd.s32 s0, s13  }
0x2c2: {  	[hbm4b:s7+s4] =	stream.linear.scatter [tilespmem:s21], [sflag:$0xD], $0x80, $0x38;
	[tilespmem:$0x16800] =	vst v63  }
0x2c3: {  	s18 =	simm.s32 $0xFEC8;
	s16 =	sadd.s32 $0x10, s7  }
0x2c4: {  	[hbm4b:s16+s4] =	stream.linear.scatter [tilespmem:s18], [sflag:$0xD], $0x80, $0x38;
	[tilespmem:$0x16800] =	vst v63  }
0x2c5: {  	s19 =	sadd.s32 $0x20, s7;
	s21 =	simm.s32 $0xFF50  }
0x2c6: {  	[hbm4b:s19+s4] =	stream.linear.scatter [tilespmem:s21], [sflag:$0xD], $0x80, $0x38;
	[tilespmem:$0x16800] =	vst v63  }
0x2c7: {  	s16 =	sadd.s32 $0x30, s7;
	s18 =	simm.s32 $0xFFD8  }
0x2c8: {  	[hbm4b:s16+s4] =	stream.linear.scatter [tilespmem:s18], [sflag:$0xD], $0x80, $0x38;
	[tilespmem:$0x16800] =	vst v63  }
0x2c9: {  	s19 =	sadd.s32 $0x40, s7;
	s21 =	simm.s32 $0x10060  }
0x2ca: {  	[hbm4b:s19+s4] =	stream.linear.scatter [tilespmem:s21], [sflag:$0xD], $0x80, $0x38;
	[tilespmem:$0x16800] =	vst v63  }
0x2cb: {  	s16 =	sadd.s32 $0x50, s7;
	s18 =	simm.s32 $0x100E8  }
0x2cc: {  	[hbm4b:s16+s4] =	stream.linear.scatter [tilespmem:s18], [sflag:$0xD], $0x80, $0x38;
	[tilespmem:$0x16800] =	vst v63  }
0x2cd: {  	s19 =	sadd.s32 $0x60, s7;
	s21 =	simm.s32 $0x10170  }
0x2ce: {  	[hbm4b:s19+s4] =	stream.linear.scatter [tilespmem:s21], [sflag:$0xD], $0x80, $0x38;
	[tilespmem:$0x16800] =	vst v63  }
0x2cf: {  	s7 =	sadd.s32 $0x70, s7;
	s16 =	simm.s32 $0x101F8  }
0x2d0: {  	[hbm4b:s7+s4] =	stream.linear.scatter [tilespmem:s16], [sflag:$0xD], $0x80, $0x38;
	[tilespmem:$0x16800] =	vst v63  }
0x2d1: {  	s18 =	simm.s32 $0x10280;
	s7 =	sadd.s32 s0, s14  }
0x2d2: {  	[hbm4b:s7+s4] =	stream.linear.scatter [tilespmem:s18], [sflag:$0xD], $0x80, $0x38;
	[tilespmem:$0x16800] =	vst v63  }
0x2d3: {  	s21 =	simm.s32 $0x10308;
	s19 =	sadd.s32 $0x10, s7  }
0x2d4: {  	[hbm4b:s19+s4] =	stream.linear.scatter [tilespmem:s21], [sflag:$0xD], $0x80, $0x38;
	[tilespmem:$0x16800] =	vst v63  }
0x2d5: {  	s16 =	sadd.s32 $0x20, s7;
	s18 =	simm.s32 $0x10390  }
0x2d6: {  	[hbm4b:s16+s4] =	stream.linear.scatter [tilespmem:s18], [sflag:$0xD], $0x80, $0x38;
	[tilespmem:$0x16800] =	vst v63  }
0x2d7: {  	s19 =	sadd.s32 $0x30, s7;
	s21 =	simm.s32 $0x10418  }
0x2d8: {  	[hbm4b:s19+s4] =	stream.linear.scatter [tilespmem:s21], [sflag:$0xD], $0x80, $0x38;
	[tilespmem:$0x16800] =	vst v63  }
0x2d9: {  	s16 =	sadd.s32 $0x40, s7;
	s18 =	simm.s32 $0x104A0  }
0x2da: {  	[hbm4b:s16+s4] =	stream.linear.scatter [tilespmem:s18], [sflag:$0xD], $0x80, $0x38;
	[tilespmem:$0x16800] =	vst v63  }
0x2db: {  	s19 =	sadd.s32 $0x50, s7;
	s21 =	simm.s32 $0x10528  }
0x2dc: {  	[hbm4b:s19+s4] =	stream.linear.scatter [tilespmem:s21], [sflag:$0xD], $0x80, $0x38;
	[tilespmem:$0x16800] =	vst v63  }
0x2dd: {  	s18 =	sadd.s32 $0x60, s7;
	s19 =	simm.s32 $0x105B0  }
0x2de: {  	[hbm4b:s18+s4] =	stream.linear.scatter [tilespmem:s19], [sflag:$0xD], $0x80, $0x38;
	[tilespmem:$0x16800] =	vst v63  }
0x2df: {  	s7 =	sadd.s32 $0x70, s7;
	s21 =	simm.s32 $0x10638  }
0x2e0: {  	[hbm4b:s7+s4] =	stream.linear.scatter [tilespmem:s21], [sflag:$0xD], $0x80, $0x38;
	[tilespmem:$0x16800] =	vst v63  }
0x2e1: {  	s9 =	simm.s32 $0x106C0;
	s0 =	sadd.s32 s0, s15  }
0x2e2: {  	[hbm4b:s0+s4] =	stream.linear.scatter [tilespmem:s9], [sflag:$0xD], $0x80, $0x38;
	[tilespmem:$0x16800] =	vst v63  }
0x2e3: {  	s16 =	sadd.s32 $0x10, s0;
	s18 =	simm.s32 $0x10748  }
0x2e4: {  	[hbm4b:s16+s4] =	stream.linear.scatter [tilespmem:s18], [sflag:$0xD], $0x80, $0x38;
	[tilespmem:$0x16800] =	vst v63  }
0x2e5: {  	s19 =	sadd.s32 $0x20, s0;
	s21 =	simm.s32 $0x107D0  }
0x2e6: {  	[hbm4b:s19+s4] =	stream.linear.scatter [tilespmem:s21], [sflag:$0xD], $0x80, $0x38;
	[tilespmem:$0x16800] =	vst v63  }
0x2e7: {  	s16 =	sadd.s32 $0x30, s0;
	s18 =	simm.s32 $0x10858  }
0x2e8: {  	[hbm4b:s16+s4] =	stream.linear.scatter [tilespmem:s18], [sflag:$0xD], $0x80, $0x38;
	[tilespmem:$0x16800] =	vst v63  }
0x2e9: {  	s19 =	sadd.s32 $0x40, s0;
	s21 =	simm.s32 $0x108E0  }
0x2ea: {  	[hbm4b:s19+s4] =	stream.linear.scatter [tilespmem:s21], [sflag:$0xD], $0x80, $0x38;
	[tilespmem:$0x16800] =	vst v63  }
0x2eb: {  	s9 =	sadd.s32 $0x50, s0;
	s16 =	simm.s32 $0x10968  }
0x2ec: {  	[hbm4b:s9+s4] =	stream.linear.scatter [tilespmem:s16], [sflag:$0xD], $0x80, $0x38;
	[tilespmem:$0x16800] =	vst v63  }
.Ltmp9:
0x2ed: {  	_ = 	snop;
	(pc) =	sbr.rel @p1 .LBB2_20-.Ltmp9, $4  }
0x2ee: {  	s18 =	sadd.s32 $0x60, s0;
	s19 =	simm.s32 $0x109F0  }
0x2ef: {  	[hbm4b:s18+s4] =	stream.linear.scatter [tilespmem:s19], [sflag:$0xD], $0x80, $0x38;
	[tilespmem:$0x16800] =	vst v63  }
0x2f0: {  	s0 =	sadd.s32 $0x70, s0;
	s21 =	simm.s32 $0x10A78  }
0x2f1: {  	[hbm4b:s0+s4] =	stream.linear.scatter [tilespmem:s21], [sflag:$0xD], $0x80, $0x38;
	[tilespmem:$0x16800] =	vst v63  }
.Ltmp10:
0x2f2: {  	(pc) =	sbr.rel .LBB2_21-.Ltmp10, $4  }
0x2f3: {  	_ = 	snop  }
0x2f4: {  	_ =	swait.ge [sflag:s2], $0x2000  }
0x2f5: {  	[sflag:s2] =	ssyncset.done $0x0  }
0x2f6: {  	s19 =	simm.s32 $0x400;
	[sflag:s2] =	ssyncadd.s32 $0xFFFFE000  }
.LBB2_20:
0x2f7: {  	s0 =	rddreg [dreg:$0xc]  }
0x2f8: {  	s0 =	sadd.s32 s31, s0  }
0x2f9: {  	s0 =	sshrl.u32 s0, $0x3  }
0x2fa: {  	s7 =	simm.s32 $0x200;
	s19 =	simm.s32 $0x2;
	s0 =	sadd.s32 s1, s0  }
0x2fb: {  	[tilespmem:s7], [sflag:$0x3] =	stream.linear.gather [hbm4b:s0+s4], $0x100, $0x38;
	[tilespmem:$0x16800] =	vst v63  }
0x2fc: {  	_ =	swait.ge [sflag:s19], $0x100  }
0x2fd: {  	[sflag:s19] =	ssyncset.done $0x0  }
.Ltmp11:
0x2fe: {  	s21 =	simm.s32 $0x2500;
	[sflag:s19] =	ssyncadd.s32 $0xFFFFFF00;
	(pc) =	sbr.rel @p0 .LBB2_22-.Ltmp11, $4  }
0x2ff: {  	[tilespmem:s21], [sflag:$0x7] =	stream.indirect.gather [hbm4b:s6+s23], $0x20, s23, s23, $0xb8;
	[tilespmem:$0x16800] =	vst v63  }
0x300: {  	_ =	swait.ge [sflag:s2], $0x2000  }
0x301: {  	[sflag:s2] =	ssyncset.done $0x0  }
0x302: {  	s19 =	simm.s32 $0x400;
	[sflag:s2] =	ssyncadd.s32 $0xFFFFE000  }
.LBB2_21:
0x303: {  	_ =	swait.ge [sflag:s24], $0x400  }
0x304: {  	[sflag:s24] =	ssyncset.done $0x0  }
0x305: {  	[sflag:s24] =	ssyncadd.s32 $0xFFFFFC00  }
0x306: {  	_ =	swait.ge [sflag:s24], $0x400  }
0x307: {  	[sflag:s24] =	ssyncset.done $0x0  }
0x308: {  	[sflag:s24] =	ssyncadd.s32 $0xFFFFFC00  }
0x309: {  	_ =	swait.ge [sflag:s24], $0x400  }
0x30a: {  	[sflag:s24] =	ssyncset.done $0x0  }
0x30b: {  	[sflag:s24] =	ssyncadd.s32 $0xFFFFFC00  }
0x30c: {  	_ =	swait.ge [sflag:s24], $0x400  }
0x30d: {  	[sflag:s24] =	ssyncset.done $0x0  }
0x30e: {  	[sflag:s24] =	ssyncadd.s32 $0xFFFFFC00  }
0x30f: {  	_ =	swait.ge [sflag:s24], $0x400  }
0x310: {  	[sflag:s24] =	ssyncset.done $0x0  }
0x311: {  	[sflag:s24] =	ssyncadd.s32 $0xFFFFFC00  }
0x312: {  	_ =	swait.ge [sflag:s24], $0x400  }
0x313: {  	[sflag:s24] =	ssyncset.done $0x0  }
0x314: {  	[sflag:s24] =	ssyncadd.s32 $0xFFFFFC00  }
0x315: {  	_ =	swait.ge [sflag:s24], $0x400  }
0x316: {  	[sflag:s24] =	ssyncset.done $0x0  }
0x317: {  	[sflag:s24] =	ssyncadd.s32 $0xFFFFFC00  }
0x318: {  	_ =	swait.ge [sflag:s24], $0x400  }
0x319: {  	[sflag:s24] =	ssyncset.done $0x0  }
0x31a: {  	[sflag:s24] =	ssyncadd.s32 $0xFFFFFC00  }
.LBB2_22:
0x31b: {  	s0 =	sshll.u32 s5, $0x6  }
0x31c: {  	s0 =	sand.u32 $0x3FFFFFC0, s0  }
0x31d: {  	v5 =	vld [tilespmem:s0+$0x14F00]  }
0x31e: {  	s7 =	simm.s32 $0x3;
	v4 =	vld [tilespmem:s0+$0x14F10];
	s0 =	simm.s32 $0x6540  }
0x31f: {  	v6 =	vmov s7;
	v8 =	vld [tilespmem:s0+$0x20]  }
0x320: {  	s9 =	simm.s32 $0x0;
	v6 =	vand.u32 $0x7F, v6;
	v10 =	vld [tilespmem:s0+$0x30]  }
0x321: {  	v7 =	vmov s9;
	v11 =	vld [tilespmem:s0+$0xFFFFFFC0];
	v13 =	vadd.s32 v0, v6  }
0x322: {  	s16 =	simm.s32 $0x1;
	v7 =	vand.u32 $0x7C, v7;
	v15 =	vld [tilespmem:s0+$0xFFFFFFD0];
	v20 =	vadd.s32 v1, v6  }
0x323: {  	v9 =	vmov s16;
	v12 =	vadd.s32 v0, v7;
	v14 =	vld [tilespmem:s0+$0xFFFFFFE0]  }
0x324: {  	s18 =	simm.s32 $0x2;
	v17 =	vand.u32 $0x7D, v9;
	v6 =	vadd.s32 v1, v7;
	v7 =	vld [tilespmem:s0+$0xFFFFFFF0];
	v18 =	vadd.f32 v8, v5  }
0x325: {  	v19 =	vmov s18;
	v9 =	vld [tilespmem:s0+$0x0];
	v8 =	vadd.s32 v0, v17;
	v21 =	vadd.f32 v10, v4  }
0x326: {  	s21 =	simm.s32 $0x7;
	v16 =	vadd.f32 v11, v5;
	v10 =	vadd.s32 v1, v17;
	v11 =	vld [tilespmem:s0+$0x10];
	v17 =	vand.u32 $0x7E, v19;
	s0 =	simm.s32 $0x65C0;
	[tilespmem:v13+s17+$0x0] =	vst.idx.msk $0xffff, v18  }
0x327: {  	s9 =	simm.s32 $0x4;
	s7 =	simm.s32 $0x8;
	v19 =	vmov s21;
	v13 =	vld [tilespmem:s0+$0x20];
	v18 =	vadd.f32 v15, v4;
	v15 =	vadd.s32 v0, v17;
	[tilespmem:v20+s17+$0x0] =	vst.idx.msk $0xffff, v21  }
.LBB2_23:
0x328: {  	p2 =	slt.u32 s7, $0x7C;
	v20 =	vld [tilespmem:s0+$0x30];
	v19 =	vand.u32 $0x7F, v19;
	[tilespmem:v12+s17+$0x0] =	vst.idx.msk $0xffff, v16;
	v12 =	vadd.f32 v14, v5;
	v16 =	vadd.s32 v1, v17  }
0x329: {  	v14 =	vmov s9;
	v17 =	vld [tilespmem:s0+$0xFFFFFFC0];
	v21 =	vadd.s32 v0, v19;
	[tilespmem:v6+s17+$0x0] =	vst.idx.msk $0xffff, v18;
	v6 =	vadd.f32 v7, v4  }
0x32a: {  	s16 =	sadd.s32 $0x1, s9;
	v7 =	vand.u32 $0x7C, v14;
	v22 =	vadd.s32 v1, v19;
	v18 =	vld [tilespmem:s0+$0xFFFFFFD0];
	[tilespmem:v8+s17+$0x0] =	vst.idx.msk $0xffff, v12;
	v8 =	vadd.f32 v9, v5  }
.Ltmp12:
0x32b: {  	v12 =	vadd.s32 v0, v7;
	v9 =	vmov s16;
	v14 =	vld [tilespmem:s0+$0xFFFFFFE0];
	[tilespmem:v10+s17+$0x0] =	vst.idx.msk $0xffff, v6;
	v10 =	vadd.f32 v11, v4;
	(pc) =	sbr.rel @p2 .LBB2_23-.Ltmp12, $4  }
0x32c: {  	s16 =	sadd.s32 $0x2, s9;
	s9 =	smov.u32 s7;
	v6 =	vadd.s32 v1, v7;
	v11 =	vand.u32 $0x7D, v9;
	v7 =	vld [tilespmem:s0+$0xFFFFFFF0];
	v13 =	vadd.f32 v13, v5;
	[tilespmem:v15+s17+$0x0] =	vst.idx.msk $0xffff, v8  }
0x32d: {  	v8 =	vadd.s32 v0, v11;
	v15 =	vmov s16;
	v9 =	vld [tilespmem:s0+$0x0];
	v20 =	vadd.f32 v20, v4;
	[tilespmem:v16+s17+$0x0] =	vst.idx.msk $0xffff, v10  }
0x32e: {  	s16 =	sadd.s32 $0x3, s7;
	v10 =	vadd.s32 v1, v11;
	v16 =	vadd.f32 v17, v5;
	v11 =	vld [tilespmem:s0+$0x10];
	v17 =	vand.u32 $0x7E, v15;
	[tilespmem:v21+s17+$0x0] =	vst.idx.msk $0xffff, v13;
	s0 =	sadd.s32 $0x80, s0  }
0x32f: {  	s7 =	sadd.s32 $0x4, s7;
	v19 =	vmov s16;
	v13 =	vld [tilespmem:s0+$0x20];
	v18 =	vadd.f32 v18, v4;
	v15 =	vadd.s32 v0, v17;
	[tilespmem:v22+s17+$0x0] =	vst.idx.msk $0xffff, v20  }
0x330: {  	_ =	sdelay $0x3  }
0x331: {  	v20 =	vld [tilespmem:s0+$0x30];
	v19 =	vand.u32 $0x7F, v19;
	[tilespmem:v12+s17+$0x0] =	vst.idx.msk $0xffff, v16;
	v12 =	vadd.f32 v14, v5;
	v14 =	vadd.s32 v1, v17  }
0x332: {  	v16 =	vmov s9;
	v17 =	vld [tilespmem:s0+$0xFFFFFFC0];
	v21 =	vadd.s32 v0, v19;
	[tilespmem:v6+s17+$0x0] =	vst.idx.msk $0xffff, v18;
	v6 =	vadd.f32 v7, v4  }
0x333: {  	s7 =	sadd.s32 $0x1, s9;
	v7 =	vld [tilespmem:s0+$0xFFFFFFD0];
	v16 =	vand.u32 $0x7C, v16;
	v18 =	vadd.s32 v1, v19;
	[tilespmem:v8+s17+$0x0] =	vst.idx.msk $0xffff, v12;
	v8 =	vadd.f32 v9, v5  }
0x334: {  	v19 =	vld [tilespmem:s0+$0xFFFFFFE0];
	v9 =	vadd.s32 v0, v16;
	v12 =	vmov s7;
	[tilespmem:v10+s17+$0x0] =	vst.idx.msk $0xffff, v6;
	v6 =	vadd.f32 v11, v4  }
0x335: {  	s16 =	sadd.s32 $0x2, s9;
	v10 =	vadd.s32 v1, v16;
	v11 =	vld [tilespmem:s0+$0xFFFFFFF0];
	v12 =	vand.u32 $0x7D, v12;
	v13 =	vadd.f32 v13, v5;
	[tilespmem:v15+s17+$0x0] =	vst.idx.msk $0xffff, v8  }
0x336: {  	v16 =	vld [tilespmem:s0+$0x0];
	v8 =	vadd.s32 v0, v12;
	v15 =	vmov s16;
	v20 =	vadd.f32 v20, v4;
	[tilespmem:v14+s17+$0x0] =	vst.idx.msk $0xffff, v6  }
0x337: {  	v12 =	vadd.s32 v1, v12;
	v6 =	vadd.f32 v17, v5;
	v14 =	vld [tilespmem:s0+$0x10];
	v15 =	vand.u32 $0x7E, v15;
	[tilespmem:v21+s17+$0x0] =	vst.idx.msk $0xffff, v13  }
0x338: {  	v7 =	vadd.f32 v7, v4;
	v13 =	vadd.s32 v0, v15;
	[tilespmem:v18+s17+$0x0] =	vst.idx.msk $0xffff, v20  }
0x339: {  	[tilespmem:v9+s17+$0x0] =	vst.idx.msk $0xffff, v6;
	v6 =	vadd.f32 v19, v5;
	v9 =	vadd.s32 v1, v15  }
0x33a: {  	[tilespmem:v10+s17+$0x0] =	vst.idx.msk $0xffff, v7;
	v7 =	vadd.f32 v11, v4  }
0x33b: {  	v5 =	vadd.f32 v16, v5;
	[tilespmem:v8+s17+$0x0] =	vst.idx.msk $0xffff, v6  }
0x33c: {  	s0 =	sshllo.u32 s5, $0x1;
	[tilespmem:v12+s17+$0x0] =	vst.idx.msk $0xffff, v7;
	v4 =	vadd.f32 v14, v4  }
0x33d: {  	s18 =	sshll.u32 s0, $0x5;
	[tilespmem:v13+s17+$0x0] =	vst.idx.msk $0xffff, v5  }
0x33e: {  	s7 =	sand.u32 $0x3FFFFFE0, s18;
	[tilespmem:v9+s17+$0x0] =	vst.idx.msk $0xffff, v4  }
0x33f: {  	v5 =	vld [tilespmem:s7+$0x14F00]  }
0x340: {  	s21 =	simm.s32 $0x3;
	v4 =	vld [tilespmem:s7+$0x14F10];
	s7 =	simm.s32 $0x7570  }
0x341: {  	v6 =	vmov s21;
	v8 =	vld [tilespmem:s7+$0xFFFFFFF0]  }
0x342: {  	s16 =	simm.s32 $0x0;
	v6 =	vand.u32 $0x7F, v6;
	v10 =	vld [tilespmem:s7+$0x0]  }
0x343: {  	v7 =	vmov s16;
	v13 =	vadd.s32 v2, v6;
	v11 =	vld [tilespmem:s7+$0xFFFFFF90]  }
0x344: {  	s18 =	simm.s32 $0x1;
	v7 =	vand.u32 $0x7C, v7;
	v20 =	vadd.s32 v3, v6;
	v15 =	vld [tilespmem:s7+$0xFFFFFFA0]  }
0x345: {  	v12 =	vadd.s32 v2, v7;
	v9 =	vmov s18;
	v14 =	vld [tilespmem:s7+$0xFFFFFFB0]  }
0x346: {  	s21 =	simm.s32 $0x2;
	v6 =	vadd.s32 v3, v7;
	v17 =	vand.u32 $0x7D, v9;
	v7 =	vld [tilespmem:s7+$0xFFFFFFC0];
	v18 =	vadd.f32 v8, v5  }
0x347: {  	v19 =	vmov s21;
	v9 =	vld [tilespmem:s7+$0xFFFFFFD0];
	v8 =	vadd.s32 v2, v17;
	v63 =	vadd.f32 v10, v4  }
0x348: {  	s9 =	simm.s32 $0x75F0;
	s18 =	simm.s32 $0x7;
	v16 =	vadd.f32 v11, v5;
	v10 =	vadd.s32 v3, v17;
	v11 =	vld [tilespmem:s7+$0xFFFFFFE0];
	v17 =	vand.u32 $0x7E, v19;
	[tilespmem:v13+s17+$0x0] =	vst.idx.msk $0xffff, v18  }
0x349: {  	s16 =	simm.s32 $0x4;
	v19 =	vmov s18;
	s7 =	simm.s32 $0x8;
	v13 =	vld [tilespmem:s9+$0xFFFFFFF0];
	v18 =	vadd.f32 v15, v4;
	v15 =	vadd.s32 v2, v17;
	[tilespmem:v20+s17+$0x0] =	vst.idx.msk $0xffff, v63  }
.LBB2_25:
0x34a: {  	p2 =	slt.u32 s7, $0x7C;
	v20 =	vld [tilespmem:s9+$0x0];
	v19 =	vand.u32 $0x7F, v19;
	[tilespmem:v12+s17+$0x0] =	vst.idx.msk $0xffff, v16;
	v12 =	vadd.f32 v14, v5;
	v16 =	vadd.s32 v3, v17  }
0x34b: {  	v14 =	vmov s16;
	v17 =	vld [tilespmem:s9+$0xFFFFFF90];
	v21 =	vadd.s32 v2, v19;
	[tilespmem:v6+s17+$0x0] =	vst.idx.msk $0xffff, v18;
	v6 =	vadd.f32 v7, v4  }
0x34c: {  	s18 =	sadd.s32 $0x1, s16;
	v7 =	vand.u32 $0x7C, v14;
	v22 =	vadd.s32 v3, v19;
	v18 =	vld [tilespmem:s9+$0xFFFFFFA0];
	[tilespmem:v8+s17+$0x0] =	vst.idx.msk $0xffff, v12;
	v8 =	vadd.f32 v9, v5  }
.Ltmp13:
0x34d: {  	v12 =	vadd.s32 v2, v7;
	v9 =	vmov s18;
	v14 =	vld [tilespmem:s9+$0xFFFFFFB0];
	[tilespmem:v10+s17+$0x0] =	vst.idx.msk $0xffff, v6;
	v10 =	vadd.f32 v11, v4;
	(pc) =	sbr.rel @p2 .LBB2_25-.Ltmp13, $4  }
0x34e: {  	s18 =	sadd.s32 $0x2, s16;
	s16 =	smov.u32 s7;
	v6 =	vadd.s32 v3, v7;
	v11 =	vand.u32 $0x7D, v9;
	v7 =	vld [tilespmem:s9+$0xFFFFFFC0];
	v13 =	vadd.f32 v13, v5;
	[tilespmem:v15+s17+$0x0] =	vst.idx.msk $0xffff, v8  }
0x34f: {  	v8 =	vadd.s32 v2, v11;
	v15 =	vmov s18;
	v9 =	vld [tilespmem:s9+$0xFFFFFFD0];
	v20 =	vadd.f32 v20, v4;
	[tilespmem:v16+s17+$0x0] =	vst.idx.msk $0xffff, v10  }
0x350: {  	s18 =	sadd.s32 $0x3, s7;
	v10 =	vadd.s32 v3, v11;
	v16 =	vadd.f32 v17, v5;
	v11 =	vld [tilespmem:s9+$0xFFFFFFE0];
	v17 =	vand.u32 $0x7E, v15;
	[tilespmem:v21+s17+$0x0] =	vst.idx.msk $0xffff, v13;
	s9 =	sadd.s32 $0x80, s9  }
0x351: {  	s7 =	sadd.s32 $0x4, s7;
	v19 =	vmov s18;
	v13 =	vld [tilespmem:s9+$0xFFFFFFF0];
	v18 =	vadd.f32 v18, v4;
	v15 =	vadd.s32 v2, v17;
	[tilespmem:v22+s17+$0x0] =	vst.idx.msk $0xffff, v20  }
0x352: {  	_ =	sdelay $0x3  }
0x353: {  	v20 =	vld [tilespmem:s9+$0x0];
	v19 =	vand.u32 $0x7F, v19;
	[tilespmem:v12+s17+$0x0] =	vst.idx.msk $0xffff, v16;
	v41 =	vadd.f32 v14, v5;
	v42 =	vadd.s32 v3, v17  }
0x354: {  	v43 =	vmov s16;
	v44 =	vld [tilespmem:s9+$0xFFFFFF90];
	v21 =	vadd.s32 v2, v19;
	[tilespmem:v6+s17+$0x0] =	vst.idx.msk $0xffff, v18;
	v45 =	vadd.f32 v7, v4  }
0x355: {  	v46 =	vld [tilespmem:s9+$0xFFFFFFA0];
	s7 =	sadd.s32 $0x1, s16;
	v16 =	vand.u32 $0x7C, v43;
	v47 =	vadd.s32 v3, v19;
	[tilespmem:v8+s17+$0x0] =	vst.idx.msk $0xffff, v41;
	v48 =	vadd.f32 v9, v5  }
0x356: {  	v51 =	vld [tilespmem:s9+$0xFFFFFFB0];
	v49 =	vmov s7;
	v50 =	vadd.s32 v2, v16;
	[tilespmem:v10+s17+$0x0] =	vst.idx.msk $0xffff, v45;
	v52 =	vadd.f32 v11, v4  }
0x357: {  	v54 =	vld [tilespmem:s9+$0xFFFFFFC0];
	s16 =	sadd.s32 $0x2, s16;
	v53 =	vadd.s32 v3, v16;
	v9 =	vand.u32 $0x7D, v49;
	v13 =	vadd.f32 v13, v5;
	[tilespmem:v15+s17+$0x0] =	vst.idx.msk $0xffff, v48  }
0x358: {  	v57 =	vld [tilespmem:s9+$0xFFFFFFD0];
	v56 =	vmov s16;
	v55 =	vadd.s32 v2, v9;
	v20 =	vadd.f32 v20, v4;
	[tilespmem:v42+s17+$0x0] =	vst.idx.msk $0xffff, v52  }
0x359: {  	v59 =	vld [tilespmem:s9+$0xFFFFFFE0];
	v9 =	vadd.s32 v3, v9;
	v15 =	vand.u32 $0x7E, v56;
	v58 =	vadd.f32 v44, v5;
	[tilespmem:v21+s17+$0x0] =	vst.idx.msk $0xffff, v13  }
0x35a: {  	v7 =	vadd.f32 v46, v4;
	v60 =	vadd.s32 v2, v15;
	[tilespmem:v47+s17+$0x0] =	vst.idx.msk $0xffff, v20  }
0x35b: {  	v61 =	vadd.f32 v51, v5;
	v62 =	vadd.s32 v3, v15;
	[tilespmem:v50+s17+$0x0] =	vst.idx.msk $0xffff, v58  }
0x35c: {  	v63 =	vadd.f32 v54, v4;
	[tilespmem:v53+s17+$0x0] =	vst.idx.msk $0xffff, v7  }
0x35d: {  	s5 =	sshll.u32 s5, $0x12;
	v5 =	vadd.f32 v57, v5;
	[tilespmem:v55+s17+$0x0] =	vst.idx.msk $0xffff, v61  }
0x35e: {  	s5 =	sor.u32 s12, s5;
	v4 =	vadd.f32 v59, v4;
	[tilespmem:v9+s17+$0x0] =	vst.idx.msk $0xffff, v63  }
0x35f: {  	s5 =	sshrl.u32 s5, $0x3;
	[tilespmem:v60+s17+$0x0] =	vst.idx.msk $0xffff, v5  }
0x360: {  	s7 =	sadd.s32 s3, s5;
	[tilespmem:v62+s17+$0x0] =	vst.idx.msk $0xffff, v4  }
0x361: {  	[hbm4b:s7+s4] =	stream.linear.scatter [tilespmem:s17], [sflag:$0xE], $0x80, $0x38;
	[tilespmem:$0x16800] =	vst v63  }
0x362: {  	s21 =	simm.s32 $0x10B88;
	s18 =	sadd.s32 $0x10, s7  }
0x363: {  	[hbm4b:s18+s4] =	stream.linear.scatter [tilespmem:s21], [sflag:$0xE], $0x80, $0x38;
	[tilespmem:$0x16800] =	vst v63  }
0x364: {  	s18 =	sadd.s32 $0x20, s7;
	s21 =	simm.s32 $0x10C10  }
0x365: {  	[hbm4b:s18+s4] =	stream.linear.scatter [tilespmem:s21], [sflag:$0xE], $0x80, $0x38;
	[tilespmem:$0x16800] =	vst v63  }
0x366: {  	s18 =	sadd.s32 $0x30, s7;
	s21 =	simm.s32 $0x10C98  }
0x367: {  	[hbm4b:s18+s4] =	stream.linear.scatter [tilespmem:s21], [sflag:$0xE], $0x80, $0x38;
	[tilespmem:$0x16800] =	vst v63  }
0x368: {  	s18 =	sadd.s32 $0x40, s7;
	s21 =	simm.s32 $0x10D20  }
0x369: {  	[hbm4b:s18+s4] =	stream.linear.scatter [tilespmem:s21], [sflag:$0xE], $0x80, $0x38;
	[tilespmem:$0x16800] =	vst v63  }
0x36a: {  	s18 =	sadd.s32 $0x50, s7;
	s21 =	simm.s32 $0x10DA8  }
0x36b: {  	[hbm4b:s18+s4] =	stream.linear.scatter [tilespmem:s21], [sflag:$0xE], $0x80, $0x38;
	[tilespmem:$0x16800] =	vst v63  }
0x36c: {  	s16 =	sadd.s32 $0x60, s7;
	s18 =	simm.s32 $0x10E30  }
0x36d: {  	[hbm4b:s16+s4] =	stream.linear.scatter [tilespmem:s18], [sflag:$0xE], $0x80, $0x38;
	[tilespmem:$0x16800] =	vst v63  }
0x36e: {  	s7 =	sadd.s32 $0x70, s7;
	s21 =	simm.s32 $0x10EB8  }
0x36f: {  	[hbm4b:s7+s4] =	stream.linear.scatter [tilespmem:s21], [sflag:$0xE], $0x80, $0x38;
	[tilespmem:$0x16800] =	vst v63  }
0x370: {  	s16 =	simm.s32 $0x10F40;
	s7 =	sadd.s32 s5, s13  }
0x371: {  	[hbm4b:s7+s4] =	stream.linear.scatter [tilespmem:s16], [sflag:$0xE], $0x80, $0x38;
	[tilespmem:$0x16800] =	vst v63  }
0x372: {  	s21 =	simm.s32 $0x10FC8;
	s18 =	sadd.s32 $0x10, s7  }
0x373: {  	[hbm4b:s18+s4] =	stream.linear.scatter [tilespmem:s21], [sflag:$0xE], $0x80, $0x38;
	[tilespmem:$0x16800] =	vst v63  }
0x374: {  	s18 =	sadd.s32 $0x20, s7;
	s21 =	simm.s32 $0x11050  }
0x375: {  	[hbm4b:s18+s4] =	stream.linear.scatter [tilespmem:s21], [sflag:$0xE], $0x80, $0x38;
	[tilespmem:$0x16800] =	vst v63  }
0x376: {  	s18 =	sadd.s32 $0x30, s7;
	s21 =	simm.s32 $0x110D8  }
0x377: {  	[hbm4b:s18+s4] =	stream.linear.scatter [tilespmem:s21], [sflag:$0xE], $0x80, $0x38;
	[tilespmem:$0x16800] =	vst v63  }
0x378: {  	s18 =	sadd.s32 $0x40, s7;
	s21 =	simm.s32 $0x11160  }
0x379: {  	[hbm4b:s18+s4] =	stream.linear.scatter [tilespmem:s21], [sflag:$0xE], $0x80, $0x38;
	[tilespmem:$0x16800] =	vst v63  }
0x37a: {  	s18 =	sadd.s32 $0x50, s7;
	s21 =	simm.s32 $0x111E8  }
0x37b: {  	[hbm4b:s18+s4] =	stream.linear.scatter [tilespmem:s21], [sflag:$0xE], $0x80, $0x38;
	[tilespmem:$0x16800] =	vst v63  }
0x37c: {  	s16 =	sadd.s32 $0x60, s7;
	s18 =	simm.s32 $0x11270  }
0x37d: {  	[hbm4b:s16+s4] =	stream.linear.scatter [tilespmem:s18], [sflag:$0xE], $0x80, $0x38;
	[tilespmem:$0x16800] =	vst v63  }
0x37e: {  	s7 =	sadd.s32 $0x70, s7;
	s21 =	simm.s32 $0x112F8  }
0x37f: {  	[hbm4b:s7+s4] =	stream.linear.scatter [tilespmem:s21], [sflag:$0xE], $0x80, $0x38;
	[tilespmem:$0x16800] =	vst v63  }
0x380: {  	s16 =	simm.s32 $0x11380;
	s7 =	sadd.s32 s5, s14  }
0x381: {  	[hbm4b:s7+s4] =	stream.linear.scatter [tilespmem:s16], [sflag:$0xE], $0x80, $0x38;
	[tilespmem:$0x16800] =	vst v63  }
0x382: {  	s21 =	simm.s32 $0x11408;
	s18 =	sadd.s32 $0x10, s7  }
0x383: {  	[hbm4b:s18+s4] =	stream.linear.scatter [tilespmem:s21], [sflag:$0xE], $0x80, $0x38;
	[tilespmem:$0x16800] =	vst v63  }
0x384: {  	s18 =	sadd.s32 $0x20, s7;
	s21 =	simm.s32 $0x11490  }
0x385: {  	[hbm4b:s18+s4] =	stream.linear.scatter [tilespmem:s21], [sflag:$0xE], $0x80, $0x38;
	[tilespmem:$0x16800] =	vst v63  }
0x386: {  	s18 =	sadd.s32 $0x30, s7;
	s21 =	simm.s32 $0x11518  }
0x387: {  	[hbm4b:s18+s4] =	stream.linear.scatter [tilespmem:s21], [sflag:$0xE], $0x80, $0x38;
	[tilespmem:$0x16800] =	vst v63  }
0x388: {  	s18 =	sadd.s32 $0x40, s7;
	s21 =	simm.s32 $0x115A0  }
0x389: {  	[hbm4b:s18+s4] =	stream.linear.scatter [tilespmem:s21], [sflag:$0xE], $0x80, $0x38;
	[tilespmem:$0x16800] =	vst v63  }
0x38a: {  	s18 =	sadd.s32 $0x50, s7;
	s21 =	simm.s32 $0x11628  }
0x38b: {  	[hbm4b:s18+s4] =	stream.linear.scatter [tilespmem:s21], [sflag:$0xE], $0x80, $0x38;
	[tilespmem:$0x16800] =	vst v63  }
0x38c: {  	s18 =	sadd.s32 $0x60, s7;
	s21 =	simm.s32 $0x116B0  }
0x38d: {  	[hbm4b:s18+s4] =	stream.linear.scatter [tilespmem:s21], [sflag:$0xE], $0x80, $0x38;
	[tilespmem:$0x16800] =	vst v63  }
0x38e: {  	s7 =	sadd.s32 $0x70, s7;
	s18 =	simm.s32 $0x11738  }
0x38f: {  	[hbm4b:s7+s4] =	stream.linear.scatter [tilespmem:s18], [sflag:$0xE], $0x80, $0x38;
	[tilespmem:$0x16800] =	vst v63  }
0x390: {  	s5 =	sadd.s32 s5, s15;
	s21 =	simm.s32 $0x117C0  }
0x391: {  	[hbm4b:s5+s4] =	stream.linear.scatter [tilespmem:s21], [sflag:$0xE], $0x80, $0x38;
	[tilespmem:$0x16800] =	vst v63  }
0x392: {  	s9 =	sadd.s32 $0x10, s5;
	s16 =	simm.s32 $0x11848  }
0x393: {  	[hbm4b:s9+s4] =	stream.linear.scatter [tilespmem:s16], [sflag:$0xE], $0x80, $0x38;
	[tilespmem:$0x16800] =	vst v63  }
0x394: {  	s18 =	sadd.s32 $0x20, s5;
	s21 =	simm.s32 $0x118D0  }
0x395: {  	[hbm4b:s18+s4] =	stream.linear.scatter [tilespmem:s21], [sflag:$0xE], $0x80, $0x38;
	[tilespmem:$0x16800] =	vst v63  }
0x396: {  	s9 =	sadd.s32 $0x30, s5;
	s16 =	simm.s32 $0x11958  }
0x397: {  	[hbm4b:s9+s4] =	stream.linear.scatter [tilespmem:s16], [sflag:$0xE], $0x80, $0x38;
	[tilespmem:$0x16800] =	vst v63  }
0x398: {  	s18 =	sadd.s32 $0x40, s5;
	s21 =	simm.s32 $0x119E0  }
0x399: {  	[hbm4b:s18+s4] =	stream.linear.scatter [tilespmem:s21], [sflag:$0xE], $0x80, $0x38;
	[tilespmem:$0x16800] =	vst v63  }
0x39a: {  	s0 =	sshll.u32 s0, $0x11;
	s9 =	sadd.s32 $0x50, s5;
	s16 =	simm.s32 $0x11A68  }
0x39b: {  	[hbm4b:s9+s4] =	stream.linear.scatter [tilespmem:s16], [sflag:$0xE], $0x80, $0x38;
	[tilespmem:$0x16800] =	vst v63  }
0x39c: {  	s0 =	sor.u32 s12, s0;
	s18 =	sadd.s32 $0x60, s5;
	s21 =	simm.s32 $0x11AF0  }
0x39d: {  	[hbm4b:s18+s4] =	stream.linear.scatter [tilespmem:s21], [sflag:$0xE], $0x80, $0x38;
	[tilespmem:$0x16800] =	vst v63  }
0x39e: {  	s0 =	sshrl.u32 s0, $0x3;
	s5 =	sadd.s32 $0x70, s5;
	s9 =	simm.s32 $0x11B78  }
0x39f: {  	[hbm4b:s5+s4] =	stream.linear.scatter [tilespmem:s9], [sflag:$0xE], $0x80, $0x38;
	[tilespmem:$0x16800] =	vst v63  }
0x3a0: {  	s16 =	simm.s32 $0x11C00;
	s5 =	sadd.s32 s3, s0  }
0x3a1: {  	[hbm4b:s5+s4] =	stream.linear.scatter [tilespmem:s16], [sflag:$0xE], $0x80, $0x38;
	[tilespmem:$0x16800] =	vst v63  }
0x3a2: {  	s21 =	simm.s32 $0x11C88;
	s18 =	sadd.s32 $0x10, s5  }
0x3a3: {  	[hbm4b:s18+s4] =	stream.linear.scatter [tilespmem:s21], [sflag:$0xE], $0x80, $0x38;
	[tilespmem:$0x16800] =	vst v63  }
0x3a4: {  	s9 =	sadd.s32 $0x20, s5;
	s16 =	simm.s32 $0x11D10  }
0x3a5: {  	[hbm4b:s9+s4] =	stream.linear.scatter [tilespmem:s16], [sflag:$0xE], $0x80, $0x38;
	[tilespmem:$0x16800] =	vst v63  }
0x3a6: {  	s18 =	sadd.s32 $0x30, s5;
	s21 =	simm.s32 $0x11D98  }
0x3a7: {  	[hbm4b:s18+s4] =	stream.linear.scatter [tilespmem:s21], [sflag:$0xE], $0x80, $0x38;
	[tilespmem:$0x16800] =	vst v63  }
0x3a8: {  	s9 =	sadd.s32 $0x40, s5;
	s16 =	simm.s32 $0x11E20  }
0x3a9: {  	[hbm4b:s9+s4] =	stream.linear.scatter [tilespmem:s16], [sflag:$0xE], $0x80, $0x38;
	[tilespmem:$0x16800] =	vst v63  }
0x3aa: {  	s18 =	sadd.s32 $0x50, s5;
	s21 =	simm.s32 $0x11EA8  }
0x3ab: {  	[hbm4b:s18+s4] =	stream.linear.scatter [tilespmem:s21], [sflag:$0xE], $0x80, $0x38;
	[tilespmem:$0x16800] =	vst v63  }
0x3ac: {  	s9 =	sadd.s32 $0x60, s5;
	s16 =	simm.s32 $0x11F30  }
0x3ad: {  	[hbm4b:s9+s4] =	stream.linear.scatter [tilespmem:s16], [sflag:$0xE], $0x80, $0x38;
	[tilespmem:$0x16800] =	vst v63  }
0x3ae: {  	s5 =	sadd.s32 $0x70, s5;
	s18 =	simm.s32 $0x11FB8  }
0x3af: {  	[hbm4b:s5+s4] =	stream.linear.scatter [tilespmem:s18], [sflag:$0xE], $0x80, $0x38;
	[tilespmem:$0x16800] =	vst v63  }
0x3b0: {  	s21 =	simm.s32 $0x12040;
	s5 =	sadd.s32 s0, s13  }
0x3b1: {  	[hbm4b:s5+s4] =	stream.linear.scatter [tilespmem:s21], [sflag:$0xE], $0x80, $0x38;
	[tilespmem:$0x16800] =	vst v63  }
0x3b2: {  	s16 =	simm.s32 $0x120C8;
	s9 =	sadd.s32 $0x10, s5  }
0x3b3: {  	[hbm4b:s9+s4] =	stream.linear.scatter [tilespmem:s16], [sflag:$0xE], $0x80, $0x38;
	[tilespmem:$0x16800] =	vst v63  }
0x3b4: {  	s18 =	sadd.s32 $0x20, s5;
	s21 =	simm.s32 $0x12150  }
0x3b5: {  	[hbm4b:s18+s4] =	stream.linear.scatter [tilespmem:s21], [sflag:$0xE], $0x80, $0x38;
	[tilespmem:$0x16800] =	vst v63  }
0x3b6: {  	s9 =	sadd.s32 $0x30, s5;
	s16 =	simm.s32 $0x121D8  }
0x3b7: {  	[hbm4b:s9+s4] =	stream.linear.scatter [tilespmem:s16], [sflag:$0xE], $0x80, $0x38;
	[tilespmem:$0x16800] =	vst v63  }
0x3b8: {  	s18 =	sadd.s32 $0x40, s5;
	s21 =	simm.s32 $0x12260  }
0x3b9: {  	[hbm4b:s18+s4] =	stream.linear.scatter [tilespmem:s21], [sflag:$0xE], $0x80, $0x38;
	[tilespmem:$0x16800] =	vst v63  }
0x3ba: {  	s9 =	sadd.s32 $0x50, s5;
	s16 =	simm.s32 $0x122E8  }
0x3bb: {  	[hbm4b:s9+s4] =	stream.linear.scatter [tilespmem:s16], [sflag:$0xE], $0x80, $0x38;
	[tilespmem:$0x16800] =	vst v63  }
0x3bc: {  	s18 =	sadd.s32 $0x60, s5;
	s21 =	simm.s32 $0x12370  }
0x3bd: {  	[hbm4b:s18+s4] =	stream.linear.scatter [tilespmem:s21], [sflag:$0xE], $0x80, $0x38;
	[tilespmem:$0x16800] =	vst v63  }
0x3be: {  	s5 =	sadd.s32 $0x70, s5;
	s9 =	simm.s32 $0x123F8  }
0x3bf: {  	[hbm4b:s5+s4] =	stream.linear.scatter [tilespmem:s9], [sflag:$0xE], $0x80, $0x38;
	[tilespmem:$0x16800] =	vst v63  }
0x3c0: {  	s16 =	simm.s32 $0x12480;
	s5 =	sadd.s32 s0, s14  }
0x3c1: {  	[hbm4b:s5+s4] =	stream.linear.scatter [tilespmem:s16], [sflag:$0xE], $0x80, $0x38;
	[tilespmem:$0x16800] =	vst v63  }
0x3c2: {  	s21 =	simm.s32 $0x12508;
	s18 =	sadd.s32 $0x10, s5  }
0x3c3: {  	[hbm4b:s18+s4] =	stream.linear.scatter [tilespmem:s21], [sflag:$0xE], $0x80, $0x38;
	[tilespmem:$0x16800] =	vst v63  }
0x3c4: {  	s9 =	sadd.s32 $0x20, s5;
	s16 =	simm.s32 $0x12590  }
0x3c5: {  	[hbm4b:s9+s4] =	stream.linear.scatter [tilespmem:s16], [sflag:$0xE], $0x80, $0x38;
	[tilespmem:$0x16800] =	vst v63  }
0x3c6: {  	s18 =	sadd.s32 $0x30, s5;
	s21 =	simm.s32 $0x12618  }
0x3c7: {  	[hbm4b:s18+s4] =	stream.linear.scatter [tilespmem:s21], [sflag:$0xE], $0x80, $0x38;
	[tilespmem:$0x16800] =	vst v63  }
0x3c8: {  	s9 =	sadd.s32 $0x40, s5;
	s16 =	simm.s32 $0x126A0  }
0x3c9: {  	[hbm4b:s9+s4] =	stream.linear.scatter [tilespmem:s16], [sflag:$0xE], $0x80, $0x38;
	[tilespmem:$0x16800] =	vst v63  }
0x3ca: {  	s18 =	sadd.s32 $0x50, s5;
	s21 =	simm.s32 $0x12728  }
0x3cb: {  	[hbm4b:s18+s4] =	stream.linear.scatter [tilespmem:s21], [sflag:$0xE], $0x80, $0x38;
	[tilespmem:$0x16800] =	vst v63  }
0x3cc: {  	s16 =	sadd.s32 $0x60, s5;
	s18 =	simm.s32 $0x127B0  }
0x3cd: {  	[hbm4b:s16+s4] =	stream.linear.scatter [tilespmem:s18], [sflag:$0xE], $0x80, $0x38;
	[tilespmem:$0x16800] =	vst v63  }
0x3ce: {  	s5 =	sadd.s32 $0x70, s5;
	s21 =	simm.s32 $0x12838  }
0x3cf: {  	[hbm4b:s5+s4] =	stream.linear.scatter [tilespmem:s21], [sflag:$0xE], $0x80, $0x38;
	[tilespmem:$0x16800] =	vst v63  }
0x3d0: {  	s7 =	simm.s32 $0x128C0;
	s0 =	sadd.s32 s0, s15  }
0x3d1: {  	[hbm4b:s0+s4] =	stream.linear.scatter [tilespmem:s7], [sflag:$0xE], $0x80, $0x38;
	[tilespmem:$0x16800] =	vst v63  }
0x3d2: {  	s9 =	sadd.s32 $0x10, s0;
	s16 =	simm.s32 $0x12948  }
0x3d3: {  	[hbm4b:s9+s4] =	stream.linear.scatter [tilespmem:s16], [sflag:$0xE], $0x80, $0x38;
	[tilespmem:$0x16800] =	vst v63  }
0x3d4: {  	s18 =	sadd.s32 $0x20, s0;
	s21 =	simm.s32 $0x129D0  }
0x3d5: {  	[hbm4b:s18+s4] =	stream.linear.scatter [tilespmem:s21], [sflag:$0xE], $0x80, $0x38;
	[tilespmem:$0x16800] =	vst v63  }
0x3d6: {  	s9 =	sadd.s32 $0x30, s0;
	s16 =	simm.s32 $0x12A58  }
0x3d7: {  	[hbm4b:s9+s4] =	stream.linear.scatter [tilespmem:s16], [sflag:$0xE], $0x80, $0x38;
	[tilespmem:$0x16800] =	vst v63  }
0x3d8: {  	s18 =	sadd.s32 $0x40, s0;
	s21 =	simm.s32 $0x12AE0  }
0x3d9: {  	[hbm4b:s18+s4] =	stream.linear.scatter [tilespmem:s21], [sflag:$0xE], $0x80, $0x38;
	[tilespmem:$0x16800] =	vst v63  }
0x3da: {  	s7 =	sadd.s32 $0x50, s0;
	s9 =	simm.s32 $0x12B68  }
0x3db: {  	[hbm4b:s7+s4] =	stream.linear.scatter [tilespmem:s9], [sflag:$0xE], $0x80, $0x38;
	[tilespmem:$0x16800] =	vst v63  }
.Ltmp14:
0x3dc: {  	_ = 	snop;
	(pc) =	sbr.rel @p1 .LBB2_28-.Ltmp14, $4  }
0x3dd: {  	s16 =	sadd.s32 $0x60, s0;
	s18 =	simm.s32 $0x12BF0  }
0x3de: {  	[hbm4b:s16+s4] =	stream.linear.scatter [tilespmem:s18], [sflag:$0xE], $0x80, $0x38;
	[tilespmem:$0x16800] =	vst v63  }
0x3df: {  	s0 =	sadd.s32 $0x70, s0;
	s21 =	simm.s32 $0x12C78  }
0x3e0: {  	[hbm4b:s0+s4] =	stream.linear.scatter [tilespmem:s21], [sflag:$0xE], $0x80, $0x38;
	[tilespmem:$0x16800] =	vst v63  }
.Ltmp15:
0x3e1: {  	(pc) =	sbr.rel .LBB2_29-.Ltmp15, $4  }
0x3e2: {  	_ = 	snop  }
0x3e3: {  	_ =	swait.ge [sflag:s22], $0x2000  }
0x3e4: {  	[sflag:s22] =	ssyncset.done $0x0  }
0x3e5: {  	[sflag:s22] =	ssyncadd.s32 $0xFFFFE000  }
.LBB2_28:
0x3e6: {  	s0 =	rddreg [dreg:$0xd]  }
0x3e7: {  	s0 =	sadd.s32 s31, s0  }
0x3e8: {  	s0 =	sshrl.u32 s0, $0x3  }
0x3e9: {  	s5 =	simm.s32 $0x300;
	s18 =	simm.s32 $0x3;
	s0 =	sadd.s32 s1, s0  }
0x3ea: {  	[tilespmem:s5], [sflag:$0x4] =	stream.linear.gather [hbm4b:s0+s4], $0x100, $0x38;
	[tilespmem:$0x16800] =	vst v63  }
0x3eb: {  	_ =	swait.ge [sflag:s18], $0x100  }
0x3ec: {  	s21 =	simm.s32 $0x200;
	[sflag:s18] =	ssyncset.done $0x0  }
.Ltmp16:
0x3ed: {  	s31 =	simm.s32 $0x4500;
	[sflag:s18] =	ssyncadd.s32 $0xFFFFFF00;
	(pc) =	sbr.rel @p0 .LBB2_30-.Ltmp16, $4  }
0x3ee: {  	[tilespmem:s31], [sflag:$0x8] =	stream.indirect.gather [hbm4b:s6+s23], $0x20, s21, s23, $0xb8;
	[tilespmem:$0x16800] =	vst v63  }
0x3ef: {  	_ =	swait.ge [sflag:s22], $0x2000  }
0x3f0: {  	[sflag:s22] =	ssyncset.done $0x0  }
0x3f1: {  	[sflag:s22] =	ssyncadd.s32 $0xFFFFE000  }
.LBB2_29:
0x3f2: {  	_ =	swait.ge [sflag:s28], $0x400  }
0x3f3: {  	[sflag:s28] =	ssyncset.done $0x0  }
0x3f4: {  	[sflag:s28] =	ssyncadd.s32 $0xFFFFFC00  }
0x3f5: {  	_ =	swait.ge [sflag:s28], $0x400  }
0x3f6: {  	[sflag:s28] =	ssyncset.done $0x0  }
0x3f7: {  	[sflag:s28] =	ssyncadd.s32 $0xFFFFFC00  }
0x3f8: {  	_ =	swait.ge [sflag:s28], $0x400  }
0x3f9: {  	[sflag:s28] =	ssyncset.done $0x0  }
0x3fa: {  	[sflag:s28] =	ssyncadd.s32 $0xFFFFFC00  }
0x3fb: {  	_ =	swait.ge [sflag:s28], $0x400  }
0x3fc: {  	[sflag:s28] =	ssyncset.done $0x0  }
0x3fd: {  	[sflag:s28] =	ssyncadd.s32 $0xFFFFFC00  }
0x3fe: {  	_ =	swait.ge [sflag:s28], $0x400  }
0x3ff: {  	[sflag:s28] =	ssyncset.done $0x0  }
0x400: {  	[sflag:s28] =	ssyncadd.s32 $0xFFFFFC00  }
0x401: {  	_ =	swait.ge [sflag:s28], $0x400  }
0x402: {  	[sflag:s28] =	ssyncset.done $0x0  }
0x403: {  	[sflag:s28] =	ssyncadd.s32 $0xFFFFFC00  }
0x404: {  	_ =	swait.ge [sflag:s28], $0x400  }
0x405: {  	[sflag:s28] =	ssyncset.done $0x0  }
0x406: {  	[sflag:s28] =	ssyncadd.s32 $0xFFFFFC00  }
0x407: {  	_ =	swait.ge [sflag:s28], $0x400  }
0x408: {  	[sflag:s28] =	ssyncset.done $0x0  }
0x409: {  	[sflag:s28] =	ssyncadd.s32 $0xFFFFFC00  }
.LBB2_30:
0x40a: {  	s0 =	sshrl.u32 s29, $0x2  }
0x40b: {  	v5 =	vld [tilespmem:s0+$0x14F00]  }
0x40c: {  	s18 =	simm.s32 $0x8540;
	s5 =	simm.s32 $0x3;
	v4 =	vld [tilespmem:s0+$0x14F10]  }
0x40d: {  	v6 =	vmov s5;
	v8 =	vld [tilespmem:s18+$0x20]  }
0x40e: {  	s21 =	simm.s32 $0x0;
	v10 =	vld [tilespmem:s18+$0x30];
	v6 =	vand.u32 $0x7F, v6  }
0x40f: {  	v7 =	vmov s21;
	v11 =	vld [tilespmem:s18+$0xFFFFFFC0];
	v13 =	vadd.s32 v0, v6  }
0x410: {  	s29 =	simm.s32 $0x1;
	v15 =	vld [tilespmem:s18+$0xFFFFFFD0];
	v7 =	vand.u32 $0x7C, v7;
	v20 =	vadd.s32 v1, v6  }
0x411: {  	v9 =	vmov s29;
	v14 =	vld [tilespmem:s18+$0xFFFFFFE0];
	v12 =	vadd.s32 v0, v7  }
0x412: {  	s31 =	simm.s32 $0x2;
	v17 =	vand.u32 $0x7D, v9;
	v6 =	vadd.s32 v1, v7;
	v7 =	vld [tilespmem:s18+$0xFFFFFFF0];
	v18 =	vadd.f32 v8, v5  }
0x413: {  	v19 =	vmov s31;
	v9 =	vld [tilespmem:s18+$0x0];
	v8 =	vadd.s32 v0, v17;
	v21 =	vadd.f32 v10, v4  }
0x414: {  	s7 =	simm.s32 $0x7;
	s0 =	simm.s32 $0x85C0;
	v16 =	vadd.f32 v11, v5;
	v10 =	vadd.s32 v1, v17;
	v11 =	vld [tilespmem:s18+$0x10];
	v17 =	vand.u32 $0x7E, v19;
	[tilespmem:v13+s30+$0x0] =	vst.idx.msk $0xffff, v18  }
0x415: {  	s5 =	simm.s32 $0x4;
	v19 =	vmov s7;
	s7 =	simm.s32 $0x8;
	v13 =	vld [tilespmem:s0+$0x20];
	v18 =	vadd.f32 v15, v4;
	v15 =	vadd.s32 v0, v17;
	[tilespmem:v20+s30+$0x0] =	vst.idx.msk $0xffff, v21  }
.LBB2_31:
0x416: {  	p0 =	slt.u32 s7, $0x7C;
	v20 =	vld [tilespmem:s0+$0x30];
	v19 =	vand.u32 $0x7F, v19;
	[tilespmem:v12+s30+$0x0] =	vst.idx.msk $0xffff, v16;
	v12 =	vadd.f32 v14, v5;
	v16 =	vadd.s32 v1, v17  }
0x417: {  	v14 =	vmov s5;
	v17 =	vld [tilespmem:s0+$0xFFFFFFC0];
	v21 =	vadd.s32 v0, v19;
	[tilespmem:v6+s30+$0x0] =	vst.idx.msk $0xffff, v18;
	v6 =	vadd.f32 v7, v4  }
0x418: {  	s9 =	sadd.s32 $0x1, s5;
	v7 =	vand.u32 $0x7C, v14;
	v22 =	vadd.s32 v1, v19;
	v18 =	vld [tilespmem:s0+$0xFFFFFFD0];
	[tilespmem:v8+s30+$0x0] =	vst.idx.msk $0xffff, v12;
	v8 =	vadd.f32 v9, v5  }
.Ltmp17:
0x419: {  	v12 =	vadd.s32 v0, v7;
	v9 =	vmov s9;
	v14 =	vld [tilespmem:s0+$0xFFFFFFE0];
	[tilespmem:v10+s30+$0x0] =	vst.idx.msk $0xffff, v6;
	v10 =	vadd.f32 v11, v4;
	(pc) =	sbr.rel @p0 .LBB2_31-.Ltmp17, $4  }
0x41a: {  	s9 =	sadd.s32 $0x2, s5;
	s5 =	smov.u32 s7;
	v6 =	vadd.s32 v1, v7;
	v11 =	vand.u32 $0x7D, v9;
	v7 =	vld [tilespmem:s0+$0xFFFFFFF0];
	v13 =	vadd.f32 v13, v5;
	[tilespmem:v15+s30+$0x0] =	vst.idx.msk $0xffff, v8  }
0x41b: {  	v8 =	vadd.s32 v0, v11;
	v15 =	vmov s9;
	v9 =	vld [tilespmem:s0+$0x0];
	v20 =	vadd.f32 v20, v4;
	[tilespmem:v16+s30+$0x0] =	vst.idx.msk $0xffff, v10  }
0x41c: {  	s9 =	sadd.s32 $0x3, s7;
	v10 =	vadd.s32 v1, v11;
	v16 =	vadd.f32 v17, v5;
	v11 =	vld [tilespmem:s0+$0x10];
	v17 =	vand.u32 $0x7E, v15;
	[tilespmem:v21+s30+$0x0] =	vst.idx.msk $0xffff, v13;
	s0 =	sadd.s32 $0x80, s0  }
0x41d: {  	s7 =	sadd.s32 $0x4, s7;
	v19 =	vmov s9;
	v13 =	vld [tilespmem:s0+$0x20];
	v18 =	vadd.f32 v18, v4;
	v15 =	vadd.s32 v0, v17;
	[tilespmem:v22+s30+$0x0] =	vst.idx.msk $0xffff, v20  }
0x41e: {  	_ =	sdelay $0x3  }
0x41f: {  	v20 =	vld [tilespmem:s0+$0x30];
	v19 =	vand.u32 $0x7F, v19;
	[tilespmem:v12+s30+$0x0] =	vst.idx.msk $0xffff, v16;
	v12 =	vadd.f32 v14, v5;
	v14 =	vadd.s32 v1, v17  }
0x420: {  	v16 =	vmov s5;
	v17 =	vld [tilespmem:s0+$0xFFFFFFC0];
	v21 =	vadd.s32 v0, v19;
	[tilespmem:v6+s30+$0x0] =	vst.idx.msk $0xffff, v18;
	v6 =	vadd.f32 v7, v4  }
0x421: {  	s7 =	sadd.s32 $0x1, s5;
	v7 =	vld [tilespmem:s0+$0xFFFFFFD0];
	v16 =	vand.u32 $0x7C, v16;
	v18 =	vadd.s32 v1, v19;
	[tilespmem:v8+s30+$0x0] =	vst.idx.msk $0xffff, v12;
	v8 =	vadd.f32 v9, v5  }
0x422: {  	v19 =	vld [tilespmem:s0+$0xFFFFFFE0];
	v9 =	vadd.s32 v0, v16;
	v12 =	vmov s7;
	[tilespmem:v10+s30+$0x0] =	vst.idx.msk $0xffff, v6;
	v6 =	vadd.f32 v11, v4  }
0x423: {  	s31 =	sadd.s32 $0x2, s5;
	v10 =	vadd.s32 v1, v16;
	v11 =	vld [tilespmem:s0+$0xFFFFFFF0];
	v12 =	vand.u32 $0x7D, v12;
	v13 =	vadd.f32 v13, v5;
	[tilespmem:v15+s30+$0x0] =	vst.idx.msk $0xffff, v8  }
0x424: {  	v16 =	vld [tilespmem:s0+$0x0];
	v8 =	vadd.s32 v0, v12;
	v15 =	vmov s31;
	v20 =	vadd.f32 v20, v4;
	[tilespmem:v14+s30+$0x0] =	vst.idx.msk $0xffff, v6  }
0x425: {  	v12 =	vadd.s32 v1, v12;
	v6 =	vadd.f32 v17, v5;
	v14 =	vld [tilespmem:s0+$0x10];
	v15 =	vand.u32 $0x7E, v15;
	[tilespmem:v21+s30+$0x0] =	vst.idx.msk $0xffff, v13  }
0x426: {  	v7 =	vadd.f32 v7, v4;
	v13 =	vadd.s32 v0, v15;
	[tilespmem:v18+s30+$0x0] =	vst.idx.msk $0xffff, v20  }
0x427: {  	[tilespmem:v9+s30+$0x0] =	vst.idx.msk $0xffff, v6;
	v6 =	vadd.f32 v19, v5;
	v9 =	vadd.s32 v1, v15  }
0x428: {  	[tilespmem:v10+s30+$0x0] =	vst.idx.msk $0xffff, v7;
	v7 =	vadd.f32 v11, v4  }
0x429: {  	v5 =	vadd.f32 v16, v5;
	[tilespmem:v8+s30+$0x0] =	vst.idx.msk $0xffff, v6  }
0x42a: {  	s0 =	sshllo.u32 s26, $0x1;
	[tilespmem:v12+s30+$0x0] =	vst.idx.msk $0xffff, v7;
	v4 =	vadd.f32 v14, v4  }
0x42b: {  	s7 =	sshll.u32 s0, $0x5;
	[tilespmem:v13+s30+$0x0] =	vst.idx.msk $0xffff, v5  }
0x42c: {  	s5 =	sand.u32 $0x3FFFFFE0, s7;
	[tilespmem:v9+s30+$0x0] =	vst.idx.msk $0xffff, v4  }
0x42d: {  	v5 =	vld [tilespmem:s5+$0x14F00]  }
0x42e: {  	s9 =	simm.s32 $0x9570;
	s16 =	simm.s32 $0x3;
	v4 =	vld [tilespmem:s5+$0x14F10]  }
0x42f: {  	v6 =	vmov s16;
	v8 =	vld [tilespmem:s9+$0xFFFFFFF0]  }
0x430: {  	s18 =	simm.s32 $0x0;
	v6 =	vand.u32 $0x7F, v6;
	v10 =	vld [tilespmem:s9+$0x0]  }
0x431: {  	v7 =	vmov s18;
	v13 =	vadd.s32 v2, v6;
	v11 =	vld [tilespmem:s9+$0xFFFFFF90]  }
0x432: {  	s21 =	simm.s32 $0x1;
	v7 =	vand.u32 $0x7C, v7;
	v20 =	vadd.s32 v3, v6;
	v15 =	vld [tilespmem:s9+$0xFFFFFFA0]  }
0x433: {  	v12 =	vadd.s32 v2, v7;
	v9 =	vmov s21;
	v14 =	vld [tilespmem:s9+$0xFFFFFFB0]  }
0x434: {  	s29 =	simm.s32 $0x2;
	v6 =	vadd.s32 v3, v7;
	v7 =	vld [tilespmem:s9+$0xFFFFFFC0];
	v17 =	vand.u32 $0x7D, v9;
	v18 =	vadd.f32 v8, v5  }
0x435: {  	v19 =	vmov s29;
	v9 =	vld [tilespmem:s9+$0xFFFFFFD0];
	v8 =	vadd.s32 v2, v17;
	v63 =	vadd.f32 v10, v4  }
0x436: {  	s31 =	simm.s32 $0x7;
	s5 =	simm.s32 $0x95F0;
	v16 =	vadd.f32 v11, v5;
	v10 =	vadd.s32 v3, v17;
	v11 =	vld [tilespmem:s9+$0xFFFFFFE0];
	v17 =	vand.u32 $0x7E, v19;
	[tilespmem:v13+s30+$0x0] =	vst.idx.msk $0xffff, v18  }
0x437: {  	s7 =	simm.s32 $0x8;
	s9 =	simm.s32 $0x4;
	v19 =	vmov s31;
	v13 =	vld [tilespmem:s5+$0xFFFFFFF0];
	v18 =	vadd.f32 v15, v4;
	v15 =	vadd.s32 v2, v17;
	[tilespmem:v20+s30+$0x0] =	vst.idx.msk $0xffff, v63  }
.LBB2_33:
0x438: {  	p0 =	slt.u32 s7, $0x7C;
	v20 =	vld [tilespmem:s5+$0x0];
	v19 =	vand.u32 $0x7F, v19;
	[tilespmem:v12+s30+$0x0] =	vst.idx.msk $0xffff, v16;
	v12 =	vadd.f32 v14, v5;
	v16 =	vadd.s32 v3, v17  }
0x439: {  	v14 =	vmov s9;
	v17 =	vld [tilespmem:s5+$0xFFFFFF90];
	v21 =	vadd.s32 v2, v19;
	[tilespmem:v6+s30+$0x0] =	vst.idx.msk $0xffff, v18;
	v6 =	vadd.f32 v7, v4  }
0x43a: {  	s16 =	sadd.s32 $0x1, s9;
	v7 =	vand.u32 $0x7C, v14;
	v22 =	vadd.s32 v3, v19;
	v18 =	vld [tilespmem:s5+$0xFFFFFFA0];
	[tilespmem:v8+s30+$0x0] =	vst.idx.msk $0xffff, v12;
	v8 =	vadd.f32 v9, v5  }
.Ltmp18:
0x43b: {  	v12 =	vadd.s32 v2, v7;
	v9 =	vmov s16;
	v14 =	vld [tilespmem:s5+$0xFFFFFFB0];
	[tilespmem:v10+s30+$0x0] =	vst.idx.msk $0xffff, v6;
	v10 =	vadd.f32 v11, v4;
	(pc) =	sbr.rel @p0 .LBB2_33-.Ltmp18, $4  }
0x43c: {  	s16 =	sadd.s32 $0x2, s9;
	s9 =	smov.u32 s7;
	v6 =	vadd.s32 v3, v7;
	v11 =	vand.u32 $0x7D, v9;
	v7 =	vld [tilespmem:s5+$0xFFFFFFC0];
	v13 =	vadd.f32 v13, v5;
	[tilespmem:v15+s30+$0x0] =	vst.idx.msk $0xffff, v8  }
0x43d: {  	v8 =	vadd.s32 v2, v11;
	v15 =	vmov s16;
	v9 =	vld [tilespmem:s5+$0xFFFFFFD0];
	v20 =	vadd.f32 v20, v4;
	[tilespmem:v16+s30+$0x0] =	vst.idx.msk $0xffff, v10  }
0x43e: {  	s16 =	sadd.s32 $0x3, s7;
	v10 =	vadd.s32 v3, v11;
	v16 =	vadd.f32 v17, v5;
	v11 =	vld [tilespmem:s5+$0xFFFFFFE0];
	v17 =	vand.u32 $0x7E, v15;
	[tilespmem:v21+s30+$0x0] =	vst.idx.msk $0xffff, v13;
	s5 =	sadd.s32 $0x80, s5  }
0x43f: {  	s7 =	sadd.s32 $0x4, s7;
	v19 =	vmov s16;
	v13 =	vld [tilespmem:s5+$0xFFFFFFF0];
	v18 =	vadd.f32 v18, v4;
	v15 =	vadd.s32 v2, v17;
	[tilespmem:v22+s30+$0x0] =	vst.idx.msk $0xffff, v20  }
0x440: {  	_ =	sdelay $0x3  }
0x441: {  	v20 =	vld [tilespmem:s5+$0x0];
	v19 =	vand.u32 $0x7F, v19;
	[tilespmem:v12+s30+$0x0] =	vst.idx.msk $0xffff, v16;
	v41 =	vadd.f32 v14, v5;
	v42 =	vadd.s32 v3, v17  }
0x442: {  	v43 =	vmov s9;
	v44 =	vld [tilespmem:s5+$0xFFFFFF90];
	v21 =	vadd.s32 v2, v19;
	[tilespmem:v6+s30+$0x0] =	vst.idx.msk $0xffff, v18;
	v45 =	vadd.f32 v7, v4  }
0x443: {  	v46 =	vld [tilespmem:s5+$0xFFFFFFA0];
	s7 =	sadd.s32 $0x1, s9;
	v16 =	vand.u32 $0x7C, v43;
	v47 =	vadd.s32 v3, v19;
	[tilespmem:v8+s30+$0x0] =	vst.idx.msk $0xffff, v41;
	v48 =	vadd.f32 v9, v5  }
0x444: {  	v51 =	vld [tilespmem:s5+$0xFFFFFFB0];
	v49 =	vmov s7;
	v50 =	vadd.s32 v2, v16;
	[tilespmem:v10+s30+$0x0] =	vst.idx.msk $0xffff, v45;
	v52 =	vadd.f32 v11, v4  }
0x445: {  	v54 =	vld [tilespmem:s5+$0xFFFFFFC0];
	s9 =	sadd.s32 $0x2, s9;
	v53 =	vadd.s32 v3, v16;
	v9 =	vand.u32 $0x7D, v49;
	v13 =	vadd.f32 v13, v5;
	[tilespmem:v15+s30+$0x0] =	vst.idx.msk $0xffff, v48  }
0x446: {  	v57 =	vld [tilespmem:s5+$0xFFFFFFD0];
	v56 =	vmov s9;
	v55 =	vadd.s32 v2, v9;
	v20 =	vadd.f32 v20, v4;
	[tilespmem:v42+s30+$0x0] =	vst.idx.msk $0xffff, v52  }
0x447: {  	v59 =	vld [tilespmem:s5+$0xFFFFFFE0];
	v9 =	vadd.s32 v3, v9;
	v15 =	vand.u32 $0x7E, v56;
	v58 =	vadd.f32 v44, v5;
	[tilespmem:v21+s30+$0x0] =	vst.idx.msk $0xffff, v13  }
0x448: {  	v7 =	vadd.f32 v46, v4;
	v60 =	vadd.s32 v2, v15;
	[tilespmem:v47+s30+$0x0] =	vst.idx.msk $0xffff, v20  }
0x449: {  	v61 =	vadd.f32 v51, v5;
	v62 =	vadd.s32 v3, v15;
	[tilespmem:v50+s30+$0x0] =	vst.idx.msk $0xffff, v58  }
0x44a: {  	v63 =	vadd.f32 v54, v4;
	[tilespmem:v53+s30+$0x0] =	vst.idx.msk $0xffff, v7  }
0x44b: {  	s16 =	sshll.u32 s26, $0x12;
	v5 =	vadd.f32 v57, v5;
	[tilespmem:v55+s30+$0x0] =	vst.idx.msk $0xffff, v61  }
0x44c: {  	s5 =	sor.u32 s12, s16;
	v4 =	vadd.f32 v59, v4;
	[tilespmem:v9+s30+$0x0] =	vst.idx.msk $0xffff, v63  }
0x44d: {  	s5 =	sshrl.u32 s5, $0x3;
	[tilespmem:v60+s30+$0x0] =	vst.idx.msk $0xffff, v5  }
0x44e: {  	s7 =	sadd.s32 s3, s5;
	[tilespmem:v62+s30+$0x0] =	vst.idx.msk $0xffff, v4  }
0x44f: {  	[hbm4b:s7+s4] =	stream.linear.scatter [tilespmem:s30], [sflag:$0xF], $0x80, $0x38;
	[tilespmem:$0x16800] =	vst v63  }
0x450: {  	s16 =	simm.s32 $0x12D88;
	s18 =	sadd.s32 $0x10, s7  }
0x451: {  	[hbm4b:s18+s4] =	stream.linear.scatter [tilespmem:s16], [sflag:$0xF], $0x80, $0x38;
	[tilespmem:$0x16800] =	vst v63  }
0x452: {  	s26 =	simm.s32 $0x12E10;
	s21 =	sadd.s32 $0x20, s7  }
0x453: {  	[hbm4b:s21+s4] =	stream.linear.scatter [tilespmem:s26], [sflag:$0xF], $0x80, $0x38;
	[tilespmem:$0x16800] =	vst v63  }
0x454: {  	s31 =	simm.s32 $0x12E98;
	s29 =	sadd.s32 $0x30, s7  }
0x455: {  	[hbm4b:s29+s4] =	stream.linear.scatter [tilespmem:s31], [sflag:$0xF], $0x80, $0x38;
	[tilespmem:$0x16800] =	vst v63  }
0x456: {  	s16 =	sadd.s32 $0x40, s7;
	s18 =	simm.s32 $0x12F20  }
0x457: {  	[hbm4b:s16+s4] =	stream.linear.scatter [tilespmem:s18], [sflag:$0xF], $0x80, $0x38;
	[tilespmem:$0x16800] =	vst v63  }
0x458: {  	s21 =	sadd.s32 $0x50, s7;
	s26 =	simm.s32 $0x12FA8  }
0x459: {  	[hbm4b:s21+s4] =	stream.linear.scatter [tilespmem:s26], [sflag:$0xF], $0x80, $0x38;
	[tilespmem:$0x16800] =	vst v63  }
0x45a: {  	s29 =	sadd.s32 $0x60, s7;
	s31 =	simm.s32 $0x13030  }
0x45b: {  	[hbm4b:s29+s4] =	stream.linear.scatter [tilespmem:s31], [sflag:$0xF], $0x80, $0x38;
	[tilespmem:$0x16800] =	vst v63  }
0x45c: {  	s7 =	sadd.s32 $0x70, s7;
	s16 =	simm.s32 $0x130B8  }
0x45d: {  	[hbm4b:s7+s4] =	stream.linear.scatter [tilespmem:s16], [sflag:$0xF], $0x80, $0x38;
	[tilespmem:$0x16800] =	vst v63  }
0x45e: {  	s18 =	simm.s32 $0x13140;
	s7 =	sadd.s32 s5, s13  }
0x45f: {  	[hbm4b:s7+s4] =	stream.linear.scatter [tilespmem:s18], [sflag:$0xF], $0x80, $0x38;
	[tilespmem:$0x16800] =	vst v63  }
0x460: {  	s26 =	simm.s32 $0x131C8;
	s21 =	sadd.s32 $0x10, s7  }
0x461: {  	[hbm4b:s21+s4] =	stream.linear.scatter [tilespmem:s26], [sflag:$0xF], $0x80, $0x38;
	[tilespmem:$0x16800] =	vst v63  }
0x462: {  	s31 =	simm.s32 $0x13250;
	s29 =	sadd.s32 $0x20, s7  }
0x463: {  	[hbm4b:s29+s4] =	stream.linear.scatter [tilespmem:s31], [sflag:$0xF], $0x80, $0x38;
	[tilespmem:$0x16800] =	vst v63  }
0x464: {  	s16 =	sadd.s32 $0x30, s7;
	s18 =	simm.s32 $0x132D8  }
0x465: {  	[hbm4b:s16+s4] =	stream.linear.scatter [tilespmem:s18], [sflag:$0xF], $0x80, $0x38;
	[tilespmem:$0x16800] =	vst v63  }
0x466: {  	s21 =	sadd.s32 $0x40, s7;
	s26 =	simm.s32 $0x13360  }
0x467: {  	[hbm4b:s21+s4] =	stream.linear.scatter [tilespmem:s26], [sflag:$0xF], $0x80, $0x38;
	[tilespmem:$0x16800] =	vst v63  }
0x468: {  	s29 =	sadd.s32 $0x50, s7;
	s31 =	simm.s32 $0x133E8  }
0x469: {  	[hbm4b:s29+s4] =	stream.linear.scatter [tilespmem:s31], [sflag:$0xF], $0x80, $0x38;
	[tilespmem:$0x16800] =	vst v63  }
0x46a: {  	s16 =	sadd.s32 $0x60, s7;
	s18 =	simm.s32 $0x13470  }
0x46b: {  	[hbm4b:s16+s4] =	stream.linear.scatter [tilespmem:s18], [sflag:$0xF], $0x80, $0x38;
	[tilespmem:$0x16800] =	vst v63  }
0x46c: {  	s7 =	sadd.s32 $0x70, s7;
	s21 =	simm.s32 $0x134F8  }
0x46d: {  	[hbm4b:s7+s4] =	stream.linear.scatter [tilespmem:s21], [sflag:$0xF], $0x80, $0x38;
	[tilespmem:$0x16800] =	vst v63  }
0x46e: {  	s26 =	simm.s32 $0x13580;
	s7 =	sadd.s32 s5, s14  }
0x46f: {  	[hbm4b:s7+s4] =	stream.linear.scatter [tilespmem:s26], [sflag:$0xF], $0x80, $0x38;
	[tilespmem:$0x16800] =	vst v63  }
0x470: {  	s31 =	simm.s32 $0x13608;
	s29 =	sadd.s32 $0x10, s7  }
0x471: {  	[hbm4b:s29+s4] =	stream.linear.scatter [tilespmem:s31], [sflag:$0xF], $0x80, $0x38;
	[tilespmem:$0x16800] =	vst v63  }
0x472: {  	s18 =	simm.s32 $0x13690;
	s16 =	sadd.s32 $0x20, s7  }
0x473: {  	[hbm4b:s16+s4] =	stream.linear.scatter [tilespmem:s18], [sflag:$0xF], $0x80, $0x38;
	[tilespmem:$0x16800] =	vst v63  }
0x474: {  	s21 =	sadd.s32 $0x30, s7;
	s26 =	simm.s32 $0x13718  }
0x475: {  	[hbm4b:s21+s4] =	stream.linear.scatter [tilespmem:s26], [sflag:$0xF], $0x80, $0x38;
	[tilespmem:$0x16800] =	vst v63  }
0x476: {  	s29 =	sadd.s32 $0x40, s7;
	s31 =	simm.s32 $0x137A0  }
0x477: {  	[hbm4b:s29+s4] =	stream.linear.scatter [tilespmem:s31], [sflag:$0xF], $0x80, $0x38;
	[tilespmem:$0x16800] =	vst v63  }
0x478: {  	s18 =	sadd.s32 $0x50, s7;
	s21 =	simm.s32 $0x13828  }
0x479: {  	[hbm4b:s18+s4] =	stream.linear.scatter [tilespmem:s21], [sflag:$0xF], $0x80, $0x38;
	[tilespmem:$0x16800] =	vst v63  }
0x47a: {  	s26 =	sadd.s32 $0x60, s7;
	s29 =	simm.s32 $0x138B0  }
0x47b: {  	[hbm4b:s26+s4] =	stream.linear.scatter [tilespmem:s29], [sflag:$0xF], $0x80, $0x38;
	[tilespmem:$0x16800] =	vst v63  }
0x47c: {  	s7 =	sadd.s32 $0x70, s7;
	s31 =	simm.s32 $0x13938  }
0x47d: {  	[hbm4b:s7+s4] =	stream.linear.scatter [tilespmem:s31], [sflag:$0xF], $0x80, $0x38;
	[tilespmem:$0x16800] =	vst v63  }
0x47e: {  	s9 =	simm.s32 $0x139C0;
	s5 =	sadd.s32 s5, s15  }
0x47f: {  	[hbm4b:s5+s4] =	stream.linear.scatter [tilespmem:s9], [sflag:$0xF], $0x80, $0x38;
	[tilespmem:$0x16800] =	vst v63  }
0x480: {  	s16 =	sadd.s32 $0x10, s5;
	s18 =	simm.s32 $0x13A48  }
0x481: {  	[hbm4b:s16+s4] =	stream.linear.scatter [tilespmem:s18], [sflag:$0xF], $0x80, $0x38;
	[tilespmem:$0x16800] =	vst v63  }
0x482: {  	s21 =	sadd.s32 $0x20, s5;
	s26 =	simm.s32 $0x13AD0  }
0x483: {  	[hbm4b:s21+s4] =	stream.linear.scatter [tilespmem:s26], [sflag:$0xF], $0x80, $0x38;
	[tilespmem:$0x16800] =	vst v63  }
0x484: {  	s29 =	sadd.s32 $0x30, s5;
	s31 =	simm.s32 $0x13B58  }
0x485: {  	[hbm4b:s29+s4] =	stream.linear.scatter [tilespmem:s31], [sflag:$0xF], $0x80, $0x38;
	[tilespmem:$0x16800] =	vst v63  }
0x486: {  	s9 =	sadd.s32 $0x40, s5;
	s16 =	simm.s32 $0x13BE0  }
0x487: {  	[hbm4b:s9+s4] =	stream.linear.scatter [tilespmem:s16], [sflag:$0xF], $0x80, $0x38;
	[tilespmem:$0x16800] =	vst v63  }
0x488: {  	s0 =	sshll.u32 s0, $0x11;
	s18 =	sadd.s32 $0x50, s5;
	s21 =	simm.s32 $0x13C68  }
0x489: {  	[hbm4b:s18+s4] =	stream.linear.scatter [tilespmem:s21], [sflag:$0xF], $0x80, $0x38;
	[tilespmem:$0x16800] =	vst v63  }
0x48a: {  	s0 =	sor.u32 s12, s0;
	s26 =	sadd.s32 $0x60, s5;
	s29 =	simm.s32 $0x13CF0  }
0x48b: {  	[hbm4b:s26+s4] =	stream.linear.scatter [tilespmem:s29], [sflag:$0xF], $0x80, $0x38;
	[tilespmem:$0x16800] =	vst v63  }
0x48c: {  	s0 =	sshrl.u32 s0, $0x3;
	s5 =	sadd.s32 $0x70, s5;
	s31 =	simm.s32 $0x13D78  }
0x48d: {  	[hbm4b:s5+s4] =	stream.linear.scatter [tilespmem:s31], [sflag:$0xF], $0x80, $0x38;
	[tilespmem:$0x16800] =	vst v63  }
0x48e: {  	s9 =	simm.s32 $0x13E00;
	s5 =	sadd.s32 s3, s0  }
0x48f: {  	[hbm4b:s5+s4] =	stream.linear.scatter [tilespmem:s9], [sflag:$0xF], $0x80, $0x38;
	[tilespmem:$0x16800] =	vst v63  }
0x490: {  	s18 =	simm.s32 $0x13E88;
	s16 =	sadd.s32 $0x10, s5  }
0x491: {  	[hbm4b:s16+s4] =	stream.linear.scatter [tilespmem:s18], [sflag:$0xF], $0x80, $0x38;
	[tilespmem:$0x16800] =	vst v63  }
0x492: {  	s26 =	simm.s32 $0x13F10;
	s21 =	sadd.s32 $0x20, s5  }
0x493: {  	[hbm4b:s21+s4] =	stream.linear.scatter [tilespmem:s26], [sflag:$0xF], $0x80, $0x38;
	[tilespmem:$0x16800] =	vst v63  }
0x494: {  	s31 =	simm.s32 $0x13F98;
	s29 =	sadd.s32 $0x30, s5  }
0x495: {  	[hbm4b:s29+s4] =	stream.linear.scatter [tilespmem:s31], [sflag:$0xF], $0x80, $0x38;
	[tilespmem:$0x16800] =	vst v63  }
0x496: {  	s9 =	sadd.s32 $0x40, s5;
	s16 =	simm.s32 $0x14020  }
0x497: {  	[hbm4b:s9+s4] =	stream.linear.scatter [tilespmem:s16], [sflag:$0xF], $0x80, $0x38;
	[tilespmem:$0x16800] =	vst v63  }
0x498: {  	s18 =	sadd.s32 $0x50, s5;
	s21 =	simm.s32 $0x140A8  }
0x499: {  	[hbm4b:s18+s4] =	stream.linear.scatter [tilespmem:s21], [sflag:$0xF], $0x80, $0x38;
	[tilespmem:$0x16800] =	vst v63  }
0x49a: {  	s26 =	sadd.s32 $0x60, s5;
	s29 =	simm.s32 $0x14130  }
0x49b: {  	[hbm4b:s26+s4] =	stream.linear.scatter [tilespmem:s29], [sflag:$0xF], $0x80, $0x38;
	[tilespmem:$0x16800] =	vst v63  }
0x49c: {  	s5 =	sadd.s32 $0x70, s5;
	s31 =	simm.s32 $0x141B8  }
0x49d: {  	[hbm4b:s5+s4] =	stream.linear.scatter [tilespmem:s31], [sflag:$0xF], $0x80, $0x38;
	[tilespmem:$0x16800] =	vst v63  }
0x49e: {  	s9 =	simm.s32 $0x14240;
	s5 =	sadd.s32 s0, s13  }
0x49f: {  	[hbm4b:s5+s4] =	stream.linear.scatter [tilespmem:s9], [sflag:$0xF], $0x80, $0x38;
	[tilespmem:$0x16800] =	vst v63  }
0x4a0: {  	s18 =	simm.s32 $0x142C8;
	s16 =	sadd.s32 $0x10, s5  }
0x4a1: {  	[hbm4b:s16+s4] =	stream.linear.scatter [tilespmem:s18], [sflag:$0xF], $0x80, $0x38;
	[tilespmem:$0x16800] =	vst v63  }
0x4a2: {  	s26 =	simm.s32 $0x14350;
	s21 =	sadd.s32 $0x20, s5  }
0x4a3: {  	[hbm4b:s21+s4] =	stream.linear.scatter [tilespmem:s26], [sflag:$0xF], $0x80, $0x38;
	[tilespmem:$0x16800] =	vst v63  }
0x4a4: {  	s31 =	simm.s32 $0x143D8;
	s29 =	sadd.s32 $0x30, s5  }
0x4a5: {  	[hbm4b:s29+s4] =	stream.linear.scatter [tilespmem:s31], [sflag:$0xF], $0x80, $0x38;
	[tilespmem:$0x16800] =	vst v63  }
0x4a6: {  	s9 =	sadd.s32 $0x40, s5;
	s16 =	simm.s32 $0x14460  }
0x4a7: {  	[hbm4b:s9+s4] =	stream.linear.scatter [tilespmem:s16], [sflag:$0xF], $0x80, $0x38;
	[tilespmem:$0x16800] =	vst v63  }
0x4a8: {  	s18 =	sadd.s32 $0x50, s5;
	s21 =	simm.s32 $0x144E8  }
0x4a9: {  	[hbm4b:s18+s4] =	stream.linear.scatter [tilespmem:s21], [sflag:$0xF], $0x80, $0x38;
	[tilespmem:$0x16800] =	vst v63  }
0x4aa: {  	s26 =	sadd.s32 $0x60, s5;
	s29 =	simm.s32 $0x14570  }
0x4ab: {  	[hbm4b:s26+s4] =	stream.linear.scatter [tilespmem:s29], [sflag:$0xF], $0x80, $0x38;
	[tilespmem:$0x16800] =	vst v63  }
0x4ac: {  	s5 =	sadd.s32 $0x70, s5;
	s31 =	simm.s32 $0x145F8  }
0x4ad: {  	[hbm4b:s5+s4] =	stream.linear.scatter [tilespmem:s31], [sflag:$0xF], $0x80, $0x38;
	[tilespmem:$0x16800] =	vst v63  }
0x4ae: {  	s9 =	simm.s32 $0x14680;
	s5 =	sadd.s32 s0, s14  }
0x4af: {  	[hbm4b:s5+s4] =	stream.linear.scatter [tilespmem:s9], [sflag:$0xF], $0x80, $0x38;
	[tilespmem:$0x16800] =	vst v63  }
0x4b0: {  	s18 =	simm.s32 $0x14708;
	s16 =	sadd.s32 $0x10, s5  }
0x4b1: {  	[hbm4b:s16+s4] =	stream.linear.scatter [tilespmem:s18], [sflag:$0xF], $0x80, $0x38;
	[tilespmem:$0x16800] =	vst v63  }
0x4b2: {  	s26 =	simm.s32 $0x14790;
	s21 =	sadd.s32 $0x20, s5  }
0x4b3: {  	[hbm4b:s21+s4] =	stream.linear.scatter [tilespmem:s26], [sflag:$0xF], $0x80, $0x38;
	[tilespmem:$0x16800] =	vst v63  }
0x4b4: {  	s31 =	simm.s32 $0x14818;
	s29 =	sadd.s32 $0x30, s5  }
0x4b5: {  	[hbm4b:s29+s4] =	stream.linear.scatter [tilespmem:s31], [sflag:$0xF], $0x80, $0x38;
	[tilespmem:$0x16800] =	vst v63  }
0x4b6: {  	s9 =	sadd.s32 $0x40, s5;
	s16 =	simm.s32 $0x148A0  }
0x4b7: {  	[hbm4b:s9+s4] =	stream.linear.scatter [tilespmem:s16], [sflag:$0xF], $0x80, $0x38;
	[tilespmem:$0x16800] =	vst v63  }
0x4b8: {  	s18 =	sadd.s32 $0x50, s5;
	s21 =	simm.s32 $0x14928  }
0x4b9: {  	[hbm4b:s18+s4] =	stream.linear.scatter [tilespmem:s21], [sflag:$0xF], $0x80, $0x38;
	[tilespmem:$0x16800] =	vst v63  }
0x4ba: {  	s26 =	sadd.s32 $0x60, s5;
	s29 =	simm.s32 $0x149B0  }
0x4bb: {  	[hbm4b:s26+s4] =	stream.linear.scatter [tilespmem:s29], [sflag:$0xF], $0x80, $0x38;
	[tilespmem:$0x16800] =	vst v63  }
0x4bc: {  	s5 =	sadd.s32 $0x70, s5;
	s31 =	simm.s32 $0x14A38  }
0x4bd: {  	[hbm4b:s5+s4] =	stream.linear.scatter [tilespmem:s31], [sflag:$0xF], $0x80, $0x38;
	[tilespmem:$0x16800] =	vst v63  }
0x4be: {  	s0 =	sadd.s32 s0, s15;
	s9 =	simm.s32 $0x14AC0  }
0x4bf: {  	[hbm4b:s0+s4] =	stream.linear.scatter [tilespmem:s9], [sflag:$0xF], $0x80, $0x38;
	[tilespmem:$0x16800] =	vst v63  }
0x4c0: {  	s16 =	sadd.s32 $0x10, s0;
	s18 =	simm.s32 $0x14B48  }
0x4c1: {  	[hbm4b:s16+s4] =	stream.linear.scatter [tilespmem:s18], [sflag:$0xF], $0x80, $0x38;
	[tilespmem:$0x16800] =	vst v63  }
0x4c2: {  	s21 =	sadd.s32 $0x20, s0;
	s26 =	simm.s32 $0x14BD0  }
0x4c3: {  	[hbm4b:s21+s4] =	stream.linear.scatter [tilespmem:s26], [sflag:$0xF], $0x80, $0x38;
	[tilespmem:$0x16800] =	vst v63  }
0x4c4: {  	s29 =	sadd.s32 $0x30, s0;
	s31 =	simm.s32 $0x14C58  }
0x4c5: {  	[hbm4b:s29+s4] =	stream.linear.scatter [tilespmem:s31], [sflag:$0xF], $0x80, $0x38;
	[tilespmem:$0x16800] =	vst v63  }
0x4c6: {  	s25 =	sadd.s32 $0x1, s25;
	s9 =	sadd.s32 $0x40, s0;
	s16 =	simm.s32 $0x14CE0  }
0x4c7: {  	[hbm4b:s9+s4] =	stream.linear.scatter [tilespmem:s16], [sflag:$0xF], $0x80, $0x38;
	[tilespmem:$0x16800] =	vst v63  }
0x4c8: {  	p0 =	sne.s32 s25, $0x14;
	s18 =	sadd.s32 $0x50, s0;
	s21 =	simm.s32 $0x14D68  }
0x4c9: {  	[hbm4b:s18+s4] =	stream.linear.scatter [tilespmem:s21], [sflag:$0xF], $0x80, $0x38;
	[tilespmem:$0x16800] =	vst v63  }
.Ltmp19:
0x4ca: {  	_ = 	snop;
	(pc) =	sbr.rel @p0 .LBB2_2-.Ltmp19, $4  }
0x4cb: {  	s26 =	sadd.s32 $0x60, s0;
	s29 =	simm.s32 $0x14DF0  }
0x4cc: {  	[hbm4b:s26+s4] =	stream.linear.scatter [tilespmem:s29], [sflag:$0xF], $0x80, $0x38;
	[tilespmem:$0x16800] =	vst v63  }
0x4cd: {  	s0 =	sadd.s32 $0x70, s0;
	s31 =	simm.s32 $0x14E78  }
0x4ce: {  	[hbm4b:s0+s4] =	stream.linear.scatter [tilespmem:s31], [sflag:$0xF], $0x80, $0x38;
	[tilespmem:$0x16800] =	vst v63  }
0x4cf: {  	s0 =	simm.s32 $0xB  }
0x4d0: {  	_ =	swait.ge [sflag:s0], $0x400  }
0x4d1: {  	[sflag:s0] =	ssyncset.done $0x0  }
0x4d2: {  	[sflag:s0] =	ssyncadd.s32 $0xFFFFFC00  }
0x4d3: {  	_ =	swait.ge [sflag:s0], $0x400  }
0x4d4: {  	[sflag:s0] =	ssyncset.done $0x0  }
0x4d5: {  	[sflag:s0] =	ssyncadd.s32 $0xFFFFFC00  }
0x4d6: {  	_ =	swait.ge [sflag:s0], $0x400  }
0x4d7: {  	[sflag:s0] =	ssyncset.done $0x0  }
0x4d8: {  	[sflag:s0] =	ssyncadd.s32 $0xFFFFFC00  }
0x4d9: {  	_ =	swait.ge [sflag:s0], $0x400  }
0x4da: {  	[sflag:s0] =	ssyncset.done $0x0  }
0x4db: {  	[sflag:s0] =	ssyncadd.s32 $0xFFFFFC00  }
0x4dc: {  	_ =	swait.ge [sflag:s0], $0x400  }
0x4dd: {  	[sflag:s0] =	ssyncset.done $0x0  }
0x4de: {  	[sflag:s0] =	ssyncadd.s32 $0xFFFFFC00  }
0x4df: {  	_ =	swait.ge [sflag:s0], $0x400  }
0x4e0: {  	[sflag:s0] =	ssyncset.done $0x0  }
0x4e1: {  	[sflag:s0] =	ssyncadd.s32 $0xFFFFFC00  }
0x4e2: {  	_ =	swait.ge [sflag:s0], $0x400  }
0x4e3: {  	[sflag:s0] =	ssyncset.done $0x0  }
0x4e4: {  	[sflag:s0] =	ssyncadd.s32 $0xFFFFFC00  }
0x4e5: {  	_ =	swait.ge [sflag:s0], $0x400  }
0x4e6: {  	[sflag:s0] =	ssyncset.done $0x0  }
0x4e7: {  	s29 =	simm.s32 $0xC;
	[sflag:s0] =	ssyncadd.s32 $0xFFFFFC00  }
0x4e8: {  	_ =	swait.ge [sflag:s29], $0x400  }
0x4e9: {  	[sflag:s29] =	ssyncset.done $0x0  }
0x4ea: {  	[sflag:s29] =	ssyncadd.s32 $0xFFFFFC00  }
0x4eb: {  	_ =	swait.ge [sflag:s29], $0x400  }
0x4ec: {  	[sflag:s29] =	ssyncset.done $0x0  }
0x4ed: {  	[sflag:s29] =	ssyncadd.s32 $0xFFFFFC00  }
0x4ee: {  	_ =	swait.ge [sflag:s29], $0x400  }
0x4ef: {  	[sflag:s29] =	ssyncset.done $0x0  }
0x4f0: {  	[sflag:s29] =	ssyncadd.s32 $0xFFFFFC00  }
0x4f1: {  	_ =	swait.ge [sflag:s29], $0x400  }
0x4f2: {  	[sflag:s29] =	ssyncset.done $0x0  }
0x4f3: {  	[sflag:s29] =	ssyncadd.s32 $0xFFFFFC00  }
0x4f4: {  	_ =	swait.ge [sflag:s29], $0x400  }
0x4f5: {  	[sflag:s29] =	ssyncset.done $0x0  }
0x4f6: {  	[sflag:s29] =	ssyncadd.s32 $0xFFFFFC00  }
0x4f7: {  	_ =	swait.ge [sflag:s29], $0x400  }
0x4f8: {  	[sflag:s29] =	ssyncset.done $0x0  }
0x4f9: {  	[sflag:s29] =	ssyncadd.s32 $0xFFFFFC00  }
0x4fa: {  	_ =	swait.ge [sflag:s29], $0x400  }
0x4fb: {  	[sflag:s29] =	ssyncset.done $0x0  }
0x4fc: {  	[sflag:s29] =	ssyncadd.s32 $0xFFFFFC00  }
0x4fd: {  	_ =	swait.ge [sflag:s29], $0x400  }
0x4fe: {  	[sflag:s29] =	ssyncset.done $0x0  }
0x4ff: {  	[sflag:s29] =	ssyncadd.s32 $0xFFFFFC00  }
0x500: {  	_ =	swait.ge [sflag:s20], $0x400  }
0x501: {  	[sflag:s20] =	ssyncset.done $0x0  }
0x502: {  	[sflag:s20] =	ssyncadd.s32 $0xFFFFFC00  }
0x503: {  	_ =	swait.ge [sflag:s20], $0x400  }
0x504: {  	[sflag:s20] =	ssyncset.done $0x0  }
0x505: {  	[sflag:s20] =	ssyncadd.s32 $0xFFFFFC00  }
0x506: {  	_ =	swait.ge [sflag:s20], $0x400  }
0x507: {  	[sflag:s20] =	ssyncset.done $0x0  }
0x508: {  	[sflag:s20] =	ssyncadd.s32 $0xFFFFFC00  }
0x509: {  	_ =	swait.ge [sflag:s20], $0x400  }
0x50a: {  	[sflag:s20] =	ssyncset.done $0x0  }
0x50b: {  	[sflag:s20] =	ssyncadd.s32 $0xFFFFFC00  }
0x50c: {  	_ =	swait.ge [sflag:s20], $0x400  }
0x50d: {  	[sflag:s20] =	ssyncset.done $0x0  }
0x50e: {  	[sflag:s20] =	ssyncadd.s32 $0xFFFFFC00  }
0x50f: {  	_ =	swait.ge [sflag:s20], $0x400  }
0x510: {  	[sflag:s20] =	ssyncset.done $0x0  }
0x511: {  	[sflag:s20] =	ssyncadd.s32 $0xFFFFFC00  }
0x512: {  	_ =	swait.ge [sflag:s20], $0x400  }
0x513: {  	[sflag:s20] =	ssyncset.done $0x0  }
0x514: {  	[sflag:s20] =	ssyncadd.s32 $0xFFFFFC00  }
0x515: {  	_ =	swait.ge [sflag:s20], $0x400  }
0x516: {  	[sflag:s20] =	ssyncset.done $0x0  }
0x517: {  	[sflag:s20] =	ssyncadd.s32 $0xFFFFFC00  }
0x518: {  	_ =	swait.ge [sflag:s24], $0x400  }
0x519: {  	[sflag:s24] =	ssyncset.done $0x0  }
0x51a: {  	[sflag:s24] =	ssyncadd.s32 $0xFFFFFC00  }
0x51b: {  	_ =	swait.ge [sflag:s24], $0x400  }
0x51c: {  	[sflag:s24] =	ssyncset.done $0x0  }
0x51d: {  	[sflag:s24] =	ssyncadd.s32 $0xFFFFFC00  }
0x51e: {  	_ =	swait.ge [sflag:s24], $0x400  }
0x51f: {  	[sflag:s24] =	ssyncset.done $0x0  }
0x520: {  	[sflag:s24] =	ssyncadd.s32 $0xFFFFFC00  }
0x521: {  	_ =	swait.ge [sflag:s24], $0x400  }
0x522: {  	[sflag:s24] =	ssyncset.done $0x0  }
0x523: {  	[sflag:s24] =	ssyncadd.s32 $0xFFFFFC00  }
0x524: {  	_ =	swait.ge [sflag:s24], $0x400  }
0x525: {  	[sflag:s24] =	ssyncset.done $0x0  }
0x526: {  	[sflag:s24] =	ssyncadd.s32 $0xFFFFFC00  }
0x527: {  	_ =	swait.ge [sflag:s24], $0x400  }
0x528: {  	[sflag:s24] =	ssyncset.done $0x0  }
0x529: {  	[sflag:s24] =	ssyncadd.s32 $0xFFFFFC00  }
0x52a: {  	_ =	swait.ge [sflag:s24], $0x400  }
0x52b: {  	[sflag:s24] =	ssyncset.done $0x0  }
0x52c: {  	[sflag:s24] =	ssyncadd.s32 $0xFFFFFC00  }
0x52d: {  	_ =	swait.ge [sflag:s24], $0x400  }
0x52e: {  	[sflag:s24] =	ssyncset.done $0x0  }
0x52f: {  	[sflag:s24] =	ssyncadd.s32 $0xFFFFFC00  }
0x530: {  	_ =	swait.ge [sflag:s28], $0x400  }
0x531: {  	[sflag:s28] =	ssyncset.done $0x0  }
0x532: {  	[sflag:s28] =	ssyncadd.s32 $0xFFFFFC00  }
0x533: {  	_ =	swait.ge [sflag:s28], $0x400  }
0x534: {  	[sflag:s28] =	ssyncset.done $0x0  }
0x535: {  	[sflag:s28] =	ssyncadd.s32 $0xFFFFFC00  }
0x536: {  	_ =	swait.ge [sflag:s28], $0x400  }
0x537: {  	[sflag:s28] =	ssyncset.done $0x0  }
0x538: {  	[sflag:s28] =	ssyncadd.s32 $0xFFFFFC00  }
0x539: {  	_ =	swait.ge [sflag:s28], $0x400  }
0x53a: {  	[sflag:s28] =	ssyncset.done $0x0  }
0x53b: {  	[sflag:s28] =	ssyncadd.s32 $0xFFFFFC00  }
0x53c: {  	_ =	swait.ge [sflag:s28], $0x400  }
0x53d: {  	[sflag:s28] =	ssyncset.done $0x0  }
0x53e: {  	[sflag:s28] =	ssyncadd.s32 $0xFFFFFC00  }
0x53f: {  	_ =	swait.ge [sflag:s28], $0x400  }
0x540: {  	[sflag:s28] =	ssyncset.done $0x0  }
0x541: {  	[sflag:s28] =	ssyncadd.s32 $0xFFFFFC00  }
0x542: {  	_ =	swait.ge [sflag:s28], $0x400  }
0x543: {  	[sflag:s28] =	ssyncset.done $0x0  }
0x544: {  	[sflag:s28] =	ssyncadd.s32 $0xFFFFFC00  }
0x545: {  	_ =	swait.ge [sflag:s28], $0x400  }
0x546: {  	s5 =	rddreg [dreg:$0xf]  }
0x547: {  	s31 =	rddreg [dreg:$0xe];
	s5 =	sadd.s32 $0x1, s5  }
0x548: {  	p0 =	sne.s32 s5, s31  }
.Ltmp20:
0x549: {  	_ = 	snop;
	(pc) =	sbr.rel @p0 .LBB2_1-.Ltmp20, $3  }
0x54a: {  	_ =	sdelay $0x1  }
0x54b: {  	[sflag:s28] =	ssyncset.done $0x0  }
0x54c: {  	[sflag:s28] =	ssyncadd.s32 $0xFFFFFC00  }
0x54d: {  	_ =	sfence.sel $0x180000  }
0x54e: {  	[bflag:$0x0] =	sbarrier.arrive $0xFFFF  }
0x54f: {  	_ =	strace $0x90000047  }
0x550: {  	s0 =	stileid.u32;
	[bflag:$0x2] =	sbarrier.arrive $0xFFFF  }
0x551: {  	p0 =	sne.s32 s0, $0x0;
	s0 =	rddreg [dreg:$0x3]  }
0x552: {  	s0 =	sadd.s32 @!p0 $0x100000, s0  }
0x553: {  	[sflag:s0] =	ssyncadd.tile.s32 @!p0 $0x1;
	_ =	shalt  }
.Lfunc_end2:
_tile_overlayer_lowered:
.L_overlay_start_2:
0x554: {  	(tag) =	ssettag $0x2  }
0x555: {  	s0 =	rddreg [dreg:$0x0];
	s2 =	stileid.u32  }
0x556: {  	s1 =	rddreg [dreg:$0x1];
	p0 =	sne.s32 s2, $0x0  }
0x557: {  	s3 =	rddreg [dreg:$0x2];
	[bflag:$0x3] =	sbarrier.arrive $0xFFFF;
	s2 =	simm.s32 @!p0 $0x1C10  }
0x558: {  	[timem:s3], [sflag:s2] =	dma.local @!p0 [hbm:s0], s1  }
0x559: {  	s0 =	simm.s32 @!p0 $0x10  }
0x55a: {  	_ =	swait.ge @!p0 [sflag:s0], s1  }
0x55b: {  	s1 =	ssub.s32 @!p0 $0x0, s1;
	[sflag:s0] =	ssyncset.done @!p0 $0x0  }
0x55c: {  	[sflag:s0] =	ssyncadd.s32 @!p0 s1  }
0x55d: {  	[bflag:$0x3] =	sbarrier.arrive $0xFFFF  }
0x55e: {  	_ =	shalt  }

</sc_bundles>
